<compile_context>
chip_gen: v7x
topology: tpu7x:2x2x1
jax: 0.10.2.dev20260603
libtpu: 0.0.44.dev20260713+nightly
codegen_flags: <defaults>
</compile_context>

<pallas_src>
import jax
import jax.numpy as jnp
from jax import lax
from jax.experimental import pallas as pl
from jax.experimental.pallas import tpu as pltpu
from jax.experimental.pallas import tpu_sc as plsc

N = 100000
E = 1600000
Q = 4
QW = 8
NUM_ITER = 5

NC = 2
NS = 16
RPT = 6256
HRPT = RPT // 2
NPAD = RPT * NS
CH = 2000
CHUNKS_PER_TILE = (E // 2) // CH // NS

EB = 6400
NB = 10000

_mesh = plsc.VectorSubcoreMesh(core_axis_name="c", subcore_axis_name="s")
_sc_params = pltpu.CompilerParams(use_tc_tiling_on_sc=False)


def _scat_body(t_hbm, dst_hbm, zeros_hbm, part_hbm, table_sh, idx_v, row_v):
    c = lax.axis_index("c")
    s = lax.axis_index("s")
    r0 = s * RPT
    pltpu.sync_copy(zeros_hbm.at[pl.ds(r0, RPT)], table_sh.at[pl.ds(r0, RPT)])
    plsc.subcore_barrier()
    ebase = c * (E // 2)

    def chunk(j, carry):
        e0 = ebase + (j * NS + s) * CH
        pltpu.sync_copy(dst_hbm.at[pl.ds(e0, CH)], idx_v)
        pltpu.sync_copy(t_hbm.at[pl.ds(e0, CH)], row_v)
        pltpu.sync_copy(row_v, table_sh.at[idx_v], add=True)
        return carry

    lax.fori_loop(0, CHUNKS_PER_TILE, chunk, 0)
    plsc.subcore_barrier()
    pltpu.sync_copy(table_sh.at[pl.ds(r0, RPT)], part_hbm.at[c, pl.ds(r0, RPT)])


def _sc_scatter(t, dst, zeros):
    return pl.kernel(
        _scat_body,
        out_type=jax.ShapeDtypeStruct((NC, NPAD, QW), jnp.float32),
        mesh=_mesh,
        scratch_types=[
            pltpu.VMEM_SHARED((NPAD, QW), jnp.float32),
            pltpu.VMEM((CH,), jnp.int32),
            pltpu.VMEM((CH, QW), jnp.float32),
        ],
        compiler_params=_sc_params,
    )(t, dst, zeros)


def _gath_body(part_hbm, src_hbm, rowids_hbm, g_hbm, s_hbm,
               table_sh, idx_v, row_v, ridx_v, buf_v):
    c = lax.axis_index("c")
    s = lax.axis_index("s")
    def stage(k, carry):
        r0 = s * RPT + k * HRPT
        pltpu.sync_copy(rowids_hbm.at[pl.ds(r0, HRPT)], ridx_v)
        pltpu.sync_copy(part_hbm.at[0, pl.ds(r0, HRPT)], buf_v)
        pltpu.sync_copy(buf_v, table_sh.at[pl.ds(r0, HRPT)])
        pltpu.sync_copy(part_hbm.at[1, pl.ds(r0, HRPT)], buf_v)
        pltpu.sync_copy(buf_v, table_sh.at[ridx_v], add=True)

        @pl.when(c == 0)
        def _():
            pltpu.sync_copy(table_sh.at[pl.ds(r0, HRPT)], s_hbm.at[pl.ds(r0, HRPT)])

        return carry

    lax.fori_loop(0, 2, stage, 0)
    plsc.subcore_barrier()
    ebase = c * (E // 2)

    def chunk(j, carry):
        e0 = ebase + (j * NS + s) * CH
        pltpu.sync_copy(src_hbm.at[pl.ds(e0, CH)], idx_v)
        pltpu.sync_copy(table_sh.at[idx_v], row_v)
        pltpu.sync_copy(row_v, g_hbm.at[pl.ds(e0, CH)])
        return carry

    lax.fori_loop(0, CHUNKS_PER_TILE, chunk, 0)


def _sc_gather(part, src, rowids):
    return pl.kernel(
        _gath_body,
        out_type=(
            jax.ShapeDtypeStruct((E, QW), jnp.float32),
            jax.ShapeDtypeStruct((NPAD, QW), jnp.float32),
        ),
        mesh=_mesh,
        scratch_types=[
            pltpu.VMEM_SHARED((NPAD, QW), jnp.float32),
            pltpu.VMEM((CH,), jnp.int32),
            pltpu.VMEM((CH, QW), jnp.float32),
            pltpu.VMEM((HRPT,), jnp.int32),
            pltpu.VMEM((HRPT, QW), jnp.float32),
        ],
        compiler_params=_sc_params,
    )(part, src, rowids)


def _init_body(m_ref, eb_ref, t_ref):
    t = jnp.log1p(eb_ref[...] * m_ref[...])
    t_ref[...] = jnp.concatenate([t, jnp.zeros_like(t)], axis=1)


def _tc_log1p(msg, eb):
    return pl.pallas_call(
        _init_body,
        grid=(E // EB,),
        in_specs=[
            pl.BlockSpec((EB, Q), lambda i: (i, 0)),
            pl.BlockSpec((1, 1), lambda i: (0, 0)),
        ],
        out_specs=pl.BlockSpec((EB, QW), lambda i: (i, 0)),
        out_shape=jax.ShapeDtypeStruct((E, QW), jnp.float32),
    )(msg, eb)


def _psum_body(p_ref, o_ref):
    @pl.when(pl.program_id(0) == 0)
    def _():
        o_ref[...] = jnp.zeros_like(o_ref)

    o_ref[...] += jnp.sum(p_ref[...], axis=0, keepdims=True)


def _tc_colsum(psi):
    return pl.pallas_call(
        _psum_body,
        grid=(N // NB,),
        in_specs=[pl.BlockSpec((NB, Q), lambda i: (i, 0))],
        out_specs=pl.BlockSpec((1, Q), lambda i: (0, 0)),
        out_shape=jax.ShapeDtypeStruct((1, Q), jnp.float32),
    )(psi)


def _step_body(g_ref, trev_ref, psum_ref, hv_ref, eb_ref, tnew_ref):
    h = hv_ref[...] * psum_ref[...]
    logits = h + g_ref[:, :Q] - trev_ref[:, :Q]
    logits = logits - jnp.max(logits, axis=1, keepdims=True)
    m = jnp.exp(logits)
    m = m / jnp.sum(m, axis=1, keepdims=True)
    t = jnp.log1p(eb_ref[...] * m)
    tnew_ref[...] = jnp.concatenate([t, jnp.zeros_like(t)], axis=1)


def _tc_step(g, t, psum, hv, eb):
    nblk = E // EB
    return pl.pallas_call(
        _step_body,
        grid=(nblk,),
        in_specs=[
            pl.BlockSpec((EB, QW), lambda i: (i, 0)),
            pl.BlockSpec((EB, QW), lambda i: ((i + nblk // 2) % nblk, 0)),
            pl.BlockSpec((1, Q), lambda i: (0, 0)),
            pl.BlockSpec((1, 1), lambda i: (0, 0)),
            pl.BlockSpec((1, 1), lambda i: (0, 0)),
        ],
        out_specs=pl.BlockSpec((EB, QW), lambda i: (i, 0)),
        out_shape=jax.ShapeDtypeStruct((E, QW), jnp.float32),
    )(g, t, psum, hv, eb)


def _last_body(g_ref, trev_ref, psum_ref, hv_ref, m_ref):
    h = hv_ref[...] * psum_ref[...]
    logits = h + g_ref[:, :Q] - trev_ref[:, :Q]
    logits = logits - jnp.max(logits, axis=1, keepdims=True)
    m = jnp.exp(logits)
    m_ref[...] = m / jnp.sum(m, axis=1, keepdims=True)


def _tc_last(g, t, psum, hv):
    nblk = E // EB
    return pl.pallas_call(
        _last_body,
        grid=(nblk,),
        in_specs=[
            pl.BlockSpec((EB, QW), lambda i: (i, 0)),
            pl.BlockSpec((EB, QW), lambda i: ((i + nblk // 2) % nblk, 0)),
            pl.BlockSpec((1, Q), lambda i: (0, 0)),
            pl.BlockSpec((1, 1), lambda i: (0, 0)),
        ],
        out_specs=pl.BlockSpec((EB, Q), lambda i: (i, 0)),
        out_shape=jax.ShapeDtypeStruct((E, Q), jnp.float32),
    )(g, t, psum, hv)


def _psi_body(s_ref, psum_ref, hv_ref, psi_ref, po_ref):
    h = hv_ref[...] * psum_ref[...]
    logits = h + s_ref[:, :Q]
    logits = logits - jnp.max(logits, axis=1, keepdims=True)
    p = jnp.exp(logits)
    p = p / jnp.sum(p, axis=1, keepdims=True)
    psi_ref[...] = p

    @pl.when(pl.program_id(0) == 0)
    def _():
        po_ref[...] = jnp.zeros_like(po_ref)

    po_ref[...] += jnp.sum(p, axis=0, keepdims=True)


def _tc_psi(s_pad, psum, hv):
    return pl.pallas_call(
        _psi_body,
        grid=(N // NB,),
        in_specs=[
            pl.BlockSpec((NB, QW), lambda i: (i, 0)),
            pl.BlockSpec((1, Q), lambda i: (0, 0)),
            pl.BlockSpec((1, 1), lambda i: (0, 0)),
        ],
        out_specs=(
            pl.BlockSpec((NB, Q), lambda i: (i, 0)),
            pl.BlockSpec((1, Q), lambda i: (0, 0)),
        ),
        out_shape=(
            jax.ShapeDtypeStruct((N, Q), jnp.float32),
            jax.ShapeDtypeStruct((1, Q), jnp.float32),
        ),
    )(s_pad, psum, hv)


def kernel(edge_index, message_map0, marginal_psi0, beta):
    src = edge_index[0]
    dst = edge_index[1]
    mean_w = jnp.float32(E) / jnp.float32(N) / jnp.float32(N)
    eb = (jnp.exp(beta) - 1.0).astype(jnp.float32).reshape(1, 1)
    hv = (-beta * mean_w).astype(jnp.float32).reshape(1, 1)
    zeros = jnp.zeros((NPAD, QW), jnp.float32)
    rowids = jnp.arange(NPAD, dtype=jnp.int32)

    t = _tc_log1p(message_map0, eb)
    psum = _tc_colsum(marginal_psi0)

    msg = message_map0
    psi = marginal_psi0
    for it in range(NUM_ITER):
        part = _sc_scatter(t, dst, zeros)
        g, s_pad = _sc_gather(part, src, rowids)
        psi, psum_new = _tc_psi(s_pad, psum, hv)
        if it + 1 < NUM_ITER:
            t = _tc_step(g, t, psum, hv, eb)
        else:
            msg = _tc_last(g, t, psum, hv)
        psum = psum_new
    return (msg, psi)

# --- scband reference (transcript-rebuilt; emitter-appended) ---
"""Pipeline reference for scband-belief-propagation-52055003628259 (READ-ONLY COPY).

The authoritative reference and input builder live on the scoring server;
editing this copy changes nothing except your own understanding.
"""

import jax, jax.numpy as jnp
import numpy as np

N = 100000
E = 1600000
Q = 4
MEAN_DEGREE = 16
NUM_ITER = 5


def setup_inputs(seed: int = 0) -> dict:
    key = jax.random.key(seed)
    k1, k2, k3 = jax.random.split(key, 3)
    half = E // 2
    ei = jax.random.randint(k1, (2, half), 0, N, dtype=jnp.int32)
    # symmetrize so every directed message i->j has a reverse message j->i at offset E//2
    src = jnp.concatenate([ei[0], ei[1]])
    dst = jnp.concatenate([ei[1], ei[0]])
    edge_index = jnp.stack([src, dst]).astype(jnp.int32)
    msg0 = jax.random.uniform(k2, (E, Q), dtype=jnp.float32)
    msg0 = msg0 / msg0.sum(axis=1, keepdims=True)
    psi0 = jax.random.uniform(k3, (N, Q), dtype=jnp.float32)
    psi0 = psi0 / psi0.sum(axis=1, keepdims=True)
    beta = jnp.asarray(np.log(Q / np.sqrt(MEAN_DEGREE - 1.0) + 1.0), dtype=jnp.float32)
    return {"edge_index": edge_index, "message_map0": msg0, "marginal_psi0": psi0, "beta": beta}


def _bp(edge_index, msg0, psi0, beta):
    src = edge_index[0]
    dst = edge_index[1]
    rev = (jnp.arange(E, dtype=jnp.int32) + E // 2) % E
    mean_w = jnp.float32(E) / jnp.float32(N) / jnp.float32(N)
    eb = jnp.exp(beta) - 1.0

    def step(carry, _):
        msg, psi = carry
        # approximate BP: external field h from all marginals
        h = -beta * mean_w * jnp.sum(psi, axis=0)  # [Q]
        # log(1 + (e^beta - 1) * m_{k->i}) per directed edge
        t = jnp.log1p(eb * msg)  # [E, Q]
        # sum of incoming log-terms per destination node (scatter-add)
        S = jax.ops.segment_sum(t, dst, num_segments=N)  # [N, Q]
        # message i->j: exclude the reverse message j->i from node i's cavity sum
        logits = h[None, :] + S[src] - t[rev]
        logits = logits - jnp.max(logits, axis=1, keepdims=True)
        m = jnp.exp(logits)
        m = m / m.sum(axis=1, keepdims=True)
        # marginal psi_i propto exp(h + S_i)
        pl = h[None, :] + S
        pl = pl - jnp.max(pl, axis=1, keepdims=True)
        p = jnp.exp(pl)
        p = p / p.sum(axis=1, keepdims=True)
        return (m, p), None

    (msg, psi), _ = jax.lax.scan(step, (msg0, psi0), None, length=NUM_ITER)
    return msg, psi


def reference(edge_index, message_map0, marginal_psi0, beta):
    message_map, marginal_psi = _bp(edge_index, message_map0, marginal_psi0, beta)
    return (message_map, marginal_psi)

if __name__ == "__main__":
    import jax
    _d = setup_inputs()
    print(jax.jit(kernel)(*tuple(_d.values())))

</pallas_src>

<mosaic_0001>
#map = affine_map<(d0, d1) -> (0, 0)>
#map1 = affine_map<(d0, d1) -> (0)>
#map2 = affine_map<(d0, d1) -> (0, 0, 0)>
module attributes {stable_mosaic.version = 14 : i64} {
  func.func @_scat_body(%arg0: i32, %arg1: i32, %arg2: memref<1600000x8xf32, #tpu.memory_space<hbm>>, %arg3: memref<1600000xi32, #tpu.memory_space<hbm>>, %arg4: memref<100096x8xf32, #tpu.memory_space<hbm>>, %arg5: memref<2x100096x8xf32, #tpu.memory_space<hbm>>, %arg6: memref<100096x8xf32, #tpu.memory_space<vmem_shared>>, %arg7: memref<2000xi32, #tpu.memory_space<vmem>>, %arg8: memref<2000x8xf32, #tpu.memory_space<vmem>>) attributes {dimension_semantics = [#tpu.dimension_semantics<core_parallel>, #tpu.dimension_semantics<subcore_parallel>], iteration_bounds = array<i64: 2, 16>, scalar_prefetch = 0 : i64, scratch_operands = 3 : i64, tpu.core_type = #tpu.core_type<sc_vector_subcore>, window_params = [{transform_indices = #map}, {transform_indices = #map1}, {transform_indices = #map}, {transform_indices = #map2}]} {
    %mul3A = arith.constant 6256 : i32
    %mul3A_0 = arith.muli %arg1, %mul3A : i32
    "tpu.region"() ({
      %run_scoped3A = tpu.sem_alloc : memref<!tpu.dma_semaphore, #tpu.memory_space<semaphore_mem>>
      %dma_start3A = arith.constant 0 : i32
      %dma_start3A_9 = tpu.memref_slice %arg6[%mul3A_0, %dma_start3A] : memref<100096x8xf32, #tpu.memory_space<vmem_shared>> -> memref<6256x8xf32, #tpu.memory_space<vmem_shared>>
      %dma_start3A_10 = arith.constant 0 : i32
      %dma_start3A_11 = tpu.memref_slice %arg4[%mul3A_0, %dma_start3A_10] : memref<100096x8xf32, #tpu.memory_space<hbm>> -> memref<6256x8xf32, #tpu.memory_space<hbm>>
      tpu.enqueue_dma source(%dma_start3A_11 : memref<6256x8xf32, #tpu.memory_space<hbm>>) target(%dma_start3A_9 : memref<6256x8xf32, #tpu.memory_space<vmem_shared>>) target_semaphore(%run_scoped3A : memref<!tpu.dma_semaphore, #tpu.memory_space<semaphore_mem>>)
      %dma_wait3A = arith.constant 0 : i32
      %dma_wait3A_12 = tpu.memref_slice %arg6[%mul3A_0, %dma_wait3A] : memref<100096x8xf32, #tpu.memory_space<vmem_shared>> -> memref<6256x8xf32, #tpu.memory_space<vmem_shared>>
      %dma_wait3A_13 = arith.constant 0 : i32
      %dma_wait3A_14 = tpu.memref_slice %arg4[%mul3A_0, %dma_wait3A_13] : memref<100096x8xf32, #tpu.memory_space<hbm>> -> memref<6256x8xf32, #tpu.memory_space<hbm>>
      tpu.wait_dma2 semaphore(%run_scoped3A : memref<!tpu.dma_semaphore, #tpu.memory_space<semaphore_mem>>) src(%dma_wait3A_14 : memref<6256x8xf32, #tpu.memory_space<hbm>>) dst(%dma_wait3A_12 : memref<6256x8xf32, #tpu.memory_space<vmem_shared>>)
      tpu.yield
    }) : () -> ()
    %barrier3A = arith.constant 0 : index
    tpu.barrier barrier_id(%barrier3A)
    %mul3A_1 = arith.constant 800000 : i32
    %mul3A_2 = arith.muli %arg0, %mul3A_1 : i32
    %scan3A = arith.constant 0 : i32
    %scan3A_3 = arith.constant 0 : i32
    %scan3A_4 = arith.constant 25 : i32
    %scan3A_5 = arith.addi %scan3A_3, %scan3A_4 : i32
    %scan3A_6 = arith.constant 1 : i32
    scf.for %scan3A_9 = %scan3A_3 to %scan3A_5 step %scan3A_6  : i32 {
      %mul3A_10 = arith.constant 16 : i32
      %mul3A_11 = arith.muli %scan3A_9, %mul3A_10 : i32
      %add3A = arith.addi %mul3A_11, %arg1 : i32
      %mul3A_12 = arith.constant 2000 : i32
      %mul3A_13 = arith.muli %add3A, %mul3A_12 : i32
      %add3A_14 = arith.addi %mul3A_2, %mul3A_13 : i32
      "tpu.region"() ({
        %run_scoped3A = tpu.sem_alloc : memref<!tpu.dma_semaphore, #tpu.memory_space<semaphore_mem>>
        %dma_start3A = tpu.memref_slice %arg3[%add3A_14] : memref<1600000xi32, #tpu.memory_space<hbm>> -> memref<2000xi32, #tpu.memory_space<hbm>>
        %dma_start3A_15 = tpu.memref_slice %arg3[%add3A_14] : memref<1600000xi32, #tpu.memory_space<hbm>> -> memref<2000xi32, #tpu.memory_space<hbm>>
        tpu.enqueue_dma source(%dma_start3A_15 : memref<2000xi32, #tpu.memory_space<hbm>>) target(%arg7 : memref<2000xi32, #tpu.memory_space<vmem>>) target_semaphore(%run_scoped3A : memref<!tpu.dma_semaphore, #tpu.memory_space<semaphore_mem>>)
        %dma_wait3A = tpu.memref_slice %arg3[%add3A_14] : memref<1600000xi32, #tpu.memory_space<hbm>> -> memref<2000xi32, #tpu.memory_space<hbm>>
        %dma_wait3A_16 = tpu.memref_slice %arg3[%add3A_14] : memref<1600000xi32, #tpu.memory_space<hbm>> -> memref<2000xi32, #tpu.memory_space<hbm>>
        tpu.wait_dma2 semaphore(%run_scoped3A : memref<!tpu.dma_semaphore, #tpu.memory_space<semaphore_mem>>) src(%dma_wait3A_16 : memref<2000xi32, #tpu.memory_space<hbm>>) dst(%arg7 : memref<2000xi32, #tpu.memory_space<vmem>>)
        tpu.yield
      }) : () -> ()
      "tpu.region"() ({
        %run_scoped3A = tpu.sem_alloc : memref<!tpu.dma_semaphore, #tpu.memory_space<semaphore_mem>>
        %dma_start3A = arith.constant 0 : i32
        %dma_start3A_15 = tpu.memref_slice %arg2[%add3A_14, %dma_start3A] : memref<1600000x8xf32, #tpu.memory_space<hbm>> -> memref<2000x8xf32, #tpu.memory_space<hbm>>
        %dma_start3A_16 = arith.constant 0 : i32
        %dma_start3A_17 = tpu.memref_slice %arg2[%add3A_14, %dma_start3A_16] : memref<1600000x8xf32, #tpu.memory_space<hbm>> -> memref<2000x8xf32, #tpu.memory_space<hbm>>
        tpu.enqueue_dma source(%dma_start3A_17 : memref<2000x8xf32, #tpu.memory_space<hbm>>) target(%arg8 : memref<2000x8xf32, #tpu.memory_space<vmem>>) target_semaphore(%run_scoped3A : memref<!tpu.dma_semaphore, #tpu.memory_space<semaphore_mem>>)
        %dma_wait3A = arith.constant 0 : i32
        %dma_wait3A_18 = tpu.memref_slice %arg2[%add3A_14, %dma_wait3A] : memref<1600000x8xf32, #tpu.memory_space<hbm>> -> memref<2000x8xf32, #tpu.memory_space<hbm>>
        %dma_wait3A_19 = arith.constant 0 : i32
        %dma_wait3A_20 = tpu.memref_slice %arg2[%add3A_14, %dma_wait3A_19] : memref<1600000x8xf32, #tpu.memory_space<hbm>> -> memref<2000x8xf32, #tpu.memory_space<hbm>>
        tpu.wait_dma2 semaphore(%run_scoped3A : memref<!tpu.dma_semaphore, #tpu.memory_space<semaphore_mem>>) src(%dma_wait3A_20 : memref<2000x8xf32, #tpu.memory_space<hbm>>) dst(%arg8 : memref<2000x8xf32, #tpu.memory_space<vmem>>)
        tpu.yield
      }) : () -> ()
      "tpu.region"() ({
        %run_scoped3A = tpu.sem_alloc : memref<!tpu.dma_semaphore, #tpu.memory_space<semaphore_mem>>
        %dma_start3A = arith.constant 0 : i32
        %dma_start3A_15 = arith.constant 0 : i32
        %dma_start3A_16 = tpu.memref_slice %arg6[%dma_start3A, %dma_start3A_15] : memref<100096x8xf32, #tpu.memory_space<vmem_shared>> -> memref<100096x8xf32, #tpu.memory_space<vmem_shared>>
        tpu.enqueue_indirect_dma source(%arg8 : memref<2000x8xf32, #tpu.memory_space<vmem>>) target(%dma_start3A_16 : memref<100096x8xf32, #tpu.memory_space<vmem_shared>>) offsets(%arg7 : memref<2000xi32, #tpu.memory_space<vmem>>) semaphore(%run_scoped3A : memref<!tpu.dma_semaphore, #tpu.memory_space<semaphore_mem>>) {add = true}
        %dma_wait3A = arith.constant 0 : i32
        %dma_wait3A_17 = arith.constant 0 : i32
        %dma_wait3A_18 = tpu.memref_slice %arg6[%dma_wait3A, %dma_wait3A_17] : memref<100096x8xf32, #tpu.memory_space<vmem_shared>> -> memref<100096x8xf32, #tpu.memory_space<vmem_shared>>
        tpu.wait_indirect_dma semaphore(%run_scoped3A : memref<!tpu.dma_semaphore, #tpu.memory_space<semaphore_mem>>) src(%arg8 : memref<2000x8xf32, #tpu.memory_space<vmem>>) dst(%dma_wait3A_18 : memref<100096x8xf32, #tpu.memory_space<vmem_shared>>)
        tpu.yield
      }) : () -> ()
    }
    %scan3A_7 = arith.constant 25 : i32
    %barrier3A_8 = arith.constant 0 : index
    tpu.barrier barrier_id(%barrier3A_8)
    "tpu.region"() ({
      %run_scoped3A = tpu.sem_alloc : memref<!tpu.dma_semaphore, #tpu.memory_space<semaphore_mem>>
      %dma_start3A = arith.constant 0 : i32
      %dma_start3A_9 = tpu.memref_slice %arg5[%arg0, %mul3A_0, %dma_start3A] : memref<2x100096x8xf32, #tpu.memory_space<hbm>> -> memref<1x6256x8xf32, #tpu.memory_space<hbm>>
      %dma_start3A_10 = tpu.memref_squeeze %dma_start3A_9 : memref<1x6256x8xf32, #tpu.memory_space<hbm>> -> memref<6256x8xf32, #tpu.memory_space<hbm>>
      %dma_start3A_11 = arith.constant 0 : i32
      %dma_start3A_12 = tpu.memref_slice %arg6[%mul3A_0, %dma_start3A_11] : memref<100096x8xf32, #tpu.memory_space<vmem_shared>> -> memref<6256x8xf32, #tpu.memory_space<vmem_shared>>
      tpu.enqueue_dma source(%dma_start3A_12 : memref<6256x8xf32, #tpu.memory_space<vmem_shared>>) target(%dma_start3A_10 : memref<6256x8xf32, #tpu.memory_space<hbm>>) target_semaphore(%run_scoped3A : memref<!tpu.dma_semaphore, #tpu.memory_space<semaphore_mem>>)
      %dma_wait3A = arith.constant 0 : i32
      %dma_wait3A_13 = tpu.memref_slice %arg5[%arg0, %mul3A_0, %dma_wait3A] : memref<2x100096x8xf32, #tpu.memory_space<hbm>> -> memref<1x6256x8xf32, #tpu.memory_space<hbm>>
      %dma_wait3A_14 = tpu.memref_squeeze %dma_wait3A_13 : memref<1x6256x8xf32, #tpu.memory_space<hbm>> -> memref<6256x8xf32, #tpu.memory_space<hbm>>
      %dma_wait3A_15 = arith.constant 0 : i32
      %dma_wait3A_16 = tpu.memref_slice %arg6[%mul3A_0, %dma_wait3A_15] : memref<100096x8xf32, #tpu.memory_space<vmem_shared>> -> memref<6256x8xf32, #tpu.memory_space<vmem_shared>>
      tpu.wait_dma2 semaphore(%run_scoped3A : memref<!tpu.dma_semaphore, #tpu.memory_space<semaphore_mem>>) src(%dma_wait3A_16 : memref<6256x8xf32, #tpu.memory_space<vmem_shared>>) dst(%dma_wait3A_14 : memref<6256x8xf32, #tpu.memory_space<hbm>>)
      tpu.yield
    }) : () -> ()
    return
  }
}

#map = affine_map<(d0, d1) -> (0, 0, 0)>
#map1 = affine_map<(d0, d1) -> (0)>
#map2 = affine_map<(d0, d1) -> (0, 0)>
module attributes {stable_mosaic.version = 14 : i64} {
  func.func @_gath_body(%arg0: i32, %arg1: i32, %arg2: memref<2x100096x8xf32, #tpu.memory_space<hbm>>, %arg3: memref<1600000xi32, #tpu.memory_space<hbm>>, %arg4: memref<100096xi32, #tpu.memory_space<hbm>>, %arg5: memref<1600000x8xf32, #tpu.memory_space<hbm>>, %arg6: memref<100096x8xf32, #tpu.memory_space<hbm>>, %arg7: memref<100096x8xf32, #tpu.memory_space<vmem_shared>>, %arg8: memref<2000xi32, #tpu.memory_space<vmem>>, %arg9: memref<2000x8xf32, #tpu.memory_space<vmem>>, %arg10: memref<3128xi32, #tpu.memory_space<vmem>>, %arg11: memref<3128x8xf32, #tpu.memory_space<vmem>>) attributes {dimension_semantics = [#tpu.dimension_semantics<core_parallel>, #tpu.dimension_semantics<subcore_parallel>], iteration_bounds = array<i64: 2, 16>, scalar_prefetch = 0 : i64, scratch_operands = 5 : i64, tpu.core_type = #tpu.core_type<sc_vector_subcore>, window_params = [{transform_indices = #map}, {transform_indices = #map1}, {transform_indices = #map1}, {transform_indices = #map2}, {transform_indices = #map2}]} {
    %scan3A = arith.constant 0 : i32
    %scan3A_0 = arith.constant 0 : i32
    %scan3A_1 = arith.constant 2 : i32
    %scan3A_2 = arith.addi %scan3A_0, %scan3A_1 : i32
    %scan3A_3 = arith.constant 1 : i32
    scf.for %scan3A_12 = %scan3A_0 to %scan3A_2 step %scan3A_3  : i32 {
      %mul3A_13 = arith.constant 6256 : i32
      %mul3A_14 = arith.muli %arg1, %mul3A_13 : i32
      %mul3A_15 = arith.constant 3128 : i32
      %mul3A_16 = arith.muli %scan3A_12, %mul3A_15 : i32
      %add3A = arith.addi %mul3A_14, %mul3A_16 : i32
      "tpu.region"() ({
        %run_scoped3A_20 = tpu.sem_alloc : memref<!tpu.dma_semaphore, #tpu.memory_space<semaphore_mem>>
        %dma_start3A = tpu.memref_slice %arg4[%add3A] : memref<100096xi32, #tpu.memory_space<hbm>> -> memref<3128xi32, #tpu.memory_space<hbm>>
        %dma_start3A_21 = tpu.memref_slice %arg4[%add3A] : memref<100096xi32, #tpu.memory_space<hbm>> -> memref<3128xi32, #tpu.memory_space<hbm>>
        tpu.enqueue_dma source(%dma_start3A_21 : memref<3128xi32, #tpu.memory_space<hbm>>) target(%arg10 : memref<3128xi32, #tpu.memory_space<vmem>>) target_semaphore(%run_scoped3A_20 : memref<!tpu.dma_semaphore, #tpu.memory_space<semaphore_mem>>)
        %dma_wait3A = tpu.memref_slice %arg4[%add3A] : memref<100096xi32, #tpu.memory_space<hbm>> -> memref<3128xi32, #tpu.memory_space<hbm>>
        %dma_wait3A_22 = tpu.memref_slice %arg4[%add3A] : memref<100096xi32, #tpu.memory_space<hbm>> -> memref<3128xi32, #tpu.memory_space<hbm>>
        tpu.wait_dma2 semaphore(%run_scoped3A_20 : memref<!tpu.dma_semaphore, #tpu.memory_space<semaphore_mem>>) src(%dma_wait3A_22 : memref<3128xi32, #tpu.memory_space<hbm>>) dst(%arg10 : memref<3128xi32, #tpu.memory_space<vmem>>)
        tpu.yield
      }) : () -> ()
      %run_scoped3A = arith.constant 0 : i32
      "tpu.region"() ({
        %run_scoped3A_20 = tpu.sem_alloc : memref<!tpu.dma_semaphore, #tpu.memory_space<semaphore_mem>>
        %dma_start3A = arith.constant 0 : i32
        %dma_start3A_21 = tpu.memref_slice %arg2[%run_scoped3A, %add3A, %dma_start3A] : memref<2x100096x8xf32, #tpu.memory_space<hbm>> -> memref<1x3128x8xf32, #tpu.memory_space<hbm>>
        %dma_start3A_22 = tpu.memref_squeeze %dma_start3A_21 : memref<1x3128x8xf32, #tpu.memory_space<hbm>> -> memref<3128x8xf32, #tpu.memory_space<hbm>>
        %dma_start3A_23 = arith.constant 0 : i32
        %dma_start3A_24 = tpu.memref_slice %arg2[%run_scoped3A, %add3A, %dma_start3A_23] : memref<2x100096x8xf32, #tpu.memory_space<hbm>> -> memref<1x3128x8xf32, #tpu.memory_space<hbm>>
        %dma_start3A_25 = tpu.memref_squeeze %dma_start3A_24 : memref<1x3128x8xf32, #tpu.memory_space<hbm>> -> memref<3128x8xf32, #tpu.memory_space<hbm>>
        tpu.enqueue_dma source(%dma_start3A_25 : memref<3128x8xf32, #tpu.memory_space<hbm>>) target(%arg11 : memref<3128x8xf32, #tpu.memory_space<vmem>>) target_semaphore(%run_scoped3A_20 : memref<!tpu.dma_semaphore, #tpu.memory_space<semaphore_mem>>)
        %dma_wait3A = arith.constant 0 : i32
        %dma_wait3A_26 = tpu.memref_slice %arg2[%run_scoped3A, %add3A, %dma_wait3A] : memref<2x100096x8xf32, #tpu.memory_space<hbm>> -> memref<1x3128x8xf32, #tpu.memory_space<hbm>>
        %dma_wait3A_27 = tpu.memref_squeeze %dma_wait3A_26 : memref<1x3128x8xf32, #tpu.memory_space<hbm>> -> memref<3128x8xf32, #tpu.memory_space<hbm>>
        %dma_wait3A_28 = arith.constant 0 : i32
        %dma_wait3A_29 = tpu.memref_slice %arg2[%run_scoped3A, %add3A, %dma_wait3A_28] : memref<2x100096x8xf32, #tpu.memory_space<hbm>> -> memref<1x3128x8xf32, #tpu.memory_space<hbm>>
        %dma_wait3A_30 = tpu.memref_squeeze %dma_wait3A_29 : memref<1x3128x8xf32, #tpu.memory_space<hbm>> -> memref<3128x8xf32, #tpu.memory_space<hbm>>
        tpu.wait_dma2 semaphore(%run_scoped3A_20 : memref<!tpu.dma_semaphore, #tpu.memory_space<semaphore_mem>>) src(%dma_wait3A_30 : memref<3128x8xf32, #tpu.memory_space<hbm>>) dst(%arg11 : memref<3128x8xf32, #tpu.memory_space<vmem>>)
        tpu.yield
      }) : () -> ()
      "tpu.region"() ({
        %run_scoped3A_20 = tpu.sem_alloc : memref<!tpu.dma_semaphore, #tpu.memory_space<semaphore_mem>>
        %dma_start3A = arith.constant 0 : i32
        %dma_start3A_21 = tpu.memref_slice %arg7[%add3A, %dma_start3A] : memref<100096x8xf32, #tpu.memory_space<vmem_shared>> -> memref<3128x8xf32, #tpu.memory_space<vmem_shared>>
        %dma_start3A_22 = arith.constant 0 : i32
        %dma_start3A_23 = tpu.memref_slice %arg7[%add3A, %dma_start3A_22] : memref<100096x8xf32, #tpu.memory_space<vmem_shared>> -> memref<3128x8xf32, #tpu.memory_space<vmem_shared>>
        tpu.enqueue_dma source(%arg11 : memref<3128x8xf32, #tpu.memory_space<vmem>>) target(%dma_start3A_23 : memref<3128x8xf32, #tpu.memory_space<vmem_shared>>) target_semaphore(%run_scoped3A_20 : memref<!tpu.dma_semaphore, #tpu.memory_space<semaphore_mem>>)
        %dma_wait3A = arith.constant 0 : i32
        %dma_wait3A_24 = tpu.memref_slice %arg7[%add3A, %dma_wait3A] : memref<100096x8xf32, #tpu.memory_space<vmem_shared>> -> memref<3128x8xf32, #tpu.memory_space<vmem_shared>>
        %dma_wait3A_25 = arith.constant 0 : i32
        %dma_wait3A_26 = tpu.memref_slice %arg7[%add3A, %dma_wait3A_25] : memref<100096x8xf32, #tpu.memory_space<vmem_shared>> -> memref<3128x8xf32, #tpu.memory_space<vmem_shared>>
        tpu.wait_dma2 semaphore(%run_scoped3A_20 : memref<!tpu.dma_semaphore, #tpu.memory_space<semaphore_mem>>) src(%arg11 : memref<3128x8xf32, #tpu.memory_space<vmem>>) dst(%dma_wait3A_26 : memref<3128x8xf32, #tpu.memory_space<vmem_shared>>)
        tpu.yield
      }) : () -> ()
      %run_scoped3A_17 = arith.constant 1 : i32
      "tpu.region"() ({
        %run_scoped3A_20 = tpu.sem_alloc : memref<!tpu.dma_semaphore, #tpu.memory_space<semaphore_mem>>
        %dma_start3A = arith.constant 0 : i32
        %dma_start3A_21 = tpu.memref_slice %arg2[%run_scoped3A_17, %add3A, %dma_start3A] : memref<2x100096x8xf32, #tpu.memory_space<hbm>> -> memref<1x3128x8xf32, #tpu.memory_space<hbm>>
        %dma_start3A_22 = tpu.memref_squeeze %dma_start3A_21 : memref<1x3128x8xf32, #tpu.memory_space<hbm>> -> memref<3128x8xf32, #tpu.memory_space<hbm>>
        %dma_start3A_23 = arith.constant 0 : i32
        %dma_start3A_24 = tpu.memref_slice %arg2[%run_scoped3A_17, %add3A, %dma_start3A_23] : memref<2x100096x8xf32, #tpu.memory_space<hbm>> -> memref<1x3128x8xf32, #tpu.memory_space<hbm>>
        %dma_start3A_25 = tpu.memref_squeeze %dma_start3A_24 : memref<1x3128x8xf32, #tpu.memory_space<hbm>> -> memref<3128x8xf32, #tpu.memory_space<hbm>>
        tpu.enqueue_dma source(%dma_start3A_25 : memref<3128x8xf32, #tpu.memory_space<hbm>>) target(%arg11 : memref<3128x8xf32, #tpu.memory_space<vmem>>) target_semaphore(%run_scoped3A_20 : memref<!tpu.dma_semaphore, #tpu.memory_space<semaphore_mem>>)
        %dma_wait3A = arith.constant 0 : i32
        %dma_wait3A_26 = tpu.memref_slice %arg2[%run_scoped3A_17, %add3A, %dma_wait3A] : memref<2x100096x8xf32, #tpu.memory_space<hbm>> -> memref<1x3128x8xf32, #tpu.memory_space<hbm>>
        %dma_wait3A_27 = tpu.memref_squeeze %dma_wait3A_26 : memref<1x3128x8xf32, #tpu.memory_space<hbm>> -> memref<3128x8xf32, #tpu.memory_space<hbm>>
        %dma_wait3A_28 = arith.constant 0 : i32
        %dma_wait3A_29 = tpu.memref_slice %arg2[%run_scoped3A_17, %add3A, %dma_wait3A_28] : memref<2x100096x8xf32, #tpu.memory_space<hbm>> -> memref<1x3128x8xf32, #tpu.memory_space<hbm>>
        %dma_wait3A_30 = tpu.memref_squeeze %dma_wait3A_29 : memref<1x3128x8xf32, #tpu.memory_space<hbm>> -> memref<3128x8xf32, #tpu.memory_space<hbm>>
        tpu.wait_dma2 semaphore(%run_scoped3A_20 : memref<!tpu.dma_semaphore, #tpu.memory_space<semaphore_mem>>) src(%dma_wait3A_30 : memref<3128x8xf32, #tpu.memory_space<hbm>>) dst(%arg11 : memref<3128x8xf32, #tpu.memory_space<vmem>>)
        tpu.yield
      }) : () -> ()
      "tpu.region"() ({
        %run_scoped3A_20 = tpu.sem_alloc : memref<!tpu.dma_semaphore, #tpu.memory_space<semaphore_mem>>
        %dma_start3A = arith.constant 0 : i32
        %dma_start3A_21 = arith.constant 0 : i32
        %dma_start3A_22 = tpu.memref_slice %arg7[%dma_start3A, %dma_start3A_21] : memref<100096x8xf32, #tpu.memory_space<vmem_shared>> -> memref<100096x8xf32, #tpu.memory_space<vmem_shared>>
        tpu.enqueue_indirect_dma source(%arg11 : memref<3128x8xf32, #tpu.memory_space<vmem>>) target(%dma_start3A_22 : memref<100096x8xf32, #tpu.memory_space<vmem_shared>>) offsets(%arg10 : memref<3128xi32, #tpu.memory_space<vmem>>) semaphore(%run_scoped3A_20 : memref<!tpu.dma_semaphore, #tpu.memory_space<semaphore_mem>>) {add = true}
        %dma_wait3A = arith.constant 0 : i32
        %dma_wait3A_23 = arith.constant 0 : i32
        %dma_wait3A_24 = tpu.memref_slice %arg7[%dma_wait3A, %dma_wait3A_23] : memref<100096x8xf32, #tpu.memory_space<vmem_shared>> -> memref<100096x8xf32, #tpu.memory_space<vmem_shared>>
        tpu.wait_indirect_dma semaphore(%run_scoped3A_20 : memref<!tpu.dma_semaphore, #tpu.memory_space<semaphore_mem>>) src(%arg11 : memref<3128x8xf32, #tpu.memory_space<vmem>>) dst(%dma_wait3A_24 : memref<100096x8xf32, #tpu.memory_space<vmem_shared>>)
        tpu.yield
      }) : () -> ()
      %eq3A = arith.constant 0 : i32
      %eq3A_18 = arith.cmpi eq, %arg0, %eq3A : i32
      %convert_element_type3A = arith.extui %eq3A_18 : i1 to i32
      %cond3A = arith.constant 0 : i32
      %cond3A_19 = arith.cmpi ne, %convert_element_type3A, %cond3A : i32
      scf.if %cond3A_19 {
        "tpu.region"() ({
          %run_scoped3A_20 = tpu.sem_alloc : memref<!tpu.dma_semaphore, #tpu.memory_space<semaphore_mem>>
          %dma_start3A = arith.constant 0 : i32
          %dma_start3A_21 = tpu.memref_slice %arg6[%add3A, %dma_start3A] : memref<100096x8xf32, #tpu.memory_space<hbm>> -> memref<3128x8xf32, #tpu.memory_space<hbm>>
          %dma_start3A_22 = arith.constant 0 : i32
          %dma_start3A_23 = tpu.memref_slice %arg7[%add3A, %dma_start3A_22] : memref<100096x8xf32, #tpu.memory_space<vmem_shared>> -> memref<3128x8xf32, #tpu.memory_space<vmem_shared>>
          tpu.enqueue_dma source(%dma_start3A_23 : memref<3128x8xf32, #tpu.memory_space<vmem_shared>>) target(%dma_start3A_21 : memref<3128x8xf32, #tpu.memory_space<hbm>>) target_semaphore(%run_scoped3A_20 : memref<!tpu.dma_semaphore, #tpu.memory_space<semaphore_mem>>)
          %dma_wait3A = arith.constant 0 : i32
          %dma_wait3A_24 = tpu.memref_slice %arg6[%add3A, %dma_wait3A] : memref<100096x8xf32, #tpu.memory_space<hbm>> -> memref<3128x8xf32, #tpu.memory_space<hbm>>
          %dma_wait3A_25 = arith.constant 0 : i32
          %dma_wait3A_26 = tpu.memref_slice %arg7[%add3A, %dma_wait3A_25] : memref<100096x8xf32, #tpu.memory_space<vmem_shared>> -> memref<3128x8xf32, #tpu.memory_space<vmem_shared>>
          tpu.wait_dma2 semaphore(%run_scoped3A_20 : memref<!tpu.dma_semaphore, #tpu.memory_space<semaphore_mem>>) src(%dma_wait3A_26 : memref<3128x8xf32, #tpu.memory_space<vmem_shared>>) dst(%dma_wait3A_24 : memref<3128x8xf32, #tpu.memory_space<hbm>>)
          tpu.yield
        }) : () -> ()
      } else {
      }
    }
    %scan3A_4 = arith.constant 2 : i32
    %barrier3A = arith.constant 0 : index
    tpu.barrier barrier_id(%barrier3A)
    %mul3A = arith.constant 800000 : i32
    %mul3A_5 = arith.muli %arg0, %mul3A : i32
    %scan3A_6 = arith.constant 0 : i32
    %scan3A_7 = arith.constant 0 : i32
    %scan3A_8 = arith.constant 25 : i32
    %scan3A_9 = arith.addi %scan3A_7, %scan3A_8 : i32
    %scan3A_10 = arith.constant 1 : i32
    scf.for %scan3A_12 = %scan3A_7 to %scan3A_9 step %scan3A_10  : i32 {
      %mul3A_13 = arith.constant 16 : i32
      %mul3A_14 = arith.muli %scan3A_12, %mul3A_13 : i32
      %add3A = arith.addi %mul3A_14, %arg1 : i32
      %mul3A_15 = arith.constant 2000 : i32
      %mul3A_16 = arith.muli %add3A, %mul3A_15 : i32
      %add3A_17 = arith.addi %mul3A_5, %mul3A_16 : i32
      "tpu.region"() ({
        %run_scoped3A = tpu.sem_alloc : memref<!tpu.dma_semaphore, #tpu.memory_space<semaphore_mem>>
        %dma_start3A = tpu.memref_slice %arg3[%add3A_17] : memref<1600000xi32, #tpu.memory_space<hbm>> -> memref<2000xi32, #tpu.memory_space<hbm>>
        %dma_start3A_18 = tpu.memref_slice %arg3[%add3A_17] : memref<1600000xi32, #tpu.memory_space<hbm>> -> memref<2000xi32, #tpu.memory_space<hbm>>
        tpu.enqueue_dma source(%dma_start3A_18 : memref<2000xi32, #tpu.memory_space<hbm>>) target(%arg8 : memref<2000xi32, #tpu.memory_space<vmem>>) target_semaphore(%run_scoped3A : memref<!tpu.dma_semaphore, #tpu.memory_space<semaphore_mem>>)
        %dma_wait3A = tpu.memref_slice %arg3[%add3A_17] : memref<1600000xi32, #tpu.memory_space<hbm>> -> memref<2000xi32, #tpu.memory_space<hbm>>
        %dma_wait3A_19 = tpu.memref_slice %arg3[%add3A_17] : memref<1600000xi32, #tpu.memory_space<hbm>> -> memref<2000xi32, #tpu.memory_space<hbm>>
        tpu.wait_dma2 semaphore(%run_scoped3A : memref<!tpu.dma_semaphore, #tpu.memory_space<semaphore_mem>>) src(%dma_wait3A_19 : memref<2000xi32, #tpu.memory_space<hbm>>) dst(%arg8 : memref<2000xi32, #tpu.memory_space<vmem>>)
        tpu.yield
      }) : () -> ()
      "tpu.region"() ({
        %run_scoped3A = tpu.sem_alloc : memref<!tpu.dma_semaphore, #tpu.memory_space<semaphore_mem>>
        %dma_start3A = arith.constant 0 : i32
        %dma_start3A_18 = arith.constant 0 : i32
        %dma_start3A_19 = tpu.memref_slice %arg7[%dma_start3A, %dma_start3A_18] : memref<100096x8xf32, #tpu.memory_space<vmem_shared>> -> memref<100096x8xf32, #tpu.memory_space<vmem_shared>>
        tpu.enqueue_indirect_dma source(%dma_start3A_19 : memref<100096x8xf32, #tpu.memory_space<vmem_shared>>) target(%arg9 : memref<2000x8xf32, #tpu.memory_space<vmem>>) offsets(%arg8 : memref<2000xi32, #tpu.memory_space<vmem>>) semaphore(%run_scoped3A : memref<!tpu.dma_semaphore, #tpu.memory_space<semaphore_mem>>)
        %dma_wait3A = arith.constant 0 : i32
        %dma_wait3A_20 = arith.constant 0 : i32
        %dma_wait3A_21 = tpu.memref_slice %arg7[%dma_wait3A, %dma_wait3A_20] : memref<100096x8xf32, #tpu.memory_space<vmem_shared>> -> memref<100096x8xf32, #tpu.memory_space<vmem_shared>>
        tpu.wait_indirect_dma semaphore(%run_scoped3A : memref<!tpu.dma_semaphore, #tpu.memory_space<semaphore_mem>>) src(%dma_wait3A_21 : memref<100096x8xf32, #tpu.memory_space<vmem_shared>>) dst(%arg9 : memref<2000x8xf32, #tpu.memory_space<vmem>>)
        tpu.yield
      }) : () -> ()
      "tpu.region"() ({
        %run_scoped3A = tpu.sem_alloc : memref<!tpu.dma_semaphore, #tpu.memory_space<semaphore_mem>>
        %dma_start3A = arith.constant 0 : i32
        %dma_start3A_18 = tpu.memref_slice %arg5[%add3A_17, %dma_start3A] : memref<1600000x8xf32, #tpu.memory_space<hbm>> -> memref<2000x8xf32, #tpu.memory_space<hbm>>
        %dma_start3A_19 = arith.constant 0 : i32
        %dma_start3A_20 = tpu.memref_slice %arg5[%add3A_17, %dma_start3A_19] : memref<1600000x8xf32, #tpu.memory_space<hbm>> -> memref<2000x8xf32, #tpu.memory_space<hbm>>
        tpu.enqueue_dma source(%arg9 : memref<2000x8xf32, #tpu.memory_space<vmem>>) target(%dma_start3A_20 : memref<2000x8xf32, #tpu.memory_space<hbm>>) target_semaphore(%run_scoped3A : memref<!tpu.dma_semaphore, #tpu.memory_space<semaphore_mem>>)
        %dma_wait3A = arith.constant 0 : i32
        %dma_wait3A_21 = tpu.memref_slice %arg5[%add3A_17, %dma_wait3A] : memref<1600000x8xf32, #tpu.memory_space<hbm>> -> memref<2000x8xf32, #tpu.memory_space<hbm>>
        %dma_wait3A_22 = arith.constant 0 : i32
        %dma_wait3A_23 = tpu.memref_slice %arg5[%add3A_17, %dma_wait3A_22] : memref<1600000x8xf32, #tpu.memory_space<hbm>> -> memref<2000x8xf32, #tpu.memory_space<hbm>>
        tpu.wait_dma2 semaphore(%run_scoped3A : memref<!tpu.dma_semaphore, #tpu.memory_space<semaphore_mem>>) src(%arg9 : memref<2000x8xf32, #tpu.memory_space<vmem>>) dst(%dma_wait3A_23 : memref<2000x8xf32, #tpu.memory_space<hbm>>)
        tpu.yield
      }) : () -> ()
    }
    %scan3A_11 = arith.constant 25 : i32
    return
  }
}

#map = affine_map<(d0, d1) -> (0, 0)>
#map1 = affine_map<(d0, d1) -> (0)>
#map2 = affine_map<(d0, d1) -> (0, 0, 0)>
module attributes {stable_mosaic.version = 14 : i64} {
  func.func @_scat_body(%arg0: i32, %arg1: i32, %arg2: memref<1600000x8xf32, #tpu.memory_space<hbm>>, %arg3: memref<1600000xi32, #tpu.memory_space<hbm>>, %arg4: memref<100096x8xf32, #tpu.memory_space<hbm>>, %arg5: memref<2x100096x8xf32, #tpu.memory_space<hbm>>, %arg6: memref<100096x8xf32, #tpu.memory_space<vmem_shared>>, %arg7: memref<2000xi32, #tpu.memory_space<vmem>>, %arg8: memref<2000x8xf32, #tpu.memory_space<vmem>>) attributes {dimension_semantics = [#tpu.dimension_semantics<core_parallel>, #tpu.dimension_semantics<subcore_parallel>], iteration_bounds = array<i64: 2, 16>, scalar_prefetch = 0 : i64, scratch_operands = 3 : i64, tpu.core_type = #tpu.core_type<sc_vector_subcore>, window_params = [{transform_indices = #map}, {transform_indices = #map1}, {transform_indices = #map}, {transform_indices = #map2}]} {
    %mul3A = arith.constant 6256 : i32
    %mul3A_0 = arith.muli %arg1, %mul3A : i32
    "tpu.region"() ({
      %run_scoped3A = tpu.sem_alloc : memref<!tpu.dma_semaphore, #tpu.memory_space<semaphore_mem>>
      %dma_start3A = arith.constant 0 : i32
      %dma_start3A_9 = tpu.memref_slice %arg6[%mul3A_0, %dma_start3A] : memref<100096x8xf32, #tpu.memory_space<vmem_shared>> -> memref<6256x8xf32, #tpu.memory_space<vmem_shared>>
      %dma_start3A_10 = arith.constant 0 : i32
      %dma_start3A_11 = tpu.memref_slice %arg4[%mul3A_0, %dma_start3A_10] : memref<100096x8xf32, #tpu.memory_space<hbm>> -> memref<6256x8xf32, #tpu.memory_space<hbm>>
      tpu.enqueue_dma source(%dma_start3A_11 : memref<6256x8xf32, #tpu.memory_space<hbm>>) target(%dma_start3A_9 : memref<6256x8xf32, #tpu.memory_space<vmem_shared>>) target_semaphore(%run_scoped3A : memref<!tpu.dma_semaphore, #tpu.memory_space<semaphore_mem>>)
      %dma_wait3A = arith.constant 0 : i32
      %dma_wait3A_12 = tpu.memref_slice %arg6[%mul3A_0, %dma_wait3A] : memref<100096x8xf32, #tpu.memory_space<vmem_shared>> -> memref<6256x8xf32, #tpu.memory_space<vmem_shared>>
      %dma_wait3A_13 = arith.constant 0 : i32
      %dma_wait3A_14 = tpu.memref_slice %arg4[%mul3A_0, %dma_wait3A_13] : memref<100096x8xf32, #tpu.memory_space<hbm>> -> memref<6256x8xf32, #tpu.memory_space<hbm>>
      tpu.wait_dma2 semaphore(%run_scoped3A : memref<!tpu.dma_semaphore, #tpu.memory_space<semaphore_mem>>) src(%dma_wait3A_14 : memref<6256x8xf32, #tpu.memory_space<hbm>>) dst(%dma_wait3A_12 : memref<6256x8xf32, #tpu.memory_space<vmem_shared>>)
      tpu.yield
    }) : () -> ()
    %barrier3A = arith.constant 0 : index
    tpu.barrier barrier_id(%barrier3A)
    %mul3A_1 = arith.constant 800000 : i32
    %mul3A_2 = arith.muli %arg0, %mul3A_1 : i32
    %scan3A = arith.constant 0 : i32
    %scan3A_3 = arith.constant 0 : i32
    %scan3A_4 = arith.constant 25 : i32
    %scan3A_5 = arith.addi %scan3A_3, %scan3A_4 : i32
    %scan3A_6 = arith.constant 1 : i32
    scf.for %scan3A_9 = %scan3A_3 to %scan3A_5 step %scan3A_6  : i32 {
      %mul3A_10 = arith.constant 16 : i32
      %mul3A_11 = arith.muli %scan3A_9, %mul3A_10 : i32
      %add3A = arith.addi %mul3A_11, %arg1 : i32
      %mul3A_12 = arith.constant 2000 : i32
      %mul3A_13 = arith.muli %add3A, %mul3A_12 : i32
      %add3A_14 = arith.addi %mul3A_2, %mul3A_13 : i32
      "tpu.region"() ({
        %run_scoped3A = tpu.sem_alloc : memref<!tpu.dma_semaphore, #tpu.memory_space<semaphore_mem>>
        %dma_start3A = tpu.memref_slice %arg3[%add3A_14] : memref<1600000xi32, #tpu.memory_space<hbm>> -> memref<2000xi32, #tpu.memory_space<hbm>>
        %dma_start3A_15 = tpu.memref_slice %arg3[%add3A_14] : memref<1600000xi32, #tpu.memory_space<hbm>> -> memref<2000xi32, #tpu.memory_space<hbm>>
        tpu.enqueue_dma source(%dma_start3A_15 : memref<2000xi32, #tpu.memory_space<hbm>>) target(%arg7 : memref<2000xi32, #tpu.memory_space<vmem>>) target_semaphore(%run_scoped3A : memref<!tpu.dma_semaphore, #tpu.memory_space<semaphore_mem>>)
        %dma_wait3A = tpu.memref_slice %arg3[%add3A_14] : memref<1600000xi32, #tpu.memory_space<hbm>> -> memref<2000xi32, #tpu.memory_space<hbm>>
        %dma_wait3A_16 = tpu.memref_slice %arg3[%add3A_14] : memref<1600000xi32, #tpu.memory_space<hbm>> -> memref<2000xi32, #tpu.memory_space<hbm>>
        tpu.wait_dma2 semaphore(%run_scoped3A : memref<!tpu.dma_semaphore, #tpu.memory_space<semaphore_mem>>) src(%dma_wait3A_16 : memref<2000xi32, #tpu.memory_space<hbm>>) dst(%arg7 : memref<2000xi32, #tpu.memory_space<vmem>>)
        tpu.yield
      }) : () -> ()
      "tpu.region"() ({
        %run_scoped3A = tpu.sem_alloc : memref<!tpu.dma_semaphore, #tpu.memory_space<semaphore_mem>>
        %dma_start3A = arith.constant 0 : i32
        %dma_start3A_15 = tpu.memref_slice %arg2[%add3A_14, %dma_start3A] : memref<1600000x8xf32, #tpu.memory_space<hbm>> -> memref<2000x8xf32, #tpu.memory_space<hbm>>
        %dma_start3A_16 = arith.constant 0 : i32
        %dma_start3A_17 = tpu.memref_slice %arg2[%add3A_14, %dma_start3A_16] : memref<1600000x8xf32, #tpu.memory_space<hbm>> -> memref<2000x8xf32, #tpu.memory_space<hbm>>
        tpu.enqueue_dma source(%dma_start3A_17 : memref<2000x8xf32, #tpu.memory_space<hbm>>) target(%arg8 : memref<2000x8xf32, #tpu.memory_space<vmem>>) target_semaphore(%run_scoped3A : memref<!tpu.dma_semaphore, #tpu.memory_space<semaphore_mem>>)
        %dma_wait3A = arith.constant 0 : i32
        %dma_wait3A_18 = tpu.memref_slice %arg2[%add3A_14, %dma_wait3A] : memref<1600000x8xf32, #tpu.memory_space<hbm>> -> memref<2000x8xf32, #tpu.memory_space<hbm>>
        %dma_wait3A_19 = arith.constant 0 : i32
        %dma_wait3A_20 = tpu.memref_slice %arg2[%add3A_14, %dma_wait3A_19] : memref<1600000x8xf32, #tpu.memory_space<hbm>> -> memref<2000x8xf32, #tpu.memory_space<hbm>>
        tpu.wait_dma2 semaphore(%run_scoped3A : memref<!tpu.dma_semaphore, #tpu.memory_space<semaphore_mem>>) src(%dma_wait3A_20 : memref<2000x8xf32, #tpu.memory_space<hbm>>) dst(%arg8 : memref<2000x8xf32, #tpu.memory_space<vmem>>)
        tpu.yield
      }) : () -> ()
      "tpu.region"() ({
        %run_scoped3A = tpu.sem_alloc : memref<!tpu.dma_semaphore, #tpu.memory_space<semaphore_mem>>
        %dma_start3A = arith.constant 0 : i32
        %dma_start3A_15 = arith.constant 0 : i32
        %dma_start3A_16 = tpu.memref_slice %arg6[%dma_start3A, %dma_start3A_15] : memref<100096x8xf32, #tpu.memory_space<vmem_shared>> -> memref<100096x8xf32, #tpu.memory_space<vmem_shared>>
        tpu.enqueue_indirect_dma source(%arg8 : memref<2000x8xf32, #tpu.memory_space<vmem>>) target(%dma_start3A_16 : memref<100096x8xf32, #tpu.memory_space<vmem_shared>>) offsets(%arg7 : memref<2000xi32, #tpu.memory_space<vmem>>) semaphore(%run_scoped3A : memref<!tpu.dma_semaphore, #tpu.memory_space<semaphore_mem>>) {add = true}
        %dma_wait3A = arith.constant 0 : i32
        %dma_wait3A_17 = arith.constant 0 : i32
        %dma_wait3A_18 = tpu.memref_slice %arg6[%dma_wait3A, %dma_wait3A_17] : memref<100096x8xf32, #tpu.memory_space<vmem_shared>> -> memref<100096x8xf32, #tpu.memory_space<vmem_shared>>
        tpu.wait_indirect_dma semaphore(%run_scoped3A : memref<!tpu.dma_semaphore, #tpu.memory_space<semaphore_mem>>) src(%arg8 : memref<2000x8xf32, #tpu.memory_space<vmem>>) dst(%dma_wait3A_18 : memref<100096x8xf32, #tpu.memory_space<vmem_shared>>)
        tpu.yield
      }) : () -> ()
    }
    %scan3A_7 = arith.constant 25 : i32
    %barrier3A_8 = arith.constant 0 : index
    tpu.barrier barrier_id(%barrier3A_8)
    "tpu.region"() ({
      %run_scoped3A = tpu.sem_alloc : memref<!tpu.dma_semaphore, #tpu.memory_space<semaphore_mem>>
      %dma_start3A = arith.constant 0 : i32
      %dma_start3A_9 = tpu.memref_slice %arg5[%arg0, %mul3A_0, %dma_start3A] : memref<2x100096x8xf32, #tpu.memory_space<hbm>> -> memref<1x6256x8xf32, #tpu.memory_space<hbm>>
      %dma_start3A_10 = tpu.memref_squeeze %dma_start3A_9 : memref<1x6256x8xf32, #tpu.memory_space<hbm>> -> memref<6256x8xf32, #tpu.memory_space<hbm>>
      %dma_start3A_11 = arith.constant 0 : i32
      %dma_start3A_12 = tpu.memref_slice %arg6[%mul3A_0, %dma_start3A_11] : memref<100096x8xf32, #tpu.memory_space<vmem_shared>> -> memref<6256x8xf32, #tpu.memory_space<vmem_shared>>
      tpu.enqueue_dma source(%dma_start3A_12 : memref<6256x8xf32, #tpu.memory_space<vmem_shared>>) target(%dma_start3A_10 : memref<6256x8xf32, #tpu.memory_space<hbm>>) target_semaphore(%run_scoped3A : memref<!tpu.dma_semaphore, #tpu.memory_space<semaphore_mem>>)
      %dma_wait3A = arith.constant 0 : i32
      %dma_wait3A_13 = tpu.memref_slice %arg5[%arg0, %mul3A_0, %dma_wait3A] : memref<2x100096x8xf32, #tpu.memory_space<hbm>> -> memref<1x6256x8xf32, #tpu.memory_space<hbm>>
      %dma_wait3A_14 = tpu.memref_squeeze %dma_wait3A_13 : memref<1x6256x8xf32, #tpu.memory_space<hbm>> -> memref<6256x8xf32, #tpu.memory_space<hbm>>
      %dma_wait3A_15 = arith.constant 0 : i32
      %dma_wait3A_16 = tpu.memref_slice %arg6[%mul3A_0, %dma_wait3A_15] : memref<100096x8xf32, #tpu.memory_space<vmem_shared>> -> memref<6256x8xf32, #tpu.memory_space<vmem_shared>>
      tpu.wait_dma2 semaphore(%run_scoped3A : memref<!tpu.dma_semaphore, #tpu.memory_space<semaphore_mem>>) src(%dma_wait3A_16 : memref<6256x8xf32, #tpu.memory_space<vmem_shared>>) dst(%dma_wait3A_14 : memref<6256x8xf32, #tpu.memory_space<hbm>>)
      tpu.yield
    }) : () -> ()
    return
  }
}

#map = affine_map<(d0, d1) -> (0, 0, 0)>
#map1 = affine_map<(d0, d1) -> (0)>
#map2 = affine_map<(d0, d1) -> (0, 0)>
module attributes {stable_mosaic.version = 14 : i64} {
  func.func @_gath_body(%arg0: i32, %arg1: i32, %arg2: memref<2x100096x8xf32, #tpu.memory_space<hbm>>, %arg3: memref<1600000xi32, #tpu.memory_space<hbm>>, %arg4: memref<100096xi32, #tpu.memory_space<hbm>>, %arg5: memref<1600000x8xf32, #tpu.memory_space<hbm>>, %arg6: memref<100096x8xf32, #tpu.memory_space<hbm>>, %arg7: memref<100096x8xf32, #tpu.memory_space<vmem_shared>>, %arg8: memref<2000xi32, #tpu.memory_space<vmem>>, %arg9: memref<2000x8xf32, #tpu.memory_space<vmem>>, %arg10: memref<3128xi32, #tpu.memory_space<vmem>>, %arg11: memref<3128x8xf32, #tpu.memory_space<vmem>>) attributes {dimension_semantics = [#tpu.dimension_semantics<core_parallel>, #tpu.dimension_semantics<subcore_parallel>], iteration_bounds = array<i64: 2, 16>, scalar_prefetch = 0 : i64, scratch_operands = 5 : i64, tpu.core_type = #tpu.core_type<sc_vector_subcore>, window_params = [{transform_indices = #map}, {transform_indices = #map1}, {transform_indices = #map1}, {transform_indices = #map2}, {transform_indices = #map2}]} {
    %scan3A = arith.constant 0 : i32
    %scan3A_0 = arith.constant 0 : i32
    %scan3A_1 = arith.constant 2 : i32
    %scan3A_2 = arith.addi %scan3A_0, %scan3A_1 : i32
    %scan3A_3 = arith.constant 1 : i32
    scf.for %scan3A_12 = %scan3A_0 to %scan3A_2 step %scan3A_3  : i32 {
      %mul3A_13 = arith.constant 6256 : i32
      %mul3A_14 = arith.muli %arg1, %mul3A_13 : i32
      %mul3A_15 = arith.constant 3128 : i32
      %mul3A_16 = arith.muli %scan3A_12, %mul3A_15 : i32
      %add3A = arith.addi %mul3A_14, %mul3A_16 : i32
      "tpu.region"() ({
        %run_scoped3A_20 = tpu.sem_alloc : memref<!tpu.dma_semaphore, #tpu.memory_space<semaphore_mem>>
        %dma_start3A = tpu.memref_slice %arg4[%add3A] : memref<100096xi32, #tpu.memory_space<hbm>> -> memref<3128xi32, #tpu.memory_space<hbm>>
        %dma_start3A_21 = tpu.memref_slice %arg4[%add3A] : memref<100096xi32, #tpu.memory_space<hbm>> -> memref<3128xi32, #tpu.memory_space<hbm>>
        tpu.enqueue_dma source(%dma_start3A_21 : memref<3128xi32, #tpu.memory_space<hbm>>) target(%arg10 : memref<3128xi32, #tpu.memory_space<vmem>>) target_semaphore(%run_scoped3A_20 : memref<!tpu.dma_semaphore, #tpu.memory_space<semaphore_mem>>)
        %dma_wait3A = tpu.memref_slice %arg4[%add3A] : memref<100096xi32, #tpu.memory_space<hbm>> -> memref<3128xi32, #tpu.memory_space<hbm>>
        %dma_wait3A_22 = tpu.memref_slice %arg4[%add3A] : memref<100096xi32, #tpu.memory_space<hbm>> -> memref<3128xi32, #tpu.memory_space<hbm>>
        tpu.wait_dma2 semaphore(%run_scoped3A_20 : memref<!tpu.dma_semaphore, #tpu.memory_space<semaphore_mem>>) src(%dma_wait3A_22 : memref<3128xi32, #tpu.memory_space<hbm>>) dst(%arg10 : memref<3128xi32, #tpu.memory_space<vmem>>)
        tpu.yield
      }) : () -> ()
      %run_scoped3A = arith.constant 0 : i32
      "tpu.region"() ({
        %run_scoped3A_20 = tpu.sem_alloc : memref<!tpu.dma_semaphore, #tpu.memory_space<semaphore_mem>>
        %dma_start3A = arith.constant 0 : i32
        %dma_start3A_21 = tpu.memref_slice %arg2[%run_scoped3A, %add3A, %dma_start3A] : memref<2x100096x8xf32, #tpu.memory_space<hbm>> -> memref<1x3128x8xf32, #tpu.memory_space<hbm>>
        %dma_start3A_22 = tpu.memref_squeeze %dma_start3A_21 : memref<1x3128x8xf32, #tpu.memory_space<hbm>> -> memref<3128x8xf32, #tpu.memory_space<hbm>>
        %dma_start3A_23 = arith.constant 0 : i32
        %dma_start3A_24 = tpu.memref_slice %arg2[%run_scoped3A, %add3A, %dma_start3A_23] : memref<2x100096x8xf32, #tpu.memory_space<hbm>> -> memref<1x3128x8xf32, #tpu.memory_space<hbm>>
        %dma_start3A_25 = tpu.memref_squeeze %dma_start3A_24 : memref<1x3128x8xf32, #tpu.memory_space<hbm>> -> memref<3128x8xf32, #tpu.memory_space<hbm>>
        tpu.enqueue_dma source(%dma_start3A_25 : memref<3128x8xf32, #tpu.memory_space<hbm>>) target(%arg11 : memref<3128x8xf32, #tpu.memory_space<vmem>>) target_semaphore(%run_scoped3A_20 : memref<!tpu.dma_semaphore, #tpu.memory_space<semaphore_mem>>)
        %dma_wait3A = arith.constant 0 : i32
        %dma_wait3A_26 = tpu.memref_slice %arg2[%run_scoped3A, %add3A, %dma_wait3A] : memref<2x100096x8xf32, #tpu.memory_space<hbm>> -> memref<1x3128x8xf32, #tpu.memory_space<hbm>>
        %dma_wait3A_27 = tpu.memref_squeeze %dma_wait3A_26 : memref<1x3128x8xf32, #tpu.memory_space<hbm>> -> memref<3128x8xf32, #tpu.memory_space<hbm>>
        %dma_wait3A_28 = arith.constant 0 : i32
        %dma_wait3A_29 = tpu.memref_slice %arg2[%run_scoped3A, %add3A, %dma_wait3A_28] : memref<2x100096x8xf32, #tpu.memory_space<hbm>> -> memref<1x3128x8xf32, #tpu.memory_space<hbm>>
        %dma_wait3A_30 = tpu.memref_squeeze %dma_wait3A_29 : memref<1x3128x8xf32, #tpu.memory_space<hbm>> -> memref<3128x8xf32, #tpu.memory_space<hbm>>
        tpu.wait_dma2 semaphore(%run_scoped3A_20 : memref<!tpu.dma_semaphore, #tpu.memory_space<semaphore_mem>>) src(%dma_wait3A_30 : memref<3128x8xf32, #tpu.memory_space<hbm>>) dst(%arg11 : memref<3128x8xf32, #tpu.memory_space<vmem>>)
        tpu.yield
      }) : () -> ()
      "tpu.region"() ({
        %run_scoped3A_20 = tpu.sem_alloc : memref<!tpu.dma_semaphore, #tpu.memory_space<semaphore_mem>>
        %dma_start3A = arith.constant 0 : i32
        %dma_start3A_21 = tpu.memref_slice %arg7[%add3A, %dma_start3A] : memref<100096x8xf32, #tpu.memory_space<vmem_shared>> -> memref<3128x8xf32, #tpu.memory_space<vmem_shared>>
        %dma_start3A_22 = arith.constant 0 : i32
        %dma_start3A_23 = tpu.memref_slice %arg7[%add3A, %dma_start3A_22] : memref<100096x8xf32, #tpu.memory_space<vmem_shared>> -> memref<3128x8xf32, #tpu.memory_space<vmem_shared>>
        tpu.enqueue_dma source(%arg11 : memref<3128x8xf32, #tpu.memory_space<vmem>>) target(%dma_start3A_23 : memref<3128x8xf32, #tpu.memory_space<vmem_shared>>) target_semaphore(%run_scoped3A_20 : memref<!tpu.dma_semaphore, #tpu.memory_space<semaphore_mem>>)
        %dma_wait3A = arith.constant 0 : i32
        %dma_wait3A_24 = tpu.memref_slice %arg7[%add3A, %dma_wait3A] : memref<100096x8xf32, #tpu.memory_space<vmem_shared>> -> memref<3128x8xf32, #tpu.memory_space<vmem_shared>>
        %dma_wait3A_25 = arith.constant 0 : i32
        %dma_wait3A_26 = tpu.memref_slice %arg7[%add3A, %dma_wait3A_25] : memref<100096x8xf32, #tpu.memory_space<vmem_shared>> -> memref<3128x8xf32, #tpu.memory_space<vmem_shared>>
        tpu.wait_dma2 semaphore(%run_scoped3A_20 : memref<!tpu.dma_semaphore, #tpu.memory_space<semaphore_mem>>) src(%arg11 : memref<3128x8xf32, #tpu.memory_space<vmem>>) dst(%dma_wait3A_26 : memref<3128x8xf32, #tpu.memory_space<vmem_shared>>)
        tpu.yield
      }) : () -> ()
      %run_scoped3A_17 = arith.constant 1 : i32
      "tpu.region"() ({
        %run_scoped3A_20 = tpu.sem_alloc : memref<!tpu.dma_semaphore, #tpu.memory_space<semaphore_mem>>
        %dma_start3A = arith.constant 0 : i32
        %dma_start3A_21 = tpu.memref_slice %arg2[%run_scoped3A_17, %add3A, %dma_start3A] : memref<2x100096x8xf32, #tpu.memory_space<hbm>> -> memref<1x3128x8xf32, #tpu.memory_space<hbm>>
        %dma_start3A_22 = tpu.memref_squeeze %dma_start3A_21 : memref<1x3128x8xf32, #tpu.memory_space<hbm>> -> memref<3128x8xf32, #tpu.memory_space<hbm>>
        %dma_start3A_23 = arith.constant 0 : i32
        %dma_start3A_24 = tpu.memref_slice %arg2[%run_scoped3A_17, %add3A, %dma_start3A_23] : memref<2x100096x8xf32, #tpu.memory_space<hbm>> -> memref<1x3128x8xf32, #tpu.memory_space<hbm>>
        %dma_start3A_25 = tpu.memref_squeeze %dma_start3A_24 : memref<1x3128x8xf32, #tpu.memory_space<hbm>> -> memref<3128x8xf32, #tpu.memory_space<hbm>>
        tpu.enqueue_dma source(%dma_start3A_25 : memref<3128x8xf32, #tpu.memory_space<hbm>>) target(%arg11 : memref<3128x8xf32, #tpu.memory_space<vmem>>) target_semaphore(%run_scoped3A_20 : memref<!tpu.dma_semaphore, #tpu.memory_space<semaphore_mem>>)
        %dma_wait3A = arith.constant 0 : i32
        %dma_wait3A_26 = tpu.memref_slice %arg2[%run_scoped3A_17, %add3A, %dma_wait3A] : memref<2x100096x8xf32, #tpu.memory_space<hbm>> -> memref<1x3128x8xf32, #tpu.memory_space<hbm>>
        %dma_wait3A_27 = tpu.memref_squeeze %dma_wait3A_26 : memref<1x3128x8xf32, #tpu.memory_space<hbm>> -> memref<3128x8xf32, #tpu.memory_space<hbm>>
        %dma_wait3A_28 = arith.constant 0 : i32
        %dma_wait3A_29 = tpu.memref_slice %arg2[%run_scoped3A_17, %add3A, %dma_wait3A_28] : memref<2x100096x8xf32, #tpu.memory_space<hbm>> -> memref<1x3128x8xf32, #tpu.memory_space<hbm>>
        %dma_wait3A_30 = tpu.memref_squeeze %dma_wait3A_29 : memref<1x3128x8xf32, #tpu.memory_space<hbm>> -> memref<3128x8xf32, #tpu.memory_space<hbm>>
        tpu.wait_dma2 semaphore(%run_scoped3A_20 : memref<!tpu.dma_semaphore, #tpu.memory_space<semaphore_mem>>) src(%dma_wait3A_30 : memref<3128x8xf32, #tpu.memory_space<hbm>>) dst(%arg11 : memref<3128x8xf32, #tpu.memory_space<vmem>>)
        tpu.yield
      }) : () -> ()
      "tpu.region"() ({
        %run_scoped3A_20 = tpu.sem_alloc : memref<!tpu.dma_semaphore, #tpu.memory_space<semaphore_mem>>
        %dma_start3A = arith.constant 0 : i32
        %dma_start3A_21 = arith.constant 0 : i32
        %dma_start3A_22 = tpu.memref_slice %arg7[%dma_start3A, %dma_start3A_21] : memref<100096x8xf32, #tpu.memory_space<vmem_shared>> -> memref<100096x8xf32, #tpu.memory_space<vmem_shared>>
        tpu.enqueue_indirect_dma source(%arg11 : memref<3128x8xf32, #tpu.memory_space<vmem>>) target(%dma_start3A_22 : memref<100096x8xf32, #tpu.memory_space<vmem_shared>>) offsets(%arg10 : memref<3128xi32, #tpu.memory_space<vmem>>) semaphore(%run_scoped3A_20 : memref<!tpu.dma_semaphore, #tpu.memory_space<semaphore_mem>>) {add = true}
        %dma_wait3A = arith.constant 0 : i32
        %dma_wait3A_23 = arith.constant 0 : i32
        %dma_wait3A_24 = tpu.memref_slice %arg7[%dma_wait3A, %dma_wait3A_23] : memref<100096x8xf32, #tpu.memory_space<vmem_shared>> -> memref<100096x8xf32, #tpu.memory_space<vmem_shared>>
        tpu.wait_indirect_dma semaphore(%run_scoped3A_20 : memref<!tpu.dma_semaphore, #tpu.memory_space<semaphore_mem>>) src(%arg11 : memref<3128x8xf32, #tpu.memory_space<vmem>>) dst(%dma_wait3A_24 : memref<100096x8xf32, #tpu.memory_space<vmem_shared>>)
        tpu.yield
      }) : () -> ()
      %eq3A = arith.constant 0 : i32
      %eq3A_18 = arith.cmpi eq, %arg0, %eq3A : i32
      %convert_element_type3A = arith.extui %eq3A_18 : i1 to i32
      %cond3A = arith.constant 0 : i32
      %cond3A_19 = arith.cmpi ne, %convert_element_type3A, %cond3A : i32
      scf.if %cond3A_19 {
        "tpu.region"() ({
          %run_scoped3A_20 = tpu.sem_alloc : memref<!tpu.dma_semaphore, #tpu.memory_space<semaphore_mem>>
          %dma_start3A = arith.constant 0 : i32
          %dma_start3A_21 = tpu.memref_slice %arg6[%add3A, %dma_start3A] : memref<100096x8xf32, #tpu.memory_space<hbm>> -> memref<3128x8xf32, #tpu.memory_space<hbm>>
          %dma_start3A_22 = arith.constant 0 : i32
          %dma_start3A_23 = tpu.memref_slice %arg7[%add3A, %dma_start3A_22] : memref<100096x8xf32, #tpu.memory_space<vmem_shared>> -> memref<3128x8xf32, #tpu.memory_space<vmem_shared>>
          tpu.enqueue_dma source(%dma_start3A_23 : memref<3128x8xf32, #tpu.memory_space<vmem_shared>>) target(%dma_start3A_21 : memref<3128x8xf32, #tpu.memory_space<hbm>>) target_semaphore(%run_scoped3A_20 : memref<!tpu.dma_semaphore, #tpu.memory_space<semaphore_mem>>)
          %dma_wait3A = arith.constant 0 : i32
          %dma_wait3A_24 = tpu.memref_slice %arg6[%add3A, %dma_wait3A] : memref<100096x8xf32, #tpu.memory_space<hbm>> -> memref<3128x8xf32, #tpu.memory_space<hbm>>
          %dma_wait3A_25 = arith.constant 0 : i32
          %dma_wait3A_26 = tpu.memref_slice %arg7[%add3A, %dma_wait3A_25] : memref<100096x8xf32, #tpu.memory_space<vmem_shared>> -> memref<3128x8xf32, #tpu.memory_space<vmem_shared>>
          tpu.wait_dma2 semaphore(%run_scoped3A_20 : memref<!tpu.dma_semaphore, #tpu.memory_space<semaphore_mem>>) src(%dma_wait3A_26 : memref<3128x8xf32, #tpu.memory_space<vmem_shared>>) dst(%dma_wait3A_24 : memref<3128x8xf32, #tpu.memory_space<hbm>>)
          tpu.yield
        }) : () -> ()
      } else {
      }
    }
    %scan3A_4 = arith.constant 2 : i32
    %barrier3A = arith.constant 0 : index
    tpu.barrier barrier_id(%barrier3A)
    %mul3A = arith.constant 800000 : i32
    %mul3A_5 = arith.muli %arg0, %mul3A : i32
    %scan3A_6 = arith.constant 0 : i32
    %scan3A_7 = arith.constant 0 : i32
    %scan3A_8 = arith.constant 25 : i32
    %scan3A_9 = arith.addi %scan3A_7, %scan3A_8 : i32
    %scan3A_10 = arith.constant 1 : i32
    scf.for %scan3A_12 = %scan3A_7 to %scan3A_9 step %scan3A_10  : i32 {
      %mul3A_13 = arith.constant 16 : i32
      %mul3A_14 = arith.muli %scan3A_12, %mul3A_13 : i32
      %add3A = arith.addi %mul3A_14, %arg1 : i32
      %mul3A_15 = arith.constant 2000 : i32
      %mul3A_16 = arith.muli %add3A, %mul3A_15 : i32
      %add3A_17 = arith.addi %mul3A_5, %mul3A_16 : i32
      "tpu.region"() ({
        %run_scoped3A = tpu.sem_alloc : memref<!tpu.dma_semaphore, #tpu.memory_space<semaphore_mem>>
        %dma_start3A = tpu.memref_slice %arg3[%add3A_17] : memref<1600000xi32, #tpu.memory_space<hbm>> -> memref<2000xi32, #tpu.memory_space<hbm>>
        %dma_start3A_18 = tpu.memref_slice %arg3[%add3A_17] : memref<1600000xi32, #tpu.memory_space<hbm>> -> memref<2000xi32, #tpu.memory_space<hbm>>
        tpu.enqueue_dma source(%dma_start3A_18 : memref<2000xi32, #tpu.memory_space<hbm>>) target(%arg8 : memref<2000xi32, #tpu.memory_space<vmem>>) target_semaphore(%run_scoped3A : memref<!tpu.dma_semaphore, #tpu.memory_space<semaphore_mem>>)
        %dma_wait3A = tpu.memref_slice %arg3[%add3A_17] : memref<1600000xi32, #tpu.memory_space<hbm>> -> memref<2000xi32, #tpu.memory_space<hbm>>
        %dma_wait3A_19 = tpu.memref_slice %arg3[%add3A_17] : memref<1600000xi32, #tpu.memory_space<hbm>> -> memref<2000xi32, #tpu.memory_space<hbm>>
        tpu.wait_dma2 semaphore(%run_scoped3A : memref<!tpu.dma_semaphore, #tpu.memory_space<semaphore_mem>>) src(%dma_wait3A_19 : memref<2000xi32, #tpu.memory_space<hbm>>) dst(%arg8 : memref<2000xi32, #tpu.memory_space<vmem>>)
        tpu.yield
      }) : () -> ()
      "tpu.region"() ({
        %run_scoped3A = tpu.sem_alloc : memref<!tpu.dma_semaphore, #tpu.memory_space<semaphore_mem>>
        %dma_start3A = arith.constant 0 : i32
        %dma_start3A_18 = arith.constant 0 : i32
        %dma_start3A_19 = tpu.memref_slice %arg7[%dma_start3A, %dma_start3A_18] : memref<100096x8xf32, #tpu.memory_space<vmem_shared>> -> memref<100096x8xf32, #tpu.memory_space<vmem_shared>>
        tpu.enqueue_indirect_dma source(%dma_start3A_19 : memref<100096x8xf32, #tpu.memory_space<vmem_shared>>) target(%arg9 : memref<2000x8xf32, #tpu.memory_space<vmem>>) offsets(%arg8 : memref<2000xi32, #tpu.memory_space<vmem>>) semaphore(%run_scoped3A : memref<!tpu.dma_semaphore, #tpu.memory_space<semaphore_mem>>)
        %dma_wait3A = arith.constant 0 : i32
        %dma_wait3A_20 = arith.constant 0 : i32
        %dma_wait3A_21 = tpu.memref_slice %arg7[%dma_wait3A, %dma_wait3A_20] : memref<100096x8xf32, #tpu.memory_space<vmem_shared>> -> memref<100096x8xf32, #tpu.memory_space<vmem_shared>>
        tpu.wait_indirect_dma semaphore(%run_scoped3A : memref<!tpu.dma_semaphore, #tpu.memory_space<semaphore_mem>>) src(%dma_wait3A_21 : memref<100096x8xf32, #tpu.memory_space<vmem_shared>>) dst(%arg9 : memref<2000x8xf32, #tpu.memory_space<vmem>>)
        tpu.yield
      }) : () -> ()
      "tpu.region"() ({
        %run_scoped3A = tpu.sem_alloc : memref<!tpu.dma_semaphore, #tpu.memory_space<semaphore_mem>>
        %dma_start3A = arith.constant 0 : i32
        %dma_start3A_18 = tpu.memref_slice %arg5[%add3A_17, %dma_start3A] : memref<1600000x8xf32, #tpu.memory_space<hbm>> -> memref<2000x8xf32, #tpu.memory_space<hbm>>
        %dma_start3A_19 = arith.constant 0 : i32
        %dma_start3A_20 = tpu.memref_slice %arg5[%add3A_17, %dma_start3A_19] : memref<1600000x8xf32, #tpu.memory_space<hbm>> -> memref<2000x8xf32, #tpu.memory_space<hbm>>
        tpu.enqueue_dma source(%arg9 : memref<2000x8xf32, #tpu.memory_space<vmem>>) target(%dma_start3A_20 : memref<2000x8xf32, #tpu.memory_space<hbm>>) target_semaphore(%run_scoped3A : memref<!tpu.dma_semaphore, #tpu.memory_space<semaphore_mem>>)
        %dma_wait3A = arith.constant 0 : i32
        %dma_wait3A_21 = tpu.memref_slice %arg5[%add3A_17, %dma_wait3A] : memref<1600000x8xf32, #tpu.memory_space<hbm>> -> memref<2000x8xf32, #tpu.memory_space<hbm>>
        %dma_wait3A_22 = arith.constant 0 : i32
        %dma_wait3A_23 = tpu.memref_slice %arg5[%add3A_17, %dma_wait3A_22] : memref<1600000x8xf32, #tpu.memory_space<hbm>> -> memref<2000x8xf32, #tpu.memory_space<hbm>>
        tpu.wait_dma2 semaphore(%run_scoped3A : memref<!tpu.dma_semaphore, #tpu.memory_space<semaphore_mem>>) src(%arg9 : memref<2000x8xf32, #tpu.memory_space<vmem>>) dst(%dma_wait3A_23 : memref<2000x8xf32, #tpu.memory_space<hbm>>)
        tpu.yield
      }) : () -> ()
    }
    %scan3A_11 = arith.constant 25 : i32
    return
  }
}

#map = affine_map<(d0, d1) -> (0, 0)>
#map1 = affine_map<(d0, d1) -> (0)>
#map2 = affine_map<(d0, d1) -> (0, 0, 0)>
module attributes {stable_mosaic.version = 14 : i64} {
  func.func @_scat_body(%arg0: i32, %arg1: i32, %arg2: memref<1600000x8xf32, #tpu.memory_space<hbm>>, %arg3: memref<1600000xi32, #tpu.memory_space<hbm>>, %arg4: memref<100096x8xf32, #tpu.memory_space<hbm>>, %arg5: memref<2x100096x8xf32, #tpu.memory_space<hbm>>, %arg6: memref<100096x8xf32, #tpu.memory_space<vmem_shared>>, %arg7: memref<2000xi32, #tpu.memory_space<vmem>>, %arg8: memref<2000x8xf32, #tpu.memory_space<vmem>>) attributes {dimension_semantics = [#tpu.dimension_semantics<core_parallel>, #tpu.dimension_semantics<subcore_parallel>], iteration_bounds = array<i64: 2, 16>, scalar_prefetch = 0 : i64, scratch_operands = 3 : i64, tpu.core_type = #tpu.core_type<sc_vector_subcore>, window_params = [{transform_indices = #map}, {transform_indices = #map1}, {transform_indices = #map}, {transform_indices = #map2}]} {
    %mul3A = arith.constant 6256 : i32
    %mul3A_0 = arith.muli %arg1, %mul3A : i32
    "tpu.region"() ({
      %run_scoped3A = tpu.sem_alloc : memref<!tpu.dma_semaphore, #tpu.memory_space<semaphore_mem>>
      %dma_start3A = arith.constant 0 : i32
      %dma_start3A_9 = tpu.memref_slice %arg6[%mul3A_0, %dma_start3A] : memref<100096x8xf32, #tpu.memory_space<vmem_shared>> -> memref<6256x8xf32, #tpu.memory_space<vmem_shared>>
      %dma_start3A_10 = arith.constant 0 : i32
      %dma_start3A_11 = tpu.memref_slice %arg4[%mul3A_0, %dma_start3A_10] : memref<100096x8xf32, #tpu.memory_space<hbm>> -> memref<6256x8xf32, #tpu.memory_space<hbm>>
      tpu.enqueue_dma source(%dma_start3A_11 : memref<6256x8xf32, #tpu.memory_space<hbm>>) target(%dma_start3A_9 : memref<6256x8xf32, #tpu.memory_space<vmem_shared>>) target_semaphore(%run_scoped3A : memref<!tpu.dma_semaphore, #tpu.memory_space<semaphore_mem>>)
      %dma_wait3A = arith.constant 0 : i32
      %dma_wait3A_12 = tpu.memref_slice %arg6[%mul3A_0, %dma_wait3A] : memref<100096x8xf32, #tpu.memory_space<vmem_shared>> -> memref<6256x8xf32, #tpu.memory_space<vmem_shared>>
      %dma_wait3A_13 = arith.constant 0 : i32
      %dma_wait3A_14 = tpu.memref_slice %arg4[%mul3A_0, %dma_wait3A_13] : memref<100096x8xf32, #tpu.memory_space<hbm>> -> memref<6256x8xf32, #tpu.memory_space<hbm>>
      tpu.wait_dma2 semaphore(%run_scoped3A : memref<!tpu.dma_semaphore, #tpu.memory_space<semaphore_mem>>) src(%dma_wait3A_14 : memref<6256x8xf32, #tpu.memory_space<hbm>>) dst(%dma_wait3A_12 : memref<6256x8xf32, #tpu.memory_space<vmem_shared>>)
      tpu.yield
    }) : () -> ()
    %barrier3A = arith.constant 0 : index
    tpu.barrier barrier_id(%barrier3A)
    %mul3A_1 = arith.constant 800000 : i32
    %mul3A_2 = arith.muli %arg0, %mul3A_1 : i32
    %scan3A = arith.constant 0 : i32
    %scan3A_3 = arith.constant 0 : i32
    %scan3A_4 = arith.constant 25 : i32
    %scan3A_5 = arith.addi %scan3A_3, %scan3A_4 : i32
    %scan3A_6 = arith.constant 1 : i32
    scf.for %scan3A_9 = %scan3A_3 to %scan3A_5 step %scan3A_6  : i32 {
      %mul3A_10 = arith.constant 16 : i32
      %mul3A_11 = arith.muli %scan3A_9, %mul3A_10 : i32
      %add3A = arith.addi %mul3A_11, %arg1 : i32
      %mul3A_12 = arith.constant 2000 : i32
      %mul3A_13 = arith.muli %add3A, %mul3A_12 : i32
      %add3A_14 = arith.addi %mul3A_2, %mul3A_13 : i32
      "tpu.region"() ({
        %run_scoped3A = tpu.sem_alloc : memref<!tpu.dma_semaphore, #tpu.memory_space<semaphore_mem>>
        %dma_start3A = tpu.memref_slice %arg3[%add3A_14] : memref<1600000xi32, #tpu.memory_space<hbm>> -> memref<2000xi32, #tpu.memory_space<hbm>>
        %dma_start3A_15 = tpu.memref_slice %arg3[%add3A_14] : memref<1600000xi32, #tpu.memory_space<hbm>> -> memref<2000xi32, #tpu.memory_space<hbm>>
        tpu.enqueue_dma source(%dma_start3A_15 : memref<2000xi32, #tpu.memory_space<hbm>>) target(%arg7 : memref<2000xi32, #tpu.memory_space<vmem>>) target_semaphore(%run_scoped3A : memref<!tpu.dma_semaphore, #tpu.memory_space<semaphore_mem>>)
        %dma_wait3A = tpu.memref_slice %arg3[%add3A_14] : memref<1600000xi32, #tpu.memory_space<hbm>> -> memref<2000xi32, #tpu.memory_space<hbm>>
        %dma_wait3A_16 = tpu.memref_slice %arg3[%add3A_14] : memref<1600000xi32, #tpu.memory_space<hbm>> -> memref<2000xi32, #tpu.memory_space<hbm>>
        tpu.wait_dma2 semaphore(%run_scoped3A : memref<!tpu.dma_semaphore, #tpu.memory_space<semaphore_mem>>) src(%dma_wait3A_16 : memref<2000xi32, #tpu.memory_space<hbm>>) dst(%arg7 : memref<2000xi32, #tpu.memory_space<vmem>>)
        tpu.yield
      }) : () -> ()
      "tpu.region"() ({
        %run_scoped3A = tpu.sem_alloc : memref<!tpu.dma_semaphore, #tpu.memory_space<semaphore_mem>>
        %dma_start3A = arith.constant 0 : i32
        %dma_start3A_15 = tpu.memref_slice %arg2[%add3A_14, %dma_start3A] : memref<1600000x8xf32, #tpu.memory_space<hbm>> -> memref<2000x8xf32, #tpu.memory_space<hbm>>
        %dma_start3A_16 = arith.constant 0 : i32
        %dma_start3A_17 = tpu.memref_slice %arg2[%add3A_14, %dma_start3A_16] : memref<1600000x8xf32, #tpu.memory_space<hbm>> -> memref<2000x8xf32, #tpu.memory_space<hbm>>
        tpu.enqueue_dma source(%dma_start3A_17 : memref<2000x8xf32, #tpu.memory_space<hbm>>) target(%arg8 : memref<2000x8xf32, #tpu.memory_space<vmem>>) target_semaphore(%run_scoped3A : memref<!tpu.dma_semaphore, #tpu.memory_space<semaphore_mem>>)
        %dma_wait3A = arith.constant 0 : i32
        %dma_wait3A_18 = tpu.memref_slice %arg2[%add3A_14, %dma_wait3A] : memref<1600000x8xf32, #tpu.memory_space<hbm>> -> memref<2000x8xf32, #tpu.memory_space<hbm>>
        %dma_wait3A_19 = arith.constant 0 : i32
        %dma_wait3A_20 = tpu.memref_slice %arg2[%add3A_14, %dma_wait3A_19] : memref<1600000x8xf32, #tpu.memory_space<hbm>> -> memref<2000x8xf32, #tpu.memory_space<hbm>>
        tpu.wait_dma2 semaphore(%run_scoped3A : memref<!tpu.dma_semaphore, #tpu.memory_space<semaphore_mem>>) src(%dma_wait3A_20 : memref<2000x8xf32, #tpu.memory_space<hbm>>) dst(%arg8 : memref<2000x8xf32, #tpu.memory_space<vmem>>)
        tpu.yield
      }) : () -> ()
      "tpu.region"() ({
        %run_scoped3A = tpu.sem_alloc : memref<!tpu.dma_semaphore, #tpu.memory_space<semaphore_mem>>
        %dma_start3A = arith.constant 0 : i32
        %dma_start3A_15 = arith.constant 0 : i32
        %dma_start3A_16 = tpu.memref_slice %arg6[%dma_start3A, %dma_start3A_15] : memref<100096x8xf32, #tpu.memory_space<vmem_shared>> -> memref<100096x8xf32, #tpu.memory_space<vmem_shared>>
        tpu.enqueue_indirect_dma source(%arg8 : memref<2000x8xf32, #tpu.memory_space<vmem>>) target(%dma_start3A_16 : memref<100096x8xf32, #tpu.memory_space<vmem_shared>>) offsets(%arg7 : memref<2000xi32, #tpu.memory_space<vmem>>) semaphore(%run_scoped3A : memref<!tpu.dma_semaphore, #tpu.memory_space<semaphore_mem>>) {add = true}
        %dma_wait3A = arith.constant 0 : i32
        %dma_wait3A_17 = arith.constant 0 : i32
        %dma_wait3A_18 = tpu.memref_slice %arg6[%dma_wait3A, %dma_wait3A_17] : memref<100096x8xf32, #tpu.memory_space<vmem_shared>> -> memref<100096x8xf32, #tpu.memory_space<vmem_shared>>
        tpu.wait_indirect_dma semaphore(%run_scoped3A : memref<!tpu.dma_semaphore, #tpu.memory_space<semaphore_mem>>) src(%arg8 : memref<2000x8xf32, #tpu.memory_space<vmem>>) dst(%dma_wait3A_18 : memref<100096x8xf32, #tpu.memory_space<vmem_shared>>)
        tpu.yield
      }) : () -> ()
    }
    %scan3A_7 = arith.constant 25 : i32
    %barrier3A_8 = arith.constant 0 : index
    tpu.barrier barrier_id(%barrier3A_8)
    "tpu.region"() ({
      %run_scoped3A = tpu.sem_alloc : memref<!tpu.dma_semaphore, #tpu.memory_space<semaphore_mem>>
      %dma_start3A = arith.constant 0 : i32
      %dma_start3A_9 = tpu.memref_slice %arg5[%arg0, %mul3A_0, %dma_start3A] : memref<2x100096x8xf32, #tpu.memory_space<hbm>> -> memref<1x6256x8xf32, #tpu.memory_space<hbm>>
      %dma_start3A_10 = tpu.memref_squeeze %dma_start3A_9 : memref<1x6256x8xf32, #tpu.memory_space<hbm>> -> memref<6256x8xf32, #tpu.memory_space<hbm>>
      %dma_start3A_11 = arith.constant 0 : i32
      %dma_start3A_12 = tpu.memref_slice %arg6[%mul3A_0, %dma_start3A_11] : memref<100096x8xf32, #tpu.memory_space<vmem_shared>> -> memref<6256x8xf32, #tpu.memory_space<vmem_shared>>
      tpu.enqueue_dma source(%dma_start3A_12 : memref<6256x8xf32, #tpu.memory_space<vmem_shared>>) target(%dma_start3A_10 : memref<6256x8xf32, #tpu.memory_space<hbm>>) target_semaphore(%run_scoped3A : memref<!tpu.dma_semaphore, #tpu.memory_space<semaphore_mem>>)
      %dma_wait3A = arith.constant 0 : i32
      %dma_wait3A_13 = tpu.memref_slice %arg5[%arg0, %mul3A_0, %dma_wait3A] : memref<2x100096x8xf32, #tpu.memory_space<hbm>> -> memref<1x6256x8xf32, #tpu.memory_space<hbm>>
      %dma_wait3A_14 = tpu.memref_squeeze %dma_wait3A_13 : memref<1x6256x8xf32, #tpu.memory_space<hbm>> -> memref<6256x8xf32, #tpu.memory_space<hbm>>
      %dma_wait3A_15 = arith.constant 0 : i32
      %dma_wait3A_16 = tpu.memref_slice %arg6[%mul3A_0, %dma_wait3A_15] : memref<100096x8xf32, #tpu.memory_space<vmem_shared>> -> memref<6256x8xf32, #tpu.memory_space<vmem_shared>>
      tpu.wait_dma2 semaphore(%run_scoped3A : memref<!tpu.dma_semaphore, #tpu.memory_space<semaphore_mem>>) src(%dma_wait3A_16 : memref<6256x8xf32, #tpu.memory_space<vmem_shared>>) dst(%dma_wait3A_14 : memref<6256x8xf32, #tpu.memory_space<hbm>>)
      tpu.yield
    }) : () -> ()
    return
  }
}

#map = affine_map<(d0, d1) -> (0, 0, 0)>
#map1 = affine_map<(d0, d1) -> (0)>
#map2 = affine_map<(d0, d1) -> (0, 0)>
module attributes {stable_mosaic.version = 14 : i64} {
  func.func @_gath_body(%arg0: i32, %arg1: i32, %arg2: memref<2x100096x8xf32, #tpu.memory_space<hbm>>, %arg3: memref<1600000xi32, #tpu.memory_space<hbm>>, %arg4: memref<100096xi32, #tpu.memory_space<hbm>>, %arg5: memref<1600000x8xf32, #tpu.memory_space<hbm>>, %arg6: memref<100096x8xf32, #tpu.memory_space<hbm>>, %arg7: memref<100096x8xf32, #tpu.memory_space<vmem_shared>>, %arg8: memref<2000xi32, #tpu.memory_space<vmem>>, %arg9: memref<2000x8xf32, #tpu.memory_space<vmem>>, %arg10: memref<3128xi32, #tpu.memory_space<vmem>>, %arg11: memref<3128x8xf32, #tpu.memory_space<vmem>>) attributes {dimension_semantics = [#tpu.dimension_semantics<core_parallel>, #tpu.dimension_semantics<subcore_parallel>], iteration_bounds = array<i64: 2, 16>, scalar_prefetch = 0 : i64, scratch_operands = 5 : i64, tpu.core_type = #tpu.core_type<sc_vector_subcore>, window_params = [{transform_indices = #map}, {transform_indices = #map1}, {transform_indices = #map1}, {transform_indices = #map2}, {transform_indices = #map2}]} {
    %scan3A = arith.constant 0 : i32
    %scan3A_0 = arith.constant 0 : i32
    %scan3A_1 = arith.constant 2 : i32
    %scan3A_2 = arith.addi %scan3A_0, %scan3A_1 : i32
    %scan3A_3 = arith.constant 1 : i32
    scf.for %scan3A_12 = %scan3A_0 to %scan3A_2 step %scan3A_3  : i32 {
      %mul3A_13 = arith.constant 6256 : i32
      %mul3A_14 = arith.muli %arg1, %mul3A_13 : i32
      %mul3A_15 = arith.constant 3128 : i32
      %mul3A_16 = arith.muli %scan3A_12, %mul3A_15 : i32
      %add3A = arith.addi %mul3A_14, %mul3A_16 : i32
      "tpu.region"() ({
        %run_scoped3A_20 = tpu.sem_alloc : memref<!tpu.dma_semaphore, #tpu.memory_space<semaphore_mem>>
        %dma_start3A = tpu.memref_slice %arg4[%add3A] : memref<100096xi32, #tpu.memory_space<hbm>> -> memref<3128xi32, #tpu.memory_space<hbm>>
        %dma_start3A_21 = tpu.memref_slice %arg4[%add3A] : memref<100096xi32, #tpu.memory_space<hbm>> -> memref<3128xi32, #tpu.memory_space<hbm>>
        tpu.enqueue_dma source(%dma_start3A_21 : memref<3128xi32, #tpu.memory_space<hbm>>) target(%arg10 : memref<3128xi32, #tpu.memory_space<vmem>>) target_semaphore(%run_scoped3A_20 : memref<!tpu.dma_semaphore, #tpu.memory_space<semaphore_mem>>)
        %dma_wait3A = tpu.memref_slice %arg4[%add3A] : memref<100096xi32, #tpu.memory_space<hbm>> -> memref<3128xi32, #tpu.memory_space<hbm>>
        %dma_wait3A_22 = tpu.memref_slice %arg4[%add3A] : memref<100096xi32, #tpu.memory_space<hbm>> -> memref<3128xi32, #tpu.memory_space<hbm>>
        tpu.wait_dma2 semaphore(%run_scoped3A_20 : memref<!tpu.dma_semaphore, #tpu.memory_space<semaphore_mem>>) src(%dma_wait3A_22 : memref<3128xi32, #tpu.memory_space<hbm>>) dst(%arg10 : memref<3128xi32, #tpu.memory_space<vmem>>)
        tpu.yield
      }) : () -> ()
      %run_scoped3A = arith.constant 0 : i32
      "tpu.region"() ({
        %run_scoped3A_20 = tpu.sem_alloc : memref<!tpu.dma_semaphore, #tpu.memory_space<semaphore_mem>>
        %dma_start3A = arith.constant 0 : i32
        %dma_start3A_21 = tpu.memref_slice %arg2[%run_scoped3A, %add3A, %dma_start3A] : memref<2x100096x8xf32, #tpu.memory_space<hbm>> -> memref<1x3128x8xf32, #tpu.memory_space<hbm>>
        %dma_start3A_22 = tpu.memref_squeeze %dma_start3A_21 : memref<1x3128x8xf32, #tpu.memory_space<hbm>> -> memref<3128x8xf32, #tpu.memory_space<hbm>>
        %dma_start3A_23 = arith.constant 0 : i32
        %dma_start3A_24 = tpu.memref_slice %arg2[%run_scoped3A, %add3A, %dma_start3A_23] : memref<2x100096x8xf32, #tpu.memory_space<hbm>> -> memref<1x3128x8xf32, #tpu.memory_space<hbm>>
        %dma_start3A_25 = tpu.memref_squeeze %dma_start3A_24 : memref<1x3128x8xf32, #tpu.memory_space<hbm>> -> memref<3128x8xf32, #tpu.memory_space<hbm>>
        tpu.enqueue_dma source(%dma_start3A_25 : memref<3128x8xf32, #tpu.memory_space<hbm>>) target(%arg11 : memref<3128x8xf32, #tpu.memory_space<vmem>>) target_semaphore(%run_scoped3A_20 : memref<!tpu.dma_semaphore, #tpu.memory_space<semaphore_mem>>)
        %dma_wait3A = arith.constant 0 : i32
        %dma_wait3A_26 = tpu.memref_slice %arg2[%run_scoped3A, %add3A, %dma_wait3A] : memref<2x100096x8xf32, #tpu.memory_space<hbm>> -> memref<1x3128x8xf32, #tpu.memory_space<hbm>>
        %dma_wait3A_27 = tpu.memref_squeeze %dma_wait3A_26 : memref<1x3128x8xf32, #tpu.memory_space<hbm>> -> memref<3128x8xf32, #tpu.memory_space<hbm>>
        %dma_wait3A_28 = arith.constant 0 : i32
        %dma_wait3A_29 = tpu.memref_slice %arg2[%run_scoped3A, %add3A, %dma_wait3A_28] : memref<2x100096x8xf32, #tpu.memory_space<hbm>> -> memref<1x3128x8xf32, #tpu.memory_space<hbm>>
        %dma_wait3A_30 = tpu.memref_squeeze %dma_wait3A_29 : memref<1x3128x8xf32, #tpu.memory_space<hbm>> -> memref<3128x8xf32, #tpu.memory_space<hbm>>
        tpu.wait_dma2 semaphore(%run_scoped3A_20 : memref<!tpu.dma_semaphore, #tpu.memory_space<semaphore_mem>>) src(%dma_wait3A_30 : memref<3128x8xf32, #tpu.memory_space<hbm>>) dst(%arg11 : memref<3128x8xf32, #tpu.memory_space<vmem>>)
        tpu.yield
      }) : () -> ()
      "tpu.region"() ({
        %run_scoped3A_20 = tpu.sem_alloc : memref<!tpu.dma_semaphore, #tpu.memory_space<semaphore_mem>>
        %dma_start3A = arith.constant 0 : i32
        %dma_start3A_21 = tpu.memref_slice %arg7[%add3A, %dma_start3A] : memref<100096x8xf32, #tpu.memory_space<vmem_shared>> -> memref<3128x8xf32, #tpu.memory_space<vmem_shared>>
        %dma_start3A_22 = arith.constant 0 : i32
        %dma_start3A_23 = tpu.memref_slice %arg7[%add3A, %dma_start3A_22] : memref<100096x8xf32, #tpu.memory_space<vmem_shared>> -> memref<3128x8xf32, #tpu.memory_space<vmem_shared>>
        tpu.enqueue_dma source(%arg11 : memref<3128x8xf32, #tpu.memory_space<vmem>>) target(%dma_start3A_23 : memref<3128x8xf32, #tpu.memory_space<vmem_shared>>) target_semaphore(%run_scoped3A_20 : memref<!tpu.dma_semaphore, #tpu.memory_space<semaphore_mem>>)
        %dma_wait3A = arith.constant 0 : i32
        %dma_wait3A_24 = tpu.memref_slice %arg7[%add3A, %dma_wait3A] : memref<100096x8xf32, #tpu.memory_space<vmem_shared>> -> memref<3128x8xf32, #tpu.memory_space<vmem_shared>>
        %dma_wait3A_25 = arith.constant 0 : i32
        %dma_wait3A_26 = tpu.memref_slice %arg7[%add3A, %dma_wait3A_25] : memref<100096x8xf32, #tpu.memory_space<vmem_shared>> -> memref<3128x8xf32, #tpu.memory_space<vmem_shared>>
        tpu.wait_dma2 semaphore(%run_scoped3A_20 : memref<!tpu.dma_semaphore, #tpu.memory_space<semaphore_mem>>) src(%arg11 : memref<3128x8xf32, #tpu.memory_space<vmem>>) dst(%dma_wait3A_26 : memref<3128x8xf32, #tpu.memory_space<vmem_shared>>)
        tpu.yield
      }) : () -> ()
      %run_scoped3A_17 = arith.constant 1 : i32
      "tpu.region"() ({
        %run_scoped3A_20 = tpu.sem_alloc : memref<!tpu.dma_semaphore, #tpu.memory_space<semaphore_mem>>
        %dma_start3A = arith.constant 0 : i32
        %dma_start3A_21 = tpu.memref_slice %arg2[%run_scoped3A_17, %add3A, %dma_start3A] : memref<2x100096x8xf32, #tpu.memory_space<hbm>> -> memref<1x3128x8xf32, #tpu.memory_space<hbm>>
        %dma_start3A_22 = tpu.memref_squeeze %dma_start3A_21 : memref<1x3128x8xf32, #tpu.memory_space<hbm>> -> memref<3128x8xf32, #tpu.memory_space<hbm>>
        %dma_start3A_23 = arith.constant 0 : i32
        %dma_start3A_24 = tpu.memref_slice %arg2[%run_scoped3A_17, %add3A, %dma_start3A_23] : memref<2x100096x8xf32, #tpu.memory_space<hbm>> -> memref<1x3128x8xf32, #tpu.memory_space<hbm>>
        %dma_start3A_25 = tpu.memref_squeeze %dma_start3A_24 : memref<1x3128x8xf32, #tpu.memory_space<hbm>> -> memref<3128x8xf32, #tpu.memory_space<hbm>>
        tpu.enqueue_dma source(%dma_start3A_25 : memref<3128x8xf32, #tpu.memory_space<hbm>>) target(%arg11 : memref<3128x8xf32, #tpu.memory_space<vmem>>) target_semaphore(%run_scoped3A_20 : memref<!tpu.dma_semaphore, #tpu.memory_space<semaphore_mem>>)
        %dma_wait3A = arith.constant 0 : i32
        %dma_wait3A_26 = tpu.memref_slice %arg2[%run_scoped3A_17, %add3A, %dma_wait3A] : memref<2x100096x8xf32, #tpu.memory_space<hbm>> -> memref<1x3128x8xf32, #tpu.memory_space<hbm>>
        %dma_wait3A_27 = tpu.memref_squeeze %dma_wait3A_26 : memref<1x3128x8xf32, #tpu.memory_space<hbm>> -> memref<3128x8xf32, #tpu.memory_space<hbm>>
        %dma_wait3A_28 = arith.constant 0 : i32
        %dma_wait3A_29 = tpu.memref_slice %arg2[%run_scoped3A_17, %add3A, %dma_wait3A_28] : memref<2x100096x8xf32, #tpu.memory_space<hbm>> -> memref<1x3128x8xf32, #tpu.memory_space<hbm>>
        %dma_wait3A_30 = tpu.memref_squeeze %dma_wait3A_29 : memref<1x3128x8xf32, #tpu.memory_space<hbm>> -> memref<3128x8xf32, #tpu.memory_space<hbm>>
        tpu.wait_dma2 semaphore(%run_scoped3A_20 : memref<!tpu.dma_semaphore, #tpu.memory_space<semaphore_mem>>) src(%dma_wait3A_30 : memref<3128x8xf32, #tpu.memory_space<hbm>>) dst(%arg11 : memref<3128x8xf32, #tpu.memory_space<vmem>>)
        tpu.yield
      }) : () -> ()
      "tpu.region"() ({
        %run_scoped3A_20 = tpu.sem_alloc : memref<!tpu.dma_semaphore, #tpu.memory_space<semaphore_mem>>
        %dma_start3A = arith.constant 0 : i32
        %dma_start3A_21 = arith.constant 0 : i32
        %dma_start3A_22 = tpu.memref_slice %arg7[%dma_start3A, %dma_start3A_21] : memref<100096x8xf32, #tpu.memory_space<vmem_shared>> -> memref<100096x8xf32, #tpu.memory_space<vmem_shared>>
        tpu.enqueue_indirect_dma source(%arg11 : memref<3128x8xf32, #tpu.memory_space<vmem>>) target(%dma_start3A_22 : memref<100096x8xf32, #tpu.memory_space<vmem_shared>>) offsets(%arg10 : memref<3128xi32, #tpu.memory_space<vmem>>) semaphore(%run_scoped3A_20 : memref<!tpu.dma_semaphore, #tpu.memory_space<semaphore_mem>>) {add = true}
        %dma_wait3A = arith.constant 0 : i32
        %dma_wait3A_23 = arith.constant 0 : i32
        %dma_wait3A_24 = tpu.memref_slice %arg7[%dma_wait3A, %dma_wait3A_23] : memref<100096x8xf32, #tpu.memory_space<vmem_shared>> -> memref<100096x8xf32, #tpu.memory_space<vmem_shared>>
        tpu.wait_indirect_dma semaphore(%run_scoped3A_20 : memref<!tpu.dma_semaphore, #tpu.memory_space<semaphore_mem>>) src(%arg11 : memref<3128x8xf32, #tpu.memory_space<vmem>>) dst(%dma_wait3A_24 : memref<100096x8xf32, #tpu.memory_space<vmem_shared>>)
        tpu.yield
      }) : () -> ()
      %eq3A = arith.constant 0 : i32
      %eq3A_18 = arith.cmpi eq, %arg0, %eq3A : i32
      %convert_element_type3A = arith.extui %eq3A_18 : i1 to i32
      %cond3A = arith.constant 0 : i32
      %cond3A_19 = arith.cmpi ne, %convert_element_type3A, %cond3A : i32
      scf.if %cond3A_19 {
        "tpu.region"() ({
          %run_scoped3A_20 = tpu.sem_alloc : memref<!tpu.dma_semaphore, #tpu.memory_space<semaphore_mem>>
          %dma_start3A = arith.constant 0 : i32
          %dma_start3A_21 = tpu.memref_slice %arg6[%add3A, %dma_start3A] : memref<100096x8xf32, #tpu.memory_space<hbm>> -> memref<3128x8xf32, #tpu.memory_space<hbm>>
          %dma_start3A_22 = arith.constant 0 : i32
          %dma_start3A_23 = tpu.memref_slice %arg7[%add3A, %dma_start3A_22] : memref<100096x8xf32, #tpu.memory_space<vmem_shared>> -> memref<3128x8xf32, #tpu.memory_space<vmem_shared>>
          tpu.enqueue_dma source(%dma_start3A_23 : memref<3128x8xf32, #tpu.memory_space<vmem_shared>>) target(%dma_start3A_21 : memref<3128x8xf32, #tpu.memory_space<hbm>>) target_semaphore(%run_scoped3A_20 : memref<!tpu.dma_semaphore, #tpu.memory_space<semaphore_mem>>)
          %dma_wait3A = arith.constant 0 : i32
          %dma_wait3A_24 = tpu.memref_slice %arg6[%add3A, %dma_wait3A] : memref<100096x8xf32, #tpu.memory_space<hbm>> -> memref<3128x8xf32, #tpu.memory_space<hbm>>
          %dma_wait3A_25 = arith.constant 0 : i32
          %dma_wait3A_26 = tpu.memref_slice %arg7[%add3A, %dma_wait3A_25] : memref<100096x8xf32, #tpu.memory_space<vmem_shared>> -> memref<3128x8xf32, #tpu.memory_space<vmem_shared>>
          tpu.wait_dma2 semaphore(%run_scoped3A_20 : memref<!tpu.dma_semaphore, #tpu.memory_space<semaphore_mem>>) src(%dma_wait3A_26 : memref<3128x8xf32, #tpu.memory_space<vmem_shared>>) dst(%dma_wait3A_24 : memref<3128x8xf32, #tpu.memory_space<hbm>>)
          tpu.yield
        }) : () -> ()
      } else {
      }
    }
    %scan3A_4 = arith.constant 2 : i32
    %barrier3A = arith.constant 0 : index
    tpu.barrier barrier_id(%barrier3A)
    %mul3A = arith.constant 800000 : i32
    %mul3A_5 = arith.muli %arg0, %mul3A : i32
    %scan3A_6 = arith.constant 0 : i32
    %scan3A_7 = arith.constant 0 : i32
    %scan3A_8 = arith.constant 25 : i32
    %scan3A_9 = arith.addi %scan3A_7, %scan3A_8 : i32
    %scan3A_10 = arith.constant 1 : i32
    scf.for %scan3A_12 = %scan3A_7 to %scan3A_9 step %scan3A_10  : i32 {
      %mul3A_13 = arith.constant 16 : i32
      %mul3A_14 = arith.muli %scan3A_12, %mul3A_13 : i32
      %add3A = arith.addi %mul3A_14, %arg1 : i32
      %mul3A_15 = arith.constant 2000 : i32
      %mul3A_16 = arith.muli %add3A, %mul3A_15 : i32
      %add3A_17 = arith.addi %mul3A_5, %mul3A_16 : i32
      "tpu.region"() ({
        %run_scoped3A = tpu.sem_alloc : memref<!tpu.dma_semaphore, #tpu.memory_space<semaphore_mem>>
        %dma_start3A = tpu.memref_slice %arg3[%add3A_17] : memref<1600000xi32, #tpu.memory_space<hbm>> -> memref<2000xi32, #tpu.memory_space<hbm>>
        %dma_start3A_18 = tpu.memref_slice %arg3[%add3A_17] : memref<1600000xi32, #tpu.memory_space<hbm>> -> memref<2000xi32, #tpu.memory_space<hbm>>
        tpu.enqueue_dma source(%dma_start3A_18 : memref<2000xi32, #tpu.memory_space<hbm>>) target(%arg8 : memref<2000xi32, #tpu.memory_space<vmem>>) target_semaphore(%run_scoped3A : memref<!tpu.dma_semaphore, #tpu.memory_space<semaphore_mem>>)
        %dma_wait3A = tpu.memref_slice %arg3[%add3A_17] : memref<1600000xi32, #tpu.memory_space<hbm>> -> memref<2000xi32, #tpu.memory_space<hbm>>
        %dma_wait3A_19 = tpu.memref_slice %arg3[%add3A_17] : memref<1600000xi32, #tpu.memory_space<hbm>> -> memref<2000xi32, #tpu.memory_space<hbm>>
        tpu.wait_dma2 semaphore(%run_scoped3A : memref<!tpu.dma_semaphore, #tpu.memory_space<semaphore_mem>>) src(%dma_wait3A_19 : memref<2000xi32, #tpu.memory_space<hbm>>) dst(%arg8 : memref<2000xi32, #tpu.memory_space<vmem>>)
        tpu.yield
      }) : () -> ()
      "tpu.region"() ({
        %run_scoped3A = tpu.sem_alloc : memref<!tpu.dma_semaphore, #tpu.memory_space<semaphore_mem>>
        %dma_start3A = arith.constant 0 : i32
        %dma_start3A_18 = arith.constant 0 : i32
        %dma_start3A_19 = tpu.memref_slice %arg7[%dma_start3A, %dma_start3A_18] : memref<100096x8xf32, #tpu.memory_space<vmem_shared>> -> memref<100096x8xf32, #tpu.memory_space<vmem_shared>>
        tpu.enqueue_indirect_dma source(%dma_start3A_19 : memref<100096x8xf32, #tpu.memory_space<vmem_shared>>) target(%arg9 : memref<2000x8xf32, #tpu.memory_space<vmem>>) offsets(%arg8 : memref<2000xi32, #tpu.memory_space<vmem>>) semaphore(%run_scoped3A : memref<!tpu.dma_semaphore, #tpu.memory_space<semaphore_mem>>)
        %dma_wait3A = arith.constant 0 : i32
        %dma_wait3A_20 = arith.constant 0 : i32
        %dma_wait3A_21 = tpu.memref_slice %arg7[%dma_wait3A, %dma_wait3A_20] : memref<100096x8xf32, #tpu.memory_space<vmem_shared>> -> memref<100096x8xf32, #tpu.memory_space<vmem_shared>>
        tpu.wait_indirect_dma semaphore(%run_scoped3A : memref<!tpu.dma_semaphore, #tpu.memory_space<semaphore_mem>>) src(%dma_wait3A_21 : memref<100096x8xf32, #tpu.memory_space<vmem_shared>>) dst(%arg9 : memref<2000x8xf32, #tpu.memory_space<vmem>>)
        tpu.yield
      }) : () -> ()
      "tpu.region"() ({
        %run_scoped3A = tpu.sem_alloc : memref<!tpu.dma_semaphore, #tpu.memory_space<semaphore_mem>>
        %dma_start3A = arith.constant 0 : i32
        %dma_start3A_18 = tpu.memref_slice %arg5[%add3A_17, %dma_start3A] : memref<1600000x8xf32, #tpu.memory_space<hbm>> -> memref<2000x8xf32, #tpu.memory_space<hbm>>
        %dma_start3A_19 = arith.constant 0 : i32
        %dma_start3A_20 = tpu.memref_slice %arg5[%add3A_17, %dma_start3A_19] : memref<1600000x8xf32, #tpu.memory_space<hbm>> -> memref<2000x8xf32, #tpu.memory_space<hbm>>
        tpu.enqueue_dma source(%arg9 : memref<2000x8xf32, #tpu.memory_space<vmem>>) target(%dma_start3A_20 : memref<2000x8xf32, #tpu.memory_space<hbm>>) target_semaphore(%run_scoped3A : memref<!tpu.dma_semaphore, #tpu.memory_space<semaphore_mem>>)
        %dma_wait3A = arith.constant 0 : i32
        %dma_wait3A_21 = tpu.memref_slice %arg5[%add3A_17, %dma_wait3A] : memref<1600000x8xf32, #tpu.memory_space<hbm>> -> memref<2000x8xf32, #tpu.memory_space<hbm>>
        %dma_wait3A_22 = arith.constant 0 : i32
        %dma_wait3A_23 = tpu.memref_slice %arg5[%add3A_17, %dma_wait3A_22] : memref<1600000x8xf32, #tpu.memory_space<hbm>> -> memref<2000x8xf32, #tpu.memory_space<hbm>>
        tpu.wait_dma2 semaphore(%run_scoped3A : memref<!tpu.dma_semaphore, #tpu.memory_space<semaphore_mem>>) src(%arg9 : memref<2000x8xf32, #tpu.memory_space<vmem>>) dst(%dma_wait3A_23 : memref<2000x8xf32, #tpu.memory_space<hbm>>)
        tpu.yield
      }) : () -> ()
    }
    %scan3A_11 = arith.constant 25 : i32
    return
  }
}

#map = affine_map<(d0, d1) -> (0, 0, 0)>
#map1 = affine_map<(d0, d1) -> (0)>
#map2 = affine_map<(d0, d1) -> (0, 0)>
module attributes {stable_mosaic.version = 14 : i64} {
  func.func @_gath_body(%arg0: i32, %arg1: i32, %arg2: memref<2x100096x8xf32, #tpu.memory_space<hbm>>, %arg3: memref<1600000xi32, #tpu.memory_space<hbm>>, %arg4: memref<100096xi32, #tpu.memory_space<hbm>>, %arg5: memref<1600000x8xf32, #tpu.memory_space<hbm>>, %arg6: memref<100096x8xf32, #tpu.memory_space<hbm>>, %arg7: memref<100096x8xf32, #tpu.memory_space<vmem_shared>>, %arg8: memref<2000xi32, #tpu.memory_space<vmem>>, %arg9: memref<2000x8xf32, #tpu.memory_space<vmem>>, %arg10: memref<3128xi32, #tpu.memory_space<vmem>>, %arg11: memref<3128x8xf32, #tpu.memory_space<vmem>>) attributes {dimension_semantics = [#tpu.dimension_semantics<core_parallel>, #tpu.dimension_semantics<subcore_parallel>], iteration_bounds = array<i64: 2, 16>, scalar_prefetch = 0 : i64, scratch_operands = 5 : i64, tpu.core_type = #tpu.core_type<sc_vector_subcore>, window_params = [{transform_indices = #map}, {transform_indices = #map1}, {transform_indices = #map1}, {transform_indices = #map2}, {transform_indices = #map2}]} {
    %scan3A = arith.constant 0 : i32
    %scan3A_0 = arith.constant 0 : i32
    %scan3A_1 = arith.constant 2 : i32
    %scan3A_2 = arith.addi %scan3A_0, %scan3A_1 : i32
    %scan3A_3 = arith.constant 1 : i32
    scf.for %scan3A_12 = %scan3A_0 to %scan3A_2 step %scan3A_3  : i32 {
      %mul3A_13 = arith.constant 6256 : i32
      %mul3A_14 = arith.muli %arg1, %mul3A_13 : i32
      %mul3A_15 = arith.constant 3128 : i32
      %mul3A_16 = arith.muli %scan3A_12, %mul3A_15 : i32
      %add3A = arith.addi %mul3A_14, %mul3A_16 : i32
      "tpu.region"() ({
        %run_scoped3A_20 = tpu.sem_alloc : memref<!tpu.dma_semaphore, #tpu.memory_space<semaphore_mem>>
        %dma_start3A = tpu.memref_slice %arg4[%add3A] : memref<100096xi32, #tpu.memory_space<hbm>> -> memref<3128xi32, #tpu.memory_space<hbm>>
        %dma_start3A_21 = tpu.memref_slice %arg4[%add3A] : memref<100096xi32, #tpu.memory_space<hbm>> -> memref<3128xi32, #tpu.memory_space<hbm>>
        tpu.enqueue_dma source(%dma_start3A_21 : memref<3128xi32, #tpu.memory_space<hbm>>) target(%arg10 : memref<3128xi32, #tpu.memory_space<vmem>>) target_semaphore(%run_scoped3A_20 : memref<!tpu.dma_semaphore, #tpu.memory_space<semaphore_mem>>)
        %dma_wait3A = tpu.memref_slice %arg4[%add3A] : memref<100096xi32, #tpu.memory_space<hbm>> -> memref<3128xi32, #tpu.memory_space<hbm>>
        %dma_wait3A_22 = tpu.memref_slice %arg4[%add3A] : memref<100096xi32, #tpu.memory_space<hbm>> -> memref<3128xi32, #tpu.memory_space<hbm>>
        tpu.wait_dma2 semaphore(%run_scoped3A_20 : memref<!tpu.dma_semaphore, #tpu.memory_space<semaphore_mem>>) src(%dma_wait3A_22 : memref<3128xi32, #tpu.memory_space<hbm>>) dst(%arg10 : memref<3128xi32, #tpu.memory_space<vmem>>)
        tpu.yield
      }) : () -> ()
      %run_scoped3A = arith.constant 0 : i32
      "tpu.region"() ({
        %run_scoped3A_20 = tpu.sem_alloc : memref<!tpu.dma_semaphore, #tpu.memory_space<semaphore_mem>>
        %dma_start3A = arith.constant 0 : i32
        %dma_start3A_21 = tpu.memref_slice %arg2[%run_scoped3A, %add3A, %dma_start3A] : memref<2x100096x8xf32, #tpu.memory_space<hbm>> -> memref<1x3128x8xf32, #tpu.memory_space<hbm>>
        %dma_start3A_22 = tpu.memref_squeeze %dma_start3A_21 : memref<1x3128x8xf32, #tpu.memory_space<hbm>> -> memref<3128x8xf32, #tpu.memory_space<hbm>>
        %dma_start3A_23 = arith.constant 0 : i32
        %dma_start3A_24 = tpu.memref_slice %arg2[%run_scoped3A, %add3A, %dma_start3A_23] : memref<2x100096x8xf32, #tpu.memory_space<hbm>> -> memref<1x3128x8xf32, #tpu.memory_space<hbm>>
        %dma_start3A_25 = tpu.memref_squeeze %dma_start3A_24 : memref<1x3128x8xf32, #tpu.memory_space<hbm>> -> memref<3128x8xf32, #tpu.memory_space<hbm>>
        tpu.enqueue_dma source(%dma_start3A_25 : memref<3128x8xf32, #tpu.memory_space<hbm>>) target(%arg11 : memref<3128x8xf32, #tpu.memory_space<vmem>>) target_semaphore(%run_scoped3A_20 : memref<!tpu.dma_semaphore, #tpu.memory_space<semaphore_mem>>)
        %dma_wait3A = arith.constant 0 : i32
        %dma_wait3A_26 = tpu.memref_slice %arg2[%run_scoped3A, %add3A, %dma_wait3A] : memref<2x100096x8xf32, #tpu.memory_space<hbm>> -> memref<1x3128x8xf32, #tpu.memory_space<hbm>>
        %dma_wait3A_27 = tpu.memref_squeeze %dma_wait3A_26 : memref<1x3128x8xf32, #tpu.memory_space<hbm>> -> memref<3128x8xf32, #tpu.memory_space<hbm>>
        %dma_wait3A_28 = arith.constant 0 : i32
        %dma_wait3A_29 = tpu.memref_slice %arg2[%run_scoped3A, %add3A, %dma_wait3A_28] : memref<2x100096x8xf32, #tpu.memory_space<hbm>> -> memref<1x3128x8xf32, #tpu.memory_space<hbm>>
        %dma_wait3A_30 = tpu.memref_squeeze %dma_wait3A_29 : memref<1x3128x8xf32, #tpu.memory_space<hbm>> -> memref<3128x8xf32, #tpu.memory_space<hbm>>
        tpu.wait_dma2 semaphore(%run_scoped3A_20 : memref<!tpu.dma_semaphore, #tpu.memory_space<semaphore_mem>>) src(%dma_wait3A_30 : memref<3128x8xf32, #tpu.memory_space<hbm>>) dst(%arg11 : memref<3128x8xf32, #tpu.memory_space<vmem>>)
        tpu.yield
      }) : () -> ()
      "tpu.region"() ({
        %run_scoped3A_20 = tpu.sem_alloc : memref<!tpu.dma_semaphore, #tpu.memory_space<semaphore_mem>>
        %dma_start3A = arith.constant 0 : i32
        %dma_start3A_21 = tpu.memref_slice %arg7[%add3A, %dma_start3A] : memref<100096x8xf32, #tpu.memory_space<vmem_shared>> -> memref<3128x8xf32, #tpu.memory_space<vmem_shared>>
        %dma_start3A_22 = arith.constant 0 : i32
        %dma_start3A_23 = tpu.memref_slice %arg7[%add3A, %dma_start3A_22] : memref<100096x8xf32, #tpu.memory_space<vmem_shared>> -> memref<3128x8xf32, #tpu.memory_space<vmem_shared>>
        tpu.enqueue_dma source(%arg11 : memref<3128x8xf32, #tpu.memory_space<vmem>>) target(%dma_start3A_23 : memref<3128x8xf32, #tpu.memory_space<vmem_shared>>) target_semaphore(%run_scoped3A_20 : memref<!tpu.dma_semaphore, #tpu.memory_space<semaphore_mem>>)
        %dma_wait3A = arith.constant 0 : i32
        %dma_wait3A_24 = tpu.memref_slice %arg7[%add3A, %dma_wait3A] : memref<100096x8xf32, #tpu.memory_space<vmem_shared>> -> memref<3128x8xf32, #tpu.memory_space<vmem_shared>>
        %dma_wait3A_25 = arith.constant 0 : i32
        %dma_wait3A_26 = tpu.memref_slice %arg7[%add3A, %dma_wait3A_25] : memref<100096x8xf32, #tpu.memory_space<vmem_shared>> -> memref<3128x8xf32, #tpu.memory_space<vmem_shared>>
        tpu.wait_dma2 semaphore(%run_scoped3A_20 : memref<!tpu.dma_semaphore, #tpu.memory_space<semaphore_mem>>) src(%arg11 : memref<3128x8xf32, #tpu.memory_space<vmem>>) dst(%dma_wait3A_26 : memref<3128x8xf32, #tpu.memory_space<vmem_shared>>)
        tpu.yield
      }) : () -> ()
      %run_scoped3A_17 = arith.constant 1 : i32
      "tpu.region"() ({
        %run_scoped3A_20 = tpu.sem_alloc : memref<!tpu.dma_semaphore, #tpu.memory_space<semaphore_mem>>
        %dma_start3A = arith.constant 0 : i32
        %dma_start3A_21 = tpu.memref_slice %arg2[%run_scoped3A_17, %add3A, %dma_start3A] : memref<2x100096x8xf32, #tpu.memory_space<hbm>> -> memref<1x3128x8xf32, #tpu.memory_space<hbm>>
        %dma_start3A_22 = tpu.memref_squeeze %dma_start3A_21 : memref<1x3128x8xf32, #tpu.memory_space<hbm>> -> memref<3128x8xf32, #tpu.memory_space<hbm>>
        %dma_start3A_23 = arith.constant 0 : i32
        %dma_start3A_24 = tpu.memref_slice %arg2[%run_scoped3A_17, %add3A, %dma_start3A_23] : memref<2x100096x8xf32, #tpu.memory_space<hbm>> -> memref<1x3128x8xf32, #tpu.memory_space<hbm>>
        %dma_start3A_25 = tpu.memref_squeeze %dma_start3A_24 : memref<1x3128x8xf32, #tpu.memory_space<hbm>> -> memref<3128x8xf32, #tpu.memory_space<hbm>>
        tpu.enqueue_dma source(%dma_start3A_25 : memref<3128x8xf32, #tpu.memory_space<hbm>>) target(%arg11 : memref<3128x8xf32, #tpu.memory_space<vmem>>) target_semaphore(%run_scoped3A_20 : memref<!tpu.dma_semaphore, #tpu.memory_space<semaphore_mem>>)
        %dma_wait3A = arith.constant 0 : i32
        %dma_wait3A_26 = tpu.memref_slice %arg2[%run_scoped3A_17, %add3A, %dma_wait3A] : memref<2x100096x8xf32, #tpu.memory_space<hbm>> -> memref<1x3128x8xf32, #tpu.memory_space<hbm>>
        %dma_wait3A_27 = tpu.memref_squeeze %dma_wait3A_26 : memref<1x3128x8xf32, #tpu.memory_space<hbm>> -> memref<3128x8xf32, #tpu.memory_space<hbm>>
        %dma_wait3A_28 = arith.constant 0 : i32
        %dma_wait3A_29 = tpu.memref_slice %arg2[%run_scoped3A_17, %add3A, %dma_wait3A_28] : memref<2x100096x8xf32, #tpu.memory_space<hbm>> -> memref<1x3128x8xf32, #tpu.memory_space<hbm>>
        %dma_wait3A_30 = tpu.memref_squeeze %dma_wait3A_29 : memref<1x3128x8xf32, #tpu.memory_space<hbm>> -> memref<3128x8xf32, #tpu.memory_space<hbm>>
        tpu.wait_dma2 semaphore(%run_scoped3A_20 : memref<!tpu.dma_semaphore, #tpu.memory_space<semaphore_mem>>) src(%dma_wait3A_30 : memref<3128x8xf32, #tpu.memory_space<hbm>>) dst(%arg11 : memref<3128x8xf32, #tpu.memory_space<vmem>>)
        tpu.yield
      }) : () -> ()
      "tpu.region"() ({
        %run_scoped3A_20 = tpu.sem_alloc : memref<!tpu.dma_semaphore, #tpu.memory_space<semaphore_mem>>
        %dma_start3A = arith.constant 0 : i32
        %dma_start3A_21 = arith.constant 0 : i32
        %dma_start3A_22 = tpu.memref_slice %arg7[%dma_start3A, %dma_start3A_21] : memref<100096x8xf32, #tpu.memory_space<vmem_shared>> -> memref<100096x8xf32, #tpu.memory_space<vmem_shared>>
        tpu.enqueue_indirect_dma source(%arg11 : memref<3128x8xf32, #tpu.memory_space<vmem>>) target(%dma_start3A_22 : memref<100096x8xf32, #tpu.memory_space<vmem_shared>>) offsets(%arg10 : memref<3128xi32, #tpu.memory_space<vmem>>) semaphore(%run_scoped3A_20 : memref<!tpu.dma_semaphore, #tpu.memory_space<semaphore_mem>>) {add = true}
        %dma_wait3A = arith.constant 0 : i32
        %dma_wait3A_23 = arith.constant 0 : i32
        %dma_wait3A_24 = tpu.memref_slice %arg7[%dma_wait3A, %dma_wait3A_23] : memref<100096x8xf32, #tpu.memory_space<vmem_shared>> -> memref<100096x8xf32, #tpu.memory_space<vmem_shared>>
        tpu.wait_indirect_dma semaphore(%run_scoped3A_20 : memref<!tpu.dma_semaphore, #tpu.memory_space<semaphore_mem>>) src(%arg11 : memref<3128x8xf32, #tpu.memory_space<vmem>>) dst(%dma_wait3A_24 : memref<100096x8xf32, #tpu.memory_space<vmem_shared>>)
        tpu.yield
      }) : () -> ()
      %eq3A = arith.constant 0 : i32
      %eq3A_18 = arith.cmpi eq, %arg0, %eq3A : i32
      %convert_element_type3A = arith.extui %eq3A_18 : i1 to i32
      %cond3A = arith.constant 0 : i32
      %cond3A_19 = arith.cmpi ne, %convert_element_type3A, %cond3A : i32
      scf.if %cond3A_19 {
        "tpu.region"() ({
          %run_scoped3A_20 = tpu.sem_alloc : memref<!tpu.dma_semaphore, #tpu.memory_space<semaphore_mem>>
          %dma_start3A = arith.constant 0 : i32
          %dma_start3A_21 = tpu.memref_slice %arg6[%add3A, %dma_start3A] : memref<100096x8xf32, #tpu.memory_space<hbm>> -> memref<3128x8xf32, #tpu.memory_space<hbm>>
          %dma_start3A_22 = arith.constant 0 : i32
          %dma_start3A_23 = tpu.memref_slice %arg7[%add3A, %dma_start3A_22] : memref<100096x8xf32, #tpu.memory_space<vmem_shared>> -> memref<3128x8xf32, #tpu.memory_space<vmem_shared>>
          tpu.enqueue_dma source(%dma_start3A_23 : memref<3128x8xf32, #tpu.memory_space<vmem_shared>>) target(%dma_start3A_21 : memref<3128x8xf32, #tpu.memory_space<hbm>>) target_semaphore(%run_scoped3A_20 : memref<!tpu.dma_semaphore, #tpu.memory_space<semaphore_mem>>)
          %dma_wait3A = arith.constant 0 : i32
          %dma_wait3A_24 = tpu.memref_slice %arg6[%add3A, %dma_wait3A] : memref<100096x8xf32, #tpu.memory_space<hbm>> -> memref<3128x8xf32, #tpu.memory_space<hbm>>
          %dma_wait3A_25 = arith.constant 0 : i32
          %dma_wait3A_26 = tpu.memref_slice %arg7[%add3A, %dma_wait3A_25] : memref<100096x8xf32, #tpu.memory_space<vmem_shared>> -> memref<3128x8xf32, #tpu.memory_space<vmem_shared>>
          tpu.wait_dma2 semaphore(%run_scoped3A_20 : memref<!tpu.dma_semaphore, #tpu.memory_space<semaphore_mem>>) src(%dma_wait3A_26 : memref<3128x8xf32, #tpu.memory_space<vmem_shared>>) dst(%dma_wait3A_24 : memref<3128x8xf32, #tpu.memory_space<hbm>>)
          tpu.yield
        }) : () -> ()
      } else {
      }
    }
    %scan3A_4 = arith.constant 2 : i32
    %barrier3A = arith.constant 0 : index
    tpu.barrier barrier_id(%barrier3A)
    %mul3A = arith.constant 800000 : i32
    %mul3A_5 = arith.muli %arg0, %mul3A : i32
    %scan3A_6 = arith.constant 0 : i32
    %scan3A_7 = arith.constant 0 : i32
    %scan3A_8 = arith.constant 25 : i32
    %scan3A_9 = arith.addi %scan3A_7, %scan3A_8 : i32
    %scan3A_10 = arith.constant 1 : i32
    scf.for %scan3A_12 = %scan3A_7 to %scan3A_9 step %scan3A_10  : i32 {
      %mul3A_13 = arith.constant 16 : i32
      %mul3A_14 = arith.muli %scan3A_12, %mul3A_13 : i32
      %add3A = arith.addi %mul3A_14, %arg1 : i32
      %mul3A_15 = arith.constant 2000 : i32
      %mul3A_16 = arith.muli %add3A, %mul3A_15 : i32
      %add3A_17 = arith.addi %mul3A_5, %mul3A_16 : i32
      "tpu.region"() ({
        %run_scoped3A = tpu.sem_alloc : memref<!tpu.dma_semaphore, #tpu.memory_space<semaphore_mem>>
        %dma_start3A = tpu.memref_slice %arg3[%add3A_17] : memref<1600000xi32, #tpu.memory_space<hbm>> -> memref<2000xi32, #tpu.memory_space<hbm>>
        %dma_start3A_18 = tpu.memref_slice %arg3[%add3A_17] : memref<1600000xi32, #tpu.memory_space<hbm>> -> memref<2000xi32, #tpu.memory_space<hbm>>
        tpu.enqueue_dma source(%dma_start3A_18 : memref<2000xi32, #tpu.memory_space<hbm>>) target(%arg8 : memref<2000xi32, #tpu.memory_space<vmem>>) target_semaphore(%run_scoped3A : memref<!tpu.dma_semaphore, #tpu.memory_space<semaphore_mem>>)
        %dma_wait3A = tpu.memref_slice %arg3[%add3A_17] : memref<1600000xi32, #tpu.memory_space<hbm>> -> memref<2000xi32, #tpu.memory_space<hbm>>
        %dma_wait3A_19 = tpu.memref_slice %arg3[%add3A_17] : memref<1600000xi32, #tpu.memory_space<hbm>> -> memref<2000xi32, #tpu.memory_space<hbm>>
        tpu.wait_dma2 semaphore(%run_scoped3A : memref<!tpu.dma_semaphore, #tpu.memory_space<semaphore_mem>>) src(%dma_wait3A_19 : memref<2000xi32, #tpu.memory_space<hbm>>) dst(%arg8 : memref<2000xi32, #tpu.memory_space<vmem>>)
        tpu.yield
      }) : () -> ()
      "tpu.region"() ({
        %run_scoped3A = tpu.sem_alloc : memref<!tpu.dma_semaphore, #tpu.memory_space<semaphore_mem>>
        %dma_start3A = arith.constant 0 : i32
        %dma_start3A_18 = arith.constant 0 : i32
        %dma_start3A_19 = tpu.memref_slice %arg7[%dma_start3A, %dma_start3A_18] : memref<100096x8xf32, #tpu.memory_space<vmem_shared>> -> memref<100096x8xf32, #tpu.memory_space<vmem_shared>>
        tpu.enqueue_indirect_dma source(%dma_start3A_19 : memref<100096x8xf32, #tpu.memory_space<vmem_shared>>) target(%arg9 : memref<2000x8xf32, #tpu.memory_space<vmem>>) offsets(%arg8 : memref<2000xi32, #tpu.memory_space<vmem>>) semaphore(%run_scoped3A : memref<!tpu.dma_semaphore, #tpu.memory_space<semaphore_mem>>)
        %dma_wait3A = arith.constant 0 : i32
        %dma_wait3A_20 = arith.constant 0 : i32
        %dma_wait3A_21 = tpu.memref_slice %arg7[%dma_wait3A, %dma_wait3A_20] : memref<100096x8xf32, #tpu.memory_space<vmem_shared>> -> memref<100096x8xf32, #tpu.memory_space<vmem_shared>>
        tpu.wait_indirect_dma semaphore(%run_scoped3A : memref<!tpu.dma_semaphore, #tpu.memory_space<semaphore_mem>>) src(%dma_wait3A_21 : memref<100096x8xf32, #tpu.memory_space<vmem_shared>>) dst(%arg9 : memref<2000x8xf32, #tpu.memory_space<vmem>>)
        tpu.yield
      }) : () -> ()
      "tpu.region"() ({
        %run_scoped3A = tpu.sem_alloc : memref<!tpu.dma_semaphore, #tpu.memory_space<semaphore_mem>>
        %dma_start3A = arith.constant 0 : i32
        %dma_start3A_18 = tpu.memref_slice %arg5[%add3A_17, %dma_start3A] : memref<1600000x8xf32, #tpu.memory_space<hbm>> -> memref<2000x8xf32, #tpu.memory_space<hbm>>
        %dma_start3A_19 = arith.constant 0 : i32
        %dma_start3A_20 = tpu.memref_slice %arg5[%add3A_17, %dma_start3A_19] : memref<1600000x8xf32, #tpu.memory_space<hbm>> -> memref<2000x8xf32, #tpu.memory_space<hbm>>
        tpu.enqueue_dma source(%arg9 : memref<2000x8xf32, #tpu.memory_space<vmem>>) target(%dma_start3A_20 : memref<2000x8xf32, #tpu.memory_space<hbm>>) target_semaphore(%run_scoped3A : memref<!tpu.dma_semaphore, #tpu.memory_space<semaphore_mem>>)
        %dma_wait3A = arith.constant 0 : i32
        %dma_wait3A_21 = tpu.memref_slice %arg5[%add3A_17, %dma_wait3A] : memref<1600000x8xf32, #tpu.memory_space<hbm>> -> memref<2000x8xf32, #tpu.memory_space<hbm>>
        %dma_wait3A_22 = arith.constant 0 : i32
        %dma_wait3A_23 = tpu.memref_slice %arg5[%add3A_17, %dma_wait3A_22] : memref<1600000x8xf32, #tpu.memory_space<hbm>> -> memref<2000x8xf32, #tpu.memory_space<hbm>>
        tpu.wait_dma2 semaphore(%run_scoped3A : memref<!tpu.dma_semaphore, #tpu.memory_space<semaphore_mem>>) src(%arg9 : memref<2000x8xf32, #tpu.memory_space<vmem>>) dst(%dma_wait3A_23 : memref<2000x8xf32, #tpu.memory_space<hbm>>)
        tpu.yield
      }) : () -> ()
    }
    %scan3A_11 = arith.constant 25 : i32
    return
  }
}

#map = affine_map<(d0, d1) -> (0, 0)>
#map1 = affine_map<(d0, d1) -> (0)>
#map2 = affine_map<(d0, d1) -> (0, 0, 0)>
module attributes {stable_mosaic.version = 14 : i64} {
  func.func @_scat_body(%arg0: i32, %arg1: i32, %arg2: memref<1600000x8xf32, #tpu.memory_space<hbm>>, %arg3: memref<1600000xi32, #tpu.memory_space<hbm>>, %arg4: memref<100096x8xf32, #tpu.memory_space<hbm>>, %arg5: memref<2x100096x8xf32, #tpu.memory_space<hbm>>, %arg6: memref<100096x8xf32, #tpu.memory_space<vmem_shared>>, %arg7: memref<2000xi32, #tpu.memory_space<vmem>>, %arg8: memref<2000x8xf32, #tpu.memory_space<vmem>>) attributes {dimension_semantics = [#tpu.dimension_semantics<core_parallel>, #tpu.dimension_semantics<subcore_parallel>], iteration_bounds = array<i64: 2, 16>, scalar_prefetch = 0 : i64, scratch_operands = 3 : i64, tpu.core_type = #tpu.core_type<sc_vector_subcore>, window_params = [{transform_indices = #map}, {transform_indices = #map1}, {transform_indices = #map}, {transform_indices = #map2}]} {
    %mul3A = arith.constant 6256 : i32
    %mul3A_0 = arith.muli %arg1, %mul3A : i32
    "tpu.region"() ({
      %run_scoped3A = tpu.sem_alloc : memref<!tpu.dma_semaphore, #tpu.memory_space<semaphore_mem>>
      %dma_start3A = arith.constant 0 : i32
      %dma_start3A_9 = tpu.memref_slice %arg6[%mul3A_0, %dma_start3A] : memref<100096x8xf32, #tpu.memory_space<vmem_shared>> -> memref<6256x8xf32, #tpu.memory_space<vmem_shared>>
      %dma_start3A_10 = arith.constant 0 : i32
      %dma_start3A_11 = tpu.memref_slice %arg4[%mul3A_0, %dma_start3A_10] : memref<100096x8xf32, #tpu.memory_space<hbm>> -> memref<6256x8xf32, #tpu.memory_space<hbm>>
      tpu.enqueue_dma source(%dma_start3A_11 : memref<6256x8xf32, #tpu.memory_space<hbm>>) target(%dma_start3A_9 : memref<6256x8xf32, #tpu.memory_space<vmem_shared>>) target_semaphore(%run_scoped3A : memref<!tpu.dma_semaphore, #tpu.memory_space<semaphore_mem>>)
      %dma_wait3A = arith.constant 0 : i32
      %dma_wait3A_12 = tpu.memref_slice %arg6[%mul3A_0, %dma_wait3A] : memref<100096x8xf32, #tpu.memory_space<vmem_shared>> -> memref<6256x8xf32, #tpu.memory_space<vmem_shared>>
      %dma_wait3A_13 = arith.constant 0 : i32
      %dma_wait3A_14 = tpu.memref_slice %arg4[%mul3A_0, %dma_wait3A_13] : memref<100096x8xf32, #tpu.memory_space<hbm>> -> memref<6256x8xf32, #tpu.memory_space<hbm>>
      tpu.wait_dma2 semaphore(%run_scoped3A : memref<!tpu.dma_semaphore, #tpu.memory_space<semaphore_mem>>) src(%dma_wait3A_14 : memref<6256x8xf32, #tpu.memory_space<hbm>>) dst(%dma_wait3A_12 : memref<6256x8xf32, #tpu.memory_space<vmem_shared>>)
      tpu.yield
    }) : () -> ()
    %barrier3A = arith.constant 0 : index
    tpu.barrier barrier_id(%barrier3A)
    %mul3A_1 = arith.constant 800000 : i32
    %mul3A_2 = arith.muli %arg0, %mul3A_1 : i32
    %scan3A = arith.constant 0 : i32
    %scan3A_3 = arith.constant 0 : i32
    %scan3A_4 = arith.constant 25 : i32
    %scan3A_5 = arith.addi %scan3A_3, %scan3A_4 : i32
    %scan3A_6 = arith.constant 1 : i32
    scf.for %scan3A_9 = %scan3A_3 to %scan3A_5 step %scan3A_6  : i32 {
      %mul3A_10 = arith.constant 16 : i32
      %mul3A_11 = arith.muli %scan3A_9, %mul3A_10 : i32
      %add3A = arith.addi %mul3A_11, %arg1 : i32
      %mul3A_12 = arith.constant 2000 : i32
      %mul3A_13 = arith.muli %add3A, %mul3A_12 : i32
      %add3A_14 = arith.addi %mul3A_2, %mul3A_13 : i32
      "tpu.region"() ({
        %run_scoped3A = tpu.sem_alloc : memref<!tpu.dma_semaphore, #tpu.memory_space<semaphore_mem>>
        %dma_start3A = tpu.memref_slice %arg3[%add3A_14] : memref<1600000xi32, #tpu.memory_space<hbm>> -> memref<2000xi32, #tpu.memory_space<hbm>>
        %dma_start3A_15 = tpu.memref_slice %arg3[%add3A_14] : memref<1600000xi32, #tpu.memory_space<hbm>> -> memref<2000xi32, #tpu.memory_space<hbm>>
        tpu.enqueue_dma source(%dma_start3A_15 : memref<2000xi32, #tpu.memory_space<hbm>>) target(%arg7 : memref<2000xi32, #tpu.memory_space<vmem>>) target_semaphore(%run_scoped3A : memref<!tpu.dma_semaphore, #tpu.memory_space<semaphore_mem>>)
        %dma_wait3A = tpu.memref_slice %arg3[%add3A_14] : memref<1600000xi32, #tpu.memory_space<hbm>> -> memref<2000xi32, #tpu.memory_space<hbm>>
        %dma_wait3A_16 = tpu.memref_slice %arg3[%add3A_14] : memref<1600000xi32, #tpu.memory_space<hbm>> -> memref<2000xi32, #tpu.memory_space<hbm>>
        tpu.wait_dma2 semaphore(%run_scoped3A : memref<!tpu.dma_semaphore, #tpu.memory_space<semaphore_mem>>) src(%dma_wait3A_16 : memref<2000xi32, #tpu.memory_space<hbm>>) dst(%arg7 : memref<2000xi32, #tpu.memory_space<vmem>>)
        tpu.yield
      }) : () -> ()
      "tpu.region"() ({
        %run_scoped3A = tpu.sem_alloc : memref<!tpu.dma_semaphore, #tpu.memory_space<semaphore_mem>>
        %dma_start3A = arith.constant 0 : i32
        %dma_start3A_15 = tpu.memref_slice %arg2[%add3A_14, %dma_start3A] : memref<1600000x8xf32, #tpu.memory_space<hbm>> -> memref<2000x8xf32, #tpu.memory_space<hbm>>
        %dma_start3A_16 = arith.constant 0 : i32
        %dma_start3A_17 = tpu.memref_slice %arg2[%add3A_14, %dma_start3A_16] : memref<1600000x8xf32, #tpu.memory_space<hbm>> -> memref<2000x8xf32, #tpu.memory_space<hbm>>
        tpu.enqueue_dma source(%dma_start3A_17 : memref<2000x8xf32, #tpu.memory_space<hbm>>) target(%arg8 : memref<2000x8xf32, #tpu.memory_space<vmem>>) target_semaphore(%run_scoped3A : memref<!tpu.dma_semaphore, #tpu.memory_space<semaphore_mem>>)
        %dma_wait3A = arith.constant 0 : i32
        %dma_wait3A_18 = tpu.memref_slice %arg2[%add3A_14, %dma_wait3A] : memref<1600000x8xf32, #tpu.memory_space<hbm>> -> memref<2000x8xf32, #tpu.memory_space<hbm>>
        %dma_wait3A_19 = arith.constant 0 : i32
        %dma_wait3A_20 = tpu.memref_slice %arg2[%add3A_14, %dma_wait3A_19] : memref<1600000x8xf32, #tpu.memory_space<hbm>> -> memref<2000x8xf32, #tpu.memory_space<hbm>>
        tpu.wait_dma2 semaphore(%run_scoped3A : memref<!tpu.dma_semaphore, #tpu.memory_space<semaphore_mem>>) src(%dma_wait3A_20 : memref<2000x8xf32, #tpu.memory_space<hbm>>) dst(%arg8 : memref<2000x8xf32, #tpu.memory_space<vmem>>)
        tpu.yield
      }) : () -> ()
      "tpu.region"() ({
        %run_scoped3A = tpu.sem_alloc : memref<!tpu.dma_semaphore, #tpu.memory_space<semaphore_mem>>
        %dma_start3A = arith.constant 0 : i32
        %dma_start3A_15 = arith.constant 0 : i32
        %dma_start3A_16 = tpu.memref_slice %arg6[%dma_start3A, %dma_start3A_15] : memref<100096x8xf32, #tpu.memory_space<vmem_shared>> -> memref<100096x8xf32, #tpu.memory_space<vmem_shared>>
        tpu.enqueue_indirect_dma source(%arg8 : memref<2000x8xf32, #tpu.memory_space<vmem>>) target(%dma_start3A_16 : memref<100096x8xf32, #tpu.memory_space<vmem_shared>>) offsets(%arg7 : memref<2000xi32, #tpu.memory_space<vmem>>) semaphore(%run_scoped3A : memref<!tpu.dma_semaphore, #tpu.memory_space<semaphore_mem>>) {add = true}
        %dma_wait3A = arith.constant 0 : i32
        %dma_wait3A_17 = arith.constant 0 : i32
        %dma_wait3A_18 = tpu.memref_slice %arg6[%dma_wait3A, %dma_wait3A_17] : memref<100096x8xf32, #tpu.memory_space<vmem_shared>> -> memref<100096x8xf32, #tpu.memory_space<vmem_shared>>
        tpu.wait_indirect_dma semaphore(%run_scoped3A : memref<!tpu.dma_semaphore, #tpu.memory_space<semaphore_mem>>) src(%arg8 : memref<2000x8xf32, #tpu.memory_space<vmem>>) dst(%dma_wait3A_18 : memref<100096x8xf32, #tpu.memory_space<vmem_shared>>)
        tpu.yield
      }) : () -> ()
    }
    %scan3A_7 = arith.constant 25 : i32
    %barrier3A_8 = arith.constant 0 : index
    tpu.barrier barrier_id(%barrier3A_8)
    "tpu.region"() ({
      %run_scoped3A = tpu.sem_alloc : memref<!tpu.dma_semaphore, #tpu.memory_space<semaphore_mem>>
      %dma_start3A = arith.constant 0 : i32
      %dma_start3A_9 = tpu.memref_slice %arg5[%arg0, %mul3A_0, %dma_start3A] : memref<2x100096x8xf32, #tpu.memory_space<hbm>> -> memref<1x6256x8xf32, #tpu.memory_space<hbm>>
      %dma_start3A_10 = tpu.memref_squeeze %dma_start3A_9 : memref<1x6256x8xf32, #tpu.memory_space<hbm>> -> memref<6256x8xf32, #tpu.memory_space<hbm>>
      %dma_start3A_11 = arith.constant 0 : i32
      %dma_start3A_12 = tpu.memref_slice %arg6[%mul3A_0, %dma_start3A_11] : memref<100096x8xf32, #tpu.memory_space<vmem_shared>> -> memref<6256x8xf32, #tpu.memory_space<vmem_shared>>
      tpu.enqueue_dma source(%dma_start3A_12 : memref<6256x8xf32, #tpu.memory_space<vmem_shared>>) target(%dma_start3A_10 : memref<6256x8xf32, #tpu.memory_space<hbm>>) target_semaphore(%run_scoped3A : memref<!tpu.dma_semaphore, #tpu.memory_space<semaphore_mem>>)
      %dma_wait3A = arith.constant 0 : i32
      %dma_wait3A_13 = tpu.memref_slice %arg5[%arg0, %mul3A_0, %dma_wait3A] : memref<2x100096x8xf32, #tpu.memory_space<hbm>> -> memref<1x6256x8xf32, #tpu.memory_space<hbm>>
      %dma_wait3A_14 = tpu.memref_squeeze %dma_wait3A_13 : memref<1x6256x8xf32, #tpu.memory_space<hbm>> -> memref<6256x8xf32, #tpu.memory_space<hbm>>
      %dma_wait3A_15 = arith.constant 0 : i32
      %dma_wait3A_16 = tpu.memref_slice %arg6[%mul3A_0, %dma_wait3A_15] : memref<100096x8xf32, #tpu.memory_space<vmem_shared>> -> memref<6256x8xf32, #tpu.memory_space<vmem_shared>>
      tpu.wait_dma2 semaphore(%run_scoped3A : memref<!tpu.dma_semaphore, #tpu.memory_space<semaphore_mem>>) src(%dma_wait3A_16 : memref<6256x8xf32, #tpu.memory_space<vmem_shared>>) dst(%dma_wait3A_14 : memref<6256x8xf32, #tpu.memory_space<hbm>>)
      tpu.yield
    }) : () -> ()
    return
  }
}

#map = affine_map<(d0, d1) -> (0, 0)>
#map1 = affine_map<(d0, d1) -> (0)>
#map2 = affine_map<(d0, d1) -> (0, 0, 0)>
module attributes {stable_mosaic.version = 14 : i64} {
  func.func @_scat_body(%arg0: i32, %arg1: i32, %arg2: memref<1600000x8xf32, #tpu.memory_space<hbm>>, %arg3: memref<1600000xi32, #tpu.memory_space<hbm>>, %arg4: memref<100096x8xf32, #tpu.memory_space<hbm>>, %arg5: memref<2x100096x8xf32, #tpu.memory_space<hbm>>, %arg6: memref<100096x8xf32, #tpu.memory_space<vmem_shared>>, %arg7: memref<2000xi32, #tpu.memory_space<vmem>>, %arg8: memref<2000x8xf32, #tpu.memory_space<vmem>>) attributes {dimension_semantics = [#tpu.dimension_semantics<core_parallel>, #tpu.dimension_semantics<subcore_parallel>], iteration_bounds = array<i64: 2, 16>, scalar_prefetch = 0 : i64, scratch_operands = 3 : i64, tpu.core_type = #tpu.core_type<sc_vector_subcore>, window_params = [{transform_indices = #map}, {transform_indices = #map1}, {transform_indices = #map}, {transform_indices = #map2}]} {
    %mul3A = arith.constant 6256 : i32
    %mul3A_0 = arith.muli %arg1, %mul3A : i32
    "tpu.region"() ({
      %run_scoped3A = tpu.sem_alloc : memref<!tpu.dma_semaphore, #tpu.memory_space<semaphore_mem>>
      %dma_start3A = arith.constant 0 : i32
      %dma_start3A_9 = tpu.memref_slice %arg6[%mul3A_0, %dma_start3A] : memref<100096x8xf32, #tpu.memory_space<vmem_shared>> -> memref<6256x8xf32, #tpu.memory_space<vmem_shared>>
      %dma_start3A_10 = arith.constant 0 : i32
      %dma_start3A_11 = tpu.memref_slice %arg4[%mul3A_0, %dma_start3A_10] : memref<100096x8xf32, #tpu.memory_space<hbm>> -> memref<6256x8xf32, #tpu.memory_space<hbm>>
      tpu.enqueue_dma source(%dma_start3A_11 : memref<6256x8xf32, #tpu.memory_space<hbm>>) target(%dma_start3A_9 : memref<6256x8xf32, #tpu.memory_space<vmem_shared>>) target_semaphore(%run_scoped3A : memref<!tpu.dma_semaphore, #tpu.memory_space<semaphore_mem>>)
      %dma_wait3A = arith.constant 0 : i32
      %dma_wait3A_12 = tpu.memref_slice %arg6[%mul3A_0, %dma_wait3A] : memref<100096x8xf32, #tpu.memory_space<vmem_shared>> -> memref<6256x8xf32, #tpu.memory_space<vmem_shared>>
      %dma_wait3A_13 = arith.constant 0 : i32
      %dma_wait3A_14 = tpu.memref_slice %arg4[%mul3A_0, %dma_wait3A_13] : memref<100096x8xf32, #tpu.memory_space<hbm>> -> memref<6256x8xf32, #tpu.memory_space<hbm>>
      tpu.wait_dma2 semaphore(%run_scoped3A : memref<!tpu.dma_semaphore, #tpu.memory_space<semaphore_mem>>) src(%dma_wait3A_14 : memref<6256x8xf32, #tpu.memory_space<hbm>>) dst(%dma_wait3A_12 : memref<6256x8xf32, #tpu.memory_space<vmem_shared>>)
      tpu.yield
    }) : () -> ()
    %barrier3A = arith.constant 0 : index
    tpu.barrier barrier_id(%barrier3A)
    %mul3A_1 = arith.constant 800000 : i32
    %mul3A_2 = arith.muli %arg0, %mul3A_1 : i32
    %scan3A = arith.constant 0 : i32
    %scan3A_3 = arith.constant 0 : i32
    %scan3A_4 = arith.constant 25 : i32
    %scan3A_5 = arith.addi %scan3A_3, %scan3A_4 : i32
    %scan3A_6 = arith.constant 1 : i32
    scf.for %scan3A_9 = %scan3A_3 to %scan3A_5 step %scan3A_6  : i32 {
      %mul3A_10 = arith.constant 16 : i32
      %mul3A_11 = arith.muli %scan3A_9, %mul3A_10 : i32
      %add3A = arith.addi %mul3A_11, %arg1 : i32
      %mul3A_12 = arith.constant 2000 : i32
      %mul3A_13 = arith.muli %add3A, %mul3A_12 : i32
      %add3A_14 = arith.addi %mul3A_2, %mul3A_13 : i32
      "tpu.region"() ({
        %run_scoped3A = tpu.sem_alloc : memref<!tpu.dma_semaphore, #tpu.memory_space<semaphore_mem>>
        %dma_start3A = tpu.memref_slice %arg3[%add3A_14] : memref<1600000xi32, #tpu.memory_space<hbm>> -> memref<2000xi32, #tpu.memory_space<hbm>>
        %dma_start3A_15 = tpu.memref_slice %arg3[%add3A_14] : memref<1600000xi32, #tpu.memory_space<hbm>> -> memref<2000xi32, #tpu.memory_space<hbm>>
        tpu.enqueue_dma source(%dma_start3A_15 : memref<2000xi32, #tpu.memory_space<hbm>>) target(%arg7 : memref<2000xi32, #tpu.memory_space<vmem>>) target_semaphore(%run_scoped3A : memref<!tpu.dma_semaphore, #tpu.memory_space<semaphore_mem>>)
        %dma_wait3A = tpu.memref_slice %arg3[%add3A_14] : memref<1600000xi32, #tpu.memory_space<hbm>> -> memref<2000xi32, #tpu.memory_space<hbm>>
        %dma_wait3A_16 = tpu.memref_slice %arg3[%add3A_14] : memref<1600000xi32, #tpu.memory_space<hbm>> -> memref<2000xi32, #tpu.memory_space<hbm>>
        tpu.wait_dma2 semaphore(%run_scoped3A : memref<!tpu.dma_semaphore, #tpu.memory_space<semaphore_mem>>) src(%dma_wait3A_16 : memref<2000xi32, #tpu.memory_space<hbm>>) dst(%arg7 : memref<2000xi32, #tpu.memory_space<vmem>>)
        tpu.yield
      }) : () -> ()
      "tpu.region"() ({
        %run_scoped3A = tpu.sem_alloc : memref<!tpu.dma_semaphore, #tpu.memory_space<semaphore_mem>>
        %dma_start3A = arith.constant 0 : i32
        %dma_start3A_15 = tpu.memref_slice %arg2[%add3A_14, %dma_start3A] : memref<1600000x8xf32, #tpu.memory_space<hbm>> -> memref<2000x8xf32, #tpu.memory_space<hbm>>
        %dma_start3A_16 = arith.constant 0 : i32
        %dma_start3A_17 = tpu.memref_slice %arg2[%add3A_14, %dma_start3A_16] : memref<1600000x8xf32, #tpu.memory_space<hbm>> -> memref<2000x8xf32, #tpu.memory_space<hbm>>
        tpu.enqueue_dma source(%dma_start3A_17 : memref<2000x8xf32, #tpu.memory_space<hbm>>) target(%arg8 : memref<2000x8xf32, #tpu.memory_space<vmem>>) target_semaphore(%run_scoped3A : memref<!tpu.dma_semaphore, #tpu.memory_space<semaphore_mem>>)
        %dma_wait3A = arith.constant 0 : i32
        %dma_wait3A_18 = tpu.memref_slice %arg2[%add3A_14, %dma_wait3A] : memref<1600000x8xf32, #tpu.memory_space<hbm>> -> memref<2000x8xf32, #tpu.memory_space<hbm>>
        %dma_wait3A_19 = arith.constant 0 : i32
        %dma_wait3A_20 = tpu.memref_slice %arg2[%add3A_14, %dma_wait3A_19] : memref<1600000x8xf32, #tpu.memory_space<hbm>> -> memref<2000x8xf32, #tpu.memory_space<hbm>>
        tpu.wait_dma2 semaphore(%run_scoped3A : memref<!tpu.dma_semaphore, #tpu.memory_space<semaphore_mem>>) src(%dma_wait3A_20 : memref<2000x8xf32, #tpu.memory_space<hbm>>) dst(%arg8 : memref<2000x8xf32, #tpu.memory_space<vmem>>)
        tpu.yield
      }) : () -> ()
      "tpu.region"() ({
        %run_scoped3A = tpu.sem_alloc : memref<!tpu.dma_semaphore, #tpu.memory_space<semaphore_mem>>
        %dma_start3A = arith.constant 0 : i32
        %dma_start3A_15 = arith.constant 0 : i32
        %dma_start3A_16 = tpu.memref_slice %arg6[%dma_start3A, %dma_start3A_15] : memref<100096x8xf32, #tpu.memory_space<vmem_shared>> -> memref<100096x8xf32, #tpu.memory_space<vmem_shared>>
        tpu.enqueue_indirect_dma source(%arg8 : memref<2000x8xf32, #tpu.memory_space<vmem>>) target(%dma_start3A_16 : memref<100096x8xf32, #tpu.memory_space<vmem_shared>>) offsets(%arg7 : memref<2000xi32, #tpu.memory_space<vmem>>) semaphore(%run_scoped3A : memref<!tpu.dma_semaphore, #tpu.memory_space<semaphore_mem>>) {add = true}
        %dma_wait3A = arith.constant 0 : i32
        %dma_wait3A_17 = arith.constant 0 : i32
        %dma_wait3A_18 = tpu.memref_slice %arg6[%dma_wait3A, %dma_wait3A_17] : memref<100096x8xf32, #tpu.memory_space<vmem_shared>> -> memref<100096x8xf32, #tpu.memory_space<vmem_shared>>
        tpu.wait_indirect_dma semaphore(%run_scoped3A : memref<!tpu.dma_semaphore, #tpu.memory_space<semaphore_mem>>) src(%arg8 : memref<2000x8xf32, #tpu.memory_space<vmem>>) dst(%dma_wait3A_18 : memref<100096x8xf32, #tpu.memory_space<vmem_shared>>)
        tpu.yield
      }) : () -> ()
    }
    %scan3A_7 = arith.constant 25 : i32
    %barrier3A_8 = arith.constant 0 : index
    tpu.barrier barrier_id(%barrier3A_8)
    "tpu.region"() ({
      %run_scoped3A = tpu.sem_alloc : memref<!tpu.dma_semaphore, #tpu.memory_space<semaphore_mem>>
      %dma_start3A = arith.constant 0 : i32
      %dma_start3A_9 = tpu.memref_slice %arg5[%arg0, %mul3A_0, %dma_start3A] : memref<2x100096x8xf32, #tpu.memory_space<hbm>> -> memref<1x6256x8xf32, #tpu.memory_space<hbm>>
      %dma_start3A_10 = tpu.memref_squeeze %dma_start3A_9 : memref<1x6256x8xf32, #tpu.memory_space<hbm>> -> memref<6256x8xf32, #tpu.memory_space<hbm>>
      %dma_start3A_11 = arith.constant 0 : i32
      %dma_start3A_12 = tpu.memref_slice %arg6[%mul3A_0, %dma_start3A_11] : memref<100096x8xf32, #tpu.memory_space<vmem_shared>> -> memref<6256x8xf32, #tpu.memory_space<vmem_shared>>
      tpu.enqueue_dma source(%dma_start3A_12 : memref<6256x8xf32, #tpu.memory_space<vmem_shared>>) target(%dma_start3A_10 : memref<6256x8xf32, #tpu.memory_space<hbm>>) target_semaphore(%run_scoped3A : memref<!tpu.dma_semaphore, #tpu.memory_space<semaphore_mem>>)
      %dma_wait3A = arith.constant 0 : i32
      %dma_wait3A_13 = tpu.memref_slice %arg5[%arg0, %mul3A_0, %dma_wait3A] : memref<2x100096x8xf32, #tpu.memory_space<hbm>> -> memref<1x6256x8xf32, #tpu.memory_space<hbm>>
      %dma_wait3A_14 = tpu.memref_squeeze %dma_wait3A_13 : memref<1x6256x8xf32, #tpu.memory_space<hbm>> -> memref<6256x8xf32, #tpu.memory_space<hbm>>
      %dma_wait3A_15 = arith.constant 0 : i32
      %dma_wait3A_16 = tpu.memref_slice %arg6[%mul3A_0, %dma_wait3A_15] : memref<100096x8xf32, #tpu.memory_space<vmem_shared>> -> memref<6256x8xf32, #tpu.memory_space<vmem_shared>>
      tpu.wait_dma2 semaphore(%run_scoped3A : memref<!tpu.dma_semaphore, #tpu.memory_space<semaphore_mem>>) src(%dma_wait3A_16 : memref<6256x8xf32, #tpu.memory_space<vmem_shared>>) dst(%dma_wait3A_14 : memref<6256x8xf32, #tpu.memory_space<hbm>>)
      tpu.yield
    }) : () -> ()
    return
  }
}

#map = affine_map<(d0, d1) -> (0, 0, 0)>
#map1 = affine_map<(d0, d1) -> (0)>
#map2 = affine_map<(d0, d1) -> (0, 0)>
module attributes {stable_mosaic.version = 14 : i64} {
  func.func @_gath_body(%arg0: i32, %arg1: i32, %arg2: memref<2x100096x8xf32, #tpu.memory_space<hbm>>, %arg3: memref<1600000xi32, #tpu.memory_space<hbm>>, %arg4: memref<100096xi32, #tpu.memory_space<hbm>>, %arg5: memref<1600000x8xf32, #tpu.memory_space<hbm>>, %arg6: memref<100096x8xf32, #tpu.memory_space<hbm>>, %arg7: memref<100096x8xf32, #tpu.memory_space<vmem_shared>>, %arg8: memref<2000xi32, #tpu.memory_space<vmem>>, %arg9: memref<2000x8xf32, #tpu.memory_space<vmem>>, %arg10: memref<3128xi32, #tpu.memory_space<vmem>>, %arg11: memref<3128x8xf32, #tpu.memory_space<vmem>>) attributes {dimension_semantics = [#tpu.dimension_semantics<core_parallel>, #tpu.dimension_semantics<subcore_parallel>], iteration_bounds = array<i64: 2, 16>, scalar_prefetch = 0 : i64, scratch_operands = 5 : i64, tpu.core_type = #tpu.core_type<sc_vector_subcore>, window_params = [{transform_indices = #map}, {transform_indices = #map1}, {transform_indices = #map1}, {transform_indices = #map2}, {transform_indices = #map2}]} {
    %scan3A = arith.constant 0 : i32
    %scan3A_0 = arith.constant 0 : i32
    %scan3A_1 = arith.constant 2 : i32
    %scan3A_2 = arith.addi %scan3A_0, %scan3A_1 : i32
    %scan3A_3 = arith.constant 1 : i32
    scf.for %scan3A_12 = %scan3A_0 to %scan3A_2 step %scan3A_3  : i32 {
      %mul3A_13 = arith.constant 6256 : i32
      %mul3A_14 = arith.muli %arg1, %mul3A_13 : i32
      %mul3A_15 = arith.constant 3128 : i32
      %mul3A_16 = arith.muli %scan3A_12, %mul3A_15 : i32
      %add3A = arith.addi %mul3A_14, %mul3A_16 : i32
      "tpu.region"() ({
        %run_scoped3A_20 = tpu.sem_alloc : memref<!tpu.dma_semaphore, #tpu.memory_space<semaphore_mem>>
        %dma_start3A = tpu.memref_slice %arg4[%add3A] : memref<100096xi32, #tpu.memory_space<hbm>> -> memref<3128xi32, #tpu.memory_space<hbm>>
        %dma_start3A_21 = tpu.memref_slice %arg4[%add3A] : memref<100096xi32, #tpu.memory_space<hbm>> -> memref<3128xi32, #tpu.memory_space<hbm>>
        tpu.enqueue_dma source(%dma_start3A_21 : memref<3128xi32, #tpu.memory_space<hbm>>) target(%arg10 : memref<3128xi32, #tpu.memory_space<vmem>>) target_semaphore(%run_scoped3A_20 : memref<!tpu.dma_semaphore, #tpu.memory_space<semaphore_mem>>)
        %dma_wait3A = tpu.memref_slice %arg4[%add3A] : memref<100096xi32, #tpu.memory_space<hbm>> -> memref<3128xi32, #tpu.memory_space<hbm>>
        %dma_wait3A_22 = tpu.memref_slice %arg4[%add3A] : memref<100096xi32, #tpu.memory_space<hbm>> -> memref<3128xi32, #tpu.memory_space<hbm>>
        tpu.wait_dma2 semaphore(%run_scoped3A_20 : memref<!tpu.dma_semaphore, #tpu.memory_space<semaphore_mem>>) src(%dma_wait3A_22 : memref<3128xi32, #tpu.memory_space<hbm>>) dst(%arg10 : memref<3128xi32, #tpu.memory_space<vmem>>)
        tpu.yield
      }) : () -> ()
      %run_scoped3A = arith.constant 0 : i32
      "tpu.region"() ({
        %run_scoped3A_20 = tpu.sem_alloc : memref<!tpu.dma_semaphore, #tpu.memory_space<semaphore_mem>>
        %dma_start3A = arith.constant 0 : i32
        %dma_start3A_21 = tpu.memref_slice %arg2[%run_scoped3A, %add3A, %dma_start3A] : memref<2x100096x8xf32, #tpu.memory_space<hbm>> -> memref<1x3128x8xf32, #tpu.memory_space<hbm>>
        %dma_start3A_22 = tpu.memref_squeeze %dma_start3A_21 : memref<1x3128x8xf32, #tpu.memory_space<hbm>> -> memref<3128x8xf32, #tpu.memory_space<hbm>>
        %dma_start3A_23 = arith.constant 0 : i32
        %dma_start3A_24 = tpu.memref_slice %arg2[%run_scoped3A, %add3A, %dma_start3A_23] : memref<2x100096x8xf32, #tpu.memory_space<hbm>> -> memref<1x3128x8xf32, #tpu.memory_space<hbm>>
        %dma_start3A_25 = tpu.memref_squeeze %dma_start3A_24 : memref<1x3128x8xf32, #tpu.memory_space<hbm>> -> memref<3128x8xf32, #tpu.memory_space<hbm>>
        tpu.enqueue_dma source(%dma_start3A_25 : memref<3128x8xf32, #tpu.memory_space<hbm>>) target(%arg11 : memref<3128x8xf32, #tpu.memory_space<vmem>>) target_semaphore(%run_scoped3A_20 : memref<!tpu.dma_semaphore, #tpu.memory_space<semaphore_mem>>)
        %dma_wait3A = arith.constant 0 : i32
        %dma_wait3A_26 = tpu.memref_slice %arg2[%run_scoped3A, %add3A, %dma_wait3A] : memref<2x100096x8xf32, #tpu.memory_space<hbm>> -> memref<1x3128x8xf32, #tpu.memory_space<hbm>>
        %dma_wait3A_27 = tpu.memref_squeeze %dma_wait3A_26 : memref<1x3128x8xf32, #tpu.memory_space<hbm>> -> memref<3128x8xf32, #tpu.memory_space<hbm>>
        %dma_wait3A_28 = arith.constant 0 : i32
        %dma_wait3A_29 = tpu.memref_slice %arg2[%run_scoped3A, %add3A, %dma_wait3A_28] : memref<2x100096x8xf32, #tpu.memory_space<hbm>> -> memref<1x3128x8xf32, #tpu.memory_space<hbm>>
        %dma_wait3A_30 = tpu.memref_squeeze %dma_wait3A_29 : memref<1x3128x8xf32, #tpu.memory_space<hbm>> -> memref<3128x8xf32, #tpu.memory_space<hbm>>
        tpu.wait_dma2 semaphore(%run_scoped3A_20 : memref<!tpu.dma_semaphore, #tpu.memory_space<semaphore_mem>>) src(%dma_wait3A_30 : memref<3128x8xf32, #tpu.memory_space<hbm>>) dst(%arg11 : memref<3128x8xf32, #tpu.memory_space<vmem>>)
        tpu.yield
      }) : () -> ()
      "tpu.region"() ({
        %run_scoped3A_20 = tpu.sem_alloc : memref<!tpu.dma_semaphore, #tpu.memory_space<semaphore_mem>>
        %dma_start3A = arith.constant 0 : i32
        %dma_start3A_21 = tpu.memref_slice %arg7[%add3A, %dma_start3A] : memref<100096x8xf32, #tpu.memory_space<vmem_shared>> -> memref<3128x8xf32, #tpu.memory_space<vmem_shared>>
        %dma_start3A_22 = arith.constant 0 : i32
        %dma_start3A_23 = tpu.memref_slice %arg7[%add3A, %dma_start3A_22] : memref<100096x8xf32, #tpu.memory_space<vmem_shared>> -> memref<3128x8xf32, #tpu.memory_space<vmem_shared>>
        tpu.enqueue_dma source(%arg11 : memref<3128x8xf32, #tpu.memory_space<vmem>>) target(%dma_start3A_23 : memref<3128x8xf32, #tpu.memory_space<vmem_shared>>) target_semaphore(%run_scoped3A_20 : memref<!tpu.dma_semaphore, #tpu.memory_space<semaphore_mem>>)
        %dma_wait3A = arith.constant 0 : i32
        %dma_wait3A_24 = tpu.memref_slice %arg7[%add3A, %dma_wait3A] : memref<100096x8xf32, #tpu.memory_space<vmem_shared>> -> memref<3128x8xf32, #tpu.memory_space<vmem_shared>>
        %dma_wait3A_25 = arith.constant 0 : i32
        %dma_wait3A_26 = tpu.memref_slice %arg7[%add3A, %dma_wait3A_25] : memref<100096x8xf32, #tpu.memory_space<vmem_shared>> -> memref<3128x8xf32, #tpu.memory_space<vmem_shared>>
        tpu.wait_dma2 semaphore(%run_scoped3A_20 : memref<!tpu.dma_semaphore, #tpu.memory_space<semaphore_mem>>) src(%arg11 : memref<3128x8xf32, #tpu.memory_space<vmem>>) dst(%dma_wait3A_26 : memref<3128x8xf32, #tpu.memory_space<vmem_shared>>)
        tpu.yield
      }) : () -> ()
      %run_scoped3A_17 = arith.constant 1 : i32
      "tpu.region"() ({
        %run_scoped3A_20 = tpu.sem_alloc : memref<!tpu.dma_semaphore, #tpu.memory_space<semaphore_mem>>
        %dma_start3A = arith.constant 0 : i32
        %dma_start3A_21 = tpu.memref_slice %arg2[%run_scoped3A_17, %add3A, %dma_start3A] : memref<2x100096x8xf32, #tpu.memory_space<hbm>> -> memref<1x3128x8xf32, #tpu.memory_space<hbm>>
        %dma_start3A_22 = tpu.memref_squeeze %dma_start3A_21 : memref<1x3128x8xf32, #tpu.memory_space<hbm>> -> memref<3128x8xf32, #tpu.memory_space<hbm>>
        %dma_start3A_23 = arith.constant 0 : i32
        %dma_start3A_24 = tpu.memref_slice %arg2[%run_scoped3A_17, %add3A, %dma_start3A_23] : memref<2x100096x8xf32, #tpu.memory_space<hbm>> -> memref<1x3128x8xf32, #tpu.memory_space<hbm>>
        %dma_start3A_25 = tpu.memref_squeeze %dma_start3A_24 : memref<1x3128x8xf32, #tpu.memory_space<hbm>> -> memref<3128x8xf32, #tpu.memory_space<hbm>>
        tpu.enqueue_dma source(%dma_start3A_25 : memref<3128x8xf32, #tpu.memory_space<hbm>>) target(%arg11 : memref<3128x8xf32, #tpu.memory_space<vmem>>) target_semaphore(%run_scoped3A_20 : memref<!tpu.dma_semaphore, #tpu.memory_space<semaphore_mem>>)
        %dma_wait3A = arith.constant 0 : i32
        %dma_wait3A_26 = tpu.memref_slice %arg2[%run_scoped3A_17, %add3A, %dma_wait3A] : memref<2x100096x8xf32, #tpu.memory_space<hbm>> -> memref<1x3128x8xf32, #tpu.memory_space<hbm>>
        %dma_wait3A_27 = tpu.memref_squeeze %dma_wait3A_26 : memref<1x3128x8xf32, #tpu.memory_space<hbm>> -> memref<3128x8xf32, #tpu.memory_space<hbm>>
        %dma_wait3A_28 = arith.constant 0 : i32
        %dma_wait3A_29 = tpu.memref_slice %arg2[%run_scoped3A_17, %add3A, %dma_wait3A_28] : memref<2x100096x8xf32, #tpu.memory_space<hbm>> -> memref<1x3128x8xf32, #tpu.memory_space<hbm>>
        %dma_wait3A_30 = tpu.memref_squeeze %dma_wait3A_29 : memref<1x3128x8xf32, #tpu.memory_space<hbm>> -> memref<3128x8xf32, #tpu.memory_space<hbm>>
        tpu.wait_dma2 semaphore(%run_scoped3A_20 : memref<!tpu.dma_semaphore, #tpu.memory_space<semaphore_mem>>) src(%dma_wait3A_30 : memref<3128x8xf32, #tpu.memory_space<hbm>>) dst(%arg11 : memref<3128x8xf32, #tpu.memory_space<vmem>>)
        tpu.yield
      }) : () -> ()
      "tpu.region"() ({
        %run_scoped3A_20 = tpu.sem_alloc : memref<!tpu.dma_semaphore, #tpu.memory_space<semaphore_mem>>
        %dma_start3A = arith.constant 0 : i32
        %dma_start3A_21 = arith.constant 0 : i32
        %dma_start3A_22 = tpu.memref_slice %arg7[%dma_start3A, %dma_start3A_21] : memref<100096x8xf32, #tpu.memory_space<vmem_shared>> -> memref<100096x8xf32, #tpu.memory_space<vmem_shared>>
        tpu.enqueue_indirect_dma source(%arg11 : memref<3128x8xf32, #tpu.memory_space<vmem>>) target(%dma_start3A_22 : memref<100096x8xf32, #tpu.memory_space<vmem_shared>>) offsets(%arg10 : memref<3128xi32, #tpu.memory_space<vmem>>) semaphore(%run_scoped3A_20 : memref<!tpu.dma_semaphore, #tpu.memory_space<semaphore_mem>>) {add = true}
        %dma_wait3A = arith.constant 0 : i32
        %dma_wait3A_23 = arith.constant 0 : i32
        %dma_wait3A_24 = tpu.memref_slice %arg7[%dma_wait3A, %dma_wait3A_23] : memref<100096x8xf32, #tpu.memory_space<vmem_shared>> -> memref<100096x8xf32, #tpu.memory_space<vmem_shared>>
        tpu.wait_indirect_dma semaphore(%run_scoped3A_20 : memref<!tpu.dma_semaphore, #tpu.memory_space<semaphore_mem>>) src(%arg11 : memref<3128x8xf32, #tpu.memory_space<vmem>>) dst(%dma_wait3A_24 : memref<100096x8xf32, #tpu.memory_space<vmem_shared>>)
        tpu.yield
      }) : () -> ()
      %eq3A = arith.constant 0 : i32
      %eq3A_18 = arith.cmpi eq, %arg0, %eq3A : i32
      %convert_element_type3A = arith.extui %eq3A_18 : i1 to i32
      %cond3A = arith.constant 0 : i32
      %cond3A_19 = arith.cmpi ne, %convert_element_type3A, %cond3A : i32
      scf.if %cond3A_19 {
        "tpu.region"() ({
          %run_scoped3A_20 = tpu.sem_alloc : memref<!tpu.dma_semaphore, #tpu.memory_space<semaphore_mem>>
          %dma_start3A = arith.constant 0 : i32
          %dma_start3A_21 = tpu.memref_slice %arg6[%add3A, %dma_start3A] : memref<100096x8xf32, #tpu.memory_space<hbm>> -> memref<3128x8xf32, #tpu.memory_space<hbm>>
          %dma_start3A_22 = arith.constant 0 : i32
          %dma_start3A_23 = tpu.memref_slice %arg7[%add3A, %dma_start3A_22] : memref<100096x8xf32, #tpu.memory_space<vmem_shared>> -> memref<3128x8xf32, #tpu.memory_space<vmem_shared>>
          tpu.enqueue_dma source(%dma_start3A_23 : memref<3128x8xf32, #tpu.memory_space<vmem_shared>>) target(%dma_start3A_21 : memref<3128x8xf32, #tpu.memory_space<hbm>>) target_semaphore(%run_scoped3A_20 : memref<!tpu.dma_semaphore, #tpu.memory_space<semaphore_mem>>)
          %dma_wait3A = arith.constant 0 : i32
          %dma_wait3A_24 = tpu.memref_slice %arg6[%add3A, %dma_wait3A] : memref<100096x8xf32, #tpu.memory_space<hbm>> -> memref<3128x8xf32, #tpu.memory_space<hbm>>
          %dma_wait3A_25 = arith.constant 0 : i32
          %dma_wait3A_26 = tpu.memref_slice %arg7[%add3A, %dma_wait3A_25] : memref<100096x8xf32, #tpu.memory_space<vmem_shared>> -> memref<3128x8xf32, #tpu.memory_space<vmem_shared>>
          tpu.wait_dma2 semaphore(%run_scoped3A_20 : memref<!tpu.dma_semaphore, #tpu.memory_space<semaphore_mem>>) src(%dma_wait3A_26 : memref<3128x8xf32, #tpu.memory_space<vmem_shared>>) dst(%dma_wait3A_24 : memref<3128x8xf32, #tpu.memory_space<hbm>>)
          tpu.yield
        }) : () -> ()
      } else {
      }
    }
    %scan3A_4 = arith.constant 2 : i32
    %barrier3A = arith.constant 0 : index
    tpu.barrier barrier_id(%barrier3A)
    %mul3A = arith.constant 800000 : i32
    %mul3A_5 = arith.muli %arg0, %mul3A : i32
    %scan3A_6 = arith.constant 0 : i32
    %scan3A_7 = arith.constant 0 : i32
    %scan3A_8 = arith.constant 25 : i32
    %scan3A_9 = arith.addi %scan3A_7, %scan3A_8 : i32
    %scan3A_10 = arith.constant 1 : i32
    scf.for %scan3A_12 = %scan3A_7 to %scan3A_9 step %scan3A_10  : i32 {
      %mul3A_13 = arith.constant 16 : i32
      %mul3A_14 = arith.muli %scan3A_12, %mul3A_13 : i32
      %add3A = arith.addi %mul3A_14, %arg1 : i32
      %mul3A_15 = arith.constant 2000 : i32
      %mul3A_16 = arith.muli %add3A, %mul3A_15 : i32
      %add3A_17 = arith.addi %mul3A_5, %mul3A_16 : i32
      "tpu.region"() ({
        %run_scoped3A = tpu.sem_alloc : memref<!tpu.dma_semaphore, #tpu.memory_space<semaphore_mem>>
        %dma_start3A = tpu.memref_slice %arg3[%add3A_17] : memref<1600000xi32, #tpu.memory_space<hbm>> -> memref<2000xi32, #tpu.memory_space<hbm>>
        %dma_start3A_18 = tpu.memref_slice %arg3[%add3A_17] : memref<1600000xi32, #tpu.memory_space<hbm>> -> memref<2000xi32, #tpu.memory_space<hbm>>
        tpu.enqueue_dma source(%dma_start3A_18 : memref<2000xi32, #tpu.memory_space<hbm>>) target(%arg8 : memref<2000xi32, #tpu.memory_space<vmem>>) target_semaphore(%run_scoped3A : memref<!tpu.dma_semaphore, #tpu.memory_space<semaphore_mem>>)
        %dma_wait3A = tpu.memref_slice %arg3[%add3A_17] : memref<1600000xi32, #tpu.memory_space<hbm>> -> memref<2000xi32, #tpu.memory_space<hbm>>
        %dma_wait3A_19 = tpu.memref_slice %arg3[%add3A_17] : memref<1600000xi32, #tpu.memory_space<hbm>> -> memref<2000xi32, #tpu.memory_space<hbm>>
        tpu.wait_dma2 semaphore(%run_scoped3A : memref<!tpu.dma_semaphore, #tpu.memory_space<semaphore_mem>>) src(%dma_wait3A_19 : memref<2000xi32, #tpu.memory_space<hbm>>) dst(%arg8 : memref<2000xi32, #tpu.memory_space<vmem>>)
        tpu.yield
      }) : () -> ()
      "tpu.region"() ({
        %run_scoped3A = tpu.sem_alloc : memref<!tpu.dma_semaphore, #tpu.memory_space<semaphore_mem>>
        %dma_start3A = arith.constant 0 : i32
        %dma_start3A_18 = arith.constant 0 : i32
        %dma_start3A_19 = tpu.memref_slice %arg7[%dma_start3A, %dma_start3A_18] : memref<100096x8xf32, #tpu.memory_space<vmem_shared>> -> memref<100096x8xf32, #tpu.memory_space<vmem_shared>>
        tpu.enqueue_indirect_dma source(%dma_start3A_19 : memref<100096x8xf32, #tpu.memory_space<vmem_shared>>) target(%arg9 : memref<2000x8xf32, #tpu.memory_space<vmem>>) offsets(%arg8 : memref<2000xi32, #tpu.memory_space<vmem>>) semaphore(%run_scoped3A : memref<!tpu.dma_semaphore, #tpu.memory_space<semaphore_mem>>)
        %dma_wait3A = arith.constant 0 : i32
        %dma_wait3A_20 = arith.constant 0 : i32
        %dma_wait3A_21 = tpu.memref_slice %arg7[%dma_wait3A, %dma_wait3A_20] : memref<100096x8xf32, #tpu.memory_space<vmem_shared>> -> memref<100096x8xf32, #tpu.memory_space<vmem_shared>>
        tpu.wait_indirect_dma semaphore(%run_scoped3A : memref<!tpu.dma_semaphore, #tpu.memory_space<semaphore_mem>>) src(%dma_wait3A_21 : memref<100096x8xf32, #tpu.memory_space<vmem_shared>>) dst(%arg9 : memref<2000x8xf32, #tpu.memory_space<vmem>>)
        tpu.yield
      }) : () -> ()
      "tpu.region"() ({
        %run_scoped3A = tpu.sem_alloc : memref<!tpu.dma_semaphore, #tpu.memory_space<semaphore_mem>>
        %dma_start3A = arith.constant 0 : i32
        %dma_start3A_18 = tpu.memref_slice %arg5[%add3A_17, %dma_start3A] : memref<1600000x8xf32, #tpu.memory_space<hbm>> -> memref<2000x8xf32, #tpu.memory_space<hbm>>
        %dma_start3A_19 = arith.constant 0 : i32
        %dma_start3A_20 = tpu.memref_slice %arg5[%add3A_17, %dma_start3A_19] : memref<1600000x8xf32, #tpu.memory_space<hbm>> -> memref<2000x8xf32, #tpu.memory_space<hbm>>
        tpu.enqueue_dma source(%arg9 : memref<2000x8xf32, #tpu.memory_space<vmem>>) target(%dma_start3A_20 : memref<2000x8xf32, #tpu.memory_space<hbm>>) target_semaphore(%run_scoped3A : memref<!tpu.dma_semaphore, #tpu.memory_space<semaphore_mem>>)
        %dma_wait3A = arith.constant 0 : i32
        %dma_wait3A_21 = tpu.memref_slice %arg5[%add3A_17, %dma_wait3A] : memref<1600000x8xf32, #tpu.memory_space<hbm>> -> memref<2000x8xf32, #tpu.memory_space<hbm>>
        %dma_wait3A_22 = arith.constant 0 : i32
        %dma_wait3A_23 = tpu.memref_slice %arg5[%add3A_17, %dma_wait3A_22] : memref<1600000x8xf32, #tpu.memory_space<hbm>> -> memref<2000x8xf32, #tpu.memory_space<hbm>>
        tpu.wait_dma2 semaphore(%run_scoped3A : memref<!tpu.dma_semaphore, #tpu.memory_space<semaphore_mem>>) src(%arg9 : memref<2000x8xf32, #tpu.memory_space<vmem>>) dst(%dma_wait3A_23 : memref<2000x8xf32, #tpu.memory_space<hbm>>)
        tpu.yield
      }) : () -> ()
    }
    %scan3A_11 = arith.constant 25 : i32
    return
  }
}

module attributes {stable_mosaic.version = 14 : i64} {
  func.func @_init_body(%arg0: i32, %arg1: memref<6400x4xf32, #tpu.memory_space<vmem>>, %arg2: memref<1x1xf32, #tpu.memory_space<vmem>>, %arg3: memref<6400x8xf32, #tpu.memory_space<vmem>>) attributes {dimension_semantics = [#tpu.dimension_semantics<arbitrary>], iteration_bounds = array<i64: 250>, scalar_prefetch = 0 : i64, scratch_operands = 0 : i64, tpu.core_type = #tpu.core_type<tc>, window_params = [{transform_indices = @transform_0, window_bounds = array<i64: 6400, 4>}, {pipeline_mode = #tpu.pipeline_mode<synchronous>, transform_indices = @transform_1, window_bounds = array<i64: 1, 1>}, {transform_indices = @transform_2, window_bounds = array<i64: 6400, 8>}]} {
    %get3A = arith.constant 0 : index
    %get3A_0 = arith.constant 0 : index
    %get3A_1 = vector.load %arg2[%get3A, %get3A_0] : memref<1x1xf32, #tpu.memory_space<vmem>>, vector<1x1xf32>
    %get3A_2 = arith.constant 0 : index
    %get3A_3 = arith.constant 0 : index
    %get3A_4 = vector.load %arg1[%get3A_2, %get3A_3] : memref<6400x4xf32, #tpu.memory_space<vmem>>, vector<6400x4xf32>
    %mul3A = vector.broadcast %get3A_1 : vector<1x1xf32> to vector<6400x4xf32>
    %mul3A_5 = arith.mulf %mul3A, %get3A_4 : vector<6400x4xf32>
    %log1p3A = math.log1p %mul3A_5 : vector<6400x4xf32>
    %broadcast_in_dim3A = arith.constant 0.000000e+00 : f32
    %broadcast_in_dim3A_6 = vector.broadcast %broadcast_in_dim3A : f32 to vector<6400x4xf32>
    %concatenate3A = tpu.concatenate %log1p3A, %broadcast_in_dim3A_6 in 1 : vector<6400x4xf32>, vector<6400x4xf32> -> vector<6400x8xf32>
    %swap3A = arith.constant 0 : index
    %swap3A_7 = arith.constant 0 : index
    %swap3A_8 = vector.load %arg3[%swap3A, %swap3A_7] : memref<6400x8xf32, #tpu.memory_space<vmem>>, vector<6400x8xf32>
    tpu.vector_store %arg3[%swap3A, %swap3A_7], %concatenate3A {strides = array<i32>} : memref<6400x8xf32, #tpu.memory_space<vmem>>, vector<6400x8xf32>,
    return
  }
  func.func @transform_0(%arg0: i32) -> (i32, i32) {
    %c0_i32 = arith.constant 0 : i32
    %c0_i32_0 = arith.constant 0 : i32
    return %arg0, %c0_i32 : i32, i32
  }
  func.func @transform_1(%arg0: i32) -> (i32, i32) {
    %c0_i32 = arith.constant 0 : i32
    %c0_i32_0 = arith.constant 0 : i32
    %c0_i32_1 = arith.constant 0 : i32
    return %c0_i32, %c0_i32_0 : i32, i32
  }
  func.func @transform_2(%arg0: i32) -> (i32, i32) {
    %c0_i32 = arith.constant 0 : i32
    %c0_i32_0 = arith.constant 0 : i32
    return %arg0, %c0_i32 : i32, i32
  }
}

module attributes {stable_mosaic.version = 14 : i64} {
  func.func @_psum_body(%arg0: i32, %arg1: memref<10000x4xf32, #tpu.memory_space<vmem>>, %arg2: memref<1x4xf32, #tpu.memory_space<vmem>>) attributes {dimension_semantics = [#tpu.dimension_semantics<arbitrary>], iteration_bounds = array<i64: 10>, scalar_prefetch = 0 : i64, scratch_operands = 0 : i64, tpu.core_type = #tpu.core_type<tc>, window_params = [{transform_indices = @transform_0, window_bounds = array<i64: 10000, 4>}, {pipeline_mode = #tpu.pipeline_mode<synchronous>, transform_indices = @transform_1, window_bounds = array<i64: 1, 4>}]} {
    %eq3A = arith.constant 0 : i32
    %eq3A_0 = arith.cmpi eq, %arg0, %eq3A : i32
    %convert_element_type3A = arith.extui %eq3A_0 : i1 to i32
    %cond3A = arith.constant 0 : i32
    %cond3A_1 = arith.cmpi ne, %convert_element_type3A, %cond3A : i32
    scf.if %cond3A_1 {
      %broadcast_in_dim3A_10 = arith.constant 0.000000e+00 : f32
      %broadcast_in_dim3A_11 = vector.broadcast %broadcast_in_dim3A_10 : f32 to vector<1x4xf32>
      %swap3A_12 = arith.constant 0 : index
      %swap3A_13 = arith.constant 0 : index
      %swap3A_14 = vector.load %arg2[%swap3A_12, %swap3A_13] : memref<1x4xf32, #tpu.memory_space<vmem>>, vector<1x4xf32>
      tpu.vector_store %arg2[%swap3A_12, %swap3A_13], %broadcast_in_dim3A_11 {strides = array<i32>} : memref<1x4xf32, #tpu.memory_space<vmem>>, vector<1x4xf32>,
    } else {
    }
    %get3A = arith.constant 0 : index
    %get3A_2 = arith.constant 0 : index
    %get3A_3 = vector.load %arg2[%get3A, %get3A_2] : memref<1x4xf32, #tpu.memory_space<vmem>>, vector<1x4xf32>
    %get3A_4 = arith.constant 0 : index
    %get3A_5 = arith.constant 0 : index
    %get3A_6 = vector.load %arg1[%get3A_4, %get3A_5] : memref<10000x4xf32, #tpu.memory_space<vmem>>, vector<10000x4xf32>
    %reduce_sum3A = arith.constant dense<0.000000e+00> : vector<4xf32>
    %reduce_sum3A_7 = vector.multi_reduction <add>, %get3A_6, %reduce_sum3A [0] : vector<10000x4xf32> to vector<4xf32>
    %broadcast_in_dim3A = vector.shape_cast %reduce_sum3A_7 : vector<4xf32> to vector<1x4xf32>
    %add3A = arith.addf %get3A_3, %broadcast_in_dim3A : vector<1x4xf32>
    %swap3A = arith.constant 0 : index
    %swap3A_8 = arith.constant 0 : index
    %swap3A_9 = vector.load %arg2[%swap3A, %swap3A_8] : memref<1x4xf32, #tpu.memory_space<vmem>>, vector<1x4xf32>
    tpu.vector_store %arg2[%swap3A, %swap3A_8], %add3A {strides = array<i32>} : memref<1x4xf32, #tpu.memory_space<vmem>>, vector<1x4xf32>,
    return
  }
  func.func @transform_0(%arg0: i32) -> (i32, i32) {
    %c0_i32 = arith.constant 0 : i32
    %c0_i32_0 = arith.constant 0 : i32
    return %arg0, %c0_i32 : i32, i32
  }
  func.func @transform_1(%arg0: i32) -> (i32, i32) {
    %c0_i32 = arith.constant 0 : i32
    %c0_i32_0 = arith.constant 0 : i32
    %c0_i32_1 = arith.constant 0 : i32
    return %c0_i32, %c0_i32_0 : i32, i32
  }
}

module attributes {stable_mosaic.version = 14 : i64} {
  func.func @_step_body(%arg0: i32, %arg1: memref<6400x8xf32, #tpu.memory_space<vmem>>, %arg2: memref<6400x8xf32, #tpu.memory_space<vmem>>, %arg3: memref<1x4xf32, #tpu.memory_space<vmem>>, %arg4: memref<1x1xf32, #tpu.memory_space<vmem>>, %arg5: memref<1x1xf32, #tpu.memory_space<vmem>>, %arg6: memref<6400x8xf32, #tpu.memory_space<vmem>>) attributes {dimension_semantics = [#tpu.dimension_semantics<arbitrary>], iteration_bounds = array<i64: 250>, scalar_prefetch = 0 : i64, scratch_operands = 0 : i64, tpu.core_type = #tpu.core_type<tc>, window_params = [{transform_indices = @transform_0, window_bounds = array<i64: 6400, 8>}, {transform_indices = @transform_1, window_bounds = array<i64: 6400, 8>}, {pipeline_mode = #tpu.pipeline_mode<synchronous>, transform_indices = @transform_2, window_bounds = array<i64: 1, 4>}, {pipeline_mode = #tpu.pipeline_mode<synchronous>, transform_indices = @transform_3, window_bounds = array<i64: 1, 1>}, {pipeline_mode = #tpu.pipeline_mode<synchronous>, transform_indices = @transform_4, window_bounds = array<i64: 1, 1>}, {transform_indices = @transform_5, window_bounds = array<i64: 6400, 8>}]} {
    %get3A = arith.constant 0 : index
    %get3A_0 = arith.constant 0 : index
    %get3A_1 = vector.load %arg4[%get3A, %get3A_0] : memref<1x1xf32, #tpu.memory_space<vmem>>, vector<1x1xf32>
    %get3A_2 = arith.constant 0 : index
    %get3A_3 = arith.constant 0 : index
    %get3A_4 = vector.load %arg3[%get3A_2, %get3A_3] : memref<1x4xf32, #tpu.memory_space<vmem>>, vector<1x4xf32>
    %mul3A = vector.broadcast %get3A_1 : vector<1x1xf32> to vector<1x4xf32>
    %mul3A_5 = arith.mulf %mul3A, %get3A_4 : vector<1x4xf32>
    %get3A_6 = arith.constant 0 : index
    %get3A_7 = arith.constant 0 : index
    %get3A_8 = vector.load %arg1[%get3A_6, %get3A_7] : memref<6400x8xf32, #tpu.memory_space<vmem>>, vector<6400x4xf32>
    %add3A = vector.broadcast %mul3A_5 : vector<1x4xf32> to vector<6400x4xf32>
    %add3A_9 = arith.addf %add3A, %get3A_8 : vector<6400x4xf32>
    %get3A_10 = arith.constant 0 : index
    %get3A_11 = arith.constant 0 : index
    %get3A_12 = vector.load %arg2[%get3A_10, %get3A_11] : memref<6400x8xf32, #tpu.memory_space<vmem>>, vector<6400x4xf32>
    %sub3A = arith.subf %add3A_9, %get3A_12 : vector<6400x4xf32>
    %reduce_max3A = arith.constant dense<0xFF800000> : vector<6400xf32>
    %reduce_max3A_13 = vector.multi_reduction <maximumf>, %sub3A, %reduce_max3A [1] : vector<6400x4xf32> to vector<6400xf32>
    %broadcast_in_dim3A = vector.shape_cast %reduce_max3A_13 : vector<6400xf32> to vector<6400x1xf32>
    %sub3A_14 = vector.broadcast %broadcast_in_dim3A : vector<6400x1xf32> to vector<6400x4xf32>
    %sub3A_15 = arith.subf %sub3A, %sub3A_14 : vector<6400x4xf32>
    %exp3A = math.exp %sub3A_15 : vector<6400x4xf32>
    %reduce_sum3A = arith.constant dense<0.000000e+00> : vector<6400xf32>
    %reduce_sum3A_16 = vector.multi_reduction <add>, %exp3A, %reduce_sum3A [1] : vector<6400x4xf32> to vector<6400xf32>
    %broadcast_in_dim3A_17 = vector.shape_cast %reduce_sum3A_16 : vector<6400xf32> to vector<6400x1xf32>
    %div3A = vector.broadcast %broadcast_in_dim3A_17 : vector<6400x1xf32> to vector<6400x4xf32>
    %div3A_18 = arith.divf %exp3A, %div3A : vector<6400x4xf32>
    %get3A_19 = arith.constant 0 : index
    %get3A_20 = arith.constant 0 : index
    %get3A_21 = vector.load %arg5[%get3A_19, %get3A_20] : memref<1x1xf32, #tpu.memory_space<vmem>>, vector<1x1xf32>
    %mul3A_22 = vector.broadcast %get3A_21 : vector<1x1xf32> to vector<6400x4xf32>
    %mul3A_23 = arith.mulf %mul3A_22, %div3A_18 : vector<6400x4xf32>
    %log1p3A = math.log1p %mul3A_23 : vector<6400x4xf32>
    %broadcast_in_dim3A_24 = arith.constant 0.000000e+00 : f32
    %broadcast_in_dim3A_25 = vector.broadcast %broadcast_in_dim3A_24 : f32 to vector<6400x4xf32>
    %concatenate3A = tpu.concatenate %log1p3A, %broadcast_in_dim3A_25 in 1 : vector<6400x4xf32>, vector<6400x4xf32> -> vector<6400x8xf32>
    %swap3A = arith.constant 0 : index
    %swap3A_26 = arith.constant 0 : index
    %swap3A_27 = vector.load %arg6[%swap3A, %swap3A_26] : memref<6400x8xf32, #tpu.memory_space<vmem>>, vector<6400x8xf32>
    tpu.vector_store %arg6[%swap3A, %swap3A_26], %concatenate3A {strides = array<i32>} : memref<6400x8xf32, #tpu.memory_space<vmem>>, vector<6400x8xf32>,
    return
  }
  func.func @transform_0(%arg0: i32) -> (i32, i32) {
    %c0_i32 = arith.constant 0 : i32
    %c0_i32_0 = arith.constant 0 : i32
    return %arg0, %c0_i32 : i32, i32
  }
  func.func @transform_1(%arg0: i32) -> (i32, i32) {
    %add3A = arith.constant 125 : i32
    %add3A_0 = arith.addi %arg0, %add3A : i32
    %jit3A = arith.constant 250 : i32
    %eq3A = arith.constant 0 : i32
    %eq3A_1 = arith.cmpi eq, %jit3A, %eq3A : i32
    %jit3A_2 = arith.constant 1 : i32
    %select_n3A = arith.select %eq3A_1, %jit3A_2, %jit3A : i32
    %rem3A = arith.remsi %add3A_0, %select_n3A : i32
    %ne3A = arith.constant 0 : i32
    %ne3A_3 = arith.cmpi ne, %rem3A, %ne3A : i32
    %lt3A = arith.constant 0 : i32
    %lt3A_4 = arith.cmpi slt, %rem3A, %lt3A : i32
    %lt3A_5 = arith.constant 0 : i32
    %lt3A_6 = arith.cmpi slt, %select_n3A, %lt3A_5 : i32
    %ne3A_7 = arith.xori %lt3A_4, %lt3A_6 : i1
    %and3A = arith.andi %ne3A_7, %ne3A_3 : i1
    %add3A_8 = arith.addi %rem3A, %select_n3A : i32
    %select_n3A_9 = arith.select %and3A, %add3A_8, %rem3A : i32
    %c0_i32 = arith.constant 0 : i32
    %c0_i32_10 = arith.constant 0 : i32
    return %select_n3A_9, %c0_i32 : i32, i32
  }
  func.func @transform_2(%arg0: i32) -> (i32, i32) {
    %c0_i32 = arith.constant 0 : i32
    %c0_i32_0 = arith.constant 0 : i32
    %c0_i32_1 = arith.constant 0 : i32
    return %c0_i32, %c0_i32_0 : i32, i32
  }
  func.func @transform_3(%arg0: i32) -> (i32, i32) {
    %c0_i32 = arith.constant 0 : i32
    %c0_i32_0 = arith.constant 0 : i32
    %c0_i32_1 = arith.constant 0 : i32
    return %c0_i32, %c0_i32_0 : i32, i32
  }
  func.func @transform_4(%arg0: i32) -> (i32, i32) {
    %c0_i32 = arith.constant 0 : i32
    %c0_i32_0 = arith.constant 0 : i32
    %c0_i32_1 = arith.constant 0 : i32
    return %c0_i32, %c0_i32_0 : i32, i32
  }
  func.func @transform_5(%arg0: i32) -> (i32, i32) {
    %c0_i32 = arith.constant 0 : i32
    %c0_i32_0 = arith.constant 0 : i32
    return %arg0, %c0_i32 : i32, i32
  }
}

module attributes {stable_mosaic.version = 14 : i64} {
  func.func @_psi_body(%arg0: i32, %arg1: memref<10000x8xf32, #tpu.memory_space<vmem>>, %arg2: memref<1x4xf32, #tpu.memory_space<vmem>>, %arg3: memref<1x1xf32, #tpu.memory_space<vmem>>, %arg4: memref<10000x4xf32, #tpu.memory_space<vmem>>, %arg5: memref<1x4xf32, #tpu.memory_space<vmem>>) attributes {dimension_semantics = [#tpu.dimension_semantics<arbitrary>], iteration_bounds = array<i64: 10>, scalar_prefetch = 0 : i64, scratch_operands = 0 : i64, tpu.core_type = #tpu.core_type<tc>, window_params = [{transform_indices = @transform_0, window_bounds = array<i64: 10000, 8>}, {pipeline_mode = #tpu.pipeline_mode<synchronous>, transform_indices = @transform_1, window_bounds = array<i64: 1, 4>}, {pipeline_mode = #tpu.pipeline_mode<synchronous>, transform_indices = @transform_2, window_bounds = array<i64: 1, 1>}, {transform_indices = @transform_3, window_bounds = array<i64: 10000, 4>}, {pipeline_mode = #tpu.pipeline_mode<synchronous>, transform_indices = @transform_4, window_bounds = array<i64: 1, 4>}]} {
    %get3A = arith.constant 0 : index
    %get3A_0 = arith.constant 0 : index
    %get3A_1 = vector.load %arg3[%get3A, %get3A_0] : memref<1x1xf32, #tpu.memory_space<vmem>>, vector<1x1xf32>
    %get3A_2 = arith.constant 0 : index
    %get3A_3 = arith.constant 0 : index
    %get3A_4 = vector.load %arg2[%get3A_2, %get3A_3] : memref<1x4xf32, #tpu.memory_space<vmem>>, vector<1x4xf32>
    %mul3A = vector.broadcast %get3A_1 : vector<1x1xf32> to vector<1x4xf32>
    %mul3A_5 = arith.mulf %mul3A, %get3A_4 : vector<1x4xf32>
    %get3A_6 = arith.constant 0 : index
    %get3A_7 = arith.constant 0 : index
    %get3A_8 = vector.load %arg1[%get3A_6, %get3A_7] : memref<10000x8xf32, #tpu.memory_space<vmem>>, vector<10000x4xf32>
    %add3A = vector.broadcast %mul3A_5 : vector<1x4xf32> to vector<10000x4xf32>
    %add3A_9 = arith.addf %add3A, %get3A_8 : vector<10000x4xf32>
    %reduce_max3A = arith.constant dense<0xFF800000> : vector<10000xf32>
    %reduce_max3A_10 = vector.multi_reduction <maximumf>, %add3A_9, %reduce_max3A [1] : vector<10000x4xf32> to vector<10000xf32>
    %broadcast_in_dim3A = vector.shape_cast %reduce_max3A_10 : vector<10000xf32> to vector<10000x1xf32>
    %sub3A = vector.broadcast %broadcast_in_dim3A : vector<10000x1xf32> to vector<10000x4xf32>
    %sub3A_11 = arith.subf %add3A_9, %sub3A : vector<10000x4xf32>
    %exp3A = math.exp %sub3A_11 : vector<10000x4xf32>
    %reduce_sum3A = arith.constant dense<0.000000e+00> : vector<10000xf32>
    %reduce_sum3A_12 = vector.multi_reduction <add>, %exp3A, %reduce_sum3A [1] : vector<10000x4xf32> to vector<10000xf32>
    %broadcast_in_dim3A_13 = vector.shape_cast %reduce_sum3A_12 : vector<10000xf32> to vector<10000x1xf32>
    %div3A = vector.broadcast %broadcast_in_dim3A_13 : vector<10000x1xf32> to vector<10000x4xf32>
    %div3A_14 = arith.divf %exp3A, %div3A : vector<10000x4xf32>
    %swap3A = arith.constant 0 : index
    %swap3A_15 = arith.constant 0 : index
    %swap3A_16 = vector.load %arg4[%swap3A, %swap3A_15] : memref<10000x4xf32, #tpu.memory_space<vmem>>, vector<10000x4xf32>
    tpu.vector_store %arg4[%swap3A, %swap3A_15], %div3A_14 {strides = array<i32>} : memref<10000x4xf32, #tpu.memory_space<vmem>>, vector<10000x4xf32>,
    %eq3A = arith.constant 0 : i32
    %eq3A_17 = arith.cmpi eq, %arg0, %eq3A : i32
    %convert_element_type3A = arith.extui %eq3A_17 : i1 to i32
    %cond3A = arith.constant 0 : i32
    %cond3A_18 = arith.cmpi ne, %convert_element_type3A, %cond3A : i32
    scf.if %cond3A_18 {
      %broadcast_in_dim3A_29 = arith.constant 0.000000e+00 : f32
      %broadcast_in_dim3A_30 = vector.broadcast %broadcast_in_dim3A_29 : f32 to vector<1x4xf32>
      %swap3A_31 = arith.constant 0 : index
      %swap3A_32 = arith.constant 0 : index
      %swap3A_33 = vector.load %arg5[%swap3A_31, %swap3A_32] : memref<1x4xf32, #tpu.memory_space<vmem>>, vector<1x4xf32>
      tpu.vector_store %arg5[%swap3A_31, %swap3A_32], %broadcast_in_dim3A_30 {strides = array<i32>} : memref<1x4xf32, #tpu.memory_space<vmem>>, vector<1x4xf32>,
    } else {
    }
    %get3A_19 = arith.constant 0 : index
    %get3A_20 = arith.constant 0 : index
    %get3A_21 = vector.load %arg5[%get3A_19, %get3A_20] : memref<1x4xf32, #tpu.memory_space<vmem>>, vector<1x4xf32>
    %reduce_sum3A_22 = arith.constant dense<0.000000e+00> : vector<4xf32>
    %reduce_sum3A_23 = vector.multi_reduction <add>, %div3A_14, %reduce_sum3A_22 [0] : vector<10000x4xf32> to vector<4xf32>
    %broadcast_in_dim3A_24 = vector.shape_cast %reduce_sum3A_23 : vector<4xf32> to vector<1x4xf32>
    %add3A_25 = arith.addf %get3A_21, %broadcast_in_dim3A_24 : vector<1x4xf32>
    %swap3A_26 = arith.constant 0 : index
    %swap3A_27 = arith.constant 0 : index
    %swap3A_28 = vector.load %arg5[%swap3A_26, %swap3A_27] : memref<1x4xf32, #tpu.memory_space<vmem>>, vector<1x4xf32>
    tpu.vector_store %arg5[%swap3A_26, %swap3A_27], %add3A_25 {strides = array<i32>} : memref<1x4xf32, #tpu.memory_space<vmem>>, vector<1x4xf32>,
    return
  }
  func.func @transform_0(%arg0: i32) -> (i32, i32) {
    %c0_i32 = arith.constant 0 : i32
    %c0_i32_0 = arith.constant 0 : i32
    return %arg0, %c0_i32 : i32, i32
  }
  func.func @transform_1(%arg0: i32) -> (i32, i32) {
    %c0_i32 = arith.constant 0 : i32
    %c0_i32_0 = arith.constant 0 : i32
    %c0_i32_1 = arith.constant 0 : i32
    return %c0_i32, %c0_i32_0 : i32, i32
  }
  func.func @transform_2(%arg0: i32) -> (i32, i32) {
    %c0_i32 = arith.constant 0 : i32
    %c0_i32_0 = arith.constant 0 : i32
    %c0_i32_1 = arith.constant 0 : i32
    return %c0_i32, %c0_i32_0 : i32, i32
  }
  func.func @transform_3(%arg0: i32) -> (i32, i32) {
    %c0_i32 = arith.constant 0 : i32
    %c0_i32_0 = arith.constant 0 : i32
    return %arg0, %c0_i32 : i32, i32
  }
  func.func @transform_4(%arg0: i32) -> (i32, i32) {
    %c0_i32 = arith.constant 0 : i32
    %c0_i32_0 = arith.constant 0 : i32
    %c0_i32_1 = arith.constant 0 : i32
    return %c0_i32, %c0_i32_0 : i32, i32
  }
}

module attributes {stable_mosaic.version = 14 : i64} {
  func.func @_psi_body(%arg0: i32, %arg1: memref<10000x8xf32, #tpu.memory_space<vmem>>, %arg2: memref<1x4xf32, #tpu.memory_space<vmem>>, %arg3: memref<1x1xf32, #tpu.memory_space<vmem>>, %arg4: memref<10000x4xf32, #tpu.memory_space<vmem>>, %arg5: memref<1x4xf32, #tpu.memory_space<vmem>>) attributes {dimension_semantics = [#tpu.dimension_semantics<arbitrary>], iteration_bounds = array<i64: 10>, scalar_prefetch = 0 : i64, scratch_operands = 0 : i64, tpu.core_type = #tpu.core_type<tc>, window_params = [{transform_indices = @transform_0, window_bounds = array<i64: 10000, 8>}, {pipeline_mode = #tpu.pipeline_mode<synchronous>, transform_indices = @transform_1, window_bounds = array<i64: 1, 4>}, {pipeline_mode = #tpu.pipeline_mode<synchronous>, transform_indices = @transform_2, window_bounds = array<i64: 1, 1>}, {transform_indices = @transform_3, window_bounds = array<i64: 10000, 4>}, {pipeline_mode = #tpu.pipeline_mode<synchronous>, transform_indices = @transform_4, window_bounds = array<i64: 1, 4>}]} {
    %get3A = arith.constant 0 : index
    %get3A_0 = arith.constant 0 : index
    %get3A_1 = vector.load %arg3[%get3A, %get3A_0] : memref<1x1xf32, #tpu.memory_space<vmem>>, vector<1x1xf32>
    %get3A_2 = arith.constant 0 : index
    %get3A_3 = arith.constant 0 : index
    %get3A_4 = vector.load %arg2[%get3A_2, %get3A_3] : memref<1x4xf32, #tpu.memory_space<vmem>>, vector<1x4xf32>
    %mul3A = vector.broadcast %get3A_1 : vector<1x1xf32> to vector<1x4xf32>
    %mul3A_5 = arith.mulf %mul3A, %get3A_4 : vector<1x4xf32>
    %get3A_6 = arith.constant 0 : index
    %get3A_7 = arith.constant 0 : index
    %get3A_8 = vector.load %arg1[%get3A_6, %get3A_7] : memref<10000x8xf32, #tpu.memory_space<vmem>>, vector<10000x4xf32>
    %add3A = vector.broadcast %mul3A_5 : vector<1x4xf32> to vector<10000x4xf32>
    %add3A_9 = arith.addf %add3A, %get3A_8 : vector<10000x4xf32>
    %reduce_max3A = arith.constant dense<0xFF800000> : vector<10000xf32>
    %reduce_max3A_10 = vector.multi_reduction <maximumf>, %add3A_9, %reduce_max3A [1] : vector<10000x4xf32> to vector<10000xf32>
    %broadcast_in_dim3A = vector.shape_cast %reduce_max3A_10 : vector<10000xf32> to vector<10000x1xf32>
    %sub3A = vector.broadcast %broadcast_in_dim3A : vector<10000x1xf32> to vector<10000x4xf32>
    %sub3A_11 = arith.subf %add3A_9, %sub3A : vector<10000x4xf32>
    %exp3A = math.exp %sub3A_11 : vector<10000x4xf32>
    %reduce_sum3A = arith.constant dense<0.000000e+00> : vector<10000xf32>
    %reduce_sum3A_12 = vector.multi_reduction <add>, %exp3A, %reduce_sum3A [1] : vector<10000x4xf32> to vector<10000xf32>
    %broadcast_in_dim3A_13 = vector.shape_cast %reduce_sum3A_12 : vector<10000xf32> to vector<10000x1xf32>
    %div3A = vector.broadcast %broadcast_in_dim3A_13 : vector<10000x1xf32> to vector<10000x4xf32>
    %div3A_14 = arith.divf %exp3A, %div3A : vector<10000x4xf32>
    %swap3A = arith.constant 0 : index
    %swap3A_15 = arith.constant 0 : index
    %swap3A_16 = vector.load %arg4[%swap3A, %swap3A_15] : memref<10000x4xf32, #tpu.memory_space<vmem>>, vector<10000x4xf32>
    tpu.vector_store %arg4[%swap3A, %swap3A_15], %div3A_14 {strides = array<i32>} : memref<10000x4xf32, #tpu.memory_space<vmem>>, vector<10000x4xf32>,
    %eq3A = arith.constant 0 : i32
    %eq3A_17 = arith.cmpi eq, %arg0, %eq3A : i32
    %convert_element_type3A = arith.extui %eq3A_17 : i1 to i32
    %cond3A = arith.constant 0 : i32
    %cond3A_18 = arith.cmpi ne, %convert_element_type3A, %cond3A : i32
    scf.if %cond3A_18 {
      %broadcast_in_dim3A_29 = arith.constant 0.000000e+00 : f32
      %broadcast_in_dim3A_30 = vector.broadcast %broadcast_in_dim3A_29 : f32 to vector<1x4xf32>
      %swap3A_31 = arith.constant 0 : index
      %swap3A_32 = arith.constant 0 : index
      %swap3A_33 = vector.load %arg5[%swap3A_31, %swap3A_32] : memref<1x4xf32, #tpu.memory_space<vmem>>, vector<1x4xf32>
      tpu.vector_store %arg5[%swap3A_31, %swap3A_32], %broadcast_in_dim3A_30 {strides = array<i32>} : memref<1x4xf32, #tpu.memory_space<vmem>>, vector<1x4xf32>,
    } else {
    }
    %get3A_19 = arith.constant 0 : index
    %get3A_20 = arith.constant 0 : index
    %get3A_21 = vector.load %arg5[%get3A_19, %get3A_20] : memref<1x4xf32, #tpu.memory_space<vmem>>, vector<1x4xf32>
    %reduce_sum3A_22 = arith.constant dense<0.000000e+00> : vector<4xf32>
    %reduce_sum3A_23 = vector.multi_reduction <add>, %div3A_14, %reduce_sum3A_22 [0] : vector<10000x4xf32> to vector<4xf32>
    %broadcast_in_dim3A_24 = vector.shape_cast %reduce_sum3A_23 : vector<4xf32> to vector<1x4xf32>
    %add3A_25 = arith.addf %get3A_21, %broadcast_in_dim3A_24 : vector<1x4xf32>
    %swap3A_26 = arith.constant 0 : index
    %swap3A_27 = arith.constant 0 : index
    %swap3A_28 = vector.load %arg5[%swap3A_26, %swap3A_27] : memref<1x4xf32, #tpu.memory_space<vmem>>, vector<1x4xf32>
    tpu.vector_store %arg5[%swap3A_26, %swap3A_27], %add3A_25 {strides = array<i32>} : memref<1x4xf32, #tpu.memory_space<vmem>>, vector<1x4xf32>,
    return
  }
  func.func @transform_0(%arg0: i32) -> (i32, i32) {
    %c0_i32 = arith.constant 0 : i32
    %c0_i32_0 = arith.constant 0 : i32
    return %arg0, %c0_i32 : i32, i32
  }
  func.func @transform_1(%arg0: i32) -> (i32, i32) {
    %c0_i32 = arith.constant 0 : i32
    %c0_i32_0 = arith.constant 0 : i32
    %c0_i32_1 = arith.constant 0 : i32
    return %c0_i32, %c0_i32_0 : i32, i32
  }
  func.func @transform_2(%arg0: i32) -> (i32, i32) {
    %c0_i32 = arith.constant 0 : i32
    %c0_i32_0 = arith.constant 0 : i32
    %c0_i32_1 = arith.constant 0 : i32
    return %c0_i32, %c0_i32_0 : i32, i32
  }
  func.func @transform_3(%arg0: i32) -> (i32, i32) {
    %c0_i32 = arith.constant 0 : i32
    %c0_i32_0 = arith.constant 0 : i32
    return %arg0, %c0_i32 : i32, i32
  }
  func.func @transform_4(%arg0: i32) -> (i32, i32) {
    %c0_i32 = arith.constant 0 : i32
    %c0_i32_0 = arith.constant 0 : i32
    %c0_i32_1 = arith.constant 0 : i32
    return %c0_i32, %c0_i32_0 : i32, i32
  }
}

module attributes {stable_mosaic.version = 14 : i64} {
  func.func @_last_body(%arg0: i32, %arg1: memref<6400x8xf32, #tpu.memory_space<vmem>>, %arg2: memref<6400x8xf32, #tpu.memory_space<vmem>>, %arg3: memref<1x4xf32, #tpu.memory_space<vmem>>, %arg4: memref<1x1xf32, #tpu.memory_space<vmem>>, %arg5: memref<6400x4xf32, #tpu.memory_space<vmem>>) attributes {dimension_semantics = [#tpu.dimension_semantics<arbitrary>], iteration_bounds = array<i64: 250>, scalar_prefetch = 0 : i64, scratch_operands = 0 : i64, tpu.core_type = #tpu.core_type<tc>, window_params = [{transform_indices = @transform_0, window_bounds = array<i64: 6400, 8>}, {transform_indices = @transform_1, window_bounds = array<i64: 6400, 8>}, {pipeline_mode = #tpu.pipeline_mode<synchronous>, transform_indices = @transform_2, window_bounds = array<i64: 1, 4>}, {pipeline_mode = #tpu.pipeline_mode<synchronous>, transform_indices = @transform_3, window_bounds = array<i64: 1, 1>}, {transform_indices = @transform_4, window_bounds = array<i64: 6400, 4>}]} {
    %get3A = arith.constant 0 : index
    %get3A_0 = arith.constant 0 : index
    %get3A_1 = vector.load %arg4[%get3A, %get3A_0] : memref<1x1xf32, #tpu.memory_space<vmem>>, vector<1x1xf32>
    %get3A_2 = arith.constant 0 : index
    %get3A_3 = arith.constant 0 : index
    %get3A_4 = vector.load %arg3[%get3A_2, %get3A_3] : memref<1x4xf32, #tpu.memory_space<vmem>>, vector<1x4xf32>
    %mul3A = vector.broadcast %get3A_1 : vector<1x1xf32> to vector<1x4xf32>
    %mul3A_5 = arith.mulf %mul3A, %get3A_4 : vector<1x4xf32>
    %get3A_6 = arith.constant 0 : index
    %get3A_7 = arith.constant 0 : index
    %get3A_8 = vector.load %arg1[%get3A_6, %get3A_7] : memref<6400x8xf32, #tpu.memory_space<vmem>>, vector<6400x4xf32>
    %add3A = vector.broadcast %mul3A_5 : vector<1x4xf32> to vector<6400x4xf32>
    %add3A_9 = arith.addf %add3A, %get3A_8 : vector<6400x4xf32>
    %get3A_10 = arith.constant 0 : index
    %get3A_11 = arith.constant 0 : index
    %get3A_12 = vector.load %arg2[%get3A_10, %get3A_11] : memref<6400x8xf32, #tpu.memory_space<vmem>>, vector<6400x4xf32>
    %sub3A = arith.subf %add3A_9, %get3A_12 : vector<6400x4xf32>
    %reduce_max3A = arith.constant dense<0xFF800000> : vector<6400xf32>
    %reduce_max3A_13 = vector.multi_reduction <maximumf>, %sub3A, %reduce_max3A [1] : vector<6400x4xf32> to vector<6400xf32>
    %broadcast_in_dim3A = vector.shape_cast %reduce_max3A_13 : vector<6400xf32> to vector<6400x1xf32>
    %sub3A_14 = vector.broadcast %broadcast_in_dim3A : vector<6400x1xf32> to vector<6400x4xf32>
    %sub3A_15 = arith.subf %sub3A, %sub3A_14 : vector<6400x4xf32>
    %exp3A = math.exp %sub3A_15 : vector<6400x4xf32>
    %reduce_sum3A = arith.constant dense<0.000000e+00> : vector<6400xf32>
    %reduce_sum3A_16 = vector.multi_reduction <add>, %exp3A, %reduce_sum3A [1] : vector<6400x4xf32> to vector<6400xf32>
    %broadcast_in_dim3A_17 = vector.shape_cast %reduce_sum3A_16 : vector<6400xf32> to vector<6400x1xf32>
    %div3A = vector.broadcast %broadcast_in_dim3A_17 : vector<6400x1xf32> to vector<6400x4xf32>
    %div3A_18 = arith.divf %exp3A, %div3A : vector<6400x4xf32>
    %swap3A = arith.constant 0 : index
    %swap3A_19 = arith.constant 0 : index
    %swap3A_20 = vector.load %arg5[%swap3A, %swap3A_19] : memref<6400x4xf32, #tpu.memory_space<vmem>>, vector<6400x4xf32>
    tpu.vector_store %arg5[%swap3A, %swap3A_19], %div3A_18 {strides = array<i32>} : memref<6400x4xf32, #tpu.memory_space<vmem>>, vector<6400x4xf32>,
    return
  }
  func.func @transform_0(%arg0: i32) -> (i32, i32) {
    %c0_i32 = arith.constant 0 : i32
    %c0_i32_0 = arith.constant 0 : i32
    return %arg0, %c0_i32 : i32, i32
  }
  func.func @transform_1(%arg0: i32) -> (i32, i32) {
    %add3A = arith.constant 125 : i32
    %add3A_0 = arith.addi %arg0, %add3A : i32
    %jit3A = arith.constant 250 : i32
    %eq3A = arith.constant 0 : i32
    %eq3A_1 = arith.cmpi eq, %jit3A, %eq3A : i32
    %jit3A_2 = arith.constant 1 : i32
    %select_n3A = arith.select %eq3A_1, %jit3A_2, %jit3A : i32
    %rem3A = arith.remsi %add3A_0, %select_n3A : i32
    %ne3A = arith.constant 0 : i32
    %ne3A_3 = arith.cmpi ne, %rem3A, %ne3A : i32
    %lt3A = arith.constant 0 : i32
    %lt3A_4 = arith.cmpi slt, %rem3A, %lt3A : i32
    %lt3A_5 = arith.constant 0 : i32
    %lt3A_6 = arith.cmpi slt, %select_n3A, %lt3A_5 : i32
    %ne3A_7 = arith.xori %lt3A_4, %lt3A_6 : i1
    %and3A = arith.andi %ne3A_7, %ne3A_3 : i1
    %add3A_8 = arith.addi %rem3A, %select_n3A : i32
    %select_n3A_9 = arith.select %and3A, %add3A_8, %rem3A : i32
    %c0_i32 = arith.constant 0 : i32
    %c0_i32_10 = arith.constant 0 : i32
    return %select_n3A_9, %c0_i32 : i32, i32
  }
  func.func @transform_2(%arg0: i32) -> (i32, i32) {
    %c0_i32 = arith.constant 0 : i32
    %c0_i32_0 = arith.constant 0 : i32
    %c0_i32_1 = arith.constant 0 : i32
    return %c0_i32, %c0_i32_0 : i32, i32
  }
  func.func @transform_3(%arg0: i32) -> (i32, i32) {
    %c0_i32 = arith.constant 0 : i32
    %c0_i32_0 = arith.constant 0 : i32
    %c0_i32_1 = arith.constant 0 : i32
    return %c0_i32, %c0_i32_0 : i32, i32
  }
  func.func @transform_4(%arg0: i32) -> (i32, i32) {
    %c0_i32 = arith.constant 0 : i32
    %c0_i32_0 = arith.constant 0 : i32
    return %arg0, %c0_i32 : i32, i32
  }
}

</mosaic_0001>

<sc_bundles>
// kernel: kernel.24.cloned.1.call-start
scs
__scs_entry_jumppad:
0x0: {  	(pc) =	sbr.rel $0x88, $3  }
0x1: {  	(tag) =	ssettag $0x0;
	lr =	simm.s32 $0x1  }
0x2: {  	[smem:$0x3F9D] =	sst lr;
	_ =	strace $0xD0000000  }
0x3: {  	_ = 	snop  }
0x4: {  	_ = 	snop  }
0x5: {  	_ = 	snop  }
0x6: {  	_ = 	snop  }
0x7: {  	_ = 	snop  }
__scs_overlays_trampoline_lowered:
0x8: {  	[smem:$0x3FAC] =	sst s0  }
0x9: {  	[smem:$0x3FAD] =	sst s1  }
0xa: {  	[smem:$0x3FAE] =	sst s2  }
0xb: {  	[smem:$0x3FAF] =	sst s3  }
0xc: {  	[smem:$0x3FB0] =	sst s4  }
0xd: {  	[smem:$0x3FB1] =	sst s5  }
0xe: {  	[smem:$0x3FB2] =	sst s6  }
0xf: {  	[smem:$0x3FB3] =	sst s7  }
0x10: {  	[smem:$0x3FB4] =	sst s8  }
0x11: {  	[smem:$0x3FB5] =	sst s9;
	s0 =	simm.s32 @!p0 $0x0  }
0x12: {  	s1 =	sld [smem:$0x3F9B];
	s0 =	simm.s32 @p0 $0x1  }
0x13: {  	[smem:$0x3FB6] =	sst s0;
	s0 =	simm.s32 @!p1 $0x0  }
0x14: {  	s2 =	sld [smem:$0x3F9A];
	s0 =	simm.s32 @p1 $0x1  }
0x15: {  	[smem:$0x3FB7] =	sst s0;
	s0 =	simm.s32 @!p2 $0x0  }
0x16: {  	s3 =	sld [smem:$0x3FDB];
	s0 =	simm.s32 @p2 $0x1  }
0x17: {  	s4 =	simm.s32 $0x1BF5;
	[smem:$0x3FB9] =	sst s0  }
0x18: {  	s0 =	sld [smem:$0x3F9C];
	_ =	swait.ge [sflag:s4], $0x0  }
0x19: {  	s7 =	sld [smem:$0x3F9D]  }
0x1a: {  	s8 =	sadd.s32 $0xFFFFE003, lr  }
0x1b: {  	s9 =	sadd.s32 $0xFFFFFEF7, lr;
	s5 =	simm.s32 $0xFFFFFFFF;
	p2 =	slt.u32 s8, $0xFFFFF086  }
0x1c: {  	p1 =	slt.u32 s9, $0xF7A;
	s5 =	simm.s32 @!p2 $0x0  }
0x1d: {  	s5 =	simm.s32 @p1 $0x1;
	p0 =	seq.s32 s7, s2  }
0x1e: {  	s7 =	smul.u32 @!p0 $0xF7A, s2;
	p2 =	seq.s32 @!p0 s5, $0x0  }
0x1f: {  	s9 =	smul.u32 $0xF7A, s1;
	s8 =	simm.s32 @!p0 $0x1BF5;
	p2 =	por !p2, p0  }
0x20: {  	[sflag:s8] =	ssyncset.s32 @!p0 $0xFFFFF086;
	s6 =	sadd.s32 @!p0 s3, s7;
	s7 =	simm.s32 @!p0 $0x108  }
0x21: {  	s3 =	sadd.s32 s3, s9;
	s6 =	sadd.s32 @!p0 $0x88, s6;
	s7 =	simm.s32 @p2 $0x1082  }
0x22: {  	[simem:s7], [sflag:s8] =	dma.local @!p0 [hbm:s6], $0xF7A  }
0x23: {  	s9 =	sor.u32 $0xD0000000, s2;
	s6 =	simm.s32 $0x108;
	_ =	swait.ge @!p0 [sflag:s8], $0x0  }
0x24: {  	s3 =	sadd.s32 $0x88, s3;
	s6 =	simm.s32 @!p1 $0x1082;
	[sflag:s4] =	ssyncset.s32 $0xFFFFF086  }
0x25: {  	[simem:s6], [sflag:s4] =	dma.local [hbm:s3], $0xF7A  }
0x26: {  	[smem:$0x3F9D] =	sst s1;
	(tag) =	ssettag s2;
	_ =	strace s9  }
0x27: {  	s1 =	sld [smem:$0x3FAD]  }
0x28: {  	s2 =	sld [smem:$0x3FAE]  }
0x29: {  	s4 =	sld [smem:$0x3FB0]  }
0x2a: {  	p0 =	seq.s32 s5, $0x0;
	s5 =	sld [smem:$0x3FB1]  }
0x2b: {  	s6 =	sld [smem:$0x3FB2]  }
0x2c: {  	s7 =	sld [smem:$0x3FB3]  }
0x2d: {  	s3 =	simm.s32 $0x108;
	s8 =	sld [smem:$0x3FB4]  }
0x2e: {  	s3 =	simm.s32 @!p0 $0x1082;
	s9 =	sld [smem:$0x3FB5]  }
0x2f: {  	lr =	sadd.s32 s0, s3;
	s0 =	sld [smem:$0x3FAC]  }
0x30: {  	s3 =	sld [smem:$0x3FAF]  }
0x31: {  	[smem:$0x3FB8] =	sst s10  }
0x32: {  	s10 =	sld [smem:$0x3FB6];
	_ =	sdelay $0x3  }
0x33: {  	p0 =	seq.s32 s10, $0x1;
	s10 =	sld [smem:$0x3FB8];
	_ =	sdelay $0x3  }
0x34: {  	[smem:$0x3FB8] =	sst s10  }
0x35: {  	s10 =	sld [smem:$0x3FB7];
	_ =	sdelay $0x3  }
0x36: {  	p1 =	seq.s32 s10, $0x1;
	s10 =	sld [smem:$0x3FB8];
	_ =	sdelay $0x3  }
0x37: {  	[smem:$0x3FB8] =	sst s10  }
0x38: {  	s10 =	sld [smem:$0x3FB9]  }
0x39: {  	_ = 	snop;
	(pc) =	sbr.ind lr, $3  }
0x3a: {  	_ = 	snop  }
0x3b: {  	_ = 	snop  }
0x3c: {  	p2 =	seq.s32 s10, $0x1;
	s10 =	sld [smem:$0x3FB8]  }
0x3d: {  	_ =	shalt  }
0x3e: {  	_ =	shalt  }
0x3f: {  	_ =	shalt  }
0x40: {  	_ =	shalt  }
0x41: {  	_ =	shalt  }
0x42: {  	_ =	shalt  }
0x43: {  	_ =	shalt  }
0x44: {  	_ =	shalt  }
0x45: {  	_ =	shalt  }
0x46: {  	_ =	shalt  }
0x47: {  	_ =	shalt  }
0x48: {  	_ =	shalt  }
0x49: {  	_ =	shalt  }
0x4a: {  	_ =	shalt  }
0x4b: {  	_ =	shalt  }
0x4c: {  	_ =	shalt  }
0x4d: {  	_ =	shalt  }
0x4e: {  	_ =	shalt  }
0x4f: {  	_ =	shalt  }
0x50: {  	_ =	shalt  }
0x51: {  	_ =	shalt  }
0x52: {  	_ =	shalt  }
0x53: {  	_ =	shalt  }
0x54: {  	_ =	shalt  }
0x55: {  	_ =	shalt  }
0x56: {  	_ =	shalt  }
0x57: {  	_ =	shalt  }
0x58: {  	_ =	shalt  }
0x59: {  	_ =	shalt  }
0x5a: {  	_ =	shalt  }
0x5b: {  	_ =	shalt  }
0x5c: {  	_ =	shalt  }
0x5d: {  	_ =	shalt  }
0x5e: {  	_ =	shalt  }
0x5f: {  	_ =	shalt  }
0x60: {  	_ =	shalt  }
0x61: {  	_ =	shalt  }
0x62: {  	_ =	shalt  }
0x63: {  	_ =	shalt  }
0x64: {  	_ =	shalt  }
0x65: {  	_ =	shalt  }
0x66: {  	_ =	shalt  }
0x67: {  	_ =	shalt  }
0x68: {  	_ =	shalt  }
0x69: {  	_ =	shalt  }
0x6a: {  	_ =	shalt  }
0x6b: {  	_ =	shalt  }
0x6c: {  	_ =	shalt  }
0x6d: {  	_ =	shalt  }
0x6e: {  	_ =	shalt  }
0x6f: {  	_ =	shalt  }
0x70: {  	_ =	shalt  }
0x71: {  	_ =	shalt  }
0x72: {  	_ =	shalt  }
0x73: {  	_ =	shalt  }
0x74: {  	_ =	shalt  }
0x75: {  	_ =	shalt  }
0x76: {  	_ =	shalt  }
0x77: {  	_ =	shalt  }
0x78: {  	_ =	shalt  }
0x79: {  	_ =	shalt  }
0x7a: {  	_ =	shalt  }
0x7b: {  	_ =	shalt  }
0x7c: {  	_ =	shalt  }
0x7d: {  	_ =	shalt  }
0x7e: {  	_ =	shalt  }
0x7f: {  	_ =	shalt  }
0x80: {  	_ =	shalt  }
0x81: {  	_ =	shalt  }
0x82: {  	_ =	shalt  }
0x83: {  	_ =	shalt  }
0x84: {  	_ =	shalt  }
0x85: {  	_ =	shalt  }
0x86: {  	_ =	shalt  }
0x87: {  	_ =	shalt  }
.Lfunc_end0:
.L_simem_size_0:
called_computation_lowered:
.L_overlay_start_0:
0x88: {  	s2 =	sld [smem:$0x3FD9]  }
0x89: {  	s3 =	sld [smem:$0x3FFE];
	_ =	sdelay $0x1  }
0x8a: {  	s1 =	srdreg.scid  }
0x8b: {  	s0 =	sand.u32 $0x1, s1  }
0x8c: {  	s14 =	sshll.u32 s0, $0xA;
	s2 =	sadd.s32 s3, s2  }
0x8d: {  	s2 =	sadd.s32 s2, s14  }
0x8e: {  	[smem:$0x3FC4] =	sst s2  }
0x8f: {  	_ = 	snop  }
0x90: {  	s2 =	sld [smem:$0x3FD0];
	_ =	sdelay $0x2  }
0x91: {  	s15 =	simm.s32 $0xA;
	s4 =	simm.s32 $0x10  }
0x92: {  	[smem:s4], [sflag:s15] =	dma.local [hbm:s2], $0x1  }
0x93: {  	_ =	swait.eq [sflag:s15], $0x1  }
0x94: {  	[sflag:s15] =	ssyncset.done $0x0  }
0x95: {  	[sflag:s15] =	ssyncadd.s32 $0xFFFFFFFF  }
0x96: {  	s16 =	sld [smem:$0x10];
	(tm) =	ssettm $0x1  }
0x97: {  	s17 =	sld [smem:$0x3FFB];
	_ =	sdelay $0x3  }
0x98: {  	_ =	strace s17  }
0x99: {  	s3 =	sld [smem:$0x3FFC];
	_ =	sdelay $0x3  }
0x9a: {  	_ =	strace s3  }
0x9b: {  	s3 =	sld [smem:$0x3FFD];
	_ =	sdelay $0x3  }
0x9c: {  	_ =	strace s3  }
0x9d: {  	_ =	strace $0x8FFFFFFF  }
0x9e: {  	s18 =	sld [smem:$0x3FDB];
	_ =	sdelay $0x1  }
0x9f: {  	s19 =	simm.s32 $_scs_section_size  }
0xa0: {  	s5 =	simm.s32 $_size__tile_overlayer_lowered;
	s6 =	simm.s32 $_tile_overlayer_lowered  }
0xa1: {  	s22 =	simm.s32 $0x1BFF;
	s21 =	sshll.u32 s6, $0x1;
	s3 =	sadd.s32 s19, s18  }
0xa2: {  	s7 =	simm.s32 $0x0;
	s20 =	sshll.u32 s5, $0x1;
	s5 =	sadd.s32 s21, s3  }
0xa3: {  	[timem:s7], [sflag:s22] =	dma.local [hbm:s5], s20  }
0xa4: {  	_ =	swait.ge [sflag:s22], s20  }
0xa5: {  	s4 =	ssub.s32 $0x0, s20;
	[sflag:s22] =	ssyncset.done $0x0  }
0xa6: {  	[sflag:s22] =	ssyncadd.s32 s4;
	_ =	sdelay $0x1  }
0xa7: {  	s23 =	simm.s32 $0x1B8B  }
0xa8: {  	_ =	swait.ge [sflag:s23], $0x1  }
0xa9: {  	[sflag:s23] =	ssyncset.done $0x0  }
0xaa: {  	s25 =	simm.s32 $0x1B8E;
	s24 =	sld [smem:$0x3FFE];
	[sflag:s23] =	ssyncadd.s32 $0xFFFFFFFF  }
0xab: {  	s26 =	simm.s32 $execute0_lowered;
	[smem:$0x3FD2] =	sst s25  }
0xac: {  	s5 =	sshll.u32 s26, $0x1;
	_ =	strace $0x80000046;
	[dreg:$0x1] =	wrdreg $0xFFFFFFFF  }
0xad: {  	s28 =	simm.s32 $_size_execute0_lowered;
	s3 =	sadd.s32 s3, s5;
	[dreg:$0x0] =	wrdreg $0x0  }
0xae: {  	s5 =	sshll.u32 s28, $0x1;
	[dreg:$0x2] =	wrdreg s3  }
0xaf: {  	[dreg:$0x3] =	wrdreg s5  }
0xb0: {  	[dreg:$0x4] =	wrdreg $0xC0  }
0xb1: {  	_ =	task [dreg:s7], $0x5FFFF  }
0xb2: {  	[dreg:$0x1] =	wrdreg $0xFFFFFFFF  }
0xb3: {  	[dreg:$0x0] =	wrdreg $0x60  }
0xb4: {  	[dreg:$0x2] =	wrdreg s24  }
0xb5: {  	[dreg:$0x3] =	wrdreg s16  }
0xb6: {  	[dreg:$0x4] =	wrdreg $0x0  }
0xb7: {  	[dreg:$0x5] =	wrdreg $0x9  }
0xb8: {  	_ =	task.clear_ibuf [dreg:s7], $0x6FFFF;
	_ =	strace $0x90000046  }
0xb9: {  	s29 =	simm.s32 $0x9;
	_ =	strace $0x80000048  }
0xba: {  	_ =	swait.ge [sflag:s29], $0x1  }
0xbb: {  	[sflag:s29] =	ssyncadd.s32 $0xFFFFFFFF  }
0xbc: {  	_ =	strace $0x90000048  }
0xbd: {  	_ =	sfence  }
0xbe: {  	s30 =	sld [smem:$0x0];
	_ =	sdelay $0x2  }
0xbf: {  	s31 =	sshll.u32 s1, $0xD;
	s1 =	sshrl.u32 s1, $0x2  }
0xc0: {  	s3 =	sand.u32 $0x4000, s31;
	s1 =	sadd.s32 s1, s30  }
0xc1: {  	s0 =	sor.u32 s3, s0;
	s1 =	sshll.u32 s1, $0x11  }
0xc2: {  	s0 =	sor.u32 s1, s0  }
0xc3: {  	s0 =	sadd.s32 $0x8F2B, s0  }
0xc4: {  	[sflag:s0] =	ssyncadd.remote.s32 $0x1  }
0xc5: {  	_ =	sfence.sel $0xFFFF  }
0xc6: {  	[dreg:$0x0] =	wrdreg $0xFFFFFFFF;
	(pc) =	sbr.abs _section_cstart, $3  }
0xc7: {  	[dreg:$0x1] =	wrdreg $0xFFFFFFFF  }
0xc8: {  	_ =	task.clear_ibuf [dreg:s7], $0x2FFFF;
	_ =	strace $0x9FFFFFFF  }
0xc9: {  	(tm) =	ssettm $0x7FFFFFFF  }
tec
execute0_lowered:
.L_overlay_start_1:
0x0: {  	(tag) =	ssettag $0x1  }
0x1: {  	s4 =	rddreg [dreg:$0x0]  }
0x2: {  	s6 =	rddreg [dreg:$0x1]  }
0x3: {  	s0 =	srdreg.scid;
	s2 =	rddreg [dreg:$0x2]  }
0x4: {  	s1 =	rddreg [dreg:$0x3];
	s5 =	sand.u32 $0x1, s0  }
0x5: {  	s3 =	simm.s32 $0x0;
	s0 =	stileid.u32;
	s7 =	smul.u32 $0xC3500, s5  }
0x6: {  	s13 =	simm.s32 $0xCB50;
	s14 =	simm.s32 $0x7D0;
	s8 =	smul.u32 $0x7D0, s0  }
0x7: {  	s15 =	simm.s32 $0x0;
	[smem:$0x7FF] =	sst s3;
	s9 =	smul.u32 $0xC380, s0  }
0x8: {  	_ =	strace $0x80000047;
	s10 =	ssub.s32 $0x2, s5;
	s5 =	smul.u32 $0xC3800, s5  }
0x9: {  	s30 =	sshll.u32 s0, $0x6;
	s12 =	sshrl.u32 s10, $0x1;
	s7 =	sadd.s32 s8, s7  }
0xa: {  	s26 =	sshrl.u32 s9, $0x3;
	s28 =	ssub.s32 s10, s12;
	s5 =	sadd.s32 s9, s5  }
0xb: {  	s29 =	sadd.s32 s9, s2;
	s12 =	simm.s32 $0xC380;
	s8 =	sadd.s32 s7, s4  }
0xc: {  	s7 =	sshrl.u32 s7, $0x3;
	s31 =	sshrl.u32 s5, $0x3;
	s5 =	sor.u32 $0x1C01, s30  }
0xd: {  	s10 =	sshrl.u32 s29, $0x3;
	s11 =	sadd.s32 s7, s4;
	s4 =	sadd.s32 s26, s4  }
0xe: {  	s6 =	sadd.s32 s6, s31;
	s7 =	smax.u32 s28, $0x1;
	s8 =	sadd.s32 $0x68000, s8  }
0xf: {  	s4 =	sadd.s32 $0x1EEA00, s4;
	s9 =	sadd.s32 $0x6400, s11;
	s11 =	simm.s32 $0x1  }
.LBB2_1:
0x10: {  	[spmem:s10], [sflag:s5] =	dma.local [hbm:s4], $0x1870  }
0x11: {  	_ =	swait.ge [sflag:s11], $0x1870  }
0x12: {  	[sflag:s11] =	ssyncset.done $0x0  }
0x13: {  	[sflag:s11] =	ssyncadd.s32 $0xFFFFE790  }
0x14: {  	s16 =	sadd.s32 $0x0, s9;
	[bflag:$0x0] =	sbarrier.arrive $0xFFFF  }
0x15: {  	[tilespmem:s12], [sflag:$0x1] =	stream.linear.gather [hbm4b:s16+s3], $0x7D0, $0x38;
	[tilespmem:$0x109D0] =	vst v63  }
0x16: {  	_ =	swait.ge [sflag:s11], $0x7D0  }
0x17: {  	[sflag:s11] =	ssyncset.done $0x0  }
0x18: {  	[sflag:s11] =	ssyncadd.s32 $0xFFFFF830  }
0x19: {  	[tilespmem:s13], [sflag:$0x1] =	stream.linear.gather [hbm4b:s8+s3], $0x3E80, $0x38;
	[tilespmem:$0x109D0] =	vst v63  }
0x1a: {  	_ =	swait.ge [sflag:s11], $0x3E80  }
0x1b: {  	[sflag:s11] =	ssyncset.done $0x0  }
0x1c: {  	[sflag:s11] =	ssyncadd.s32 $0xFFFFC180  }
0x1d: {  	[spmem:s2] =	stream.indirect.scatter.add.f32 [tilespmem:s13], [sflag:$0x1], $0x8, s12, s14, $0xb8;
	[tilespmem:$0x109D0] =	vst v63  }
0x1e: {  	s17 =	simm.s32 $0xFA0;
	_ =	swait.ge [sflag:s11], $0x3E80  }
0x1f: {  	s18 =	simm.s32 $0x1F40;
	s16 =	sadd.s32 $0x7D00, s8;
	[sflag:s11] =	ssyncset.done $0x0  }
.LBB2_2:
0x20: {  	s19 =	sadd.s32 s17, s9  }
0x21: {  	[sflag:s11] =	ssyncadd.s32 $0xFFFFC180;
	s17 =	smov.u32 s18;
	s20 =	sadd.s32 $0xFA0, s18  }
0x22: {  	[tilespmem:s12], [sflag:$0x1] =	stream.linear.gather [hbm4b:s19+s3], $0x7D0, $0x38;
	[tilespmem:$0x109D0] =	vst v63  }
0x23: {  	p0 =	sne.s32 s18, $0x17700;
	_ =	swait.ge [sflag:s11], $0x7D0  }
0x24: {  	[sflag:s11] =	ssyncset.done $0x0  }
0x25: {  	[sflag:s11] =	ssyncadd.s32 $0xFFFFF830  }
0x26: {  	[tilespmem:s13], [sflag:$0x1] =	stream.linear.gather [hbm4b:s16+s3], $0x3E80, $0x38;
	[tilespmem:$0x109D0] =	vst v63  }
0x27: {  	_ =	swait.ge [sflag:s11], $0x3E80  }
.Ltmp0:
0x28: {  	[sflag:s11] =	ssyncset.done $0x0;
	(pc) =	sbr.rel @p0 .LBB2_2-.Ltmp0, $4  }
0x29: {  	[sflag:s11] =	ssyncadd.s32 $0xFFFFC180  }
0x2a: {  	[spmem:s2] =	stream.indirect.scatter.add.f32 [tilespmem:s13], [sflag:$0x1], $0x8, s12, s14, $0xb8;
	[tilespmem:$0x109D0] =	vst v63  }
0x2b: {  	_ =	swait.ge [sflag:s11], $0x3E80  }
0x2c: {  	s18 =	smov.u32 s20;
	s16 =	sadd.s32 $0x7D00, s16;
	[sflag:s11] =	ssyncset.done $0x0  }
0x2d: {  	s17 =	sadd.s32 s17, s9;
	[sflag:s11] =	ssyncadd.s32 $0xFFFFC180  }
0x2e: {  	[tilespmem:s12], [sflag:$0x1] =	stream.linear.gather [hbm4b:s17+s3], $0x7D0, $0x38;
	[tilespmem:$0x109D0] =	vst v63  }
0x2f: {  	_ =	swait.ge [sflag:s11], $0x7D0  }
0x30: {  	[sflag:s11] =	ssyncset.done $0x0  }
0x31: {  	[sflag:s11] =	ssyncadd.s32 $0xFFFFF830  }
0x32: {  	[tilespmem:s13], [sflag:$0x1] =	stream.linear.gather [hbm4b:s16+s3], $0x3E80, $0x38;
	[tilespmem:$0x109D0] =	vst v63  }
0x33: {  	_ =	swait.ge [sflag:s11], $0x3E80  }
0x34: {  	[sflag:s11] =	ssyncset.done $0x0  }
0x35: {  	[sflag:s11] =	ssyncadd.s32 $0xFFFFC180  }
0x36: {  	[spmem:s2] =	stream.indirect.scatter.add.f32 [tilespmem:s13], [sflag:$0x1], $0x8, s12, s14, $0xb8;
	[tilespmem:$0x109D0] =	vst v63  }
0x37: {  	_ =	swait.ge [sflag:s11], $0x3E80  }
0x38: {  	s15 =	sadd.s32 $0x1, s15;
	[sflag:s11] =	ssyncset.done $0x0  }
0x39: {  	p0 =	sne.s32 s15, s7;
	[sflag:s11] =	ssyncadd.s32 $0xFFFFC180  }
.Ltmp1:
0x3a: {  	[bflag:$0x0] =	sbarrier.arrive $0xFFFF;
	(pc) =	sbr.rel @p0 .LBB2_1-.Ltmp1, $4  }
0x3b: {  	[hbm:s6], [sflag:s5] =	dma.local [spmem:s10], $0x1870  }
0x3c: {  	_ =	swait.ge [sflag:s11], $0x1870  }
0x3d: {  	[sflag:s11] =	ssyncset.done $0x0  }
0x3e: {  	[sflag:s11] =	ssyncadd.s32 $0xFFFFE790  }
0x3f: {  	_ =	sfence.sel $0x180000  }
0x40: {  	[bflag:$0x0] =	sbarrier.arrive $0xFFFF  }
0x41: {  	p0 =	sne.s32 s0, $0x0;
	_ =	strace $0x90000047  }
0x42: {  	s0 =	sadd.s32 @!p0 $0x100000, s1;
	[bflag:$0x2] =	sbarrier.arrive $0xFFFF  }
0x43: {  	[sflag:s0] =	ssyncadd.tile.s32 @!p0 $0x1;
	_ =	shalt  }
.Lfunc_end2:
_tile_overlayer_lowered:
.L_overlay_start_2:
0x44: {  	(tag) =	ssettag $0x2  }
0x45: {  	s0 =	rddreg [dreg:$0x0];
	s2 =	stileid.u32  }
0x46: {  	s1 =	rddreg [dreg:$0x1];
	p0 =	sne.s32 s2, $0x0  }
0x47: {  	s3 =	rddreg [dreg:$0x2];
	[bflag:$0x3] =	sbarrier.arrive $0xFFFF;
	s2 =	simm.s32 @!p0 $0x1C01  }
0x48: {  	[timem:s3], [sflag:s2] =	dma.local @!p0 [hbm:s0], s1  }
0x49: {  	s0 =	simm.s32 @!p0 $0x1  }
0x4a: {  	_ =	swait.ge @!p0 [sflag:s0], s1  }
0x4b: {  	s1 =	ssub.s32 @!p0 $0x0, s1;
	[sflag:s0] =	ssyncset.done @!p0 $0x0  }
0x4c: {  	[sflag:s0] =	ssyncadd.s32 @!p0 s1  }
0x4d: {  	[bflag:$0x3] =	sbarrier.arrive $0xFFFF  }
0x4e: {  	_ =	shalt  }

// kernel: kernel.27.cloned.1.call-start
scs
__scs_entry_jumppad:
0x0: {  	(pc) =	sbr.rel $0x88, $3  }
0x1: {  	(tag) =	ssettag $0x0;
	lr =	simm.s32 $0x1  }
0x2: {  	[smem:$0x3F9D] =	sst lr;
	_ =	strace $0xD0000000  }
0x3: {  	_ = 	snop  }
0x4: {  	_ = 	snop  }
0x5: {  	_ = 	snop  }
0x6: {  	_ = 	snop  }
0x7: {  	_ = 	snop  }
__scs_overlays_trampoline_lowered:
0x8: {  	[smem:$0x3FAC] =	sst s0  }
0x9: {  	[smem:$0x3FAD] =	sst s1  }
0xa: {  	[smem:$0x3FAE] =	sst s2  }
0xb: {  	[smem:$0x3FAF] =	sst s3  }
0xc: {  	[smem:$0x3FB0] =	sst s4  }
0xd: {  	[smem:$0x3FB1] =	sst s5  }
0xe: {  	[smem:$0x3FB2] =	sst s6  }
0xf: {  	[smem:$0x3FB3] =	sst s7  }
0x10: {  	[smem:$0x3FB4] =	sst s8  }
0x11: {  	[smem:$0x3FB5] =	sst s9;
	s0 =	simm.s32 @!p0 $0x0  }
0x12: {  	s1 =	sld [smem:$0x3F9B];
	s0 =	simm.s32 @p0 $0x1  }
0x13: {  	[smem:$0x3FB6] =	sst s0;
	s0 =	simm.s32 @!p1 $0x0  }
0x14: {  	s2 =	sld [smem:$0x3F9A];
	s0 =	simm.s32 @p1 $0x1  }
0x15: {  	[smem:$0x3FB7] =	sst s0;
	s0 =	simm.s32 @!p2 $0x0  }
0x16: {  	s3 =	sld [smem:$0x3FDB];
	s0 =	simm.s32 @p2 $0x1  }
0x17: {  	s4 =	simm.s32 $0x1BF5;
	[smem:$0x3FB9] =	sst s0  }
0x18: {  	s0 =	sld [smem:$0x3F9C];
	_ =	swait.ge [sflag:s4], $0x0  }
0x19: {  	s7 =	sld [smem:$0x3F9D]  }
0x1a: {  	s8 =	sadd.s32 $0xFFFFE003, lr  }
0x1b: {  	s9 =	sadd.s32 $0xFFFFFEF7, lr;
	s5 =	simm.s32 $0xFFFFFFFF;
	p2 =	slt.u32 s8, $0xFFFFF086  }
0x1c: {  	p1 =	slt.u32 s9, $0xF7A;
	s5 =	simm.s32 @!p2 $0x0  }
0x1d: {  	s5 =	simm.s32 @p1 $0x1;
	p0 =	seq.s32 s7, s2  }
0x1e: {  	s7 =	smul.u32 @!p0 $0xF7A, s2;
	p2 =	seq.s32 @!p0 s5, $0x0  }
0x1f: {  	s9 =	smul.u32 $0xF7A, s1;
	s8 =	simm.s32 @!p0 $0x1BF5;
	p2 =	por !p2, p0  }
0x20: {  	[sflag:s8] =	ssyncset.s32 @!p0 $0xFFFFF086;
	s6 =	sadd.s32 @!p0 s3, s7;
	s7 =	simm.s32 @!p0 $0x108  }
0x21: {  	s3 =	sadd.s32 s3, s9;
	s6 =	sadd.s32 @!p0 $0x88, s6;
	s7 =	simm.s32 @p2 $0x1082  }
0x22: {  	[simem:s7], [sflag:s8] =	dma.local @!p0 [hbm:s6], $0xF7A  }
0x23: {  	s9 =	sor.u32 $0xD0000000, s2;
	s6 =	simm.s32 $0x108;
	_ =	swait.ge @!p0 [sflag:s8], $0x0  }
0x24: {  	s3 =	sadd.s32 $0x88, s3;
	s6 =	simm.s32 @!p1 $0x1082;
	[sflag:s4] =	ssyncset.s32 $0xFFFFF086  }
0x25: {  	[simem:s6], [sflag:s4] =	dma.local [hbm:s3], $0xF7A  }
0x26: {  	[smem:$0x3F9D] =	sst s1;
	(tag) =	ssettag s2;
	_ =	strace s9  }
0x27: {  	s1 =	sld [smem:$0x3FAD]  }
0x28: {  	s2 =	sld [smem:$0x3FAE]  }
0x29: {  	s4 =	sld [smem:$0x3FB0]  }
0x2a: {  	p0 =	seq.s32 s5, $0x0;
	s5 =	sld [smem:$0x3FB1]  }
0x2b: {  	s6 =	sld [smem:$0x3FB2]  }
0x2c: {  	s7 =	sld [smem:$0x3FB3]  }
0x2d: {  	s3 =	simm.s32 $0x108;
	s8 =	sld [smem:$0x3FB4]  }
0x2e: {  	s3 =	simm.s32 @!p0 $0x1082;
	s9 =	sld [smem:$0x3FB5]  }
0x2f: {  	lr =	sadd.s32 s0, s3;
	s0 =	sld [smem:$0x3FAC]  }
0x30: {  	s3 =	sld [smem:$0x3FAF]  }
0x31: {  	[smem:$0x3FB8] =	sst s10  }
0x32: {  	s10 =	sld [smem:$0x3FB6];
	_ =	sdelay $0x3  }
0x33: {  	p0 =	seq.s32 s10, $0x1;
	s10 =	sld [smem:$0x3FB8];
	_ =	sdelay $0x3  }
0x34: {  	[smem:$0x3FB8] =	sst s10  }
0x35: {  	s10 =	sld [smem:$0x3FB7];
	_ =	sdelay $0x3  }
0x36: {  	p1 =	seq.s32 s10, $0x1;
	s10 =	sld [smem:$0x3FB8];
	_ =	sdelay $0x3  }
0x37: {  	[smem:$0x3FB8] =	sst s10  }
0x38: {  	s10 =	sld [smem:$0x3FB9]  }
0x39: {  	_ = 	snop;
	(pc) =	sbr.ind lr, $3  }
0x3a: {  	_ = 	snop  }
0x3b: {  	_ = 	snop  }
0x3c: {  	p2 =	seq.s32 s10, $0x1;
	s10 =	sld [smem:$0x3FB8]  }
0x3d: {  	_ =	shalt  }
0x3e: {  	_ =	shalt  }
0x3f: {  	_ =	shalt  }
0x40: {  	_ =	shalt  }
0x41: {  	_ =	shalt  }
0x42: {  	_ =	shalt  }
0x43: {  	_ =	shalt  }
0x44: {  	_ =	shalt  }
0x45: {  	_ =	shalt  }
0x46: {  	_ =	shalt  }
0x47: {  	_ =	shalt  }
0x48: {  	_ =	shalt  }
0x49: {  	_ =	shalt  }
0x4a: {  	_ =	shalt  }
0x4b: {  	_ =	shalt  }
0x4c: {  	_ =	shalt  }
0x4d: {  	_ =	shalt  }
0x4e: {  	_ =	shalt  }
0x4f: {  	_ =	shalt  }
0x50: {  	_ =	shalt  }
0x51: {  	_ =	shalt  }
0x52: {  	_ =	shalt  }
0x53: {  	_ =	shalt  }
0x54: {  	_ =	shalt  }
0x55: {  	_ =	shalt  }
0x56: {  	_ =	shalt  }
0x57: {  	_ =	shalt  }
0x58: {  	_ =	shalt  }
0x59: {  	_ =	shalt  }
0x5a: {  	_ =	shalt  }
0x5b: {  	_ =	shalt  }
0x5c: {  	_ =	shalt  }
0x5d: {  	_ =	shalt  }
0x5e: {  	_ =	shalt  }
0x5f: {  	_ =	shalt  }
0x60: {  	_ =	shalt  }
0x61: {  	_ =	shalt  }
0x62: {  	_ =	shalt  }
0x63: {  	_ =	shalt  }
0x64: {  	_ =	shalt  }
0x65: {  	_ =	shalt  }
0x66: {  	_ =	shalt  }
0x67: {  	_ =	shalt  }
0x68: {  	_ =	shalt  }
0x69: {  	_ =	shalt  }
0x6a: {  	_ =	shalt  }
0x6b: {  	_ =	shalt  }
0x6c: {  	_ =	shalt  }
0x6d: {  	_ =	shalt  }
0x6e: {  	_ =	shalt  }
0x6f: {  	_ =	shalt  }
0x70: {  	_ =	shalt  }
0x71: {  	_ =	shalt  }
0x72: {  	_ =	shalt  }
0x73: {  	_ =	shalt  }
0x74: {  	_ =	shalt  }
0x75: {  	_ =	shalt  }
0x76: {  	_ =	shalt  }
0x77: {  	_ =	shalt  }
0x78: {  	_ =	shalt  }
0x79: {  	_ =	shalt  }
0x7a: {  	_ =	shalt  }
0x7b: {  	_ =	shalt  }
0x7c: {  	_ =	shalt  }
0x7d: {  	_ =	shalt  }
0x7e: {  	_ =	shalt  }
0x7f: {  	_ =	shalt  }
0x80: {  	_ =	shalt  }
0x81: {  	_ =	shalt  }
0x82: {  	_ =	shalt  }
0x83: {  	_ =	shalt  }
0x84: {  	_ =	shalt  }
0x85: {  	_ =	shalt  }
0x86: {  	_ =	shalt  }
0x87: {  	_ =	shalt  }
.Lfunc_end0:
.L_simem_size_0:
called_computation.1_lowered:
.L_overlay_start_0:
0x88: {  	s2 =	sld [smem:$0x3FD9]  }
0x89: {  	s3 =	sld [smem:$0x3FFE];
	_ =	sdelay $0x1  }
0x8a: {  	s1 =	srdreg.scid  }
0x8b: {  	s0 =	sand.u32 $0x1, s1  }
0x8c: {  	s14 =	sshll.u32 s0, $0xA;
	s2 =	sadd.s32 s3, s2  }
0x8d: {  	s2 =	sadd.s32 s2, s14  }
0x8e: {  	[smem:$0x3FC4] =	sst s2  }
0x8f: {  	_ = 	snop  }
0x90: {  	s2 =	sld [smem:$0x3FD0];
	_ =	sdelay $0x2  }
0x91: {  	s15 =	simm.s32 $0xA;
	s4 =	simm.s32 $0x10  }
0x92: {  	[smem:s4], [sflag:s15] =	dma.local [hbm:s2], $0x1  }
0x93: {  	_ =	swait.eq [sflag:s15], $0x1  }
0x94: {  	[sflag:s15] =	ssyncset.done $0x0  }
0x95: {  	s16 =	sld [smem:$0x10];
	[sflag:s15] =	ssyncadd.s32 $0xFFFFFFFF  }
0x96: {  	s17 =	sld [smem:$0x11];
	(tm) =	ssettm $0x1  }
0x97: {  	s18 =	sld [smem:$0x3FFB];
	_ =	sdelay $0x3  }
0x98: {  	_ =	strace s18  }
0x99: {  	s4 =	sld [smem:$0x3FFC];
	_ =	sdelay $0x3  }
0x9a: {  	_ =	strace s4  }
0x9b: {  	s4 =	sld [smem:$0x3FFD];
	_ =	sdelay $0x3  }
0x9c: {  	_ =	strace s4  }
0x9d: {  	_ =	strace $0x8FFFFFFF  }
0x9e: {  	s19 =	sld [smem:$0x3FDB];
	_ =	sdelay $0x1  }
0x9f: {  	s5 =	simm.s32 $_scs_section_size  }
0xa0: {  	s6 =	simm.s32 $_size__tile_overlayer_lowered;
	s7 =	simm.s32 $_tile_overlayer_lowered  }
0xa1: {  	s22 =	simm.s32 $0x1BFF;
	s21 =	sshll.u32 s7, $0x1;
	s4 =	sadd.s32 s5, s19  }
0xa2: {  	s8 =	simm.s32 $0x0;
	s20 =	sshll.u32 s6, $0x1;
	s6 =	sadd.s32 s21, s4  }
0xa3: {  	[timem:s8], [sflag:s22] =	dma.local [hbm:s6], s20  }
0xa4: {  	_ =	swait.ge [sflag:s22], s20  }
0xa5: {  	s5 =	ssub.s32 $0x0, s20;
	[sflag:s22] =	ssyncset.done $0x0  }
0xa6: {  	[sflag:s22] =	ssyncadd.s32 s5;
	_ =	sdelay $0x1  }
0xa7: {  	s23 =	simm.s32 $0x1B8B  }
0xa8: {  	_ =	swait.ge [sflag:s23], $0x1  }
0xa9: {  	[sflag:s23] =	ssyncset.done $0x0  }
0xaa: {  	s25 =	simm.s32 $0x1B8E;
	s24 =	sld [smem:$0x3FFE];
	[sflag:s23] =	ssyncadd.s32 $0xFFFFFFFF  }
0xab: {  	s26 =	simm.s32 $execute0_lowered;
	[smem:$0x3FD2] =	sst s25  }
0xac: {  	s6 =	sshll.u32 s26, $0x1;
	_ =	strace $0x80000049;
	[dreg:$0x1] =	wrdreg $0xFFFFFFFF  }
0xad: {  	s28 =	simm.s32 $_size_execute0_lowered;
	s4 =	sadd.s32 s4, s6;
	[dreg:$0x0] =	wrdreg $0x0  }
0xae: {  	s6 =	sshll.u32 s28, $0x1;
	[dreg:$0x2] =	wrdreg s4  }
0xaf: {  	[dreg:$0x3] =	wrdreg s6  }
0xb0: {  	[dreg:$0x4] =	wrdreg $0xC0  }
0xb1: {  	_ =	task [dreg:s8], $0x5FFFF  }
0xb2: {  	[dreg:$0x1] =	wrdreg $0xFFFFFFFF  }
0xb3: {  	[dreg:$0x0] =	wrdreg $0x60  }
0xb4: {  	[dreg:$0x2] =	wrdreg s16  }
0xb5: {  	[dreg:$0x3] =	wrdreg s24  }
0xb6: {  	[dreg:$0x4] =	wrdreg s17  }
0xb7: {  	[dreg:$0x5] =	wrdreg $0x0  }
0xb8: {  	[dreg:$0x6] =	wrdreg $0x9  }
0xb9: {  	_ =	task.clear_ibuf [dreg:s8], $0x7FFFF;
	_ =	strace $0x90000049  }
0xba: {  	s29 =	simm.s32 $0x9;
	_ =	strace $0x8000004B  }
0xbb: {  	_ =	swait.ge [sflag:s29], $0x1  }
0xbc: {  	[sflag:s29] =	ssyncadd.s32 $0xFFFFFFFF  }
0xbd: {  	_ =	strace $0x9000004B  }
0xbe: {  	_ =	sfence  }
0xbf: {  	s30 =	sld [smem:$0x0];
	_ =	sdelay $0x2  }
0xc0: {  	s31 =	sshll.u32 s1, $0xD;
	s1 =	sshrl.u32 s1, $0x2  }
0xc1: {  	s3 =	sand.u32 $0x4000, s31;
	s1 =	sadd.s32 s1, s30  }
0xc2: {  	s0 =	sor.u32 s3, s0;
	s1 =	sshll.u32 s1, $0x11  }
0xc3: {  	s0 =	sor.u32 s1, s0  }
0xc4: {  	s0 =	sadd.s32 $0x8F2B, s0  }
0xc5: {  	[sflag:s0] =	ssyncadd.remote.s32 $0x1  }
0xc6: {  	_ =	sfence.sel $0xFFFF  }
0xc7: {  	[dreg:$0x0] =	wrdreg $0xFFFFFFFF;
	(pc) =	sbr.abs _section_cstart, $3  }
0xc8: {  	[dreg:$0x1] =	wrdreg $0xFFFFFFFF  }
0xc9: {  	_ =	task.clear_ibuf [dreg:s8], $0x2FFFF;
	_ =	strace $0x9FFFFFFF  }
0xca: {  	(tm) =	ssettm $0x7FFFFFFF  }
0xcb: {  	_ =	shalt  }
tec
execute0_lowered:
.L_overlay_start_1:
0x0: {  	(tag) =	ssettag $0x1  }
0x1: {  	s11 =	rddreg [dreg:$0x0]  }
0x2: {  	s4 =	rddreg [dreg:$0x1]  }
0x3: {  	s10 =	rddreg [dreg:$0x2]  }
0x4: {  	s2 =	rddreg [dreg:$0x3]  }
0x5: {  	s0 =	srdreg.scid;
	s1 =	rddreg [dreg:$0x4];
	s3 =	simm.s32 $0x0  }
0x6: {  	s19 =	simm.s32 $0x11608;
	s20 =	simm.s32 $0xC38;
	s21 =	simm.s32 $0xC380  }
0x7: {  	s22 =	simm.s32 $0x1;
	s23 =	simm.s32 $0x7D0;
	s17 =	sand.u32 $0x1, s0  }
0x8: {  	s24 =	simm.s32 $0xCB50;
	s0 =	stileid.u32;
	s5 =	smul.u32 $0xC3500, s17  }
0x9: {  	s25 =	simm.s32 $0x0;
	[smem:$0x7FF] =	sst s3;
	s6 =	smul.u32 $0x7D0, s0  }
0xa: {  	s14 =	sadd.s32 $0x207200, s4;
	s13 =	sadd.s32 $0x18700, s11;
	s9 =	smul.u32 $0x1870, s0  }
0xb: {  	_ =	strace $0x8000004A;
	s26 =	ssub.s32 $0x2, s17;
	s29 =	smul.u32 $0x30E00, s0  }
0xc: {  	p0 =	sne.s32 s17, $0x0;
	s17 =	simm.s32 $0x109D0;
	s28 =	sshrl.u32 s26, $0x1  }
0xd: {  	s5 =	sadd.s32 s6, s5;
	s30 =	sshrl.u32 s9, $0x3;
	s7 =	sshrl.u32 s29, $0x2  }
0xe: {  	s18 =	sadd.s32 $0xC38, s9;
	s8 =	sadd.s32 s9, s13;
	s6 =	sshrl.u32 s5, $0x3  }
0xf: {  	s15 =	sadd.s32 s5, s4;
	s5 =	sadd.s32 s10, s30;
	s7 =	sadd.s32 s7, s2  }
0x10: {  	s12 =	sshrl.u32 s18, $0x3;
	s31 =	sshll.u32 s18, $0x3;
	s13 =	sadd.s32 s18, s13  }
0x11: {  	s16 =	sadd.s32 s6, s4;
	s4 =	ssub.s32 s26, s28;
	s6 =	sadd.s32 s11, s9  }
0x12: {  	s9 =	sadd.s32 s14, s9;
	s10 =	sadd.s32 s10, s12;
	s11 =	sadd.s32 s11, s18  }
0x13: {  	s12 =	sadd.s32 s31, s2;
	s14 =	sadd.s32 s14, s18;
	s15 =	sadd.s32 $0x68000, s15  }
0x14: {  	s18 =	simm.s32 $0x2;
	s4 =	smax.u32 s4, $0x1;
	s16 =	sadd.s32 $0x37200, s16  }
.LBB2_1:
0x15: {  	[tilespmem:s17], [sflag:$0x2] =	stream.linear.gather [hbm4b:s5+s3], $0xC38, $0x38;
	[tilespmem:$0x177C8] =	vst v63  }
0x16: {  	_ =	swait.ge [sflag:s18], $0xC38  }
0x17: {  	[sflag:s18] =	ssyncset.done $0x0  }
0x18: {  	[sflag:s18] =	ssyncadd.s32 $0xFFFFF3C8  }
0x19: {  	[tilespmem:s19], [sflag:$0x2] =	stream.linear.gather [hbm4b:s6+s3], $0x61C0, $0x38;
	[tilespmem:$0x177C8] =	vst v63  }
0x1a: {  	_ =	swait.ge [sflag:s18], $0x61C0  }
0x1b: {  	[sflag:s18] =	ssyncset.done $0x0  }
0x1c: {  	[sflag:s18] =	ssyncadd.s32 $0xFFFF9E40  }
0x1d: {  	[spmem:s7] =	stream.linear.scatter [tilespmem:s19], [sflag:$0x2], $0x61C0, $0x38;
	[tilespmem:$0x177C8] =	vst v63  }
0x1e: {  	_ =	swait.ge [sflag:s18], $0x61C0  }
0x1f: {  	[sflag:s18] =	ssyncset.done $0x0  }
0x20: {  	[sflag:s18] =	ssyncadd.s32 $0xFFFF9E40  }
0x21: {  	[tilespmem:s19], [sflag:$0x2] =	stream.linear.gather [hbm4b:s8+s3], $0x61C0, $0x38;
	[tilespmem:$0x177C8] =	vst v63  }
0x22: {  	_ =	swait.ge [sflag:s18], $0x61C0  }
0x23: {  	[sflag:s18] =	ssyncset.done $0x0  }
0x24: {  	[sflag:s18] =	ssyncadd.s32 $0xFFFF9E40  }
0x25: {  	[spmem:s2] =	stream.indirect.scatter.add.f32 [tilespmem:s19], [sflag:$0x2], $0x8, s17, s20, $0xb8;
	[tilespmem:$0x177C8] =	vst v63  }
0x26: {  	_ =	swait.ge [sflag:s18], $0x61C0  }
0x27: {  	s26 =	sshll.u32 @!p0 s0, $0x6;
	[sflag:s18] =	ssyncset.done $0x0  }
0x28: {  	s28 =	sshrl.u32 @!p0 s7, $0x3;
	s26 =	sor.u32 @!p0 $0x1C01, s26;
	[sflag:s18] =	ssyncadd.s32 $0xFFFF9E40  }
0x29: {  	[hbm:s9], [sflag:s26] =	dma.local @!p0 [spmem:s28], $0xC38  }
0x2a: {  	s28 =	simm.s32 @!p0 $0x1  }
0x2b: {  	_ =	swait.ge @!p0 [sflag:s28], $0xC38  }
0x2c: {  	[sflag:s28] =	ssyncset.done @!p0 $0x0  }
0x2d: {  	[sflag:s28] =	ssyncadd.s32 @!p0 $0xFFFFF3C8  }
0x2e: {  	[tilespmem:s17], [sflag:$0x2] =	stream.linear.gather [hbm4b:s10+s3], $0xC38, $0x38;
	[tilespmem:$0x177C8] =	vst v63  }
0x2f: {  	_ =	swait.ge [sflag:s18], $0xC38  }
0x30: {  	[sflag:s18] =	ssyncset.done $0x0  }
0x31: {  	[sflag:s18] =	ssyncadd.s32 $0xFFFFF3C8  }
0x32: {  	[tilespmem:s19], [sflag:$0x2] =	stream.linear.gather [hbm4b:s11+s3], $0x61C0, $0x38;
	[tilespmem:$0x177C8] =	vst v63  }
0x33: {  	_ =	swait.ge [sflag:s18], $0x61C0  }
0x34: {  	[sflag:s18] =	ssyncset.done $0x0  }
0x35: {  	[sflag:s18] =	ssyncadd.s32 $0xFFFF9E40  }
0x36: {  	[spmem:s12] =	stream.linear.scatter [tilespmem:s19], [sflag:$0x2], $0x61C0, $0x38;
	[tilespmem:$0x177C8] =	vst v63  }
0x37: {  	_ =	swait.ge [sflag:s18], $0x61C0  }
0x38: {  	[sflag:s18] =	ssyncset.done $0x0  }
0x39: {  	[sflag:s18] =	ssyncadd.s32 $0xFFFF9E40  }
0x3a: {  	[tilespmem:s19], [sflag:$0x2] =	stream.linear.gather [hbm4b:s13+s3], $0x61C0, $0x38;
	[tilespmem:$0x177C8] =	vst v63  }
0x3b: {  	_ =	swait.ge [sflag:s18], $0x61C0  }
0x3c: {  	[sflag:s18] =	ssyncset.done $0x0  }
0x3d: {  	[sflag:s18] =	ssyncadd.s32 $0xFFFF9E40  }
0x3e: {  	[spmem:s2] =	stream.indirect.scatter.add.f32 [tilespmem:s19], [sflag:$0x2], $0x8, s17, s20, $0xb8;
	[tilespmem:$0x177C8] =	vst v63  }
0x3f: {  	_ =	swait.ge [sflag:s18], $0x61C0  }
0x40: {  	[sflag:s18] =	ssyncset.done $0x0  }
0x41: {  	s29 =	sshrl.u32 @!p0 s12, $0x3;
	[sflag:s18] =	ssyncadd.s32 $0xFFFF9E40  }
0x42: {  	[hbm:s14], [sflag:s26] =	dma.local @!p0 [spmem:s29], $0xC38  }
0x43: {  	_ =	swait.ge @!p0 [sflag:s28], $0xC38  }
0x44: {  	[sflag:s28] =	ssyncset.done @!p0 $0x0  }
0x45: {  	[sflag:s28] =	ssyncadd.s32 @!p0 $0xFFFFF3C8  }
0x46: {  	s31 =	sadd.s32 $0x0, s16;
	[bflag:$0x0] =	sbarrier.arrive $0xFFFF  }
0x47: {  	[tilespmem:s21], [sflag:$0x1] =	stream.linear.gather [hbm4b:s31+s3], $0x7D0, $0x38;
	[tilespmem:$0x177C8] =	vst v63  }
0x48: {  	_ =	swait.ge [sflag:s22], $0x7D0  }
0x49: {  	[sflag:s22] =	ssyncset.done $0x0  }
0x4a: {  	[sflag:s22] =	ssyncadd.s32 $0xFFFFF830  }
0x4b: {  	[tilespmem:s24], [sflag:$0x1] =	stream.indirect.gather [spmem:s2], $0x8, s21, s23, $0xb8;
	[tilespmem:$0x177C8] =	vst v63  }
0x4c: {  	_ =	swait.ge [sflag:s22], $0x3E80  }
0x4d: {  	[sflag:s22] =	ssyncset.done $0x0  }
0x4e: {  	[sflag:s22] =	ssyncadd.s32 $0xFFFFC180  }
0x4f: {  	[hbm4b:s15+s3] =	stream.linear.scatter [tilespmem:s24], [sflag:$0x1], $0x3E80, $0x38;
	[tilespmem:$0x177C8] =	vst v63  }
0x50: {  	s29 =	simm.s32 $0x1F40;
	_ =	swait.ge [sflag:s22], $0x3E80  }
0x51: {  	s26 =	sadd.s32 $0x7D00, s15;
	s28 =	simm.s32 $0xFA0;
	[sflag:s22] =	ssyncset.done $0x0  }
.LBB2_2:
0x52: {  	s30 =	sadd.s32 s28, s16  }
0x53: {  	[sflag:s22] =	ssyncadd.s32 $0xFFFFC180;
	s28 =	smov.u32 s29;
	s31 =	sadd.s32 $0xFA0, s29  }
0x54: {  	[tilespmem:s21], [sflag:$0x1] =	stream.linear.gather [hbm4b:s30+s3], $0x7D0, $0x38;
	[tilespmem:$0x177C8] =	vst v63  }
0x55: {  	p1 =	sne.s32 s29, $0x17700;
	_ =	swait.ge [sflag:s22], $0x7D0  }
0x56: {  	[sflag:s22] =	ssyncset.done $0x0  }
0x57: {  	[sflag:s22] =	ssyncadd.s32 $0xFFFFF830  }
0x58: {  	[tilespmem:s24], [sflag:$0x1] =	stream.indirect.gather [spmem:s2], $0x8, s21, s23, $0xb8;
	[tilespmem:$0x177C8] =	vst v63  }
0x59: {  	_ =	swait.ge [sflag:s22], $0x3E80  }
.Ltmp0:
0x5a: {  	[sflag:s22] =	ssyncset.done $0x0;
	(pc) =	sbr.rel @p1 .LBB2_2-.Ltmp0, $4  }
0x5b: {  	[sflag:s22] =	ssyncadd.s32 $0xFFFFC180  }
0x5c: {  	[hbm4b:s26+s3] =	stream.linear.scatter [tilespmem:s24], [sflag:$0x1], $0x3E80, $0x38;
	[tilespmem:$0x177C8] =	vst v63  }
0x5d: {  	_ =	swait.ge [sflag:s22], $0x3E80  }
0x5e: {  	s29 =	smov.u32 s31;
	s26 =	sadd.s32 $0x7D00, s26;
	[sflag:s22] =	ssyncset.done $0x0  }
0x5f: {  	s28 =	sadd.s32 s28, s16;
	[sflag:s22] =	ssyncadd.s32 $0xFFFFC180  }
0x60: {  	[tilespmem:s21], [sflag:$0x1] =	stream.linear.gather [hbm4b:s28+s3], $0x7D0, $0x38;
	[tilespmem:$0x177C8] =	vst v63  }
0x61: {  	_ =	swait.ge [sflag:s22], $0x7D0  }
0x62: {  	[sflag:s22] =	ssyncset.done $0x0  }
0x63: {  	[sflag:s22] =	ssyncadd.s32 $0xFFFFF830  }
0x64: {  	[tilespmem:s24], [sflag:$0x1] =	stream.indirect.gather [spmem:s2], $0x8, s21, s23, $0xb8;
	[tilespmem:$0x177C8] =	vst v63  }
0x65: {  	s25 =	sadd.s32 $0x1, s25;
	_ =	swait.ge [sflag:s22], $0x3E80  }
0x66: {  	p1 =	sne.s32 s25, s4;
	[sflag:s22] =	ssyncset.done $0x0  }
.Ltmp1:
0x67: {  	[sflag:s22] =	ssyncadd.s32 $0xFFFFC180;
	(pc) =	sbr.rel @p1 .LBB2_1-.Ltmp1, $4  }
0x68: {  	[hbm4b:s26+s3] =	stream.linear.scatter [tilespmem:s24], [sflag:$0x1], $0x3E80, $0x38;
	[tilespmem:$0x177C8] =	vst v63  }
0x69: {  	_ =	swait.ge [sflag:s22], $0x3E80  }
0x6a: {  	[sflag:s22] =	ssyncset.done $0x0  }
0x6b: {  	[sflag:s22] =	ssyncadd.s32 $0xFFFFC180  }
0x6c: {  	_ =	sfence.sel $0x180000  }
0x6d: {  	[bflag:$0x0] =	sbarrier.arrive $0xFFFF  }
0x6e: {  	p0 =	sne.s32 s0, $0x0;
	_ =	strace $0x9000004A  }
0x6f: {  	s0 =	sadd.s32 @!p0 $0x100000, s1;
	[bflag:$0x2] =	sbarrier.arrive $0xFFFF  }
0x70: {  	[sflag:s0] =	ssyncadd.tile.s32 @!p0 $0x1;
	_ =	shalt  }
.Lfunc_end2:
_tile_overlayer_lowered:
.L_overlay_start_2:
0x71: {  	(tag) =	ssettag $0x2  }
0x72: {  	s0 =	rddreg [dreg:$0x0];
	s2 =	stileid.u32  }
0x73: {  	s1 =	rddreg [dreg:$0x1];
	p0 =	sne.s32 s2, $0x0  }
0x74: {  	s3 =	rddreg [dreg:$0x2];
	[bflag:$0x3] =	sbarrier.arrive $0xFFFF;
	s2 =	simm.s32 @!p0 $0x1C01  }
0x75: {  	[timem:s3], [sflag:s2] =	dma.local @!p0 [hbm:s0], s1  }
0x76: {  	s0 =	simm.s32 @!p0 $0x1  }
0x77: {  	_ =	swait.ge @!p0 [sflag:s0], s1  }
0x78: {  	s1 =	ssub.s32 @!p0 $0x0, s1;
	[sflag:s0] =	ssyncset.done @!p0 $0x0  }
0x79: {  	[sflag:s0] =	ssyncadd.s32 @!p0 s1  }
0x7a: {  	[bflag:$0x3] =	sbarrier.arrive $0xFFFF  }
0x7b: {  	_ =	shalt  }

// kernel: kernel.30.cloned.1.call-start
scs
__scs_entry_jumppad:
0x0: {  	(pc) =	sbr.rel $0x88, $3  }
0x1: {  	(tag) =	ssettag $0x0;
	lr =	simm.s32 $0x1  }
0x2: {  	[smem:$0x3F9D] =	sst lr;
	_ =	strace $0xD0000000  }
0x3: {  	_ = 	snop  }
0x4: {  	_ = 	snop  }
0x5: {  	_ = 	snop  }
0x6: {  	_ = 	snop  }
0x7: {  	_ = 	snop  }
__scs_overlays_trampoline_lowered:
0x8: {  	[smem:$0x3FAC] =	sst s0  }
0x9: {  	[smem:$0x3FAD] =	sst s1  }
0xa: {  	[smem:$0x3FAE] =	sst s2  }
0xb: {  	[smem:$0x3FAF] =	sst s3  }
0xc: {  	[smem:$0x3FB0] =	sst s4  }
0xd: {  	[smem:$0x3FB1] =	sst s5  }
0xe: {  	[smem:$0x3FB2] =	sst s6  }
0xf: {  	[smem:$0x3FB3] =	sst s7  }
0x10: {  	[smem:$0x3FB4] =	sst s8  }
0x11: {  	[smem:$0x3FB5] =	sst s9;
	s0 =	simm.s32 @!p0 $0x0  }
0x12: {  	s1 =	sld [smem:$0x3F9B];
	s0 =	simm.s32 @p0 $0x1  }
0x13: {  	[smem:$0x3FB6] =	sst s0;
	s0 =	simm.s32 @!p1 $0x0  }
0x14: {  	s2 =	sld [smem:$0x3F9A];
	s0 =	simm.s32 @p1 $0x1  }
0x15: {  	[smem:$0x3FB7] =	sst s0;
	s0 =	simm.s32 @!p2 $0x0  }
0x16: {  	s3 =	sld [smem:$0x3FDB];
	s0 =	simm.s32 @p2 $0x1  }
0x17: {  	s4 =	simm.s32 $0x1BF5;
	[smem:$0x3FB9] =	sst s0  }
0x18: {  	s0 =	sld [smem:$0x3F9C];
	_ =	swait.ge [sflag:s4], $0x0  }
0x19: {  	s7 =	sld [smem:$0x3F9D]  }
0x1a: {  	s8 =	sadd.s32 $0xFFFFE003, lr  }
0x1b: {  	s9 =	sadd.s32 $0xFFFFFEF7, lr;
	s5 =	simm.s32 $0xFFFFFFFF;
	p2 =	slt.u32 s8, $0xFFFFF086  }
0x1c: {  	p1 =	slt.u32 s9, $0xF7A;
	s5 =	simm.s32 @!p2 $0x0  }
0x1d: {  	s5 =	simm.s32 @p1 $0x1;
	p0 =	seq.s32 s7, s2  }
0x1e: {  	s7 =	smul.u32 @!p0 $0xF7A, s2;
	p2 =	seq.s32 @!p0 s5, $0x0  }
0x1f: {  	s9 =	smul.u32 $0xF7A, s1;
	s8 =	simm.s32 @!p0 $0x1BF5;
	p2 =	por !p2, p0  }
0x20: {  	[sflag:s8] =	ssyncset.s32 @!p0 $0xFFFFF086;
	s6 =	sadd.s32 @!p0 s3, s7;
	s7 =	simm.s32 @!p0 $0x108  }
0x21: {  	s3 =	sadd.s32 s3, s9;
	s6 =	sadd.s32 @!p0 $0x88, s6;
	s7 =	simm.s32 @p2 $0x1082  }
0x22: {  	[simem:s7], [sflag:s8] =	dma.local @!p0 [hbm:s6], $0xF7A  }
0x23: {  	s9 =	sor.u32 $0xD0000000, s2;
	s6 =	simm.s32 $0x108;
	_ =	swait.ge @!p0 [sflag:s8], $0x0  }
0x24: {  	s3 =	sadd.s32 $0x88, s3;
	s6 =	simm.s32 @!p1 $0x1082;
	[sflag:s4] =	ssyncset.s32 $0xFFFFF086  }
0x25: {  	[simem:s6], [sflag:s4] =	dma.local [hbm:s3], $0xF7A  }
0x26: {  	[smem:$0x3F9D] =	sst s1;
	(tag) =	ssettag s2;
	_ =	strace s9  }
0x27: {  	s1 =	sld [smem:$0x3FAD]  }
0x28: {  	s2 =	sld [smem:$0x3FAE]  }
0x29: {  	s4 =	sld [smem:$0x3FB0]  }
0x2a: {  	p0 =	seq.s32 s5, $0x0;
	s5 =	sld [smem:$0x3FB1]  }
0x2b: {  	s6 =	sld [smem:$0x3FB2]  }
0x2c: {  	s7 =	sld [smem:$0x3FB3]  }
0x2d: {  	s3 =	simm.s32 $0x108;
	s8 =	sld [smem:$0x3FB4]  }
0x2e: {  	s3 =	simm.s32 @!p0 $0x1082;
	s9 =	sld [smem:$0x3FB5]  }
0x2f: {  	lr =	sadd.s32 s0, s3;
	s0 =	sld [smem:$0x3FAC]  }
0x30: {  	s3 =	sld [smem:$0x3FAF]  }
0x31: {  	[smem:$0x3FB8] =	sst s10  }
0x32: {  	s10 =	sld [smem:$0x3FB6];
	_ =	sdelay $0x3  }
0x33: {  	p0 =	seq.s32 s10, $0x1;
	s10 =	sld [smem:$0x3FB8];
	_ =	sdelay $0x3  }
0x34: {  	[smem:$0x3FB8] =	sst s10  }
0x35: {  	s10 =	sld [smem:$0x3FB7];
	_ =	sdelay $0x3  }
0x36: {  	p1 =	seq.s32 s10, $0x1;
	s10 =	sld [smem:$0x3FB8];
	_ =	sdelay $0x3  }
0x37: {  	[smem:$0x3FB8] =	sst s10  }
0x38: {  	s10 =	sld [smem:$0x3FB9]  }
0x39: {  	_ = 	snop;
	(pc) =	sbr.ind lr, $3  }
0x3a: {  	_ = 	snop  }
0x3b: {  	_ = 	snop  }
0x3c: {  	p2 =	seq.s32 s10, $0x1;
	s10 =	sld [smem:$0x3FB8]  }
0x3d: {  	_ =	shalt  }
0x3e: {  	_ =	shalt  }
0x3f: {  	_ =	shalt  }
0x40: {  	_ =	shalt  }
0x41: {  	_ =	shalt  }
0x42: {  	_ =	shalt  }
0x43: {  	_ =	shalt  }
0x44: {  	_ =	shalt  }
0x45: {  	_ =	shalt  }
0x46: {  	_ =	shalt  }
0x47: {  	_ =	shalt  }
0x48: {  	_ =	shalt  }
0x49: {  	_ =	shalt  }
0x4a: {  	_ =	shalt  }
0x4b: {  	_ =	shalt  }
0x4c: {  	_ =	shalt  }
0x4d: {  	_ =	shalt  }
0x4e: {  	_ =	shalt  }
0x4f: {  	_ =	shalt  }
0x50: {  	_ =	shalt  }
0x51: {  	_ =	shalt  }
0x52: {  	_ =	shalt  }
0x53: {  	_ =	shalt  }
0x54: {  	_ =	shalt  }
0x55: {  	_ =	shalt  }
0x56: {  	_ =	shalt  }
0x57: {  	_ =	shalt  }
0x58: {  	_ =	shalt  }
0x59: {  	_ =	shalt  }
0x5a: {  	_ =	shalt  }
0x5b: {  	_ =	shalt  }
0x5c: {  	_ =	shalt  }
0x5d: {  	_ =	shalt  }
0x5e: {  	_ =	shalt  }
0x5f: {  	_ =	shalt  }
0x60: {  	_ =	shalt  }
0x61: {  	_ =	shalt  }
0x62: {  	_ =	shalt  }
0x63: {  	_ =	shalt  }
0x64: {  	_ =	shalt  }
0x65: {  	_ =	shalt  }
0x66: {  	_ =	shalt  }
0x67: {  	_ =	shalt  }
0x68: {  	_ =	shalt  }
0x69: {  	_ =	shalt  }
0x6a: {  	_ =	shalt  }
0x6b: {  	_ =	shalt  }
0x6c: {  	_ =	shalt  }
0x6d: {  	_ =	shalt  }
0x6e: {  	_ =	shalt  }
0x6f: {  	_ =	shalt  }
0x70: {  	_ =	shalt  }
0x71: {  	_ =	shalt  }
0x72: {  	_ =	shalt  }
0x73: {  	_ =	shalt  }
0x74: {  	_ =	shalt  }
0x75: {  	_ =	shalt  }
0x76: {  	_ =	shalt  }
0x77: {  	_ =	shalt  }
0x78: {  	_ =	shalt  }
0x79: {  	_ =	shalt  }
0x7a: {  	_ =	shalt  }
0x7b: {  	_ =	shalt  }
0x7c: {  	_ =	shalt  }
0x7d: {  	_ =	shalt  }
0x7e: {  	_ =	shalt  }
0x7f: {  	_ =	shalt  }
0x80: {  	_ =	shalt  }
0x81: {  	_ =	shalt  }
0x82: {  	_ =	shalt  }
0x83: {  	_ =	shalt  }
0x84: {  	_ =	shalt  }
0x85: {  	_ =	shalt  }
0x86: {  	_ =	shalt  }
0x87: {  	_ =	shalt  }
.Lfunc_end0:
.L_simem_size_0:
called_computation.2_lowered:
.L_overlay_start_0:
0x88: {  	s2 =	sld [smem:$0x3FD9]  }
0x89: {  	s3 =	sld [smem:$0x3FFE];
	_ =	sdelay $0x1  }
0x8a: {  	s1 =	srdreg.scid  }
0x8b: {  	s0 =	sand.u32 $0x1, s1  }
0x8c: {  	s14 =	sshll.u32 s0, $0xA;
	s2 =	sadd.s32 s3, s2  }
0x8d: {  	s2 =	sadd.s32 s2, s14  }
0x8e: {  	[smem:$0x3FC4] =	sst s2  }
0x8f: {  	_ = 	snop  }
0x90: {  	s2 =	sld [smem:$0x3FD0];
	_ =	sdelay $0x2  }
0x91: {  	s15 =	simm.s32 $0xA;
	s4 =	simm.s32 $0x10  }
0x92: {  	[smem:s4], [sflag:s15] =	dma.local [hbm:s2], $0x1  }
0x93: {  	_ =	swait.eq [sflag:s15], $0x1  }
0x94: {  	[sflag:s15] =	ssyncset.done $0x0  }
0x95: {  	[sflag:s15] =	ssyncadd.s32 $0xFFFFFFFF  }
0x96: {  	s16 =	sld [smem:$0x10];
	(tm) =	ssettm $0x1  }
0x97: {  	s17 =	sld [smem:$0x3FFB];
	_ =	sdelay $0x3  }
0x98: {  	_ =	strace s17  }
0x99: {  	s3 =	sld [smem:$0x3FFC];
	_ =	sdelay $0x3  }
0x9a: {  	_ =	strace s3  }
0x9b: {  	s3 =	sld [smem:$0x3FFD];
	_ =	sdelay $0x3  }
0x9c: {  	_ =	strace s3  }
0x9d: {  	_ =	strace $0x8FFFFFFF  }
0x9e: {  	s18 =	sld [smem:$0x3FDB];
	_ =	sdelay $0x1  }
0x9f: {  	s19 =	simm.s32 $_scs_section_size  }
0xa0: {  	s5 =	simm.s32 $_size__tile_overlayer_lowered;
	s6 =	simm.s32 $_tile_overlayer_lowered  }
0xa1: {  	s22 =	simm.s32 $0x1BFF;
	s21 =	sshll.u32 s6, $0x1;
	s3 =	sadd.s32 s19, s18  }
0xa2: {  	s7 =	simm.s32 $0x0;
	s20 =	sshll.u32 s5, $0x1;
	s5 =	sadd.s32 s21, s3  }
0xa3: {  	[timem:s7], [sflag:s22] =	dma.local [hbm:s5], s20  }
0xa4: {  	_ =	swait.ge [sflag:s22], s20  }
0xa5: {  	s4 =	ssub.s32 $0x0, s20;
	[sflag:s22] =	ssyncset.done $0x0  }
0xa6: {  	[sflag:s22] =	ssyncadd.s32 s4;
	_ =	sdelay $0x1  }
0xa7: {  	s23 =	simm.s32 $0x1B8B  }
0xa8: {  	_ =	swait.ge [sflag:s23], $0x1  }
0xa9: {  	[sflag:s23] =	ssyncset.done $0x0  }
0xaa: {  	s25 =	simm.s32 $0x1B8E;
	s24 =	sld [smem:$0x3FFE];
	[sflag:s23] =	ssyncadd.s32 $0xFFFFFFFF  }
0xab: {  	s26 =	simm.s32 $execute0_lowered;
	[smem:$0x3FD2] =	sst s25  }
0xac: {  	s5 =	sshll.u32 s26, $0x1;
	_ =	strace $0x8000004C;
	[dreg:$0x1] =	wrdreg $0xFFFFFFFF  }
0xad: {  	s28 =	simm.s32 $_size_execute0_lowered;
	s3 =	sadd.s32 s3, s5;
	[dreg:$0x0] =	wrdreg $0x0  }
0xae: {  	s5 =	sshll.u32 s28, $0x1;
	[dreg:$0x2] =	wrdreg s3  }
0xaf: {  	[dreg:$0x3] =	wrdreg s5  }
0xb0: {  	[dreg:$0x4] =	wrdreg $0xC0  }
0xb1: {  	_ =	task [dreg:s7], $0x5FFFF  }
0xb2: {  	[dreg:$0x1] =	wrdreg $0xFFFFFFFF  }
0xb3: {  	[dreg:$0x0] =	wrdreg $0x60  }
0xb4: {  	[dreg:$0x2] =	wrdreg s24  }
0xb5: {  	[dreg:$0x3] =	wrdreg s16  }
0xb6: {  	[dreg:$0x4] =	wrdreg $0x0  }
0xb7: {  	[dreg:$0x5] =	wrdreg $0x9  }
0xb8: {  	_ =	task.clear_ibuf [dreg:s7], $0x6FFFF;
	_ =	strace $0x9000004C  }
0xb9: {  	s29 =	simm.s32 $0x9;
	_ =	strace $0x8000004E  }
0xba: {  	_ =	swait.ge [sflag:s29], $0x1  }
0xbb: {  	[sflag:s29] =	ssyncadd.s32 $0xFFFFFFFF  }
0xbc: {  	_ =	strace $0x9000004E  }
0xbd: {  	_ =	sfence  }
0xbe: {  	s30 =	sld [smem:$0x0];
	_ =	sdelay $0x2  }
0xbf: {  	s31 =	sshll.u32 s1, $0xD;
	s1 =	sshrl.u32 s1, $0x2  }
0xc0: {  	s3 =	sand.u32 $0x4000, s31;
	s1 =	sadd.s32 s1, s30  }
0xc1: {  	s0 =	sor.u32 s3, s0;
	s1 =	sshll.u32 s1, $0x11  }
0xc2: {  	s0 =	sor.u32 s1, s0  }
0xc3: {  	s0 =	sadd.s32 $0x8F2B, s0  }
0xc4: {  	[sflag:s0] =	ssyncadd.remote.s32 $0x1  }
0xc5: {  	_ =	sfence.sel $0xFFFF  }
0xc6: {  	[dreg:$0x0] =	wrdreg $0xFFFFFFFF;
	(pc) =	sbr.abs _section_cstart, $3  }
0xc7: {  	[dreg:$0x1] =	wrdreg $0xFFFFFFFF  }
0xc8: {  	_ =	task.clear_ibuf [dreg:s7], $0x2FFFF;
	_ =	strace $0x9FFFFFFF  }
0xc9: {  	(tm) =	ssettm $0x7FFFFFFF  }
tec
execute0_lowered:
.L_overlay_start_1:
0x0: {  	(tag) =	ssettag $0x1  }
0x1: {  	s4 =	rddreg [dreg:$0x0]  }
0x2: {  	s6 =	rddreg [dreg:$0x1]  }
0x3: {  	s0 =	srdreg.scid;
	s2 =	rddreg [dreg:$0x2]  }
0x4: {  	s1 =	rddreg [dreg:$0x3];
	s5 =	sand.u32 $0x1, s0  }
0x5: {  	s3 =	simm.s32 $0x0;
	s0 =	stileid.u32;
	s7 =	smul.u32 $0xC3500, s5  }
0x6: {  	s13 =	simm.s32 $0xCB50;
	s14 =	simm.s32 $0x7D0;
	s8 =	smul.u32 $0x7D0, s0  }
0x7: {  	s15 =	simm.s32 $0x0;
	[smem:$0x7FF] =	sst s3;
	s9 =	smul.u32 $0xC380, s0  }
0x8: {  	_ =	strace $0x8000004D;
	s10 =	ssub.s32 $0x2, s5;
	s5 =	smul.u32 $0xC3800, s5  }
0x9: {  	s30 =	sshll.u32 s0, $0x6;
	s12 =	sshrl.u32 s10, $0x1;
	s7 =	sadd.s32 s8, s7  }
0xa: {  	s26 =	sshrl.u32 s9, $0x3;
	s28 =	ssub.s32 s10, s12;
	s5 =	sadd.s32 s9, s5  }
0xb: {  	s29 =	sadd.s32 s9, s2;
	s12 =	simm.s32 $0xC380;
	s8 =	sadd.s32 s7, s4  }
0xc: {  	s7 =	sshrl.u32 s7, $0x3;
	s31 =	sshrl.u32 s5, $0x3;
	s5 =	sor.u32 $0x1C01, s30  }
0xd: {  	s10 =	sshrl.u32 s29, $0x3;
	s11 =	sadd.s32 s7, s4;
	s4 =	sadd.s32 s26, s4  }
0xe: {  	s6 =	sadd.s32 s6, s31;
	s7 =	smax.u32 s28, $0x1;
	s8 =	sadd.s32 $0x68000, s8  }
0xf: {  	s4 =	sadd.s32 $0x1EEA00, s4;
	s9 =	sadd.s32 $0x6400, s11;
	s11 =	simm.s32 $0x1  }
.LBB2_1:
0x10: {  	[spmem:s10], [sflag:s5] =	dma.local [hbm:s4], $0x1870  }
0x11: {  	_ =	swait.ge [sflag:s11], $0x1870  }
0x12: {  	[sflag:s11] =	ssyncset.done $0x0  }
0x13: {  	[sflag:s11] =	ssyncadd.s32 $0xFFFFE790  }
0x14: {  	s16 =	sadd.s32 $0x0, s9;
	[bflag:$0x0] =	sbarrier.arrive $0xFFFF  }
0x15: {  	[tilespmem:s12], [sflag:$0x1] =	stream.linear.gather [hbm4b:s16+s3], $0x7D0, $0x38;
	[tilespmem:$0x109D0] =	vst v63  }
0x16: {  	_ =	swait.ge [sflag:s11], $0x7D0  }
0x17: {  	[sflag:s11] =	ssyncset.done $0x0  }
0x18: {  	[sflag:s11] =	ssyncadd.s32 $0xFFFFF830  }
0x19: {  	[tilespmem:s13], [sflag:$0x1] =	stream.linear.gather [hbm4b:s8+s3], $0x3E80, $0x38;
	[tilespmem:$0x109D0] =	vst v63  }
0x1a: {  	_ =	swait.ge [sflag:s11], $0x3E80  }
0x1b: {  	[sflag:s11] =	ssyncset.done $0x0  }
0x1c: {  	[sflag:s11] =	ssyncadd.s32 $0xFFFFC180  }
0x1d: {  	[spmem:s2] =	stream.indirect.scatter.add.f32 [tilespmem:s13], [sflag:$0x1], $0x8, s12, s14, $0xb8;
	[tilespmem:$0x109D0] =	vst v63  }
0x1e: {  	s17 =	simm.s32 $0xFA0;
	_ =	swait.ge [sflag:s11], $0x3E80  }
0x1f: {  	s18 =	simm.s32 $0x1F40;
	s16 =	sadd.s32 $0x7D00, s8;
	[sflag:s11] =	ssyncset.done $0x0  }
.LBB2_2:
0x20: {  	s19 =	sadd.s32 s17, s9  }
0x21: {  	[sflag:s11] =	ssyncadd.s32 $0xFFFFC180;
	s17 =	smov.u32 s18;
	s20 =	sadd.s32 $0xFA0, s18  }
0x22: {  	[tilespmem:s12], [sflag:$0x1] =	stream.linear.gather [hbm4b:s19+s3], $0x7D0, $0x38;
	[tilespmem:$0x109D0] =	vst v63  }
0x23: {  	p0 =	sne.s32 s18, $0x17700;
	_ =	swait.ge [sflag:s11], $0x7D0  }
0x24: {  	[sflag:s11] =	ssyncset.done $0x0  }
0x25: {  	[sflag:s11] =	ssyncadd.s32 $0xFFFFF830  }
0x26: {  	[tilespmem:s13], [sflag:$0x1] =	stream.linear.gather [hbm4b:s16+s3], $0x3E80, $0x38;
	[tilespmem:$0x109D0] =	vst v63  }
0x27: {  	_ =	swait.ge [sflag:s11], $0x3E80  }
.Ltmp0:
0x28: {  	[sflag:s11] =	ssyncset.done $0x0;
	(pc) =	sbr.rel @p0 .LBB2_2-.Ltmp0, $4  }
0x29: {  	[sflag:s11] =	ssyncadd.s32 $0xFFFFC180  }
0x2a: {  	[spmem:s2] =	stream.indirect.scatter.add.f32 [tilespmem:s13], [sflag:$0x1], $0x8, s12, s14, $0xb8;
	[tilespmem:$0x109D0] =	vst v63  }
0x2b: {  	_ =	swait.ge [sflag:s11], $0x3E80  }
0x2c: {  	s18 =	smov.u32 s20;
	s16 =	sadd.s32 $0x7D00, s16;
	[sflag:s11] =	ssyncset.done $0x0  }
0x2d: {  	s17 =	sadd.s32 s17, s9;
	[sflag:s11] =	ssyncadd.s32 $0xFFFFC180  }
0x2e: {  	[tilespmem:s12], [sflag:$0x1] =	stream.linear.gather [hbm4b:s17+s3], $0x7D0, $0x38;
	[tilespmem:$0x109D0] =	vst v63  }
0x2f: {  	_ =	swait.ge [sflag:s11], $0x7D0  }
0x30: {  	[sflag:s11] =	ssyncset.done $0x0  }
0x31: {  	[sflag:s11] =	ssyncadd.s32 $0xFFFFF830  }
0x32: {  	[tilespmem:s13], [sflag:$0x1] =	stream.linear.gather [hbm4b:s16+s3], $0x3E80, $0x38;
	[tilespmem:$0x109D0] =	vst v63  }
0x33: {  	_ =	swait.ge [sflag:s11], $0x3E80  }
0x34: {  	[sflag:s11] =	ssyncset.done $0x0  }
0x35: {  	[sflag:s11] =	ssyncadd.s32 $0xFFFFC180  }
0x36: {  	[spmem:s2] =	stream.indirect.scatter.add.f32 [tilespmem:s13], [sflag:$0x1], $0x8, s12, s14, $0xb8;
	[tilespmem:$0x109D0] =	vst v63  }
0x37: {  	_ =	swait.ge [sflag:s11], $0x3E80  }
0x38: {  	s15 =	sadd.s32 $0x1, s15;
	[sflag:s11] =	ssyncset.done $0x0  }
0x39: {  	p0 =	sne.s32 s15, s7;
	[sflag:s11] =	ssyncadd.s32 $0xFFFFC180  }
.Ltmp1:
0x3a: {  	[bflag:$0x0] =	sbarrier.arrive $0xFFFF;
	(pc) =	sbr.rel @p0 .LBB2_1-.Ltmp1, $4  }
0x3b: {  	[hbm:s6], [sflag:s5] =	dma.local [spmem:s10], $0x1870  }
0x3c: {  	_ =	swait.ge [sflag:s11], $0x1870  }
0x3d: {  	[sflag:s11] =	ssyncset.done $0x0  }
0x3e: {  	[sflag:s11] =	ssyncadd.s32 $0xFFFFE790  }
0x3f: {  	_ =	sfence.sel $0x180000  }
0x40: {  	[bflag:$0x0] =	sbarrier.arrive $0xFFFF  }
0x41: {  	p0 =	sne.s32 s0, $0x0;
	_ =	strace $0x9000004D  }
0x42: {  	s0 =	sadd.s32 @!p0 $0x100000, s1;
	[bflag:$0x2] =	sbarrier.arrive $0xFFFF  }
0x43: {  	[sflag:s0] =	ssyncadd.tile.s32 @!p0 $0x1;
	_ =	shalt  }
.Lfunc_end2:
_tile_overlayer_lowered:
.L_overlay_start_2:
0x44: {  	(tag) =	ssettag $0x2  }
0x45: {  	s0 =	rddreg [dreg:$0x0];
	s2 =	stileid.u32  }
0x46: {  	s1 =	rddreg [dreg:$0x1];
	p0 =	sne.s32 s2, $0x0  }
0x47: {  	s3 =	rddreg [dreg:$0x2];
	[bflag:$0x3] =	sbarrier.arrive $0xFFFF;
	s2 =	simm.s32 @!p0 $0x1C01  }
0x48: {  	[timem:s3], [sflag:s2] =	dma.local @!p0 [hbm:s0], s1  }
0x49: {  	s0 =	simm.s32 @!p0 $0x1  }
0x4a: {  	_ =	swait.ge @!p0 [sflag:s0], s1  }
0x4b: {  	s1 =	ssub.s32 @!p0 $0x0, s1;
	[sflag:s0] =	ssyncset.done @!p0 $0x0  }
0x4c: {  	[sflag:s0] =	ssyncadd.s32 @!p0 s1  }
0x4d: {  	[bflag:$0x3] =	sbarrier.arrive $0xFFFF  }
0x4e: {  	_ =	shalt  }

// kernel: kernel.33.cloned.1.call-start
scs
__scs_entry_jumppad:
0x0: {  	(pc) =	sbr.rel $0x88, $3  }
0x1: {  	(tag) =	ssettag $0x0;
	lr =	simm.s32 $0x1  }
0x2: {  	[smem:$0x3F9D] =	sst lr;
	_ =	strace $0xD0000000  }
0x3: {  	_ = 	snop  }
0x4: {  	_ = 	snop  }
0x5: {  	_ = 	snop  }
0x6: {  	_ = 	snop  }
0x7: {  	_ = 	snop  }
__scs_overlays_trampoline_lowered:
0x8: {  	[smem:$0x3FAC] =	sst s0  }
0x9: {  	[smem:$0x3FAD] =	sst s1  }
0xa: {  	[smem:$0x3FAE] =	sst s2  }
0xb: {  	[smem:$0x3FAF] =	sst s3  }
0xc: {  	[smem:$0x3FB0] =	sst s4  }
0xd: {  	[smem:$0x3FB1] =	sst s5  }
0xe: {  	[smem:$0x3FB2] =	sst s6  }
0xf: {  	[smem:$0x3FB3] =	sst s7  }
0x10: {  	[smem:$0x3FB4] =	sst s8  }
0x11: {  	[smem:$0x3FB5] =	sst s9;
	s0 =	simm.s32 @!p0 $0x0  }
0x12: {  	s1 =	sld [smem:$0x3F9B];
	s0 =	simm.s32 @p0 $0x1  }
0x13: {  	[smem:$0x3FB6] =	sst s0;
	s0 =	simm.s32 @!p1 $0x0  }
0x14: {  	s2 =	sld [smem:$0x3F9A];
	s0 =	simm.s32 @p1 $0x1  }
0x15: {  	[smem:$0x3FB7] =	sst s0;
	s0 =	simm.s32 @!p2 $0x0  }
0x16: {  	s3 =	sld [smem:$0x3FDB];
	s0 =	simm.s32 @p2 $0x1  }
0x17: {  	s4 =	simm.s32 $0x1BF5;
	[smem:$0x3FB9] =	sst s0  }
0x18: {  	s0 =	sld [smem:$0x3F9C];
	_ =	swait.ge [sflag:s4], $0x0  }
0x19: {  	s7 =	sld [smem:$0x3F9D]  }
0x1a: {  	s8 =	sadd.s32 $0xFFFFE003, lr  }
0x1b: {  	s9 =	sadd.s32 $0xFFFFFEF7, lr;
	s5 =	simm.s32 $0xFFFFFFFF;
	p2 =	slt.u32 s8, $0xFFFFF086  }
0x1c: {  	p1 =	slt.u32 s9, $0xF7A;
	s5 =	simm.s32 @!p2 $0x0  }
0x1d: {  	s5 =	simm.s32 @p1 $0x1;
	p0 =	seq.s32 s7, s2  }
0x1e: {  	s7 =	smul.u32 @!p0 $0xF7A, s2;
	p2 =	seq.s32 @!p0 s5, $0x0  }
0x1f: {  	s9 =	smul.u32 $0xF7A, s1;
	s8 =	simm.s32 @!p0 $0x1BF5;
	p2 =	por !p2, p0  }
0x20: {  	[sflag:s8] =	ssyncset.s32 @!p0 $0xFFFFF086;
	s6 =	sadd.s32 @!p0 s3, s7;
	s7 =	simm.s32 @!p0 $0x108  }
0x21: {  	s3 =	sadd.s32 s3, s9;
	s6 =	sadd.s32 @!p0 $0x88, s6;
	s7 =	simm.s32 @p2 $0x1082  }
0x22: {  	[simem:s7], [sflag:s8] =	dma.local @!p0 [hbm:s6], $0xF7A  }
0x23: {  	s9 =	sor.u32 $0xD0000000, s2;
	s6 =	simm.s32 $0x108;
	_ =	swait.ge @!p0 [sflag:s8], $0x0  }
0x24: {  	s3 =	sadd.s32 $0x88, s3;
	s6 =	simm.s32 @!p1 $0x1082;
	[sflag:s4] =	ssyncset.s32 $0xFFFFF086  }
0x25: {  	[simem:s6], [sflag:s4] =	dma.local [hbm:s3], $0xF7A  }
0x26: {  	[smem:$0x3F9D] =	sst s1;
	(tag) =	ssettag s2;
	_ =	strace s9  }
0x27: {  	s1 =	sld [smem:$0x3FAD]  }
0x28: {  	s2 =	sld [smem:$0x3FAE]  }
0x29: {  	s4 =	sld [smem:$0x3FB0]  }
0x2a: {  	p0 =	seq.s32 s5, $0x0;
	s5 =	sld [smem:$0x3FB1]  }
0x2b: {  	s6 =	sld [smem:$0x3FB2]  }
0x2c: {  	s7 =	sld [smem:$0x3FB3]  }
0x2d: {  	s3 =	simm.s32 $0x108;
	s8 =	sld [smem:$0x3FB4]  }
0x2e: {  	s3 =	simm.s32 @!p0 $0x1082;
	s9 =	sld [smem:$0x3FB5]  }
0x2f: {  	lr =	sadd.s32 s0, s3;
	s0 =	sld [smem:$0x3FAC]  }
0x30: {  	s3 =	sld [smem:$0x3FAF]  }
0x31: {  	[smem:$0x3FB8] =	sst s10  }
0x32: {  	s10 =	sld [smem:$0x3FB6];
	_ =	sdelay $0x3  }
0x33: {  	p0 =	seq.s32 s10, $0x1;
	s10 =	sld [smem:$0x3FB8];
	_ =	sdelay $0x3  }
0x34: {  	[smem:$0x3FB8] =	sst s10  }
0x35: {  	s10 =	sld [smem:$0x3FB7];
	_ =	sdelay $0x3  }
0x36: {  	p1 =	seq.s32 s10, $0x1;
	s10 =	sld [smem:$0x3FB8];
	_ =	sdelay $0x3  }
0x37: {  	[smem:$0x3FB8] =	sst s10  }
0x38: {  	s10 =	sld [smem:$0x3FB9]  }
0x39: {  	_ = 	snop;
	(pc) =	sbr.ind lr, $3  }
0x3a: {  	_ = 	snop  }
0x3b: {  	_ = 	snop  }
0x3c: {  	p2 =	seq.s32 s10, $0x1;
	s10 =	sld [smem:$0x3FB8]  }
0x3d: {  	_ =	shalt  }
0x3e: {  	_ =	shalt  }
0x3f: {  	_ =	shalt  }
0x40: {  	_ =	shalt  }
0x41: {  	_ =	shalt  }
0x42: {  	_ =	shalt  }
0x43: {  	_ =	shalt  }
0x44: {  	_ =	shalt  }
0x45: {  	_ =	shalt  }
0x46: {  	_ =	shalt  }
0x47: {  	_ =	shalt  }
0x48: {  	_ =	shalt  }
0x49: {  	_ =	shalt  }
0x4a: {  	_ =	shalt  }
0x4b: {  	_ =	shalt  }
0x4c: {  	_ =	shalt  }
0x4d: {  	_ =	shalt  }
0x4e: {  	_ =	shalt  }
0x4f: {  	_ =	shalt  }
0x50: {  	_ =	shalt  }
0x51: {  	_ =	shalt  }
0x52: {  	_ =	shalt  }
0x53: {  	_ =	shalt  }
0x54: {  	_ =	shalt  }
0x55: {  	_ =	shalt  }
0x56: {  	_ =	shalt  }
0x57: {  	_ =	shalt  }
0x58: {  	_ =	shalt  }
0x59: {  	_ =	shalt  }
0x5a: {  	_ =	shalt  }
0x5b: {  	_ =	shalt  }
0x5c: {  	_ =	shalt  }
0x5d: {  	_ =	shalt  }
0x5e: {  	_ =	shalt  }
0x5f: {  	_ =	shalt  }
0x60: {  	_ =	shalt  }
0x61: {  	_ =	shalt  }
0x62: {  	_ =	shalt  }
0x63: {  	_ =	shalt  }
0x64: {  	_ =	shalt  }
0x65: {  	_ =	shalt  }
0x66: {  	_ =	shalt  }
0x67: {  	_ =	shalt  }
0x68: {  	_ =	shalt  }
0x69: {  	_ =	shalt  }
0x6a: {  	_ =	shalt  }
0x6b: {  	_ =	shalt  }
0x6c: {  	_ =	shalt  }
0x6d: {  	_ =	shalt  }
0x6e: {  	_ =	shalt  }
0x6f: {  	_ =	shalt  }
0x70: {  	_ =	shalt  }
0x71: {  	_ =	shalt  }
0x72: {  	_ =	shalt  }
0x73: {  	_ =	shalt  }
0x74: {  	_ =	shalt  }
0x75: {  	_ =	shalt  }
0x76: {  	_ =	shalt  }
0x77: {  	_ =	shalt  }
0x78: {  	_ =	shalt  }
0x79: {  	_ =	shalt  }
0x7a: {  	_ =	shalt  }
0x7b: {  	_ =	shalt  }
0x7c: {  	_ =	shalt  }
0x7d: {  	_ =	shalt  }
0x7e: {  	_ =	shalt  }
0x7f: {  	_ =	shalt  }
0x80: {  	_ =	shalt  }
0x81: {  	_ =	shalt  }
0x82: {  	_ =	shalt  }
0x83: {  	_ =	shalt  }
0x84: {  	_ =	shalt  }
0x85: {  	_ =	shalt  }
0x86: {  	_ =	shalt  }
0x87: {  	_ =	shalt  }
.Lfunc_end0:
.L_simem_size_0:
called_computation.3_lowered:
.L_overlay_start_0:
0x88: {  	s2 =	sld [smem:$0x3FD9]  }
0x89: {  	s3 =	sld [smem:$0x3FFE];
	_ =	sdelay $0x1  }
0x8a: {  	s1 =	srdreg.scid  }
0x8b: {  	s0 =	sand.u32 $0x1, s1  }
0x8c: {  	s14 =	sshll.u32 s0, $0xA;
	s2 =	sadd.s32 s3, s2  }
0x8d: {  	s2 =	sadd.s32 s2, s14  }
0x8e: {  	[smem:$0x3FC4] =	sst s2  }
0x8f: {  	_ = 	snop  }
0x90: {  	s2 =	sld [smem:$0x3FD0];
	_ =	sdelay $0x2  }
0x91: {  	s15 =	simm.s32 $0xA;
	s4 =	simm.s32 $0x10  }
0x92: {  	[smem:s4], [sflag:s15] =	dma.local [hbm:s2], $0x1  }
0x93: {  	_ =	swait.eq [sflag:s15], $0x1  }
0x94: {  	[sflag:s15] =	ssyncset.done $0x0  }
0x95: {  	s16 =	sld [smem:$0x10];
	[sflag:s15] =	ssyncadd.s32 $0xFFFFFFFF  }
0x96: {  	s17 =	sld [smem:$0x11];
	(tm) =	ssettm $0x1  }
0x97: {  	s18 =	sld [smem:$0x3FFB];
	_ =	sdelay $0x3  }
0x98: {  	_ =	strace s18  }
0x99: {  	s4 =	sld [smem:$0x3FFC];
	_ =	sdelay $0x3  }
0x9a: {  	_ =	strace s4  }
0x9b: {  	s4 =	sld [smem:$0x3FFD];
	_ =	sdelay $0x3  }
0x9c: {  	_ =	strace s4  }
0x9d: {  	_ =	strace $0x8FFFFFFF  }
0x9e: {  	s19 =	sld [smem:$0x3FDB];
	_ =	sdelay $0x1  }
0x9f: {  	s5 =	simm.s32 $_scs_section_size  }
0xa0: {  	s6 =	simm.s32 $_size__tile_overlayer_lowered;
	s7 =	simm.s32 $_tile_overlayer_lowered  }
0xa1: {  	s22 =	simm.s32 $0x1BFF;
	s21 =	sshll.u32 s7, $0x1;
	s4 =	sadd.s32 s5, s19  }
0xa2: {  	s8 =	simm.s32 $0x0;
	s20 =	sshll.u32 s6, $0x1;
	s6 =	sadd.s32 s21, s4  }
0xa3: {  	[timem:s8], [sflag:s22] =	dma.local [hbm:s6], s20  }
0xa4: {  	_ =	swait.ge [sflag:s22], s20  }
0xa5: {  	s5 =	ssub.s32 $0x0, s20;
	[sflag:s22] =	ssyncset.done $0x0  }
0xa6: {  	[sflag:s22] =	ssyncadd.s32 s5;
	_ =	sdelay $0x1  }
0xa7: {  	s23 =	simm.s32 $0x1B8B  }
0xa8: {  	_ =	swait.ge [sflag:s23], $0x1  }
0xa9: {  	[sflag:s23] =	ssyncset.done $0x0  }
0xaa: {  	s25 =	simm.s32 $0x1B8E;
	s24 =	sld [smem:$0x3FFE];
	[sflag:s23] =	ssyncadd.s32 $0xFFFFFFFF  }
0xab: {  	s26 =	simm.s32 $execute0_lowered;
	[smem:$0x3FD2] =	sst s25  }
0xac: {  	s6 =	sshll.u32 s26, $0x1;
	_ =	strace $0x8000004F;
	[dreg:$0x1] =	wrdreg $0xFFFFFFFF  }
0xad: {  	s28 =	simm.s32 $_size_execute0_lowered;
	s4 =	sadd.s32 s4, s6;
	[dreg:$0x0] =	wrdreg $0x0  }
0xae: {  	s6 =	sshll.u32 s28, $0x1;
	[dreg:$0x2] =	wrdreg s4  }
0xaf: {  	[dreg:$0x3] =	wrdreg s6  }
0xb0: {  	[dreg:$0x4] =	wrdreg $0xC0  }
0xb1: {  	_ =	task [dreg:s8], $0x5FFFF  }
0xb2: {  	[dreg:$0x1] =	wrdreg $0xFFFFFFFF  }
0xb3: {  	[dreg:$0x0] =	wrdreg $0x60  }
0xb4: {  	[dreg:$0x2] =	wrdreg s16  }
0xb5: {  	[dreg:$0x3] =	wrdreg s24  }
0xb6: {  	[dreg:$0x4] =	wrdreg s17  }
0xb7: {  	[dreg:$0x5] =	wrdreg $0x0  }
0xb8: {  	[dreg:$0x6] =	wrdreg $0x9  }
0xb9: {  	_ =	task.clear_ibuf [dreg:s8], $0x7FFFF;
	_ =	strace $0x9000004F  }
0xba: {  	s29 =	simm.s32 $0x9;
	_ =	strace $0x80000051  }
0xbb: {  	_ =	swait.ge [sflag:s29], $0x1  }
0xbc: {  	[sflag:s29] =	ssyncadd.s32 $0xFFFFFFFF  }
0xbd: {  	_ =	strace $0x90000051  }
0xbe: {  	_ =	sfence  }
0xbf: {  	s30 =	sld [smem:$0x0];
	_ =	sdelay $0x2  }
0xc0: {  	s31 =	sshll.u32 s1, $0xD;
	s1 =	sshrl.u32 s1, $0x2  }
0xc1: {  	s3 =	sand.u32 $0x4000, s31;
	s1 =	sadd.s32 s1, s30  }
0xc2: {  	s0 =	sor.u32 s3, s0;
	s1 =	sshll.u32 s1, $0x11  }
0xc3: {  	s0 =	sor.u32 s1, s0  }
0xc4: {  	s0 =	sadd.s32 $0x8F2B, s0  }
0xc5: {  	[sflag:s0] =	ssyncadd.remote.s32 $0x1  }
0xc6: {  	_ =	sfence.sel $0xFFFF  }
0xc7: {  	[dreg:$0x0] =	wrdreg $0xFFFFFFFF;
	(pc) =	sbr.abs _section_cstart, $3  }
0xc8: {  	[dreg:$0x1] =	wrdreg $0xFFFFFFFF  }
0xc9: {  	_ =	task.clear_ibuf [dreg:s8], $0x2FFFF;
	_ =	strace $0x9FFFFFFF  }
0xca: {  	(tm) =	ssettm $0x7FFFFFFF  }
0xcb: {  	_ =	shalt  }
tec
execute0_lowered:
.L_overlay_start_1:
0x0: {  	(tag) =	ssettag $0x1  }
0x1: {  	s11 =	rddreg [dreg:$0x0]  }
0x2: {  	s4 =	rddreg [dreg:$0x1]  }
0x3: {  	s10 =	rddreg [dreg:$0x2]  }
0x4: {  	s2 =	rddreg [dreg:$0x3]  }
0x5: {  	s0 =	srdreg.scid;
	s1 =	rddreg [dreg:$0x4];
	s3 =	simm.s32 $0x0  }
0x6: {  	s19 =	simm.s32 $0x11608;
	s20 =	simm.s32 $0xC38;
	s21 =	simm.s32 $0xC380  }
0x7: {  	s22 =	simm.s32 $0x1;
	s23 =	simm.s32 $0x7D0;
	s17 =	sand.u32 $0x1, s0  }
0x8: {  	s24 =	simm.s32 $0xCB50;
	s0 =	stileid.u32;
	s5 =	smul.u32 $0xC3500, s17  }
0x9: {  	s25 =	simm.s32 $0x0;
	[smem:$0x7FF] =	sst s3;
	s6 =	smul.u32 $0x7D0, s0  }
0xa: {  	s14 =	sadd.s32 $0x21FE00, s4;
	s13 =	sadd.s32 $0x18700, s11;
	s9 =	smul.u32 $0x1870, s0  }
0xb: {  	_ =	strace $0x80000050;
	s26 =	ssub.s32 $0x2, s17;
	s29 =	smul.u32 $0x30E00, s0  }
0xc: {  	p0 =	sne.s32 s17, $0x0;
	s17 =	simm.s32 $0x109D0;
	s28 =	sshrl.u32 s26, $0x1  }
0xd: {  	s5 =	sadd.s32 s6, s5;
	s30 =	sshrl.u32 s9, $0x3;
	s7 =	sshrl.u32 s29, $0x2  }
0xe: {  	s18 =	sadd.s32 $0xC38, s9;
	s8 =	sadd.s32 s9, s13;
	s6 =	sshrl.u32 s5, $0x3  }
0xf: {  	s15 =	sadd.s32 s5, s4;
	s5 =	sadd.s32 s10, s30;
	s7 =	sadd.s32 s7, s2  }
0x10: {  	s12 =	sshrl.u32 s18, $0x3;
	s31 =	sshll.u32 s18, $0x3;
	s13 =	sadd.s32 s18, s13  }
0x11: {  	s16 =	sadd.s32 s6, s4;
	s4 =	ssub.s32 s26, s28;
	s6 =	sadd.s32 s11, s9  }
0x12: {  	s9 =	sadd.s32 s14, s9;
	s10 =	sadd.s32 s10, s12;
	s11 =	sadd.s32 s11, s18  }
0x13: {  	s12 =	sadd.s32 s31, s2;
	s14 =	sadd.s32 s14, s18;
	s15 =	sadd.s32 $0x68000, s15  }
0x14: {  	s18 =	simm.s32 $0x2;
	s4 =	smax.u32 s4, $0x1;
	s16 =	sadd.s32 $0x37200, s16  }
.LBB2_1:
0x15: {  	[tilespmem:s17], [sflag:$0x2] =	stream.linear.gather [hbm4b:s5+s3], $0xC38, $0x38;
	[tilespmem:$0x177C8] =	vst v63  }
0x16: {  	_ =	swait.ge [sflag:s18], $0xC38  }
0x17: {  	[sflag:s18] =	ssyncset.done $0x0  }
0x18: {  	[sflag:s18] =	ssyncadd.s32 $0xFFFFF3C8  }
0x19: {  	[tilespmem:s19], [sflag:$0x2] =	stream.linear.gather [hbm4b:s6+s3], $0x61C0, $0x38;
	[tilespmem:$0x177C8] =	vst v63  }
0x1a: {  	_ =	swait.ge [sflag:s18], $0x61C0  }
0x1b: {  	[sflag:s18] =	ssyncset.done $0x0  }
0x1c: {  	[sflag:s18] =	ssyncadd.s32 $0xFFFF9E40  }
0x1d: {  	[spmem:s7] =	stream.linear.scatter [tilespmem:s19], [sflag:$0x2], $0x61C0, $0x38;
	[tilespmem:$0x177C8] =	vst v63  }
0x1e: {  	_ =	swait.ge [sflag:s18], $0x61C0  }
0x1f: {  	[sflag:s18] =	ssyncset.done $0x0  }
0x20: {  	[sflag:s18] =	ssyncadd.s32 $0xFFFF9E40  }
0x21: {  	[tilespmem:s19], [sflag:$0x2] =	stream.linear.gather [hbm4b:s8+s3], $0x61C0, $0x38;
	[tilespmem:$0x177C8] =	vst v63  }
0x22: {  	_ =	swait.ge [sflag:s18], $0x61C0  }
0x23: {  	[sflag:s18] =	ssyncset.done $0x0  }
0x24: {  	[sflag:s18] =	ssyncadd.s32 $0xFFFF9E40  }
0x25: {  	[spmem:s2] =	stream.indirect.scatter.add.f32 [tilespmem:s19], [sflag:$0x2], $0x8, s17, s20, $0xb8;
	[tilespmem:$0x177C8] =	vst v63  }
0x26: {  	_ =	swait.ge [sflag:s18], $0x61C0  }
0x27: {  	s26 =	sshll.u32 @!p0 s0, $0x6;
	[sflag:s18] =	ssyncset.done $0x0  }
0x28: {  	s28 =	sshrl.u32 @!p0 s7, $0x3;
	s26 =	sor.u32 @!p0 $0x1C01, s26;
	[sflag:s18] =	ssyncadd.s32 $0xFFFF9E40  }
0x29: {  	[hbm:s9], [sflag:s26] =	dma.local @!p0 [spmem:s28], $0xC38  }
0x2a: {  	s28 =	simm.s32 @!p0 $0x1  }
0x2b: {  	_ =	swait.ge @!p0 [sflag:s28], $0xC38  }
0x2c: {  	[sflag:s28] =	ssyncset.done @!p0 $0x0  }
0x2d: {  	[sflag:s28] =	ssyncadd.s32 @!p0 $0xFFFFF3C8  }
0x2e: {  	[tilespmem:s17], [sflag:$0x2] =	stream.linear.gather [hbm4b:s10+s3], $0xC38, $0x38;
	[tilespmem:$0x177C8] =	vst v63  }
0x2f: {  	_ =	swait.ge [sflag:s18], $0xC38  }
0x30: {  	[sflag:s18] =	ssyncset.done $0x0  }
0x31: {  	[sflag:s18] =	ssyncadd.s32 $0xFFFFF3C8  }
0x32: {  	[tilespmem:s19], [sflag:$0x2] =	stream.linear.gather [hbm4b:s11+s3], $0x61C0, $0x38;
	[tilespmem:$0x177C8] =	vst v63  }
0x33: {  	_ =	swait.ge [sflag:s18], $0x61C0  }
0x34: {  	[sflag:s18] =	ssyncset.done $0x0  }
0x35: {  	[sflag:s18] =	ssyncadd.s32 $0xFFFF9E40  }
0x36: {  	[spmem:s12] =	stream.linear.scatter [tilespmem:s19], [sflag:$0x2], $0x61C0, $0x38;
	[tilespmem:$0x177C8] =	vst v63  }
0x37: {  	_ =	swait.ge [sflag:s18], $0x61C0  }
0x38: {  	[sflag:s18] =	ssyncset.done $0x0  }
0x39: {  	[sflag:s18] =	ssyncadd.s32 $0xFFFF9E40  }
0x3a: {  	[tilespmem:s19], [sflag:$0x2] =	stream.linear.gather [hbm4b:s13+s3], $0x61C0, $0x38;
	[tilespmem:$0x177C8] =	vst v63  }
0x3b: {  	_ =	swait.ge [sflag:s18], $0x61C0  }
0x3c: {  	[sflag:s18] =	ssyncset.done $0x0  }
0x3d: {  	[sflag:s18] =	ssyncadd.s32 $0xFFFF9E40  }
0x3e: {  	[spmem:s2] =	stream.indirect.scatter.add.f32 [tilespmem:s19], [sflag:$0x2], $0x8, s17, s20, $0xb8;
	[tilespmem:$0x177C8] =	vst v63  }
0x3f: {  	_ =	swait.ge [sflag:s18], $0x61C0  }
0x40: {  	[sflag:s18] =	ssyncset.done $0x0  }
0x41: {  	s29 =	sshrl.u32 @!p0 s12, $0x3;
	[sflag:s18] =	ssyncadd.s32 $0xFFFF9E40  }
0x42: {  	[hbm:s14], [sflag:s26] =	dma.local @!p0 [spmem:s29], $0xC38  }
0x43: {  	_ =	swait.ge @!p0 [sflag:s28], $0xC38  }
0x44: {  	[sflag:s28] =	ssyncset.done @!p0 $0x0  }
0x45: {  	[sflag:s28] =	ssyncadd.s32 @!p0 $0xFFFFF3C8  }
0x46: {  	s31 =	sadd.s32 $0x0, s16;
	[bflag:$0x0] =	sbarrier.arrive $0xFFFF  }
0x47: {  	[tilespmem:s21], [sflag:$0x1] =	stream.linear.gather [hbm4b:s31+s3], $0x7D0, $0x38;
	[tilespmem:$0x177C8] =	vst v63  }
0x48: {  	_ =	swait.ge [sflag:s22], $0x7D0  }
0x49: {  	[sflag:s22] =	ssyncset.done $0x0  }
0x4a: {  	[sflag:s22] =	ssyncadd.s32 $0xFFFFF830  }
0x4b: {  	[tilespmem:s24], [sflag:$0x1] =	stream.indirect.gather [spmem:s2], $0x8, s21, s23, $0xb8;
	[tilespmem:$0x177C8] =	vst v63  }
0x4c: {  	_ =	swait.ge [sflag:s22], $0x3E80  }
0x4d: {  	[sflag:s22] =	ssyncset.done $0x0  }
0x4e: {  	[sflag:s22] =	ssyncadd.s32 $0xFFFFC180  }
0x4f: {  	[hbm4b:s15+s3] =	stream.linear.scatter [tilespmem:s24], [sflag:$0x1], $0x3E80, $0x38;
	[tilespmem:$0x177C8] =	vst v63  }
0x50: {  	s29 =	simm.s32 $0x1F40;
	_ =	swait.ge [sflag:s22], $0x3E80  }
0x51: {  	s26 =	sadd.s32 $0x7D00, s15;
	s28 =	simm.s32 $0xFA0;
	[sflag:s22] =	ssyncset.done $0x0  }
.LBB2_2:
0x52: {  	s30 =	sadd.s32 s28, s16  }
0x53: {  	[sflag:s22] =	ssyncadd.s32 $0xFFFFC180;
	s28 =	smov.u32 s29;
	s31 =	sadd.s32 $0xFA0, s29  }
0x54: {  	[tilespmem:s21], [sflag:$0x1] =	stream.linear.gather [hbm4b:s30+s3], $0x7D0, $0x38;
	[tilespmem:$0x177C8] =	vst v63  }
0x55: {  	p1 =	sne.s32 s29, $0x17700;
	_ =	swait.ge [sflag:s22], $0x7D0  }
0x56: {  	[sflag:s22] =	ssyncset.done $0x0  }
0x57: {  	[sflag:s22] =	ssyncadd.s32 $0xFFFFF830  }
0x58: {  	[tilespmem:s24], [sflag:$0x1] =	stream.indirect.gather [spmem:s2], $0x8, s21, s23, $0xb8;
	[tilespmem:$0x177C8] =	vst v63  }
0x59: {  	_ =	swait.ge [sflag:s22], $0x3E80  }
.Ltmp0:
0x5a: {  	[sflag:s22] =	ssyncset.done $0x0;
	(pc) =	sbr.rel @p1 .LBB2_2-.Ltmp0, $4  }
0x5b: {  	[sflag:s22] =	ssyncadd.s32 $0xFFFFC180  }
0x5c: {  	[hbm4b:s26+s3] =	stream.linear.scatter [tilespmem:s24], [sflag:$0x1], $0x3E80, $0x38;
	[tilespmem:$0x177C8] =	vst v63  }
0x5d: {  	_ =	swait.ge [sflag:s22], $0x3E80  }
0x5e: {  	s29 =	smov.u32 s31;
	s26 =	sadd.s32 $0x7D00, s26;
	[sflag:s22] =	ssyncset.done $0x0  }
0x5f: {  	s28 =	sadd.s32 s28, s16;
	[sflag:s22] =	ssyncadd.s32 $0xFFFFC180  }
0x60: {  	[tilespmem:s21], [sflag:$0x1] =	stream.linear.gather [hbm4b:s28+s3], $0x7D0, $0x38;
	[tilespmem:$0x177C8] =	vst v63  }
0x61: {  	_ =	swait.ge [sflag:s22], $0x7D0  }
0x62: {  	[sflag:s22] =	ssyncset.done $0x0  }
0x63: {  	[sflag:s22] =	ssyncadd.s32 $0xFFFFF830  }
0x64: {  	[tilespmem:s24], [sflag:$0x1] =	stream.indirect.gather [spmem:s2], $0x8, s21, s23, $0xb8;
	[tilespmem:$0x177C8] =	vst v63  }
0x65: {  	s25 =	sadd.s32 $0x1, s25;
	_ =	swait.ge [sflag:s22], $0x3E80  }
0x66: {  	p1 =	sne.s32 s25, s4;
	[sflag:s22] =	ssyncset.done $0x0  }
.Ltmp1:
0x67: {  	[sflag:s22] =	ssyncadd.s32 $0xFFFFC180;
	(pc) =	sbr.rel @p1 .LBB2_1-.Ltmp1, $4  }
0x68: {  	[hbm4b:s26+s3] =	stream.linear.scatter [tilespmem:s24], [sflag:$0x1], $0x3E80, $0x38;
	[tilespmem:$0x177C8] =	vst v63  }
0x69: {  	_ =	swait.ge [sflag:s22], $0x3E80  }
0x6a: {  	[sflag:s22] =	ssyncset.done $0x0  }
0x6b: {  	[sflag:s22] =	ssyncadd.s32 $0xFFFFC180  }
0x6c: {  	_ =	sfence.sel $0x180000  }
0x6d: {  	[bflag:$0x0] =	sbarrier.arrive $0xFFFF  }
0x6e: {  	p0 =	sne.s32 s0, $0x0;
	_ =	strace $0x90000050  }
0x6f: {  	s0 =	sadd.s32 @!p0 $0x100000, s1;
	[bflag:$0x2] =	sbarrier.arrive $0xFFFF  }
0x70: {  	[sflag:s0] =	ssyncadd.tile.s32 @!p0 $0x1;
	_ =	shalt  }
.Lfunc_end2:
_tile_overlayer_lowered:
.L_overlay_start_2:
0x71: {  	(tag) =	ssettag $0x2  }
0x72: {  	s0 =	rddreg [dreg:$0x0];
	s2 =	stileid.u32  }
0x73: {  	s1 =	rddreg [dreg:$0x1];
	p0 =	sne.s32 s2, $0x0  }
0x74: {  	s3 =	rddreg [dreg:$0x2];
	[bflag:$0x3] =	sbarrier.arrive $0xFFFF;
	s2 =	simm.s32 @!p0 $0x1C01  }
0x75: {  	[timem:s3], [sflag:s2] =	dma.local @!p0 [hbm:s0], s1  }
0x76: {  	s0 =	simm.s32 @!p0 $0x1  }
0x77: {  	_ =	swait.ge @!p0 [sflag:s0], s1  }
0x78: {  	s1 =	ssub.s32 @!p0 $0x0, s1;
	[sflag:s0] =	ssyncset.done @!p0 $0x0  }
0x79: {  	[sflag:s0] =	ssyncadd.s32 @!p0 s1  }
0x7a: {  	[bflag:$0x3] =	sbarrier.arrive $0xFFFF  }
0x7b: {  	_ =	shalt  }

// kernel: kernel.36.cloned.1.call-start
scs
__scs_entry_jumppad:
0x0: {  	(pc) =	sbr.rel $0x88, $3  }
0x1: {  	(tag) =	ssettag $0x0;
	lr =	simm.s32 $0x1  }
0x2: {  	[smem:$0x3F9D] =	sst lr;
	_ =	strace $0xD0000000  }
0x3: {  	_ = 	snop  }
0x4: {  	_ = 	snop  }
0x5: {  	_ = 	snop  }
0x6: {  	_ = 	snop  }
0x7: {  	_ = 	snop  }
__scs_overlays_trampoline_lowered:
0x8: {  	[smem:$0x3FAC] =	sst s0  }
0x9: {  	[smem:$0x3FAD] =	sst s1  }
0xa: {  	[smem:$0x3FAE] =	sst s2  }
0xb: {  	[smem:$0x3FAF] =	sst s3  }
0xc: {  	[smem:$0x3FB0] =	sst s4  }
0xd: {  	[smem:$0x3FB1] =	sst s5  }
0xe: {  	[smem:$0x3FB2] =	sst s6  }
0xf: {  	[smem:$0x3FB3] =	sst s7  }
0x10: {  	[smem:$0x3FB4] =	sst s8  }
0x11: {  	[smem:$0x3FB5] =	sst s9;
	s0 =	simm.s32 @!p0 $0x0  }
0x12: {  	s1 =	sld [smem:$0x3F9B];
	s0 =	simm.s32 @p0 $0x1  }
0x13: {  	[smem:$0x3FB6] =	sst s0;
	s0 =	simm.s32 @!p1 $0x0  }
0x14: {  	s2 =	sld [smem:$0x3F9A];
	s0 =	simm.s32 @p1 $0x1  }
0x15: {  	[smem:$0x3FB7] =	sst s0;
	s0 =	simm.s32 @!p2 $0x0  }
0x16: {  	s3 =	sld [smem:$0x3FDB];
	s0 =	simm.s32 @p2 $0x1  }
0x17: {  	s4 =	simm.s32 $0x1BF5;
	[smem:$0x3FB9] =	sst s0  }
0x18: {  	s0 =	sld [smem:$0x3F9C];
	_ =	swait.ge [sflag:s4], $0x0  }
0x19: {  	s7 =	sld [smem:$0x3F9D]  }
0x1a: {  	s8 =	sadd.s32 $0xFFFFE003, lr  }
0x1b: {  	s9 =	sadd.s32 $0xFFFFFEF7, lr;
	s5 =	simm.s32 $0xFFFFFFFF;
	p2 =	slt.u32 s8, $0xFFFFF086  }
0x1c: {  	p1 =	slt.u32 s9, $0xF7A;
	s5 =	simm.s32 @!p2 $0x0  }
0x1d: {  	s5 =	simm.s32 @p1 $0x1;
	p0 =	seq.s32 s7, s2  }
0x1e: {  	s7 =	smul.u32 @!p0 $0xF7A, s2;
	p2 =	seq.s32 @!p0 s5, $0x0  }
0x1f: {  	s9 =	smul.u32 $0xF7A, s1;
	s8 =	simm.s32 @!p0 $0x1BF5;
	p2 =	por !p2, p0  }
0x20: {  	[sflag:s8] =	ssyncset.s32 @!p0 $0xFFFFF086;
	s6 =	sadd.s32 @!p0 s3, s7;
	s7 =	simm.s32 @!p0 $0x108  }
0x21: {  	s3 =	sadd.s32 s3, s9;
	s6 =	sadd.s32 @!p0 $0x88, s6;
	s7 =	simm.s32 @p2 $0x1082  }
0x22: {  	[simem:s7], [sflag:s8] =	dma.local @!p0 [hbm:s6], $0xF7A  }
0x23: {  	s9 =	sor.u32 $0xD0000000, s2;
	s6 =	simm.s32 $0x108;
	_ =	swait.ge @!p0 [sflag:s8], $0x0  }
0x24: {  	s3 =	sadd.s32 $0x88, s3;
	s6 =	simm.s32 @!p1 $0x1082;
	[sflag:s4] =	ssyncset.s32 $0xFFFFF086  }
0x25: {  	[simem:s6], [sflag:s4] =	dma.local [hbm:s3], $0xF7A  }
0x26: {  	[smem:$0x3F9D] =	sst s1;
	(tag) =	ssettag s2;
	_ =	strace s9  }
0x27: {  	s1 =	sld [smem:$0x3FAD]  }
0x28: {  	s2 =	sld [smem:$0x3FAE]  }
0x29: {  	s4 =	sld [smem:$0x3FB0]  }
0x2a: {  	p0 =	seq.s32 s5, $0x0;
	s5 =	sld [smem:$0x3FB1]  }
0x2b: {  	s6 =	sld [smem:$0x3FB2]  }
0x2c: {  	s7 =	sld [smem:$0x3FB3]  }
0x2d: {  	s3 =	simm.s32 $0x108;
	s8 =	sld [smem:$0x3FB4]  }
0x2e: {  	s3 =	simm.s32 @!p0 $0x1082;
	s9 =	sld [smem:$0x3FB5]  }
0x2f: {  	lr =	sadd.s32 s0, s3;
	s0 =	sld [smem:$0x3FAC]  }
0x30: {  	s3 =	sld [smem:$0x3FAF]  }
0x31: {  	[smem:$0x3FB8] =	sst s10  }
0x32: {  	s10 =	sld [smem:$0x3FB6];
	_ =	sdelay $0x3  }
0x33: {  	p0 =	seq.s32 s10, $0x1;
	s10 =	sld [smem:$0x3FB8];
	_ =	sdelay $0x3  }
0x34: {  	[smem:$0x3FB8] =	sst s10  }
0x35: {  	s10 =	sld [smem:$0x3FB7];
	_ =	sdelay $0x3  }
0x36: {  	p1 =	seq.s32 s10, $0x1;
	s10 =	sld [smem:$0x3FB8];
	_ =	sdelay $0x3  }
0x37: {  	[smem:$0x3FB8] =	sst s10  }
0x38: {  	s10 =	sld [smem:$0x3FB9]  }
0x39: {  	_ = 	snop;
	(pc) =	sbr.ind lr, $3  }
0x3a: {  	_ = 	snop  }
0x3b: {  	_ = 	snop  }
0x3c: {  	p2 =	seq.s32 s10, $0x1;
	s10 =	sld [smem:$0x3FB8]  }
0x3d: {  	_ =	shalt  }
0x3e: {  	_ =	shalt  }
0x3f: {  	_ =	shalt  }
0x40: {  	_ =	shalt  }
0x41: {  	_ =	shalt  }
0x42: {  	_ =	shalt  }
0x43: {  	_ =	shalt  }
0x44: {  	_ =	shalt  }
0x45: {  	_ =	shalt  }
0x46: {  	_ =	shalt  }
0x47: {  	_ =	shalt  }
0x48: {  	_ =	shalt  }
0x49: {  	_ =	shalt  }
0x4a: {  	_ =	shalt  }
0x4b: {  	_ =	shalt  }
0x4c: {  	_ =	shalt  }
0x4d: {  	_ =	shalt  }
0x4e: {  	_ =	shalt  }
0x4f: {  	_ =	shalt  }
0x50: {  	_ =	shalt  }
0x51: {  	_ =	shalt  }
0x52: {  	_ =	shalt  }
0x53: {  	_ =	shalt  }
0x54: {  	_ =	shalt  }
0x55: {  	_ =	shalt  }
0x56: {  	_ =	shalt  }
0x57: {  	_ =	shalt  }
0x58: {  	_ =	shalt  }
0x59: {  	_ =	shalt  }
0x5a: {  	_ =	shalt  }
0x5b: {  	_ =	shalt  }
0x5c: {  	_ =	shalt  }
0x5d: {  	_ =	shalt  }
0x5e: {  	_ =	shalt  }
0x5f: {  	_ =	shalt  }
0x60: {  	_ =	shalt  }
0x61: {  	_ =	shalt  }
0x62: {  	_ =	shalt  }
0x63: {  	_ =	shalt  }
0x64: {  	_ =	shalt  }
0x65: {  	_ =	shalt  }
0x66: {  	_ =	shalt  }
0x67: {  	_ =	shalt  }
0x68: {  	_ =	shalt  }
0x69: {  	_ =	shalt  }
0x6a: {  	_ =	shalt  }
0x6b: {  	_ =	shalt  }
0x6c: {  	_ =	shalt  }
0x6d: {  	_ =	shalt  }
0x6e: {  	_ =	shalt  }
0x6f: {  	_ =	shalt  }
0x70: {  	_ =	shalt  }
0x71: {  	_ =	shalt  }
0x72: {  	_ =	shalt  }
0x73: {  	_ =	shalt  }
0x74: {  	_ =	shalt  }
0x75: {  	_ =	shalt  }
0x76: {  	_ =	shalt  }
0x77: {  	_ =	shalt  }
0x78: {  	_ =	shalt  }
0x79: {  	_ =	shalt  }
0x7a: {  	_ =	shalt  }
0x7b: {  	_ =	shalt  }
0x7c: {  	_ =	shalt  }
0x7d: {  	_ =	shalt  }
0x7e: {  	_ =	shalt  }
0x7f: {  	_ =	shalt  }
0x80: {  	_ =	shalt  }
0x81: {  	_ =	shalt  }
0x82: {  	_ =	shalt  }
0x83: {  	_ =	shalt  }
0x84: {  	_ =	shalt  }
0x85: {  	_ =	shalt  }
0x86: {  	_ =	shalt  }
0x87: {  	_ =	shalt  }
.Lfunc_end0:
.L_simem_size_0:
called_computation.4_lowered:
.L_overlay_start_0:
0x88: {  	s2 =	sld [smem:$0x3FD9]  }
0x89: {  	s3 =	sld [smem:$0x3FFE];
	_ =	sdelay $0x1  }
0x8a: {  	s1 =	srdreg.scid  }
0x8b: {  	s0 =	sand.u32 $0x1, s1  }
0x8c: {  	s14 =	sshll.u32 s0, $0xA;
	s2 =	sadd.s32 s3, s2  }
0x8d: {  	s2 =	sadd.s32 s2, s14  }
0x8e: {  	[smem:$0x3FC4] =	sst s2  }
0x8f: {  	_ = 	snop  }
0x90: {  	s2 =	sld [smem:$0x3FD0];
	_ =	sdelay $0x2  }
0x91: {  	s15 =	simm.s32 $0xA;
	s4 =	simm.s32 $0x10  }
0x92: {  	[smem:s4], [sflag:s15] =	dma.local [hbm:s2], $0x1  }
0x93: {  	_ =	swait.eq [sflag:s15], $0x1  }
0x94: {  	[sflag:s15] =	ssyncset.done $0x0  }
0x95: {  	[sflag:s15] =	ssyncadd.s32 $0xFFFFFFFF  }
0x96: {  	s16 =	sld [smem:$0x10];
	(tm) =	ssettm $0x1  }
0x97: {  	s17 =	sld [smem:$0x3FFB];
	_ =	sdelay $0x3  }
0x98: {  	_ =	strace s17  }
0x99: {  	s3 =	sld [smem:$0x3FFC];
	_ =	sdelay $0x3  }
0x9a: {  	_ =	strace s3  }
0x9b: {  	s3 =	sld [smem:$0x3FFD];
	_ =	sdelay $0x3  }
0x9c: {  	_ =	strace s3  }
0x9d: {  	_ =	strace $0x8FFFFFFF  }
0x9e: {  	s18 =	sld [smem:$0x3FDB];
	_ =	sdelay $0x1  }
0x9f: {  	s19 =	simm.s32 $_scs_section_size  }
0xa0: {  	s5 =	simm.s32 $_size__tile_overlayer_lowered;
	s6 =	simm.s32 $_tile_overlayer_lowered  }
0xa1: {  	s22 =	simm.s32 $0x1BFF;
	s21 =	sshll.u32 s6, $0x1;
	s3 =	sadd.s32 s19, s18  }
0xa2: {  	s7 =	simm.s32 $0x0;
	s20 =	sshll.u32 s5, $0x1;
	s5 =	sadd.s32 s21, s3  }
0xa3: {  	[timem:s7], [sflag:s22] =	dma.local [hbm:s5], s20  }
0xa4: {  	_ =	swait.ge [sflag:s22], s20  }
0xa5: {  	s4 =	ssub.s32 $0x0, s20;
	[sflag:s22] =	ssyncset.done $0x0  }
0xa6: {  	[sflag:s22] =	ssyncadd.s32 s4;
	_ =	sdelay $0x1  }
0xa7: {  	s23 =	simm.s32 $0x1B8B  }
0xa8: {  	_ =	swait.ge [sflag:s23], $0x1  }
0xa9: {  	[sflag:s23] =	ssyncset.done $0x0  }
0xaa: {  	s25 =	simm.s32 $0x1B8E;
	s24 =	sld [smem:$0x3FFE];
	[sflag:s23] =	ssyncadd.s32 $0xFFFFFFFF  }
0xab: {  	s26 =	simm.s32 $execute0_lowered;
	[smem:$0x3FD2] =	sst s25  }
0xac: {  	s5 =	sshll.u32 s26, $0x1;
	_ =	strace $0x80000052;
	[dreg:$0x1] =	wrdreg $0xFFFFFFFF  }
0xad: {  	s28 =	simm.s32 $_size_execute0_lowered;
	s3 =	sadd.s32 s3, s5;
	[dreg:$0x0] =	wrdreg $0x0  }
0xae: {  	s5 =	sshll.u32 s28, $0x1;
	[dreg:$0x2] =	wrdreg s3  }
0xaf: {  	[dreg:$0x3] =	wrdreg s5  }
0xb0: {  	[dreg:$0x4] =	wrdreg $0xC0  }
0xb1: {  	_ =	task [dreg:s7], $0x5FFFF  }
0xb2: {  	[dreg:$0x1] =	wrdreg $0xFFFFFFFF  }
0xb3: {  	[dreg:$0x0] =	wrdreg $0x60  }
0xb4: {  	[dreg:$0x2] =	wrdreg s24  }
0xb5: {  	[dreg:$0x3] =	wrdreg s16  }
0xb6: {  	[dreg:$0x4] =	wrdreg $0x0  }
0xb7: {  	[dreg:$0x5] =	wrdreg $0x9  }
0xb8: {  	_ =	task.clear_ibuf [dreg:s7], $0x6FFFF;
	_ =	strace $0x90000052  }
0xb9: {  	s29 =	simm.s32 $0x9;
	_ =	strace $0x80000054  }
0xba: {  	_ =	swait.ge [sflag:s29], $0x1  }
0xbb: {  	[sflag:s29] =	ssyncadd.s32 $0xFFFFFFFF  }
0xbc: {  	_ =	strace $0x90000054  }
0xbd: {  	_ =	sfence  }
0xbe: {  	s30 =	sld [smem:$0x0];
	_ =	sdelay $0x2  }
0xbf: {  	s31 =	sshll.u32 s1, $0xD;
	s1 =	sshrl.u32 s1, $0x2  }
0xc0: {  	s3 =	sand.u32 $0x4000, s31;
	s1 =	sadd.s32 s1, s30  }
0xc1: {  	s0 =	sor.u32 s3, s0;
	s1 =	sshll.u32 s1, $0x11  }
0xc2: {  	s0 =	sor.u32 s1, s0  }
0xc3: {  	s0 =	sadd.s32 $0x8F2B, s0  }
0xc4: {  	[sflag:s0] =	ssyncadd.remote.s32 $0x1  }
0xc5: {  	_ =	sfence.sel $0xFFFF  }
0xc6: {  	[dreg:$0x0] =	wrdreg $0xFFFFFFFF;
	(pc) =	sbr.abs _section_cstart, $3  }
0xc7: {  	[dreg:$0x1] =	wrdreg $0xFFFFFFFF  }
0xc8: {  	_ =	task.clear_ibuf [dreg:s7], $0x2FFFF;
	_ =	strace $0x9FFFFFFF  }
0xc9: {  	(tm) =	ssettm $0x7FFFFFFF  }
tec
execute0_lowered:
.L_overlay_start_1:
0x0: {  	(tag) =	ssettag $0x1  }
0x1: {  	s4 =	rddreg [dreg:$0x0]  }
0x2: {  	s6 =	rddreg [dreg:$0x1]  }
0x3: {  	s0 =	srdreg.scid;
	s2 =	rddreg [dreg:$0x2]  }
0x4: {  	s1 =	rddreg [dreg:$0x3];
	s5 =	sand.u32 $0x1, s0  }
0x5: {  	s3 =	simm.s32 $0x0;
	s0 =	stileid.u32;
	s7 =	smul.u32 $0xC3500, s5  }
0x6: {  	s13 =	simm.s32 $0xCB50;
	s14 =	simm.s32 $0x7D0;
	s8 =	smul.u32 $0x7D0, s0  }
0x7: {  	s15 =	simm.s32 $0x0;
	[smem:$0x7FF] =	sst s3;
	s9 =	smul.u32 $0xC380, s0  }
0x8: {  	_ =	strace $0x80000053;
	s10 =	ssub.s32 $0x2, s5;
	s5 =	smul.u32 $0xC3800, s5  }
0x9: {  	s30 =	sshll.u32 s0, $0x6;
	s12 =	sshrl.u32 s10, $0x1;
	s7 =	sadd.s32 s8, s7  }
0xa: {  	s26 =	sshrl.u32 s9, $0x3;
	s28 =	ssub.s32 s10, s12;
	s5 =	sadd.s32 s9, s5  }
0xb: {  	s29 =	sadd.s32 s9, s2;
	s12 =	simm.s32 $0xC380;
	s8 =	sadd.s32 s7, s4  }
0xc: {  	s7 =	sshrl.u32 s7, $0x3;
	s31 =	sshrl.u32 s5, $0x3;
	s5 =	sor.u32 $0x1C01, s30  }
0xd: {  	s10 =	sshrl.u32 s29, $0x3;
	s11 =	sadd.s32 s7, s4;
	s4 =	sadd.s32 s26, s4  }
0xe: {  	s6 =	sadd.s32 s6, s31;
	s7 =	smax.u32 s28, $0x1;
	s8 =	sadd.s32 $0x68000, s8  }
0xf: {  	s4 =	sadd.s32 $0x1EEA00, s4;
	s9 =	sadd.s32 $0x6400, s11;
	s11 =	simm.s32 $0x1  }
.LBB2_1:
0x10: {  	[spmem:s10], [sflag:s5] =	dma.local [hbm:s4], $0x1870  }
0x11: {  	_ =	swait.ge [sflag:s11], $0x1870  }
0x12: {  	[sflag:s11] =	ssyncset.done $0x0  }
0x13: {  	[sflag:s11] =	ssyncadd.s32 $0xFFFFE790  }
0x14: {  	s16 =	sadd.s32 $0x0, s9;
	[bflag:$0x0] =	sbarrier.arrive $0xFFFF  }
0x15: {  	[tilespmem:s12], [sflag:$0x1] =	stream.linear.gather [hbm4b:s16+s3], $0x7D0, $0x38;
	[tilespmem:$0x109D0] =	vst v63  }
0x16: {  	_ =	swait.ge [sflag:s11], $0x7D0  }
0x17: {  	[sflag:s11] =	ssyncset.done $0x0  }
0x18: {  	[sflag:s11] =	ssyncadd.s32 $0xFFFFF830  }
0x19: {  	[tilespmem:s13], [sflag:$0x1] =	stream.linear.gather [hbm4b:s8+s3], $0x3E80, $0x38;
	[tilespmem:$0x109D0] =	vst v63  }
0x1a: {  	_ =	swait.ge [sflag:s11], $0x3E80  }
0x1b: {  	[sflag:s11] =	ssyncset.done $0x0  }
0x1c: {  	[sflag:s11] =	ssyncadd.s32 $0xFFFFC180  }
0x1d: {  	[spmem:s2] =	stream.indirect.scatter.add.f32 [tilespmem:s13], [sflag:$0x1], $0x8, s12, s14, $0xb8;
	[tilespmem:$0x109D0] =	vst v63  }
0x1e: {  	s17 =	simm.s32 $0xFA0;
	_ =	swait.ge [sflag:s11], $0x3E80  }
0x1f: {  	s18 =	simm.s32 $0x1F40;
	s16 =	sadd.s32 $0x7D00, s8;
	[sflag:s11] =	ssyncset.done $0x0  }
.LBB2_2:
0x20: {  	s19 =	sadd.s32 s17, s9  }
0x21: {  	[sflag:s11] =	ssyncadd.s32 $0xFFFFC180;
	s17 =	smov.u32 s18;
	s20 =	sadd.s32 $0xFA0, s18  }
0x22: {  	[tilespmem:s12], [sflag:$0x1] =	stream.linear.gather [hbm4b:s19+s3], $0x7D0, $0x38;
	[tilespmem:$0x109D0] =	vst v63  }
0x23: {  	p0 =	sne.s32 s18, $0x17700;
	_ =	swait.ge [sflag:s11], $0x7D0  }
0x24: {  	[sflag:s11] =	ssyncset.done $0x0  }
0x25: {  	[sflag:s11] =	ssyncadd.s32 $0xFFFFF830  }
0x26: {  	[tilespmem:s13], [sflag:$0x1] =	stream.linear.gather [hbm4b:s16+s3], $0x3E80, $0x38;
	[tilespmem:$0x109D0] =	vst v63  }
0x27: {  	_ =	swait.ge [sflag:s11], $0x3E80  }
.Ltmp0:
0x28: {  	[sflag:s11] =	ssyncset.done $0x0;
	(pc) =	sbr.rel @p0 .LBB2_2-.Ltmp0, $4  }
0x29: {  	[sflag:s11] =	ssyncadd.s32 $0xFFFFC180  }
0x2a: {  	[spmem:s2] =	stream.indirect.scatter.add.f32 [tilespmem:s13], [sflag:$0x1], $0x8, s12, s14, $0xb8;
	[tilespmem:$0x109D0] =	vst v63  }
0x2b: {  	_ =	swait.ge [sflag:s11], $0x3E80  }
0x2c: {  	s18 =	smov.u32 s20;
	s16 =	sadd.s32 $0x7D00, s16;
	[sflag:s11] =	ssyncset.done $0x0  }
0x2d: {  	s17 =	sadd.s32 s17, s9;
	[sflag:s11] =	ssyncadd.s32 $0xFFFFC180  }
0x2e: {  	[tilespmem:s12], [sflag:$0x1] =	stream.linear.gather [hbm4b:s17+s3], $0x7D0, $0x38;
	[tilespmem:$0x109D0] =	vst v63  }
0x2f: {  	_ =	swait.ge [sflag:s11], $0x7D0  }
0x30: {  	[sflag:s11] =	ssyncset.done $0x0  }
0x31: {  	[sflag:s11] =	ssyncadd.s32 $0xFFFFF830  }
0x32: {  	[tilespmem:s13], [sflag:$0x1] =	stream.linear.gather [hbm4b:s16+s3], $0x3E80, $0x38;
	[tilespmem:$0x109D0] =	vst v63  }
0x33: {  	_ =	swait.ge [sflag:s11], $0x3E80  }
0x34: {  	[sflag:s11] =	ssyncset.done $0x0  }
0x35: {  	[sflag:s11] =	ssyncadd.s32 $0xFFFFC180  }
0x36: {  	[spmem:s2] =	stream.indirect.scatter.add.f32 [tilespmem:s13], [sflag:$0x1], $0x8, s12, s14, $0xb8;
	[tilespmem:$0x109D0] =	vst v63  }
0x37: {  	_ =	swait.ge [sflag:s11], $0x3E80  }
0x38: {  	s15 =	sadd.s32 $0x1, s15;
	[sflag:s11] =	ssyncset.done $0x0  }
0x39: {  	p0 =	sne.s32 s15, s7;
	[sflag:s11] =	ssyncadd.s32 $0xFFFFC180  }
.Ltmp1:
0x3a: {  	[bflag:$0x0] =	sbarrier.arrive $0xFFFF;
	(pc) =	sbr.rel @p0 .LBB2_1-.Ltmp1, $4  }
0x3b: {  	[hbm:s6], [sflag:s5] =	dma.local [spmem:s10], $0x1870  }
0x3c: {  	_ =	swait.ge [sflag:s11], $0x1870  }
0x3d: {  	[sflag:s11] =	ssyncset.done $0x0  }
0x3e: {  	[sflag:s11] =	ssyncadd.s32 $0xFFFFE790  }
0x3f: {  	_ =	sfence.sel $0x180000  }
0x40: {  	[bflag:$0x0] =	sbarrier.arrive $0xFFFF  }
0x41: {  	p0 =	sne.s32 s0, $0x0;
	_ =	strace $0x90000053  }
0x42: {  	s0 =	sadd.s32 @!p0 $0x100000, s1;
	[bflag:$0x2] =	sbarrier.arrive $0xFFFF  }
0x43: {  	[sflag:s0] =	ssyncadd.tile.s32 @!p0 $0x1;
	_ =	shalt  }
.Lfunc_end2:
_tile_overlayer_lowered:
.L_overlay_start_2:
0x44: {  	(tag) =	ssettag $0x2  }
0x45: {  	s0 =	rddreg [dreg:$0x0];
	s2 =	stileid.u32  }
0x46: {  	s1 =	rddreg [dreg:$0x1];
	p0 =	sne.s32 s2, $0x0  }
0x47: {  	s3 =	rddreg [dreg:$0x2];
	[bflag:$0x3] =	sbarrier.arrive $0xFFFF;
	s2 =	simm.s32 @!p0 $0x1C01  }
0x48: {  	[timem:s3], [sflag:s2] =	dma.local @!p0 [hbm:s0], s1  }
0x49: {  	s0 =	simm.s32 @!p0 $0x1  }
0x4a: {  	_ =	swait.ge @!p0 [sflag:s0], s1  }
0x4b: {  	s1 =	ssub.s32 @!p0 $0x0, s1;
	[sflag:s0] =	ssyncset.done @!p0 $0x0  }
0x4c: {  	[sflag:s0] =	ssyncadd.s32 @!p0 s1  }
0x4d: {  	[bflag:$0x3] =	sbarrier.arrive $0xFFFF  }
0x4e: {  	_ =	shalt  }

// kernel: kernel.39.cloned.1.call-start
scs
__scs_entry_jumppad:
0x0: {  	(pc) =	sbr.rel $0x88, $3  }
0x1: {  	(tag) =	ssettag $0x0;
	lr =	simm.s32 $0x1  }
0x2: {  	[smem:$0x3F9D] =	sst lr;
	_ =	strace $0xD0000000  }
0x3: {  	_ = 	snop  }
0x4: {  	_ = 	snop  }
0x5: {  	_ = 	snop  }
0x6: {  	_ = 	snop  }
0x7: {  	_ = 	snop  }
__scs_overlays_trampoline_lowered:
0x8: {  	[smem:$0x3FAC] =	sst s0  }
0x9: {  	[smem:$0x3FAD] =	sst s1  }
0xa: {  	[smem:$0x3FAE] =	sst s2  }
0xb: {  	[smem:$0x3FAF] =	sst s3  }
0xc: {  	[smem:$0x3FB0] =	sst s4  }
0xd: {  	[smem:$0x3FB1] =	sst s5  }
0xe: {  	[smem:$0x3FB2] =	sst s6  }
0xf: {  	[smem:$0x3FB3] =	sst s7  }
0x10: {  	[smem:$0x3FB4] =	sst s8  }
0x11: {  	[smem:$0x3FB5] =	sst s9;
	s0 =	simm.s32 @!p0 $0x0  }
0x12: {  	s1 =	sld [smem:$0x3F9B];
	s0 =	simm.s32 @p0 $0x1  }
0x13: {  	[smem:$0x3FB6] =	sst s0;
	s0 =	simm.s32 @!p1 $0x0  }
0x14: {  	s2 =	sld [smem:$0x3F9A];
	s0 =	simm.s32 @p1 $0x1  }
0x15: {  	[smem:$0x3FB7] =	sst s0;
	s0 =	simm.s32 @!p2 $0x0  }
0x16: {  	s3 =	sld [smem:$0x3FDB];
	s0 =	simm.s32 @p2 $0x1  }
0x17: {  	s4 =	simm.s32 $0x1BF5;
	[smem:$0x3FB9] =	sst s0  }
0x18: {  	s0 =	sld [smem:$0x3F9C];
	_ =	swait.ge [sflag:s4], $0x0  }
0x19: {  	s7 =	sld [smem:$0x3F9D]  }
0x1a: {  	s8 =	sadd.s32 $0xFFFFE003, lr  }
0x1b: {  	s9 =	sadd.s32 $0xFFFFFEF7, lr;
	s5 =	simm.s32 $0xFFFFFFFF;
	p2 =	slt.u32 s8, $0xFFFFF086  }
0x1c: {  	p1 =	slt.u32 s9, $0xF7A;
	s5 =	simm.s32 @!p2 $0x0  }
0x1d: {  	s5 =	simm.s32 @p1 $0x1;
	p0 =	seq.s32 s7, s2  }
0x1e: {  	s7 =	smul.u32 @!p0 $0xF7A, s2;
	p2 =	seq.s32 @!p0 s5, $0x0  }
0x1f: {  	s9 =	smul.u32 $0xF7A, s1;
	s8 =	simm.s32 @!p0 $0x1BF5;
	p2 =	por !p2, p0  }
0x20: {  	[sflag:s8] =	ssyncset.s32 @!p0 $0xFFFFF086;
	s6 =	sadd.s32 @!p0 s3, s7;
	s7 =	simm.s32 @!p0 $0x108  }
0x21: {  	s3 =	sadd.s32 s3, s9;
	s6 =	sadd.s32 @!p0 $0x88, s6;
	s7 =	simm.s32 @p2 $0x1082  }
0x22: {  	[simem:s7], [sflag:s8] =	dma.local @!p0 [hbm:s6], $0xF7A  }
0x23: {  	s9 =	sor.u32 $0xD0000000, s2;
	s6 =	simm.s32 $0x108;
	_ =	swait.ge @!p0 [sflag:s8], $0x0  }
0x24: {  	s3 =	sadd.s32 $0x88, s3;
	s6 =	simm.s32 @!p1 $0x1082;
	[sflag:s4] =	ssyncset.s32 $0xFFFFF086  }
0x25: {  	[simem:s6], [sflag:s4] =	dma.local [hbm:s3], $0xF7A  }
0x26: {  	[smem:$0x3F9D] =	sst s1;
	(tag) =	ssettag s2;
	_ =	strace s9  }
0x27: {  	s1 =	sld [smem:$0x3FAD]  }
0x28: {  	s2 =	sld [smem:$0x3FAE]  }
0x29: {  	s4 =	sld [smem:$0x3FB0]  }
0x2a: {  	p0 =	seq.s32 s5, $0x0;
	s5 =	sld [smem:$0x3FB1]  }
0x2b: {  	s6 =	sld [smem:$0x3FB2]  }
0x2c: {  	s7 =	sld [smem:$0x3FB3]  }
0x2d: {  	s3 =	simm.s32 $0x108;
	s8 =	sld [smem:$0x3FB4]  }
0x2e: {  	s3 =	simm.s32 @!p0 $0x1082;
	s9 =	sld [smem:$0x3FB5]  }
0x2f: {  	lr =	sadd.s32 s0, s3;
	s0 =	sld [smem:$0x3FAC]  }
0x30: {  	s3 =	sld [smem:$0x3FAF]  }
0x31: {  	[smem:$0x3FB8] =	sst s10  }
0x32: {  	s10 =	sld [smem:$0x3FB6];
	_ =	sdelay $0x3  }
0x33: {  	p0 =	seq.s32 s10, $0x1;
	s10 =	sld [smem:$0x3FB8];
	_ =	sdelay $0x3  }
0x34: {  	[smem:$0x3FB8] =	sst s10  }
0x35: {  	s10 =	sld [smem:$0x3FB7];
	_ =	sdelay $0x3  }
0x36: {  	p1 =	seq.s32 s10, $0x1;
	s10 =	sld [smem:$0x3FB8];
	_ =	sdelay $0x3  }
0x37: {  	[smem:$0x3FB8] =	sst s10  }
0x38: {  	s10 =	sld [smem:$0x3FB9]  }
0x39: {  	_ = 	snop;
	(pc) =	sbr.ind lr, $3  }
0x3a: {  	_ = 	snop  }
0x3b: {  	_ = 	snop  }
0x3c: {  	p2 =	seq.s32 s10, $0x1;
	s10 =	sld [smem:$0x3FB8]  }
0x3d: {  	_ =	shalt  }
0x3e: {  	_ =	shalt  }
0x3f: {  	_ =	shalt  }
0x40: {  	_ =	shalt  }
0x41: {  	_ =	shalt  }
0x42: {  	_ =	shalt  }
0x43: {  	_ =	shalt  }
0x44: {  	_ =	shalt  }
0x45: {  	_ =	shalt  }
0x46: {  	_ =	shalt  }
0x47: {  	_ =	shalt  }
0x48: {  	_ =	shalt  }
0x49: {  	_ =	shalt  }
0x4a: {  	_ =	shalt  }
0x4b: {  	_ =	shalt  }
0x4c: {  	_ =	shalt  }
0x4d: {  	_ =	shalt  }
0x4e: {  	_ =	shalt  }
0x4f: {  	_ =	shalt  }
0x50: {  	_ =	shalt  }
0x51: {  	_ =	shalt  }
0x52: {  	_ =	shalt  }
0x53: {  	_ =	shalt  }
0x54: {  	_ =	shalt  }
0x55: {  	_ =	shalt  }
0x56: {  	_ =	shalt  }
0x57: {  	_ =	shalt  }
0x58: {  	_ =	shalt  }
0x59: {  	_ =	shalt  }
0x5a: {  	_ =	shalt  }
0x5b: {  	_ =	shalt  }
0x5c: {  	_ =	shalt  }
0x5d: {  	_ =	shalt  }
0x5e: {  	_ =	shalt  }
0x5f: {  	_ =	shalt  }
0x60: {  	_ =	shalt  }
0x61: {  	_ =	shalt  }
0x62: {  	_ =	shalt  }
0x63: {  	_ =	shalt  }
0x64: {  	_ =	shalt  }
0x65: {  	_ =	shalt  }
0x66: {  	_ =	shalt  }
0x67: {  	_ =	shalt  }
0x68: {  	_ =	shalt  }
0x69: {  	_ =	shalt  }
0x6a: {  	_ =	shalt  }
0x6b: {  	_ =	shalt  }
0x6c: {  	_ =	shalt  }
0x6d: {  	_ =	shalt  }
0x6e: {  	_ =	shalt  }
0x6f: {  	_ =	shalt  }
0x70: {  	_ =	shalt  }
0x71: {  	_ =	shalt  }
0x72: {  	_ =	shalt  }
0x73: {  	_ =	shalt  }
0x74: {  	_ =	shalt  }
0x75: {  	_ =	shalt  }
0x76: {  	_ =	shalt  }
0x77: {  	_ =	shalt  }
0x78: {  	_ =	shalt  }
0x79: {  	_ =	shalt  }
0x7a: {  	_ =	shalt  }
0x7b: {  	_ =	shalt  }
0x7c: {  	_ =	shalt  }
0x7d: {  	_ =	shalt  }
0x7e: {  	_ =	shalt  }
0x7f: {  	_ =	shalt  }
0x80: {  	_ =	shalt  }
0x81: {  	_ =	shalt  }
0x82: {  	_ =	shalt  }
0x83: {  	_ =	shalt  }
0x84: {  	_ =	shalt  }
0x85: {  	_ =	shalt  }
0x86: {  	_ =	shalt  }
0x87: {  	_ =	shalt  }
.Lfunc_end0:
.L_simem_size_0:
called_computation.5_lowered:
.L_overlay_start_0:
0x88: {  	s2 =	sld [smem:$0x3FD9]  }
0x89: {  	s3 =	sld [smem:$0x3FFE];
	_ =	sdelay $0x1  }
0x8a: {  	s1 =	srdreg.scid  }
0x8b: {  	s0 =	sand.u32 $0x1, s1  }
0x8c: {  	s14 =	sshll.u32 s0, $0xA;
	s2 =	sadd.s32 s3, s2  }
0x8d: {  	s2 =	sadd.s32 s2, s14  }
0x8e: {  	[smem:$0x3FC4] =	sst s2  }
0x8f: {  	_ = 	snop  }
0x90: {  	s2 =	sld [smem:$0x3FD0];
	_ =	sdelay $0x2  }
0x91: {  	s15 =	simm.s32 $0xA;
	s4 =	simm.s32 $0x10  }
0x92: {  	[smem:s4], [sflag:s15] =	dma.local [hbm:s2], $0x1  }
0x93: {  	_ =	swait.eq [sflag:s15], $0x1  }
0x94: {  	[sflag:s15] =	ssyncset.done $0x0  }
0x95: {  	s16 =	sld [smem:$0x10];
	[sflag:s15] =	ssyncadd.s32 $0xFFFFFFFF  }
0x96: {  	s17 =	sld [smem:$0x11];
	(tm) =	ssettm $0x1  }
0x97: {  	s18 =	sld [smem:$0x3FFB];
	_ =	sdelay $0x3  }
0x98: {  	_ =	strace s18  }
0x99: {  	s4 =	sld [smem:$0x3FFC];
	_ =	sdelay $0x3  }
0x9a: {  	_ =	strace s4  }
0x9b: {  	s4 =	sld [smem:$0x3FFD];
	_ =	sdelay $0x3  }
0x9c: {  	_ =	strace s4  }
0x9d: {  	_ =	strace $0x8FFFFFFF  }
0x9e: {  	s19 =	sld [smem:$0x3FDB];
	_ =	sdelay $0x1  }
0x9f: {  	s5 =	simm.s32 $_scs_section_size  }
0xa0: {  	s6 =	simm.s32 $_size__tile_overlayer_lowered;
	s7 =	simm.s32 $_tile_overlayer_lowered  }
0xa1: {  	s22 =	simm.s32 $0x1BFF;
	s21 =	sshll.u32 s7, $0x1;
	s4 =	sadd.s32 s5, s19  }
0xa2: {  	s8 =	simm.s32 $0x0;
	s20 =	sshll.u32 s6, $0x1;
	s6 =	sadd.s32 s21, s4  }
0xa3: {  	[timem:s8], [sflag:s22] =	dma.local [hbm:s6], s20  }
0xa4: {  	_ =	swait.ge [sflag:s22], s20  }
0xa5: {  	s5 =	ssub.s32 $0x0, s20;
	[sflag:s22] =	ssyncset.done $0x0  }
0xa6: {  	[sflag:s22] =	ssyncadd.s32 s5;
	_ =	sdelay $0x1  }
0xa7: {  	s23 =	simm.s32 $0x1B8B  }
0xa8: {  	_ =	swait.ge [sflag:s23], $0x1  }
0xa9: {  	[sflag:s23] =	ssyncset.done $0x0  }
0xaa: {  	s25 =	simm.s32 $0x1B8E;
	s24 =	sld [smem:$0x3FFE];
	[sflag:s23] =	ssyncadd.s32 $0xFFFFFFFF  }
0xab: {  	s26 =	simm.s32 $execute0_lowered;
	[smem:$0x3FD2] =	sst s25  }
0xac: {  	s6 =	sshll.u32 s26, $0x1;
	_ =	strace $0x80000055;
	[dreg:$0x1] =	wrdreg $0xFFFFFFFF  }
0xad: {  	s28 =	simm.s32 $_size_execute0_lowered;
	s4 =	sadd.s32 s4, s6;
	[dreg:$0x0] =	wrdreg $0x0  }
0xae: {  	s6 =	sshll.u32 s28, $0x1;
	[dreg:$0x2] =	wrdreg s4  }
0xaf: {  	[dreg:$0x3] =	wrdreg s6  }
0xb0: {  	[dreg:$0x4] =	wrdreg $0xC0  }
0xb1: {  	_ =	task [dreg:s8], $0x5FFFF  }
0xb2: {  	[dreg:$0x1] =	wrdreg $0xFFFFFFFF  }
0xb3: {  	[dreg:$0x0] =	wrdreg $0x60  }
0xb4: {  	[dreg:$0x2] =	wrdreg s16  }
0xb5: {  	[dreg:$0x3] =	wrdreg s24  }
0xb6: {  	[dreg:$0x4] =	wrdreg s17  }
0xb7: {  	[dreg:$0x5] =	wrdreg $0x0  }
0xb8: {  	[dreg:$0x6] =	wrdreg $0x9  }
0xb9: {  	_ =	task.clear_ibuf [dreg:s8], $0x7FFFF;
	_ =	strace $0x90000055  }
0xba: {  	s29 =	simm.s32 $0x9;
	_ =	strace $0x80000057  }
0xbb: {  	_ =	swait.ge [sflag:s29], $0x1  }
0xbc: {  	[sflag:s29] =	ssyncadd.s32 $0xFFFFFFFF  }
0xbd: {  	_ =	strace $0x90000057  }
0xbe: {  	_ =	sfence  }
0xbf: {  	s30 =	sld [smem:$0x0];
	_ =	sdelay $0x2  }
0xc0: {  	s31 =	sshll.u32 s1, $0xD;
	s1 =	sshrl.u32 s1, $0x2  }
0xc1: {  	s3 =	sand.u32 $0x4000, s31;
	s1 =	sadd.s32 s1, s30  }
0xc2: {  	s0 =	sor.u32 s3, s0;
	s1 =	sshll.u32 s1, $0x11  }
0xc3: {  	s0 =	sor.u32 s1, s0  }
0xc4: {  	s0 =	sadd.s32 $0x8F2B, s0  }
0xc5: {  	[sflag:s0] =	ssyncadd.remote.s32 $0x1  }
0xc6: {  	_ =	sfence.sel $0xFFFF  }
0xc7: {  	[dreg:$0x0] =	wrdreg $0xFFFFFFFF;
	(pc) =	sbr.abs _section_cstart, $3  }
0xc8: {  	[dreg:$0x1] =	wrdreg $0xFFFFFFFF  }
0xc9: {  	_ =	task.clear_ibuf [dreg:s8], $0x2FFFF;
	_ =	strace $0x9FFFFFFF  }
0xca: {  	(tm) =	ssettm $0x7FFFFFFF  }
0xcb: {  	_ =	shalt  }
tec
execute0_lowered:
.L_overlay_start_1:
0x0: {  	(tag) =	ssettag $0x1  }
0x1: {  	s11 =	rddreg [dreg:$0x0]  }
0x2: {  	s4 =	rddreg [dreg:$0x1]  }
0x3: {  	s10 =	rddreg [dreg:$0x2]  }
0x4: {  	s2 =	rddreg [dreg:$0x3]  }
0x5: {  	s0 =	srdreg.scid;
	s1 =	rddreg [dreg:$0x4];
	s3 =	simm.s32 $0x0  }
0x6: {  	s19 =	simm.s32 $0x11608;
	s20 =	simm.s32 $0xC38;
	s21 =	simm.s32 $0xC380  }
0x7: {  	s22 =	simm.s32 $0x1;
	s23 =	simm.s32 $0x7D0;
	s17 =	sand.u32 $0x1, s0  }
0x8: {  	s24 =	simm.s32 $0xCB50;
	s0 =	stileid.u32;
	s5 =	smul.u32 $0xC3500, s17  }
0x9: {  	s25 =	simm.s32 $0x0;
	[smem:$0x7FF] =	sst s3;
	s6 =	smul.u32 $0x7D0, s0  }
0xa: {  	s14 =	sadd.s32 $0x238600, s4;
	s13 =	sadd.s32 $0x18700, s11;
	s9 =	smul.u32 $0x1870, s0  }
0xb: {  	_ =	strace $0x80000056;
	s26 =	ssub.s32 $0x2, s17;
	s29 =	smul.u32 $0x30E00, s0  }
0xc: {  	p0 =	sne.s32 s17, $0x0;
	s17 =	simm.s32 $0x109D0;
	s28 =	sshrl.u32 s26, $0x1  }
0xd: {  	s5 =	sadd.s32 s6, s5;
	s30 =	sshrl.u32 s9, $0x3;
	s7 =	sshrl.u32 s29, $0x2  }
0xe: {  	s18 =	sadd.s32 $0xC38, s9;
	s8 =	sadd.s32 s9, s13;
	s6 =	sshrl.u32 s5, $0x3  }
0xf: {  	s15 =	sadd.s32 s5, s4;
	s5 =	sadd.s32 s10, s30;
	s7 =	sadd.s32 s7, s2  }
0x10: {  	s12 =	sshrl.u32 s18, $0x3;
	s31 =	sshll.u32 s18, $0x3;
	s13 =	sadd.s32 s18, s13  }
0x11: {  	s16 =	sadd.s32 s6, s4;
	s4 =	ssub.s32 s26, s28;
	s6 =	sadd.s32 s11, s9  }
0x12: {  	s9 =	sadd.s32 s14, s9;
	s10 =	sadd.s32 s10, s12;
	s11 =	sadd.s32 s11, s18  }
0x13: {  	s12 =	sadd.s32 s31, s2;
	s14 =	sadd.s32 s14, s18;
	s15 =	sadd.s32 $0x68000, s15  }
0x14: {  	s18 =	simm.s32 $0x2;
	s4 =	smax.u32 s4, $0x1;
	s16 =	sadd.s32 $0x37200, s16  }
.LBB2_1:
0x15: {  	[tilespmem:s17], [sflag:$0x2] =	stream.linear.gather [hbm4b:s5+s3], $0xC38, $0x38;
	[tilespmem:$0x177C8] =	vst v63  }
0x16: {  	_ =	swait.ge [sflag:s18], $0xC38  }
0x17: {  	[sflag:s18] =	ssyncset.done $0x0  }
0x18: {  	[sflag:s18] =	ssyncadd.s32 $0xFFFFF3C8  }
0x19: {  	[tilespmem:s19], [sflag:$0x2] =	stream.linear.gather [hbm4b:s6+s3], $0x61C0, $0x38;
	[tilespmem:$0x177C8] =	vst v63  }
0x1a: {  	_ =	swait.ge [sflag:s18], $0x61C0  }
0x1b: {  	[sflag:s18] =	ssyncset.done $0x0  }
0x1c: {  	[sflag:s18] =	ssyncadd.s32 $0xFFFF9E40  }
0x1d: {  	[spmem:s7] =	stream.linear.scatter [tilespmem:s19], [sflag:$0x2], $0x61C0, $0x38;
	[tilespmem:$0x177C8] =	vst v63  }
0x1e: {  	_ =	swait.ge [sflag:s18], $0x61C0  }
0x1f: {  	[sflag:s18] =	ssyncset.done $0x0  }
0x20: {  	[sflag:s18] =	ssyncadd.s32 $0xFFFF9E40  }
0x21: {  	[tilespmem:s19], [sflag:$0x2] =	stream.linear.gather [hbm4b:s8+s3], $0x61C0, $0x38;
	[tilespmem:$0x177C8] =	vst v63  }
0x22: {  	_ =	swait.ge [sflag:s18], $0x61C0  }
0x23: {  	[sflag:s18] =	ssyncset.done $0x0  }
0x24: {  	[sflag:s18] =	ssyncadd.s32 $0xFFFF9E40  }
0x25: {  	[spmem:s2] =	stream.indirect.scatter.add.f32 [tilespmem:s19], [sflag:$0x2], $0x8, s17, s20, $0xb8;
	[tilespmem:$0x177C8] =	vst v63  }
0x26: {  	_ =	swait.ge [sflag:s18], $0x61C0  }
0x27: {  	s26 =	sshll.u32 @!p0 s0, $0x6;
	[sflag:s18] =	ssyncset.done $0x0  }
0x28: {  	s28 =	sshrl.u32 @!p0 s7, $0x3;
	s26 =	sor.u32 @!p0 $0x1C01, s26;
	[sflag:s18] =	ssyncadd.s32 $0xFFFF9E40  }
0x29: {  	[hbm:s9], [sflag:s26] =	dma.local @!p0 [spmem:s28], $0xC38  }
0x2a: {  	s28 =	simm.s32 @!p0 $0x1  }
0x2b: {  	_ =	swait.ge @!p0 [sflag:s28], $0xC38  }
0x2c: {  	[sflag:s28] =	ssyncset.done @!p0 $0x0  }
0x2d: {  	[sflag:s28] =	ssyncadd.s32 @!p0 $0xFFFFF3C8  }
0x2e: {  	[tilespmem:s17], [sflag:$0x2] =	stream.linear.gather [hbm4b:s10+s3], $0xC38, $0x38;
	[tilespmem:$0x177C8] =	vst v63  }
0x2f: {  	_ =	swait.ge [sflag:s18], $0xC38  }
0x30: {  	[sflag:s18] =	ssyncset.done $0x0  }
0x31: {  	[sflag:s18] =	ssyncadd.s32 $0xFFFFF3C8  }
0x32: {  	[tilespmem:s19], [sflag:$0x2] =	stream.linear.gather [hbm4b:s11+s3], $0x61C0, $0x38;
	[tilespmem:$0x177C8] =	vst v63  }
0x33: {  	_ =	swait.ge [sflag:s18], $0x61C0  }
0x34: {  	[sflag:s18] =	ssyncset.done $0x0  }
0x35: {  	[sflag:s18] =	ssyncadd.s32 $0xFFFF9E40  }
0x36: {  	[spmem:s12] =	stream.linear.scatter [tilespmem:s19], [sflag:$0x2], $0x61C0, $0x38;
	[tilespmem:$0x177C8] =	vst v63  }
0x37: {  	_ =	swait.ge [sflag:s18], $0x61C0  }
0x38: {  	[sflag:s18] =	ssyncset.done $0x0  }
0x39: {  	[sflag:s18] =	ssyncadd.s32 $0xFFFF9E40  }
0x3a: {  	[tilespmem:s19], [sflag:$0x2] =	stream.linear.gather [hbm4b:s13+s3], $0x61C0, $0x38;
	[tilespmem:$0x177C8] =	vst v63  }
0x3b: {  	_ =	swait.ge [sflag:s18], $0x61C0  }
0x3c: {  	[sflag:s18] =	ssyncset.done $0x0  }
0x3d: {  	[sflag:s18] =	ssyncadd.s32 $0xFFFF9E40  }
0x3e: {  	[spmem:s2] =	stream.indirect.scatter.add.f32 [tilespmem:s19], [sflag:$0x2], $0x8, s17, s20, $0xb8;
	[tilespmem:$0x177C8] =	vst v63  }
0x3f: {  	_ =	swait.ge [sflag:s18], $0x61C0  }
0x40: {  	[sflag:s18] =	ssyncset.done $0x0  }
0x41: {  	s29 =	sshrl.u32 @!p0 s12, $0x3;
	[sflag:s18] =	ssyncadd.s32 $0xFFFF9E40  }
0x42: {  	[hbm:s14], [sflag:s26] =	dma.local @!p0 [spmem:s29], $0xC38  }
0x43: {  	_ =	swait.ge @!p0 [sflag:s28], $0xC38  }
0x44: {  	[sflag:s28] =	ssyncset.done @!p0 $0x0  }
0x45: {  	[sflag:s28] =	ssyncadd.s32 @!p0 $0xFFFFF3C8  }
0x46: {  	s31 =	sadd.s32 $0x0, s16;
	[bflag:$0x0] =	sbarrier.arrive $0xFFFF  }
0x47: {  	[tilespmem:s21], [sflag:$0x1] =	stream.linear.gather [hbm4b:s31+s3], $0x7D0, $0x38;
	[tilespmem:$0x177C8] =	vst v63  }
0x48: {  	_ =	swait.ge [sflag:s22], $0x7D0  }
0x49: {  	[sflag:s22] =	ssyncset.done $0x0  }
0x4a: {  	[sflag:s22] =	ssyncadd.s32 $0xFFFFF830  }
0x4b: {  	[tilespmem:s24], [sflag:$0x1] =	stream.indirect.gather [spmem:s2], $0x8, s21, s23, $0xb8;
	[tilespmem:$0x177C8] =	vst v63  }
0x4c: {  	_ =	swait.ge [sflag:s22], $0x3E80  }
0x4d: {  	[sflag:s22] =	ssyncset.done $0x0  }
0x4e: {  	[sflag:s22] =	ssyncadd.s32 $0xFFFFC180  }
0x4f: {  	[hbm4b:s15+s3] =	stream.linear.scatter [tilespmem:s24], [sflag:$0x1], $0x3E80, $0x38;
	[tilespmem:$0x177C8] =	vst v63  }
0x50: {  	s29 =	simm.s32 $0x1F40;
	_ =	swait.ge [sflag:s22], $0x3E80  }
0x51: {  	s26 =	sadd.s32 $0x7D00, s15;
	s28 =	simm.s32 $0xFA0;
	[sflag:s22] =	ssyncset.done $0x0  }
.LBB2_2:
0x52: {  	s30 =	sadd.s32 s28, s16  }
0x53: {  	[sflag:s22] =	ssyncadd.s32 $0xFFFFC180;
	s28 =	smov.u32 s29;
	s31 =	sadd.s32 $0xFA0, s29  }
0x54: {  	[tilespmem:s21], [sflag:$0x1] =	stream.linear.gather [hbm4b:s30+s3], $0x7D0, $0x38;
	[tilespmem:$0x177C8] =	vst v63  }
0x55: {  	p1 =	sne.s32 s29, $0x17700;
	_ =	swait.ge [sflag:s22], $0x7D0  }
0x56: {  	[sflag:s22] =	ssyncset.done $0x0  }
0x57: {  	[sflag:s22] =	ssyncadd.s32 $0xFFFFF830  }
0x58: {  	[tilespmem:s24], [sflag:$0x1] =	stream.indirect.gather [spmem:s2], $0x8, s21, s23, $0xb8;
	[tilespmem:$0x177C8] =	vst v63  }
0x59: {  	_ =	swait.ge [sflag:s22], $0x3E80  }
.Ltmp0:
0x5a: {  	[sflag:s22] =	ssyncset.done $0x0;
	(pc) =	sbr.rel @p1 .LBB2_2-.Ltmp0, $4  }
0x5b: {  	[sflag:s22] =	ssyncadd.s32 $0xFFFFC180  }
0x5c: {  	[hbm4b:s26+s3] =	stream.linear.scatter [tilespmem:s24], [sflag:$0x1], $0x3E80, $0x38;
	[tilespmem:$0x177C8] =	vst v63  }
0x5d: {  	_ =	swait.ge [sflag:s22], $0x3E80  }
0x5e: {  	s29 =	smov.u32 s31;
	s26 =	sadd.s32 $0x7D00, s26;
	[sflag:s22] =	ssyncset.done $0x0  }
0x5f: {  	s28 =	sadd.s32 s28, s16;
	[sflag:s22] =	ssyncadd.s32 $0xFFFFC180  }
0x60: {  	[tilespmem:s21], [sflag:$0x1] =	stream.linear.gather [hbm4b:s28+s3], $0x7D0, $0x38;
	[tilespmem:$0x177C8] =	vst v63  }
0x61: {  	_ =	swait.ge [sflag:s22], $0x7D0  }
0x62: {  	[sflag:s22] =	ssyncset.done $0x0  }
0x63: {  	[sflag:s22] =	ssyncadd.s32 $0xFFFFF830  }
0x64: {  	[tilespmem:s24], [sflag:$0x1] =	stream.indirect.gather [spmem:s2], $0x8, s21, s23, $0xb8;
	[tilespmem:$0x177C8] =	vst v63  }
0x65: {  	s25 =	sadd.s32 $0x1, s25;
	_ =	swait.ge [sflag:s22], $0x3E80  }
0x66: {  	p1 =	sne.s32 s25, s4;
	[sflag:s22] =	ssyncset.done $0x0  }
.Ltmp1:
0x67: {  	[sflag:s22] =	ssyncadd.s32 $0xFFFFC180;
	(pc) =	sbr.rel @p1 .LBB2_1-.Ltmp1, $4  }
0x68: {  	[hbm4b:s26+s3] =	stream.linear.scatter [tilespmem:s24], [sflag:$0x1], $0x3E80, $0x38;
	[tilespmem:$0x177C8] =	vst v63  }
0x69: {  	_ =	swait.ge [sflag:s22], $0x3E80  }
0x6a: {  	[sflag:s22] =	ssyncset.done $0x0  }
0x6b: {  	[sflag:s22] =	ssyncadd.s32 $0xFFFFC180  }
0x6c: {  	_ =	sfence.sel $0x180000  }
0x6d: {  	[bflag:$0x0] =	sbarrier.arrive $0xFFFF  }
0x6e: {  	p0 =	sne.s32 s0, $0x0;
	_ =	strace $0x90000056  }
0x6f: {  	s0 =	sadd.s32 @!p0 $0x100000, s1;
	[bflag:$0x2] =	sbarrier.arrive $0xFFFF  }
0x70: {  	[sflag:s0] =	ssyncadd.tile.s32 @!p0 $0x1;
	_ =	shalt  }
.Lfunc_end2:
_tile_overlayer_lowered:
.L_overlay_start_2:
0x71: {  	(tag) =	ssettag $0x2  }
0x72: {  	s0 =	rddreg [dreg:$0x0];
	s2 =	stileid.u32  }
0x73: {  	s1 =	rddreg [dreg:$0x1];
	p0 =	sne.s32 s2, $0x0  }
0x74: {  	s3 =	rddreg [dreg:$0x2];
	[bflag:$0x3] =	sbarrier.arrive $0xFFFF;
	s2 =	simm.s32 @!p0 $0x1C01  }
0x75: {  	[timem:s3], [sflag:s2] =	dma.local @!p0 [hbm:s0], s1  }
0x76: {  	s0 =	simm.s32 @!p0 $0x1  }
0x77: {  	_ =	swait.ge @!p0 [sflag:s0], s1  }
0x78: {  	s1 =	ssub.s32 @!p0 $0x0, s1;
	[sflag:s0] =	ssyncset.done @!p0 $0x0  }
0x79: {  	[sflag:s0] =	ssyncadd.s32 @!p0 s1  }
0x7a: {  	[bflag:$0x3] =	sbarrier.arrive $0xFFFF  }
0x7b: {  	_ =	shalt  }

// kernel: kernel.42.cloned.1.call-start
scs
__scs_entry_jumppad:
0x0: {  	(pc) =	sbr.rel $0x88, $3  }
0x1: {  	(tag) =	ssettag $0x0;
	lr =	simm.s32 $0x1  }
0x2: {  	[smem:$0x3F9D] =	sst lr;
	_ =	strace $0xD0000000  }
0x3: {  	_ = 	snop  }
0x4: {  	_ = 	snop  }
0x5: {  	_ = 	snop  }
0x6: {  	_ = 	snop  }
0x7: {  	_ = 	snop  }
__scs_overlays_trampoline_lowered:
0x8: {  	[smem:$0x3FAC] =	sst s0  }
0x9: {  	[smem:$0x3FAD] =	sst s1  }
0xa: {  	[smem:$0x3FAE] =	sst s2  }
0xb: {  	[smem:$0x3FAF] =	sst s3  }
0xc: {  	[smem:$0x3FB0] =	sst s4  }
0xd: {  	[smem:$0x3FB1] =	sst s5  }
0xe: {  	[smem:$0x3FB2] =	sst s6  }
0xf: {  	[smem:$0x3FB3] =	sst s7  }
0x10: {  	[smem:$0x3FB4] =	sst s8  }
0x11: {  	[smem:$0x3FB5] =	sst s9;
	s0 =	simm.s32 @!p0 $0x0  }
0x12: {  	s1 =	sld [smem:$0x3F9B];
	s0 =	simm.s32 @p0 $0x1  }
0x13: {  	[smem:$0x3FB6] =	sst s0;
	s0 =	simm.s32 @!p1 $0x0  }
0x14: {  	s2 =	sld [smem:$0x3F9A];
	s0 =	simm.s32 @p1 $0x1  }
0x15: {  	[smem:$0x3FB7] =	sst s0;
	s0 =	simm.s32 @!p2 $0x0  }
0x16: {  	s3 =	sld [smem:$0x3FDB];
	s0 =	simm.s32 @p2 $0x1  }
0x17: {  	s4 =	simm.s32 $0x1BF5;
	[smem:$0x3FB9] =	sst s0  }
0x18: {  	s0 =	sld [smem:$0x3F9C];
	_ =	swait.ge [sflag:s4], $0x0  }
0x19: {  	s7 =	sld [smem:$0x3F9D]  }
0x1a: {  	s8 =	sadd.s32 $0xFFFFE003, lr  }
0x1b: {  	s9 =	sadd.s32 $0xFFFFFEF7, lr;
	s5 =	simm.s32 $0xFFFFFFFF;
	p2 =	slt.u32 s8, $0xFFFFF086  }
0x1c: {  	p1 =	slt.u32 s9, $0xF7A;
	s5 =	simm.s32 @!p2 $0x0  }
0x1d: {  	s5 =	simm.s32 @p1 $0x1;
	p0 =	seq.s32 s7, s2  }
0x1e: {  	s7 =	smul.u32 @!p0 $0xF7A, s2;
	p2 =	seq.s32 @!p0 s5, $0x0  }
0x1f: {  	s9 =	smul.u32 $0xF7A, s1;
	s8 =	simm.s32 @!p0 $0x1BF5;
	p2 =	por !p2, p0  }
0x20: {  	[sflag:s8] =	ssyncset.s32 @!p0 $0xFFFFF086;
	s6 =	sadd.s32 @!p0 s3, s7;
	s7 =	simm.s32 @!p0 $0x108  }
0x21: {  	s3 =	sadd.s32 s3, s9;
	s6 =	sadd.s32 @!p0 $0x88, s6;
	s7 =	simm.s32 @p2 $0x1082  }
0x22: {  	[simem:s7], [sflag:s8] =	dma.local @!p0 [hbm:s6], $0xF7A  }
0x23: {  	s9 =	sor.u32 $0xD0000000, s2;
	s6 =	simm.s32 $0x108;
	_ =	swait.ge @!p0 [sflag:s8], $0x0  }
0x24: {  	s3 =	sadd.s32 $0x88, s3;
	s6 =	simm.s32 @!p1 $0x1082;
	[sflag:s4] =	ssyncset.s32 $0xFFFFF086  }
0x25: {  	[simem:s6], [sflag:s4] =	dma.local [hbm:s3], $0xF7A  }
0x26: {  	[smem:$0x3F9D] =	sst s1;
	(tag) =	ssettag s2;
	_ =	strace s9  }
0x27: {  	s1 =	sld [smem:$0x3FAD]  }
0x28: {  	s2 =	sld [smem:$0x3FAE]  }
0x29: {  	s4 =	sld [smem:$0x3FB0]  }
0x2a: {  	p0 =	seq.s32 s5, $0x0;
	s5 =	sld [smem:$0x3FB1]  }
0x2b: {  	s6 =	sld [smem:$0x3FB2]  }
0x2c: {  	s7 =	sld [smem:$0x3FB3]  }
0x2d: {  	s3 =	simm.s32 $0x108;
	s8 =	sld [smem:$0x3FB4]  }
0x2e: {  	s3 =	simm.s32 @!p0 $0x1082;
	s9 =	sld [smem:$0x3FB5]  }
0x2f: {  	lr =	sadd.s32 s0, s3;
	s0 =	sld [smem:$0x3FAC]  }
0x30: {  	s3 =	sld [smem:$0x3FAF]  }
0x31: {  	[smem:$0x3FB8] =	sst s10  }
0x32: {  	s10 =	sld [smem:$0x3FB6];
	_ =	sdelay $0x3  }
0x33: {  	p0 =	seq.s32 s10, $0x1;
	s10 =	sld [smem:$0x3FB8];
	_ =	sdelay $0x3  }
0x34: {  	[smem:$0x3FB8] =	sst s10  }
0x35: {  	s10 =	sld [smem:$0x3FB7];
	_ =	sdelay $0x3  }
0x36: {  	p1 =	seq.s32 s10, $0x1;
	s10 =	sld [smem:$0x3FB8];
	_ =	sdelay $0x3  }
0x37: {  	[smem:$0x3FB8] =	sst s10  }
0x38: {  	s10 =	sld [smem:$0x3FB9]  }
0x39: {  	_ = 	snop;
	(pc) =	sbr.ind lr, $3  }
0x3a: {  	_ = 	snop  }
0x3b: {  	_ = 	snop  }
0x3c: {  	p2 =	seq.s32 s10, $0x1;
	s10 =	sld [smem:$0x3FB8]  }
0x3d: {  	_ =	shalt  }
0x3e: {  	_ =	shalt  }
0x3f: {  	_ =	shalt  }
0x40: {  	_ =	shalt  }
0x41: {  	_ =	shalt  }
0x42: {  	_ =	shalt  }
0x43: {  	_ =	shalt  }
0x44: {  	_ =	shalt  }
0x45: {  	_ =	shalt  }
0x46: {  	_ =	shalt  }
0x47: {  	_ =	shalt  }
0x48: {  	_ =	shalt  }
0x49: {  	_ =	shalt  }
0x4a: {  	_ =	shalt  }
0x4b: {  	_ =	shalt  }
0x4c: {  	_ =	shalt  }
0x4d: {  	_ =	shalt  }
0x4e: {  	_ =	shalt  }
0x4f: {  	_ =	shalt  }
0x50: {  	_ =	shalt  }
0x51: {  	_ =	shalt  }
0x52: {  	_ =	shalt  }
0x53: {  	_ =	shalt  }
0x54: {  	_ =	shalt  }
0x55: {  	_ =	shalt  }
0x56: {  	_ =	shalt  }
0x57: {  	_ =	shalt  }
0x58: {  	_ =	shalt  }
0x59: {  	_ =	shalt  }
0x5a: {  	_ =	shalt  }
0x5b: {  	_ =	shalt  }
0x5c: {  	_ =	shalt  }
0x5d: {  	_ =	shalt  }
0x5e: {  	_ =	shalt  }
0x5f: {  	_ =	shalt  }
0x60: {  	_ =	shalt  }
0x61: {  	_ =	shalt  }
0x62: {  	_ =	shalt  }
0x63: {  	_ =	shalt  }
0x64: {  	_ =	shalt  }
0x65: {  	_ =	shalt  }
0x66: {  	_ =	shalt  }
0x67: {  	_ =	shalt  }
0x68: {  	_ =	shalt  }
0x69: {  	_ =	shalt  }
0x6a: {  	_ =	shalt  }
0x6b: {  	_ =	shalt  }
0x6c: {  	_ =	shalt  }
0x6d: {  	_ =	shalt  }
0x6e: {  	_ =	shalt  }
0x6f: {  	_ =	shalt  }
0x70: {  	_ =	shalt  }
0x71: {  	_ =	shalt  }
0x72: {  	_ =	shalt  }
0x73: {  	_ =	shalt  }
0x74: {  	_ =	shalt  }
0x75: {  	_ =	shalt  }
0x76: {  	_ =	shalt  }
0x77: {  	_ =	shalt  }
0x78: {  	_ =	shalt  }
0x79: {  	_ =	shalt  }
0x7a: {  	_ =	shalt  }
0x7b: {  	_ =	shalt  }
0x7c: {  	_ =	shalt  }
0x7d: {  	_ =	shalt  }
0x7e: {  	_ =	shalt  }
0x7f: {  	_ =	shalt  }
0x80: {  	_ =	shalt  }
0x81: {  	_ =	shalt  }
0x82: {  	_ =	shalt  }
0x83: {  	_ =	shalt  }
0x84: {  	_ =	shalt  }
0x85: {  	_ =	shalt  }
0x86: {  	_ =	shalt  }
0x87: {  	_ =	shalt  }
.Lfunc_end0:
.L_simem_size_0:
called_computation.6_lowered:
.L_overlay_start_0:
0x88: {  	s2 =	sld [smem:$0x3FD9]  }
0x89: {  	s3 =	sld [smem:$0x3FFE];
	_ =	sdelay $0x1  }
0x8a: {  	s1 =	srdreg.scid  }
0x8b: {  	s0 =	sand.u32 $0x1, s1  }
0x8c: {  	s14 =	sshll.u32 s0, $0xA;
	s2 =	sadd.s32 s3, s2  }
0x8d: {  	s2 =	sadd.s32 s2, s14  }
0x8e: {  	[smem:$0x3FC4] =	sst s2  }
0x8f: {  	_ = 	snop  }
0x90: {  	s2 =	sld [smem:$0x3FD0];
	_ =	sdelay $0x2  }
0x91: {  	s15 =	simm.s32 $0xA;
	s4 =	simm.s32 $0x10  }
0x92: {  	[smem:s4], [sflag:s15] =	dma.local [hbm:s2], $0x1  }
0x93: {  	_ =	swait.eq [sflag:s15], $0x1  }
0x94: {  	[sflag:s15] =	ssyncset.done $0x0  }
0x95: {  	[sflag:s15] =	ssyncadd.s32 $0xFFFFFFFF  }
0x96: {  	s16 =	sld [smem:$0x10];
	(tm) =	ssettm $0x1  }
0x97: {  	s17 =	sld [smem:$0x3FFB];
	_ =	sdelay $0x3  }
0x98: {  	_ =	strace s17  }
0x99: {  	s3 =	sld [smem:$0x3FFC];
	_ =	sdelay $0x3  }
0x9a: {  	_ =	strace s3  }
0x9b: {  	s3 =	sld [smem:$0x3FFD];
	_ =	sdelay $0x3  }
0x9c: {  	_ =	strace s3  }
0x9d: {  	_ =	strace $0x8FFFFFFF  }
0x9e: {  	s18 =	sld [smem:$0x3FDB];
	_ =	sdelay $0x1  }
0x9f: {  	s19 =	simm.s32 $_scs_section_size  }
0xa0: {  	s5 =	simm.s32 $_size__tile_overlayer_lowered;
	s6 =	simm.s32 $_tile_overlayer_lowered  }
0xa1: {  	s22 =	simm.s32 $0x1BFF;
	s21 =	sshll.u32 s6, $0x1;
	s3 =	sadd.s32 s19, s18  }
0xa2: {  	s7 =	simm.s32 $0x0;
	s20 =	sshll.u32 s5, $0x1;
	s5 =	sadd.s32 s21, s3  }
0xa3: {  	[timem:s7], [sflag:s22] =	dma.local [hbm:s5], s20  }
0xa4: {  	_ =	swait.ge [sflag:s22], s20  }
0xa5: {  	s4 =	ssub.s32 $0x0, s20;
	[sflag:s22] =	ssyncset.done $0x0  }
0xa6: {  	[sflag:s22] =	ssyncadd.s32 s4;
	_ =	sdelay $0x1  }
0xa7: {  	s23 =	simm.s32 $0x1B8B  }
0xa8: {  	_ =	swait.ge [sflag:s23], $0x1  }
0xa9: {  	[sflag:s23] =	ssyncset.done $0x0  }
0xaa: {  	s25 =	simm.s32 $0x1B8E;
	s24 =	sld [smem:$0x3FFE];
	[sflag:s23] =	ssyncadd.s32 $0xFFFFFFFF  }
0xab: {  	s26 =	simm.s32 $execute0_lowered;
	[smem:$0x3FD2] =	sst s25  }
0xac: {  	s5 =	sshll.u32 s26, $0x1;
	_ =	strace $0x80000058;
	[dreg:$0x1] =	wrdreg $0xFFFFFFFF  }
0xad: {  	s28 =	simm.s32 $_size_execute0_lowered;
	s3 =	sadd.s32 s3, s5;
	[dreg:$0x0] =	wrdreg $0x0  }
0xae: {  	s5 =	sshll.u32 s28, $0x1;
	[dreg:$0x2] =	wrdreg s3  }
0xaf: {  	[dreg:$0x3] =	wrdreg s5  }
0xb0: {  	[dreg:$0x4] =	wrdreg $0xC0  }
0xb1: {  	_ =	task [dreg:s7], $0x5FFFF  }
0xb2: {  	[dreg:$0x1] =	wrdreg $0xFFFFFFFF  }
0xb3: {  	[dreg:$0x0] =	wrdreg $0x60  }
0xb4: {  	[dreg:$0x2] =	wrdreg s24  }
0xb5: {  	[dreg:$0x3] =	wrdreg s16  }
0xb6: {  	[dreg:$0x4] =	wrdreg $0x0  }
0xb7: {  	[dreg:$0x5] =	wrdreg $0x9  }
0xb8: {  	_ =	task.clear_ibuf [dreg:s7], $0x6FFFF;
	_ =	strace $0x90000058  }
0xb9: {  	s29 =	simm.s32 $0x9;
	_ =	strace $0x8000005A  }
0xba: {  	_ =	swait.ge [sflag:s29], $0x1  }
0xbb: {  	[sflag:s29] =	ssyncadd.s32 $0xFFFFFFFF  }
0xbc: {  	_ =	strace $0x9000005A  }
0xbd: {  	_ =	sfence  }
0xbe: {  	s30 =	sld [smem:$0x0];
	_ =	sdelay $0x2  }
0xbf: {  	s31 =	sshll.u32 s1, $0xD;
	s1 =	sshrl.u32 s1, $0x2  }
0xc0: {  	s3 =	sand.u32 $0x4000, s31;
	s1 =	sadd.s32 s1, s30  }
0xc1: {  	s0 =	sor.u32 s3, s0;
	s1 =	sshll.u32 s1, $0x11  }
0xc2: {  	s0 =	sor.u32 s1, s0  }
0xc3: {  	s0 =	sadd.s32 $0x8F2B, s0  }
0xc4: {  	[sflag:s0] =	ssyncadd.remote.s32 $0x1  }
0xc5: {  	_ =	sfence.sel $0xFFFF  }
0xc6: {  	[dreg:$0x0] =	wrdreg $0xFFFFFFFF;
	(pc) =	sbr.abs _section_cstart, $3  }
0xc7: {  	[dreg:$0x1] =	wrdreg $0xFFFFFFFF  }
0xc8: {  	_ =	task.clear_ibuf [dreg:s7], $0x2FFFF;
	_ =	strace $0x9FFFFFFF  }
0xc9: {  	(tm) =	ssettm $0x7FFFFFFF  }
tec
execute0_lowered:
.L_overlay_start_1:
0x0: {  	(tag) =	ssettag $0x1  }
0x1: {  	s4 =	rddreg [dreg:$0x0]  }
0x2: {  	s6 =	rddreg [dreg:$0x1]  }
0x3: {  	s0 =	srdreg.scid;
	s2 =	rddreg [dreg:$0x2]  }
0x4: {  	s1 =	rddreg [dreg:$0x3];
	s5 =	sand.u32 $0x1, s0  }
0x5: {  	s3 =	simm.s32 $0x0;
	s0 =	stileid.u32;
	s7 =	smul.u32 $0xC3500, s5  }
0x6: {  	s13 =	simm.s32 $0xCB50;
	s14 =	simm.s32 $0x7D0;
	s8 =	smul.u32 $0x7D0, s0  }
0x7: {  	s15 =	simm.s32 $0x0;
	[smem:$0x7FF] =	sst s3;
	s9 =	smul.u32 $0xC380, s0  }
0x8: {  	_ =	strace $0x80000059;
	s10 =	ssub.s32 $0x2, s5;
	s5 =	smul.u32 $0xC3800, s5  }
0x9: {  	s30 =	sshll.u32 s0, $0x6;
	s12 =	sshrl.u32 s10, $0x1;
	s7 =	sadd.s32 s8, s7  }
0xa: {  	s26 =	sshrl.u32 s9, $0x3;
	s28 =	ssub.s32 s10, s12;
	s5 =	sadd.s32 s9, s5  }
0xb: {  	s29 =	sadd.s32 s9, s2;
	s12 =	simm.s32 $0xC380;
	s8 =	sadd.s32 s7, s4  }
0xc: {  	s7 =	sshrl.u32 s7, $0x3;
	s31 =	sshrl.u32 s5, $0x3;
	s5 =	sor.u32 $0x1C01, s30  }
0xd: {  	s10 =	sshrl.u32 s29, $0x3;
	s11 =	sadd.s32 s7, s4;
	s4 =	sadd.s32 s26, s4  }
0xe: {  	s6 =	sadd.s32 s6, s31;
	s7 =	smax.u32 s28, $0x1;
	s8 =	sadd.s32 $0x68000, s8  }
0xf: {  	s4 =	sadd.s32 $0x1EEA00, s4;
	s9 =	sadd.s32 $0x6400, s11;
	s11 =	simm.s32 $0x1  }
.LBB2_1:
0x10: {  	[spmem:s10], [sflag:s5] =	dma.local [hbm:s4], $0x1870  }
0x11: {  	_ =	swait.ge [sflag:s11], $0x1870  }
0x12: {  	[sflag:s11] =	ssyncset.done $0x0  }
0x13: {  	[sflag:s11] =	ssyncadd.s32 $0xFFFFE790  }
0x14: {  	s16 =	sadd.s32 $0x0, s9;
	[bflag:$0x0] =	sbarrier.arrive $0xFFFF  }
0x15: {  	[tilespmem:s12], [sflag:$0x1] =	stream.linear.gather [hbm4b:s16+s3], $0x7D0, $0x38;
	[tilespmem:$0x109D0] =	vst v63  }
0x16: {  	_ =	swait.ge [sflag:s11], $0x7D0  }
0x17: {  	[sflag:s11] =	ssyncset.done $0x0  }
0x18: {  	[sflag:s11] =	ssyncadd.s32 $0xFFFFF830  }
0x19: {  	[tilespmem:s13], [sflag:$0x1] =	stream.linear.gather [hbm4b:s8+s3], $0x3E80, $0x38;
	[tilespmem:$0x109D0] =	vst v63  }
0x1a: {  	_ =	swait.ge [sflag:s11], $0x3E80  }
0x1b: {  	[sflag:s11] =	ssyncset.done $0x0  }
0x1c: {  	[sflag:s11] =	ssyncadd.s32 $0xFFFFC180  }
0x1d: {  	[spmem:s2] =	stream.indirect.scatter.add.f32 [tilespmem:s13], [sflag:$0x1], $0x8, s12, s14, $0xb8;
	[tilespmem:$0x109D0] =	vst v63  }
0x1e: {  	s17 =	simm.s32 $0xFA0;
	_ =	swait.ge [sflag:s11], $0x3E80  }
0x1f: {  	s18 =	simm.s32 $0x1F40;
	s16 =	sadd.s32 $0x7D00, s8;
	[sflag:s11] =	ssyncset.done $0x0  }
.LBB2_2:
0x20: {  	s19 =	sadd.s32 s17, s9  }
0x21: {  	[sflag:s11] =	ssyncadd.s32 $0xFFFFC180;
	s17 =	smov.u32 s18;
	s20 =	sadd.s32 $0xFA0, s18  }
0x22: {  	[tilespmem:s12], [sflag:$0x1] =	stream.linear.gather [hbm4b:s19+s3], $0x7D0, $0x38;
	[tilespmem:$0x109D0] =	vst v63  }
0x23: {  	p0 =	sne.s32 s18, $0x17700;
	_ =	swait.ge [sflag:s11], $0x7D0  }
0x24: {  	[sflag:s11] =	ssyncset.done $0x0  }
0x25: {  	[sflag:s11] =	ssyncadd.s32 $0xFFFFF830  }
0x26: {  	[tilespmem:s13], [sflag:$0x1] =	stream.linear.gather [hbm4b:s16+s3], $0x3E80, $0x38;
	[tilespmem:$0x109D0] =	vst v63  }
0x27: {  	_ =	swait.ge [sflag:s11], $0x3E80  }
.Ltmp0:
0x28: {  	[sflag:s11] =	ssyncset.done $0x0;
	(pc) =	sbr.rel @p0 .LBB2_2-.Ltmp0, $4  }
0x29: {  	[sflag:s11] =	ssyncadd.s32 $0xFFFFC180  }
0x2a: {  	[spmem:s2] =	stream.indirect.scatter.add.f32 [tilespmem:s13], [sflag:$0x1], $0x8, s12, s14, $0xb8;
	[tilespmem:$0x109D0] =	vst v63  }
0x2b: {  	_ =	swait.ge [sflag:s11], $0x3E80  }
0x2c: {  	s18 =	smov.u32 s20;
	s16 =	sadd.s32 $0x7D00, s16;
	[sflag:s11] =	ssyncset.done $0x0  }
0x2d: {  	s17 =	sadd.s32 s17, s9;
	[sflag:s11] =	ssyncadd.s32 $0xFFFFC180  }
0x2e: {  	[tilespmem:s12], [sflag:$0x1] =	stream.linear.gather [hbm4b:s17+s3], $0x7D0, $0x38;
	[tilespmem:$0x109D0] =	vst v63  }
0x2f: {  	_ =	swait.ge [sflag:s11], $0x7D0  }
0x30: {  	[sflag:s11] =	ssyncset.done $0x0  }
0x31: {  	[sflag:s11] =	ssyncadd.s32 $0xFFFFF830  }
0x32: {  	[tilespmem:s13], [sflag:$0x1] =	stream.linear.gather [hbm4b:s16+s3], $0x3E80, $0x38;
	[tilespmem:$0x109D0] =	vst v63  }
0x33: {  	_ =	swait.ge [sflag:s11], $0x3E80  }
0x34: {  	[sflag:s11] =	ssyncset.done $0x0  }
0x35: {  	[sflag:s11] =	ssyncadd.s32 $0xFFFFC180  }
0x36: {  	[spmem:s2] =	stream.indirect.scatter.add.f32 [tilespmem:s13], [sflag:$0x1], $0x8, s12, s14, $0xb8;
	[tilespmem:$0x109D0] =	vst v63  }
0x37: {  	_ =	swait.ge [sflag:s11], $0x3E80  }
0x38: {  	s15 =	sadd.s32 $0x1, s15;
	[sflag:s11] =	ssyncset.done $0x0  }
0x39: {  	p0 =	sne.s32 s15, s7;
	[sflag:s11] =	ssyncadd.s32 $0xFFFFC180  }
.Ltmp1:
0x3a: {  	[bflag:$0x0] =	sbarrier.arrive $0xFFFF;
	(pc) =	sbr.rel @p0 .LBB2_1-.Ltmp1, $4  }
0x3b: {  	[hbm:s6], [sflag:s5] =	dma.local [spmem:s10], $0x1870  }
0x3c: {  	_ =	swait.ge [sflag:s11], $0x1870  }
0x3d: {  	[sflag:s11] =	ssyncset.done $0x0  }
0x3e: {  	[sflag:s11] =	ssyncadd.s32 $0xFFFFE790  }
0x3f: {  	_ =	sfence.sel $0x180000  }
0x40: {  	[bflag:$0x0] =	sbarrier.arrive $0xFFFF  }
0x41: {  	p0 =	sne.s32 s0, $0x0;
	_ =	strace $0x90000059  }
0x42: {  	s0 =	sadd.s32 @!p0 $0x100000, s1;
	[bflag:$0x2] =	sbarrier.arrive $0xFFFF  }
0x43: {  	[sflag:s0] =	ssyncadd.tile.s32 @!p0 $0x1;
	_ =	shalt  }
.Lfunc_end2:
_tile_overlayer_lowered:
.L_overlay_start_2:
0x44: {  	(tag) =	ssettag $0x2  }
0x45: {  	s0 =	rddreg [dreg:$0x0];
	s2 =	stileid.u32  }
0x46: {  	s1 =	rddreg [dreg:$0x1];
	p0 =	sne.s32 s2, $0x0  }
0x47: {  	s3 =	rddreg [dreg:$0x2];
	[bflag:$0x3] =	sbarrier.arrive $0xFFFF;
	s2 =	simm.s32 @!p0 $0x1C01  }
0x48: {  	[timem:s3], [sflag:s2] =	dma.local @!p0 [hbm:s0], s1  }
0x49: {  	s0 =	simm.s32 @!p0 $0x1  }
0x4a: {  	_ =	swait.ge @!p0 [sflag:s0], s1  }
0x4b: {  	s1 =	ssub.s32 @!p0 $0x0, s1;
	[sflag:s0] =	ssyncset.done @!p0 $0x0  }
0x4c: {  	[sflag:s0] =	ssyncadd.s32 @!p0 s1  }
0x4d: {  	[bflag:$0x3] =	sbarrier.arrive $0xFFFF  }
0x4e: {  	_ =	shalt  }

// kernel: kernel.45.cloned.1.call-start
scs
__scs_entry_jumppad:
0x0: {  	(pc) =	sbr.rel $0x88, $3  }
0x1: {  	(tag) =	ssettag $0x0;
	lr =	simm.s32 $0x1  }
0x2: {  	[smem:$0x3F9D] =	sst lr;
	_ =	strace $0xD0000000  }
0x3: {  	_ = 	snop  }
0x4: {  	_ = 	snop  }
0x5: {  	_ = 	snop  }
0x6: {  	_ = 	snop  }
0x7: {  	_ = 	snop  }
__scs_overlays_trampoline_lowered:
0x8: {  	[smem:$0x3FAC] =	sst s0  }
0x9: {  	[smem:$0x3FAD] =	sst s1  }
0xa: {  	[smem:$0x3FAE] =	sst s2  }
0xb: {  	[smem:$0x3FAF] =	sst s3  }
0xc: {  	[smem:$0x3FB0] =	sst s4  }
0xd: {  	[smem:$0x3FB1] =	sst s5  }
0xe: {  	[smem:$0x3FB2] =	sst s6  }
0xf: {  	[smem:$0x3FB3] =	sst s7  }
0x10: {  	[smem:$0x3FB4] =	sst s8  }
0x11: {  	[smem:$0x3FB5] =	sst s9;
	s0 =	simm.s32 @!p0 $0x0  }
0x12: {  	s1 =	sld [smem:$0x3F9B];
	s0 =	simm.s32 @p0 $0x1  }
0x13: {  	[smem:$0x3FB6] =	sst s0;
	s0 =	simm.s32 @!p1 $0x0  }
0x14: {  	s2 =	sld [smem:$0x3F9A];
	s0 =	simm.s32 @p1 $0x1  }
0x15: {  	[smem:$0x3FB7] =	sst s0;
	s0 =	simm.s32 @!p2 $0x0  }
0x16: {  	s3 =	sld [smem:$0x3FDB];
	s0 =	simm.s32 @p2 $0x1  }
0x17: {  	s4 =	simm.s32 $0x1BF5;
	[smem:$0x3FB9] =	sst s0  }
0x18: {  	s0 =	sld [smem:$0x3F9C];
	_ =	swait.ge [sflag:s4], $0x0  }
0x19: {  	s7 =	sld [smem:$0x3F9D]  }
0x1a: {  	s8 =	sadd.s32 $0xFFFFE003, lr  }
0x1b: {  	s9 =	sadd.s32 $0xFFFFFEF7, lr;
	s5 =	simm.s32 $0xFFFFFFFF;
	p2 =	slt.u32 s8, $0xFFFFF086  }
0x1c: {  	p1 =	slt.u32 s9, $0xF7A;
	s5 =	simm.s32 @!p2 $0x0  }
0x1d: {  	s5 =	simm.s32 @p1 $0x1;
	p0 =	seq.s32 s7, s2  }
0x1e: {  	s7 =	smul.u32 @!p0 $0xF7A, s2;
	p2 =	seq.s32 @!p0 s5, $0x0  }
0x1f: {  	s9 =	smul.u32 $0xF7A, s1;
	s8 =	simm.s32 @!p0 $0x1BF5;
	p2 =	por !p2, p0  }
0x20: {  	[sflag:s8] =	ssyncset.s32 @!p0 $0xFFFFF086;
	s6 =	sadd.s32 @!p0 s3, s7;
	s7 =	simm.s32 @!p0 $0x108  }
0x21: {  	s3 =	sadd.s32 s3, s9;
	s6 =	sadd.s32 @!p0 $0x88, s6;
	s7 =	simm.s32 @p2 $0x1082  }
0x22: {  	[simem:s7], [sflag:s8] =	dma.local @!p0 [hbm:s6], $0xF7A  }
0x23: {  	s9 =	sor.u32 $0xD0000000, s2;
	s6 =	simm.s32 $0x108;
	_ =	swait.ge @!p0 [sflag:s8], $0x0  }
0x24: {  	s3 =	sadd.s32 $0x88, s3;
	s6 =	simm.s32 @!p1 $0x1082;
	[sflag:s4] =	ssyncset.s32 $0xFFFFF086  }
0x25: {  	[simem:s6], [sflag:s4] =	dma.local [hbm:s3], $0xF7A  }
0x26: {  	[smem:$0x3F9D] =	sst s1;
	(tag) =	ssettag s2;
	_ =	strace s9  }
0x27: {  	s1 =	sld [smem:$0x3FAD]  }
0x28: {  	s2 =	sld [smem:$0x3FAE]  }
0x29: {  	s4 =	sld [smem:$0x3FB0]  }
0x2a: {  	p0 =	seq.s32 s5, $0x0;
	s5 =	sld [smem:$0x3FB1]  }
0x2b: {  	s6 =	sld [smem:$0x3FB2]  }
0x2c: {  	s7 =	sld [smem:$0x3FB3]  }
0x2d: {  	s3 =	simm.s32 $0x108;
	s8 =	sld [smem:$0x3FB4]  }
0x2e: {  	s3 =	simm.s32 @!p0 $0x1082;
	s9 =	sld [smem:$0x3FB5]  }
0x2f: {  	lr =	sadd.s32 s0, s3;
	s0 =	sld [smem:$0x3FAC]  }
0x30: {  	s3 =	sld [smem:$0x3FAF]  }
0x31: {  	[smem:$0x3FB8] =	sst s10  }
0x32: {  	s10 =	sld [smem:$0x3FB6];
	_ =	sdelay $0x3  }
0x33: {  	p0 =	seq.s32 s10, $0x1;
	s10 =	sld [smem:$0x3FB8];
	_ =	sdelay $0x3  }
0x34: {  	[smem:$0x3FB8] =	sst s10  }
0x35: {  	s10 =	sld [smem:$0x3FB7];
	_ =	sdelay $0x3  }
0x36: {  	p1 =	seq.s32 s10, $0x1;
	s10 =	sld [smem:$0x3FB8];
	_ =	sdelay $0x3  }
0x37: {  	[smem:$0x3FB8] =	sst s10  }
0x38: {  	s10 =	sld [smem:$0x3FB9]  }
0x39: {  	_ = 	snop;
	(pc) =	sbr.ind lr, $3  }
0x3a: {  	_ = 	snop  }
0x3b: {  	_ = 	snop  }
0x3c: {  	p2 =	seq.s32 s10, $0x1;
	s10 =	sld [smem:$0x3FB8]  }
0x3d: {  	_ =	shalt  }
0x3e: {  	_ =	shalt  }
0x3f: {  	_ =	shalt  }
0x40: {  	_ =	shalt  }
0x41: {  	_ =	shalt  }
0x42: {  	_ =	shalt  }
0x43: {  	_ =	shalt  }
0x44: {  	_ =	shalt  }
0x45: {  	_ =	shalt  }
0x46: {  	_ =	shalt  }
0x47: {  	_ =	shalt  }
0x48: {  	_ =	shalt  }
0x49: {  	_ =	shalt  }
0x4a: {  	_ =	shalt  }
0x4b: {  	_ =	shalt  }
0x4c: {  	_ =	shalt  }
0x4d: {  	_ =	shalt  }
0x4e: {  	_ =	shalt  }
0x4f: {  	_ =	shalt  }
0x50: {  	_ =	shalt  }
0x51: {  	_ =	shalt  }
0x52: {  	_ =	shalt  }
0x53: {  	_ =	shalt  }
0x54: {  	_ =	shalt  }
0x55: {  	_ =	shalt  }
0x56: {  	_ =	shalt  }
0x57: {  	_ =	shalt  }
0x58: {  	_ =	shalt  }
0x59: {  	_ =	shalt  }
0x5a: {  	_ =	shalt  }
0x5b: {  	_ =	shalt  }
0x5c: {  	_ =	shalt  }
0x5d: {  	_ =	shalt  }
0x5e: {  	_ =	shalt  }
0x5f: {  	_ =	shalt  }
0x60: {  	_ =	shalt  }
0x61: {  	_ =	shalt  }
0x62: {  	_ =	shalt  }
0x63: {  	_ =	shalt  }
0x64: {  	_ =	shalt  }
0x65: {  	_ =	shalt  }
0x66: {  	_ =	shalt  }
0x67: {  	_ =	shalt  }
0x68: {  	_ =	shalt  }
0x69: {  	_ =	shalt  }
0x6a: {  	_ =	shalt  }
0x6b: {  	_ =	shalt  }
0x6c: {  	_ =	shalt  }
0x6d: {  	_ =	shalt  }
0x6e: {  	_ =	shalt  }
0x6f: {  	_ =	shalt  }
0x70: {  	_ =	shalt  }
0x71: {  	_ =	shalt  }
0x72: {  	_ =	shalt  }
0x73: {  	_ =	shalt  }
0x74: {  	_ =	shalt  }
0x75: {  	_ =	shalt  }
0x76: {  	_ =	shalt  }
0x77: {  	_ =	shalt  }
0x78: {  	_ =	shalt  }
0x79: {  	_ =	shalt  }
0x7a: {  	_ =	shalt  }
0x7b: {  	_ =	shalt  }
0x7c: {  	_ =	shalt  }
0x7d: {  	_ =	shalt  }
0x7e: {  	_ =	shalt  }
0x7f: {  	_ =	shalt  }
0x80: {  	_ =	shalt  }
0x81: {  	_ =	shalt  }
0x82: {  	_ =	shalt  }
0x83: {  	_ =	shalt  }
0x84: {  	_ =	shalt  }
0x85: {  	_ =	shalt  }
0x86: {  	_ =	shalt  }
0x87: {  	_ =	shalt  }
.Lfunc_end0:
.L_simem_size_0:
called_computation.7_lowered:
.L_overlay_start_0:
0x88: {  	s2 =	sld [smem:$0x3FD9]  }
0x89: {  	s3 =	sld [smem:$0x3FFE];
	_ =	sdelay $0x1  }
0x8a: {  	s1 =	srdreg.scid  }
0x8b: {  	s0 =	sand.u32 $0x1, s1  }
0x8c: {  	s14 =	sshll.u32 s0, $0xA;
	s2 =	sadd.s32 s3, s2  }
0x8d: {  	s2 =	sadd.s32 s2, s14  }
0x8e: {  	[smem:$0x3FC4] =	sst s2  }
0x8f: {  	_ = 	snop  }
0x90: {  	s2 =	sld [smem:$0x3FD0];
	_ =	sdelay $0x2  }
0x91: {  	s15 =	simm.s32 $0xA;
	s4 =	simm.s32 $0x10  }
0x92: {  	[smem:s4], [sflag:s15] =	dma.local [hbm:s2], $0x1  }
0x93: {  	_ =	swait.eq [sflag:s15], $0x1  }
0x94: {  	[sflag:s15] =	ssyncset.done $0x0  }
0x95: {  	s16 =	sld [smem:$0x10];
	[sflag:s15] =	ssyncadd.s32 $0xFFFFFFFF  }
0x96: {  	s17 =	sld [smem:$0x11];
	(tm) =	ssettm $0x1  }
0x97: {  	s18 =	sld [smem:$0x3FFB];
	_ =	sdelay $0x3  }
0x98: {  	_ =	strace s18  }
0x99: {  	s4 =	sld [smem:$0x3FFC];
	_ =	sdelay $0x3  }
0x9a: {  	_ =	strace s4  }
0x9b: {  	s4 =	sld [smem:$0x3FFD];
	_ =	sdelay $0x3  }
0x9c: {  	_ =	strace s4  }
0x9d: {  	_ =	strace $0x8FFFFFFF  }
0x9e: {  	s19 =	sld [smem:$0x3FDB];
	_ =	sdelay $0x1  }
0x9f: {  	s5 =	simm.s32 $_scs_section_size  }
0xa0: {  	s6 =	simm.s32 $_size__tile_overlayer_lowered;
	s7 =	simm.s32 $_tile_overlayer_lowered  }
0xa1: {  	s22 =	simm.s32 $0x1BFF;
	s21 =	sshll.u32 s7, $0x1;
	s4 =	sadd.s32 s5, s19  }
0xa2: {  	s8 =	simm.s32 $0x0;
	s20 =	sshll.u32 s6, $0x1;
	s6 =	sadd.s32 s21, s4  }
0xa3: {  	[timem:s8], [sflag:s22] =	dma.local [hbm:s6], s20  }
0xa4: {  	_ =	swait.ge [sflag:s22], s20  }
0xa5: {  	s5 =	ssub.s32 $0x0, s20;
	[sflag:s22] =	ssyncset.done $0x0  }
0xa6: {  	[sflag:s22] =	ssyncadd.s32 s5;
	_ =	sdelay $0x1  }
0xa7: {  	s23 =	simm.s32 $0x1B8B  }
0xa8: {  	_ =	swait.ge [sflag:s23], $0x1  }
0xa9: {  	[sflag:s23] =	ssyncset.done $0x0  }
0xaa: {  	s25 =	simm.s32 $0x1B8E;
	s24 =	sld [smem:$0x3FFE];
	[sflag:s23] =	ssyncadd.s32 $0xFFFFFFFF  }
0xab: {  	s26 =	simm.s32 $execute0_lowered;
	[smem:$0x3FD2] =	sst s25  }
0xac: {  	s6 =	sshll.u32 s26, $0x1;
	_ =	strace $0x8000005B;
	[dreg:$0x1] =	wrdreg $0xFFFFFFFF  }
0xad: {  	s28 =	simm.s32 $_size_execute0_lowered;
	s4 =	sadd.s32 s4, s6;
	[dreg:$0x0] =	wrdreg $0x0  }
0xae: {  	s6 =	sshll.u32 s28, $0x1;
	[dreg:$0x2] =	wrdreg s4  }
0xaf: {  	[dreg:$0x3] =	wrdreg s6  }
0xb0: {  	[dreg:$0x4] =	wrdreg $0xC0  }
0xb1: {  	_ =	task [dreg:s8], $0x5FFFF  }
0xb2: {  	[dreg:$0x1] =	wrdreg $0xFFFFFFFF  }
0xb3: {  	[dreg:$0x0] =	wrdreg $0x60  }
0xb4: {  	[dreg:$0x2] =	wrdreg s16  }
0xb5: {  	[dreg:$0x3] =	wrdreg s24  }
0xb6: {  	[dreg:$0x4] =	wrdreg s17  }
0xb7: {  	[dreg:$0x5] =	wrdreg $0x0  }
0xb8: {  	[dreg:$0x6] =	wrdreg $0x9  }
0xb9: {  	_ =	task.clear_ibuf [dreg:s8], $0x7FFFF;
	_ =	strace $0x9000005B  }
0xba: {  	s29 =	simm.s32 $0x9;
	_ =	strace $0x8000005D  }
0xbb: {  	_ =	swait.ge [sflag:s29], $0x1  }
0xbc: {  	[sflag:s29] =	ssyncadd.s32 $0xFFFFFFFF  }
0xbd: {  	_ =	strace $0x9000005D  }
0xbe: {  	_ =	sfence  }
0xbf: {  	s30 =	sld [smem:$0x0];
	_ =	sdelay $0x2  }
0xc0: {  	s31 =	sshll.u32 s1, $0xD;
	s1 =	sshrl.u32 s1, $0x2  }
0xc1: {  	s3 =	sand.u32 $0x4000, s31;
	s1 =	sadd.s32 s1, s30  }
0xc2: {  	s0 =	sor.u32 s3, s0;
	s1 =	sshll.u32 s1, $0x11  }
0xc3: {  	s0 =	sor.u32 s1, s0  }
0xc4: {  	s0 =	sadd.s32 $0x8F2B, s0  }
0xc5: {  	[sflag:s0] =	ssyncadd.remote.s32 $0x1  }
0xc6: {  	_ =	sfence.sel $0xFFFF  }
0xc7: {  	[dreg:$0x0] =	wrdreg $0xFFFFFFFF;
	(pc) =	sbr.abs _section_cstart, $3  }
0xc8: {  	[dreg:$0x1] =	wrdreg $0xFFFFFFFF  }
0xc9: {  	_ =	task.clear_ibuf [dreg:s8], $0x2FFFF;
	_ =	strace $0x9FFFFFFF  }
0xca: {  	(tm) =	ssettm $0x7FFFFFFF  }
0xcb: {  	_ =	shalt  }
tec
execute0_lowered:
.L_overlay_start_1:
0x0: {  	(tag) =	ssettag $0x1  }
0x1: {  	s11 =	rddreg [dreg:$0x0]  }
0x2: {  	s4 =	rddreg [dreg:$0x1]  }
0x3: {  	s10 =	rddreg [dreg:$0x2]  }
0x4: {  	s2 =	rddreg [dreg:$0x3]  }
0x5: {  	s0 =	srdreg.scid;
	s1 =	rddreg [dreg:$0x4];
	s3 =	simm.s32 $0x0  }
0x6: {  	s19 =	simm.s32 $0x11608;
	s20 =	simm.s32 $0xC38;
	s21 =	simm.s32 $0xC380  }
0x7: {  	s22 =	simm.s32 $0x1;
	s23 =	simm.s32 $0x7D0;
	s17 =	sand.u32 $0x1, s0  }
0x8: {  	s24 =	simm.s32 $0xCB50;
	s0 =	stileid.u32;
	s5 =	smul.u32 $0xC3500, s17  }
0x9: {  	s25 =	simm.s32 $0x0;
	[smem:$0x7FF] =	sst s3;
	s6 =	smul.u32 $0x7D0, s0  }
0xa: {  	s14 =	sadd.s32 $0x207200, s4;
	s13 =	sadd.s32 $0x18700, s11;
	s9 =	smul.u32 $0x1870, s0  }
0xb: {  	_ =	strace $0x8000005C;
	s26 =	ssub.s32 $0x2, s17;
	s29 =	smul.u32 $0x30E00, s0  }
0xc: {  	p0 =	sne.s32 s17, $0x0;
	s17 =	simm.s32 $0x109D0;
	s28 =	sshrl.u32 s26, $0x1  }
0xd: {  	s5 =	sadd.s32 s6, s5;
	s30 =	sshrl.u32 s9, $0x3;
	s7 =	sshrl.u32 s29, $0x2  }
0xe: {  	s18 =	sadd.s32 $0xC38, s9;
	s8 =	sadd.s32 s9, s13;
	s6 =	sshrl.u32 s5, $0x3  }
0xf: {  	s15 =	sadd.s32 s5, s4;
	s5 =	sadd.s32 s10, s30;
	s7 =	sadd.s32 s7, s2  }
0x10: {  	s12 =	sshrl.u32 s18, $0x3;
	s31 =	sshll.u32 s18, $0x3;
	s13 =	sadd.s32 s18, s13  }
0x11: {  	s16 =	sadd.s32 s6, s4;
	s4 =	ssub.s32 s26, s28;
	s6 =	sadd.s32 s11, s9  }
0x12: {  	s9 =	sadd.s32 s14, s9;
	s10 =	sadd.s32 s10, s12;
	s11 =	sadd.s32 s11, s18  }
0x13: {  	s12 =	sadd.s32 s31, s2;
	s14 =	sadd.s32 s14, s18;
	s15 =	sadd.s32 $0x68000, s15  }
0x14: {  	s18 =	simm.s32 $0x2;
	s4 =	smax.u32 s4, $0x1;
	s16 =	sadd.s32 $0x37200, s16  }
.LBB2_1:
0x15: {  	[tilespmem:s17], [sflag:$0x2] =	stream.linear.gather [hbm4b:s5+s3], $0xC38, $0x38;
	[tilespmem:$0x177C8] =	vst v63  }
0x16: {  	_ =	swait.ge [sflag:s18], $0xC38  }
0x17: {  	[sflag:s18] =	ssyncset.done $0x0  }
0x18: {  	[sflag:s18] =	ssyncadd.s32 $0xFFFFF3C8  }
0x19: {  	[tilespmem:s19], [sflag:$0x2] =	stream.linear.gather [hbm4b:s6+s3], $0x61C0, $0x38;
	[tilespmem:$0x177C8] =	vst v63  }
0x1a: {  	_ =	swait.ge [sflag:s18], $0x61C0  }
0x1b: {  	[sflag:s18] =	ssyncset.done $0x0  }
0x1c: {  	[sflag:s18] =	ssyncadd.s32 $0xFFFF9E40  }
0x1d: {  	[spmem:s7] =	stream.linear.scatter [tilespmem:s19], [sflag:$0x2], $0x61C0, $0x38;
	[tilespmem:$0x177C8] =	vst v63  }
0x1e: {  	_ =	swait.ge [sflag:s18], $0x61C0  }
0x1f: {  	[sflag:s18] =	ssyncset.done $0x0  }
0x20: {  	[sflag:s18] =	ssyncadd.s32 $0xFFFF9E40  }
0x21: {  	[tilespmem:s19], [sflag:$0x2] =	stream.linear.gather [hbm4b:s8+s3], $0x61C0, $0x38;
	[tilespmem:$0x177C8] =	vst v63  }
0x22: {  	_ =	swait.ge [sflag:s18], $0x61C0  }
0x23: {  	[sflag:s18] =	ssyncset.done $0x0  }
0x24: {  	[sflag:s18] =	ssyncadd.s32 $0xFFFF9E40  }
0x25: {  	[spmem:s2] =	stream.indirect.scatter.add.f32 [tilespmem:s19], [sflag:$0x2], $0x8, s17, s20, $0xb8;
	[tilespmem:$0x177C8] =	vst v63  }
0x26: {  	_ =	swait.ge [sflag:s18], $0x61C0  }
0x27: {  	s26 =	sshll.u32 @!p0 s0, $0x6;
	[sflag:s18] =	ssyncset.done $0x0  }
0x28: {  	s28 =	sshrl.u32 @!p0 s7, $0x3;
	s26 =	sor.u32 @!p0 $0x1C01, s26;
	[sflag:s18] =	ssyncadd.s32 $0xFFFF9E40  }
0x29: {  	[hbm:s9], [sflag:s26] =	dma.local @!p0 [spmem:s28], $0xC38  }
0x2a: {  	s28 =	simm.s32 @!p0 $0x1  }
0x2b: {  	_ =	swait.ge @!p0 [sflag:s28], $0xC38  }
0x2c: {  	[sflag:s28] =	ssyncset.done @!p0 $0x0  }
0x2d: {  	[sflag:s28] =	ssyncadd.s32 @!p0 $0xFFFFF3C8  }
0x2e: {  	[tilespmem:s17], [sflag:$0x2] =	stream.linear.gather [hbm4b:s10+s3], $0xC38, $0x38;
	[tilespmem:$0x177C8] =	vst v63  }
0x2f: {  	_ =	swait.ge [sflag:s18], $0xC38  }
0x30: {  	[sflag:s18] =	ssyncset.done $0x0  }
0x31: {  	[sflag:s18] =	ssyncadd.s32 $0xFFFFF3C8  }
0x32: {  	[tilespmem:s19], [sflag:$0x2] =	stream.linear.gather [hbm4b:s11+s3], $0x61C0, $0x38;
	[tilespmem:$0x177C8] =	vst v63  }
0x33: {  	_ =	swait.ge [sflag:s18], $0x61C0  }
0x34: {  	[sflag:s18] =	ssyncset.done $0x0  }
0x35: {  	[sflag:s18] =	ssyncadd.s32 $0xFFFF9E40  }
0x36: {  	[spmem:s12] =	stream.linear.scatter [tilespmem:s19], [sflag:$0x2], $0x61C0, $0x38;
	[tilespmem:$0x177C8] =	vst v63  }
0x37: {  	_ =	swait.ge [sflag:s18], $0x61C0  }
0x38: {  	[sflag:s18] =	ssyncset.done $0x0  }
0x39: {  	[sflag:s18] =	ssyncadd.s32 $0xFFFF9E40  }
0x3a: {  	[tilespmem:s19], [sflag:$0x2] =	stream.linear.gather [hbm4b:s13+s3], $0x61C0, $0x38;
	[tilespmem:$0x177C8] =	vst v63  }
0x3b: {  	_ =	swait.ge [sflag:s18], $0x61C0  }
0x3c: {  	[sflag:s18] =	ssyncset.done $0x0  }
0x3d: {  	[sflag:s18] =	ssyncadd.s32 $0xFFFF9E40  }
0x3e: {  	[spmem:s2] =	stream.indirect.scatter.add.f32 [tilespmem:s19], [sflag:$0x2], $0x8, s17, s20, $0xb8;
	[tilespmem:$0x177C8] =	vst v63  }
0x3f: {  	_ =	swait.ge [sflag:s18], $0x61C0  }
0x40: {  	[sflag:s18] =	ssyncset.done $0x0  }
0x41: {  	s29 =	sshrl.u32 @!p0 s12, $0x3;
	[sflag:s18] =	ssyncadd.s32 $0xFFFF9E40  }
0x42: {  	[hbm:s14], [sflag:s26] =	dma.local @!p0 [spmem:s29], $0xC38  }
0x43: {  	_ =	swait.ge @!p0 [sflag:s28], $0xC38  }
0x44: {  	[sflag:s28] =	ssyncset.done @!p0 $0x0  }
0x45: {  	[sflag:s28] =	ssyncadd.s32 @!p0 $0xFFFFF3C8  }
0x46: {  	s31 =	sadd.s32 $0x0, s16;
	[bflag:$0x0] =	sbarrier.arrive $0xFFFF  }
0x47: {  	[tilespmem:s21], [sflag:$0x1] =	stream.linear.gather [hbm4b:s31+s3], $0x7D0, $0x38;
	[tilespmem:$0x177C8] =	vst v63  }
0x48: {  	_ =	swait.ge [sflag:s22], $0x7D0  }
0x49: {  	[sflag:s22] =	ssyncset.done $0x0  }
0x4a: {  	[sflag:s22] =	ssyncadd.s32 $0xFFFFF830  }
0x4b: {  	[tilespmem:s24], [sflag:$0x1] =	stream.indirect.gather [spmem:s2], $0x8, s21, s23, $0xb8;
	[tilespmem:$0x177C8] =	vst v63  }
0x4c: {  	_ =	swait.ge [sflag:s22], $0x3E80  }
0x4d: {  	[sflag:s22] =	ssyncset.done $0x0  }
0x4e: {  	[sflag:s22] =	ssyncadd.s32 $0xFFFFC180  }
0x4f: {  	[hbm4b:s15+s3] =	stream.linear.scatter [tilespmem:s24], [sflag:$0x1], $0x3E80, $0x38;
	[tilespmem:$0x177C8] =	vst v63  }
0x50: {  	s29 =	simm.s32 $0x1F40;
	_ =	swait.ge [sflag:s22], $0x3E80  }
0x51: {  	s26 =	sadd.s32 $0x7D00, s15;
	s28 =	simm.s32 $0xFA0;
	[sflag:s22] =	ssyncset.done $0x0  }
.LBB2_2:
0x52: {  	s30 =	sadd.s32 s28, s16  }
0x53: {  	[sflag:s22] =	ssyncadd.s32 $0xFFFFC180;
	s28 =	smov.u32 s29;
	s31 =	sadd.s32 $0xFA0, s29  }
0x54: {  	[tilespmem:s21], [sflag:$0x1] =	stream.linear.gather [hbm4b:s30+s3], $0x7D0, $0x38;
	[tilespmem:$0x177C8] =	vst v63  }
0x55: {  	p1 =	sne.s32 s29, $0x17700;
	_ =	swait.ge [sflag:s22], $0x7D0  }
0x56: {  	[sflag:s22] =	ssyncset.done $0x0  }
0x57: {  	[sflag:s22] =	ssyncadd.s32 $0xFFFFF830  }
0x58: {  	[tilespmem:s24], [sflag:$0x1] =	stream.indirect.gather [spmem:s2], $0x8, s21, s23, $0xb8;
	[tilespmem:$0x177C8] =	vst v63  }
0x59: {  	_ =	swait.ge [sflag:s22], $0x3E80  }
.Ltmp0:
0x5a: {  	[sflag:s22] =	ssyncset.done $0x0;
	(pc) =	sbr.rel @p1 .LBB2_2-.Ltmp0, $4  }
0x5b: {  	[sflag:s22] =	ssyncadd.s32 $0xFFFFC180  }
0x5c: {  	[hbm4b:s26+s3] =	stream.linear.scatter [tilespmem:s24], [sflag:$0x1], $0x3E80, $0x38;
	[tilespmem:$0x177C8] =	vst v63  }
0x5d: {  	_ =	swait.ge [sflag:s22], $0x3E80  }
0x5e: {  	s29 =	smov.u32 s31;
	s26 =	sadd.s32 $0x7D00, s26;
	[sflag:s22] =	ssyncset.done $0x0  }
0x5f: {  	s28 =	sadd.s32 s28, s16;
	[sflag:s22] =	ssyncadd.s32 $0xFFFFC180  }
0x60: {  	[tilespmem:s21], [sflag:$0x1] =	stream.linear.gather [hbm4b:s28+s3], $0x7D0, $0x38;
	[tilespmem:$0x177C8] =	vst v63  }
0x61: {  	_ =	swait.ge [sflag:s22], $0x7D0  }
0x62: {  	[sflag:s22] =	ssyncset.done $0x0  }
0x63: {  	[sflag:s22] =	ssyncadd.s32 $0xFFFFF830  }
0x64: {  	[tilespmem:s24], [sflag:$0x1] =	stream.indirect.gather [spmem:s2], $0x8, s21, s23, $0xb8;
	[tilespmem:$0x177C8] =	vst v63  }
0x65: {  	s25 =	sadd.s32 $0x1, s25;
	_ =	swait.ge [sflag:s22], $0x3E80  }
0x66: {  	p1 =	sne.s32 s25, s4;
	[sflag:s22] =	ssyncset.done $0x0  }
.Ltmp1:
0x67: {  	[sflag:s22] =	ssyncadd.s32 $0xFFFFC180;
	(pc) =	sbr.rel @p1 .LBB2_1-.Ltmp1, $4  }
0x68: {  	[hbm4b:s26+s3] =	stream.linear.scatter [tilespmem:s24], [sflag:$0x1], $0x3E80, $0x38;
	[tilespmem:$0x177C8] =	vst v63  }
0x69: {  	_ =	swait.ge [sflag:s22], $0x3E80  }
0x6a: {  	[sflag:s22] =	ssyncset.done $0x0  }
0x6b: {  	[sflag:s22] =	ssyncadd.s32 $0xFFFFC180  }
0x6c: {  	_ =	sfence.sel $0x180000  }
0x6d: {  	[bflag:$0x0] =	sbarrier.arrive $0xFFFF  }
0x6e: {  	p0 =	sne.s32 s0, $0x0;
	_ =	strace $0x9000005C  }
0x6f: {  	s0 =	sadd.s32 @!p0 $0x100000, s1;
	[bflag:$0x2] =	sbarrier.arrive $0xFFFF  }
0x70: {  	[sflag:s0] =	ssyncadd.tile.s32 @!p0 $0x1;
	_ =	shalt  }
.Lfunc_end2:
_tile_overlayer_lowered:
.L_overlay_start_2:
0x71: {  	(tag) =	ssettag $0x2  }
0x72: {  	s0 =	rddreg [dreg:$0x0];
	s2 =	stileid.u32  }
0x73: {  	s1 =	rddreg [dreg:$0x1];
	p0 =	sne.s32 s2, $0x0  }
0x74: {  	s3 =	rddreg [dreg:$0x2];
	[bflag:$0x3] =	sbarrier.arrive $0xFFFF;
	s2 =	simm.s32 @!p0 $0x1C01  }
0x75: {  	[timem:s3], [sflag:s2] =	dma.local @!p0 [hbm:s0], s1  }
0x76: {  	s0 =	simm.s32 @!p0 $0x1  }
0x77: {  	_ =	swait.ge @!p0 [sflag:s0], s1  }
0x78: {  	s1 =	ssub.s32 @!p0 $0x0, s1;
	[sflag:s0] =	ssyncset.done @!p0 $0x0  }
0x79: {  	[sflag:s0] =	ssyncadd.s32 @!p0 s1  }
0x7a: {  	[bflag:$0x3] =	sbarrier.arrive $0xFFFF  }
0x7b: {  	_ =	shalt  }

// kernel: kernel.48.cloned.1.call-start
scs
__scs_entry_jumppad:
0x0: {  	(pc) =	sbr.rel $0x88, $3  }
0x1: {  	(tag) =	ssettag $0x0;
	lr =	simm.s32 $0x1  }
0x2: {  	[smem:$0x3F9D] =	sst lr;
	_ =	strace $0xD0000000  }
0x3: {  	_ = 	snop  }
0x4: {  	_ = 	snop  }
0x5: {  	_ = 	snop  }
0x6: {  	_ = 	snop  }
0x7: {  	_ = 	snop  }
__scs_overlays_trampoline_lowered:
0x8: {  	[smem:$0x3FAC] =	sst s0  }
0x9: {  	[smem:$0x3FAD] =	sst s1  }
0xa: {  	[smem:$0x3FAE] =	sst s2  }
0xb: {  	[smem:$0x3FAF] =	sst s3  }
0xc: {  	[smem:$0x3FB0] =	sst s4  }
0xd: {  	[smem:$0x3FB1] =	sst s5  }
0xe: {  	[smem:$0x3FB2] =	sst s6  }
0xf: {  	[smem:$0x3FB3] =	sst s7  }
0x10: {  	[smem:$0x3FB4] =	sst s8  }
0x11: {  	[smem:$0x3FB5] =	sst s9;
	s0 =	simm.s32 @!p0 $0x0  }
0x12: {  	s1 =	sld [smem:$0x3F9B];
	s0 =	simm.s32 @p0 $0x1  }
0x13: {  	[smem:$0x3FB6] =	sst s0;
	s0 =	simm.s32 @!p1 $0x0  }
0x14: {  	s2 =	sld [smem:$0x3F9A];
	s0 =	simm.s32 @p1 $0x1  }
0x15: {  	[smem:$0x3FB7] =	sst s0;
	s0 =	simm.s32 @!p2 $0x0  }
0x16: {  	s3 =	sld [smem:$0x3FDB];
	s0 =	simm.s32 @p2 $0x1  }
0x17: {  	s4 =	simm.s32 $0x1BF5;
	[smem:$0x3FB9] =	sst s0  }
0x18: {  	s0 =	sld [smem:$0x3F9C];
	_ =	swait.ge [sflag:s4], $0x0  }
0x19: {  	s7 =	sld [smem:$0x3F9D]  }
0x1a: {  	s8 =	sadd.s32 $0xFFFFE003, lr  }
0x1b: {  	s9 =	sadd.s32 $0xFFFFFEF7, lr;
	s5 =	simm.s32 $0xFFFFFFFF;
	p2 =	slt.u32 s8, $0xFFFFF086  }
0x1c: {  	p1 =	slt.u32 s9, $0xF7A;
	s5 =	simm.s32 @!p2 $0x0  }
0x1d: {  	s5 =	simm.s32 @p1 $0x1;
	p0 =	seq.s32 s7, s2  }
0x1e: {  	s7 =	smul.u32 @!p0 $0xF7A, s2;
	p2 =	seq.s32 @!p0 s5, $0x0  }
0x1f: {  	s9 =	smul.u32 $0xF7A, s1;
	s8 =	simm.s32 @!p0 $0x1BF5;
	p2 =	por !p2, p0  }
0x20: {  	[sflag:s8] =	ssyncset.s32 @!p0 $0xFFFFF086;
	s6 =	sadd.s32 @!p0 s3, s7;
	s7 =	simm.s32 @!p0 $0x108  }
0x21: {  	s3 =	sadd.s32 s3, s9;
	s6 =	sadd.s32 @!p0 $0x88, s6;
	s7 =	simm.s32 @p2 $0x1082  }
0x22: {  	[simem:s7], [sflag:s8] =	dma.local @!p0 [hbm:s6], $0xF7A  }
0x23: {  	s9 =	sor.u32 $0xD0000000, s2;
	s6 =	simm.s32 $0x108;
	_ =	swait.ge @!p0 [sflag:s8], $0x0  }
0x24: {  	s3 =	sadd.s32 $0x88, s3;
	s6 =	simm.s32 @!p1 $0x1082;
	[sflag:s4] =	ssyncset.s32 $0xFFFFF086  }
0x25: {  	[simem:s6], [sflag:s4] =	dma.local [hbm:s3], $0xF7A  }
0x26: {  	[smem:$0x3F9D] =	sst s1;
	(tag) =	ssettag s2;
	_ =	strace s9  }
0x27: {  	s1 =	sld [smem:$0x3FAD]  }
0x28: {  	s2 =	sld [smem:$0x3FAE]  }
0x29: {  	s4 =	sld [smem:$0x3FB0]  }
0x2a: {  	p0 =	seq.s32 s5, $0x0;
	s5 =	sld [smem:$0x3FB1]  }
0x2b: {  	s6 =	sld [smem:$0x3FB2]  }
0x2c: {  	s7 =	sld [smem:$0x3FB3]  }
0x2d: {  	s3 =	simm.s32 $0x108;
	s8 =	sld [smem:$0x3FB4]  }
0x2e: {  	s3 =	simm.s32 @!p0 $0x1082;
	s9 =	sld [smem:$0x3FB5]  }
0x2f: {  	lr =	sadd.s32 s0, s3;
	s0 =	sld [smem:$0x3FAC]  }
0x30: {  	s3 =	sld [smem:$0x3FAF]  }
0x31: {  	[smem:$0x3FB8] =	sst s10  }
0x32: {  	s10 =	sld [smem:$0x3FB6];
	_ =	sdelay $0x3  }
0x33: {  	p0 =	seq.s32 s10, $0x1;
	s10 =	sld [smem:$0x3FB8];
	_ =	sdelay $0x3  }
0x34: {  	[smem:$0x3FB8] =	sst s10  }
0x35: {  	s10 =	sld [smem:$0x3FB7];
	_ =	sdelay $0x3  }
0x36: {  	p1 =	seq.s32 s10, $0x1;
	s10 =	sld [smem:$0x3FB8];
	_ =	sdelay $0x3  }
0x37: {  	[smem:$0x3FB8] =	sst s10  }
0x38: {  	s10 =	sld [smem:$0x3FB9]  }
0x39: {  	_ = 	snop;
	(pc) =	sbr.ind lr, $3  }
0x3a: {  	_ = 	snop  }
0x3b: {  	_ = 	snop  }
0x3c: {  	p2 =	seq.s32 s10, $0x1;
	s10 =	sld [smem:$0x3FB8]  }
0x3d: {  	_ =	shalt  }
0x3e: {  	_ =	shalt  }
0x3f: {  	_ =	shalt  }
0x40: {  	_ =	shalt  }
0x41: {  	_ =	shalt  }
0x42: {  	_ =	shalt  }
0x43: {  	_ =	shalt  }
0x44: {  	_ =	shalt  }
0x45: {  	_ =	shalt  }
0x46: {  	_ =	shalt  }
0x47: {  	_ =	shalt  }
0x48: {  	_ =	shalt  }
0x49: {  	_ =	shalt  }
0x4a: {  	_ =	shalt  }
0x4b: {  	_ =	shalt  }
0x4c: {  	_ =	shalt  }
0x4d: {  	_ =	shalt  }
0x4e: {  	_ =	shalt  }
0x4f: {  	_ =	shalt  }
0x50: {  	_ =	shalt  }
0x51: {  	_ =	shalt  }
0x52: {  	_ =	shalt  }
0x53: {  	_ =	shalt  }
0x54: {  	_ =	shalt  }
0x55: {  	_ =	shalt  }
0x56: {  	_ =	shalt  }
0x57: {  	_ =	shalt  }
0x58: {  	_ =	shalt  }
0x59: {  	_ =	shalt  }
0x5a: {  	_ =	shalt  }
0x5b: {  	_ =	shalt  }
0x5c: {  	_ =	shalt  }
0x5d: {  	_ =	shalt  }
0x5e: {  	_ =	shalt  }
0x5f: {  	_ =	shalt  }
0x60: {  	_ =	shalt  }
0x61: {  	_ =	shalt  }
0x62: {  	_ =	shalt  }
0x63: {  	_ =	shalt  }
0x64: {  	_ =	shalt  }
0x65: {  	_ =	shalt  }
0x66: {  	_ =	shalt  }
0x67: {  	_ =	shalt  }
0x68: {  	_ =	shalt  }
0x69: {  	_ =	shalt  }
0x6a: {  	_ =	shalt  }
0x6b: {  	_ =	shalt  }
0x6c: {  	_ =	shalt  }
0x6d: {  	_ =	shalt  }
0x6e: {  	_ =	shalt  }
0x6f: {  	_ =	shalt  }
0x70: {  	_ =	shalt  }
0x71: {  	_ =	shalt  }
0x72: {  	_ =	shalt  }
0x73: {  	_ =	shalt  }
0x74: {  	_ =	shalt  }
0x75: {  	_ =	shalt  }
0x76: {  	_ =	shalt  }
0x77: {  	_ =	shalt  }
0x78: {  	_ =	shalt  }
0x79: {  	_ =	shalt  }
0x7a: {  	_ =	shalt  }
0x7b: {  	_ =	shalt  }
0x7c: {  	_ =	shalt  }
0x7d: {  	_ =	shalt  }
0x7e: {  	_ =	shalt  }
0x7f: {  	_ =	shalt  }
0x80: {  	_ =	shalt  }
0x81: {  	_ =	shalt  }
0x82: {  	_ =	shalt  }
0x83: {  	_ =	shalt  }
0x84: {  	_ =	shalt  }
0x85: {  	_ =	shalt  }
0x86: {  	_ =	shalt  }
0x87: {  	_ =	shalt  }
.Lfunc_end0:
.L_simem_size_0:
called_computation.8_lowered:
.L_overlay_start_0:
0x88: {  	s2 =	sld [smem:$0x3FD9]  }
0x89: {  	s3 =	sld [smem:$0x3FFE];
	_ =	sdelay $0x1  }
0x8a: {  	s1 =	srdreg.scid  }
0x8b: {  	s0 =	sand.u32 $0x1, s1  }
0x8c: {  	s14 =	sshll.u32 s0, $0xA;
	s2 =	sadd.s32 s3, s2  }
0x8d: {  	s2 =	sadd.s32 s2, s14  }
0x8e: {  	[smem:$0x3FC4] =	sst s2  }
0x8f: {  	_ = 	snop  }
0x90: {  	s2 =	sld [smem:$0x3FD0];
	_ =	sdelay $0x2  }
0x91: {  	s15 =	simm.s32 $0xA;
	s4 =	simm.s32 $0x10  }
0x92: {  	[smem:s4], [sflag:s15] =	dma.local [hbm:s2], $0x1  }
0x93: {  	_ =	swait.eq [sflag:s15], $0x1  }
0x94: {  	[sflag:s15] =	ssyncset.done $0x0  }
0x95: {  	[sflag:s15] =	ssyncadd.s32 $0xFFFFFFFF  }
0x96: {  	s16 =	sld [smem:$0x10];
	(tm) =	ssettm $0x1  }
0x97: {  	s17 =	sld [smem:$0x3FFB];
	_ =	sdelay $0x3  }
0x98: {  	_ =	strace s17  }
0x99: {  	s3 =	sld [smem:$0x3FFC];
	_ =	sdelay $0x3  }
0x9a: {  	_ =	strace s3  }
0x9b: {  	s3 =	sld [smem:$0x3FFD];
	_ =	sdelay $0x3  }
0x9c: {  	_ =	strace s3  }
0x9d: {  	_ =	strace $0x8FFFFFFF  }
0x9e: {  	s18 =	sld [smem:$0x3FDB];
	_ =	sdelay $0x1  }
0x9f: {  	s19 =	simm.s32 $_scs_section_size  }
0xa0: {  	s5 =	simm.s32 $_size__tile_overlayer_lowered;
	s6 =	simm.s32 $_tile_overlayer_lowered  }
0xa1: {  	s22 =	simm.s32 $0x1BFF;
	s21 =	sshll.u32 s6, $0x1;
	s3 =	sadd.s32 s19, s18  }
0xa2: {  	s7 =	simm.s32 $0x0;
	s20 =	sshll.u32 s5, $0x1;
	s5 =	sadd.s32 s21, s3  }
0xa3: {  	[timem:s7], [sflag:s22] =	dma.local [hbm:s5], s20  }
0xa4: {  	_ =	swait.ge [sflag:s22], s20  }
0xa5: {  	s4 =	ssub.s32 $0x0, s20;
	[sflag:s22] =	ssyncset.done $0x0  }
0xa6: {  	[sflag:s22] =	ssyncadd.s32 s4;
	_ =	sdelay $0x1  }
0xa7: {  	s23 =	simm.s32 $0x1B8B  }
0xa8: {  	_ =	swait.ge [sflag:s23], $0x1  }
0xa9: {  	[sflag:s23] =	ssyncset.done $0x0  }
0xaa: {  	s25 =	simm.s32 $0x1B8E;
	s24 =	sld [smem:$0x3FFE];
	[sflag:s23] =	ssyncadd.s32 $0xFFFFFFFF  }
0xab: {  	s26 =	simm.s32 $execute0_lowered;
	[smem:$0x3FD2] =	sst s25  }
0xac: {  	s5 =	sshll.u32 s26, $0x1;
	_ =	strace $0x8000005E;
	[dreg:$0x1] =	wrdreg $0xFFFFFFFF  }
0xad: {  	s28 =	simm.s32 $_size_execute0_lowered;
	s3 =	sadd.s32 s3, s5;
	[dreg:$0x0] =	wrdreg $0x0  }
0xae: {  	s5 =	sshll.u32 s28, $0x1;
	[dreg:$0x2] =	wrdreg s3  }
0xaf: {  	[dreg:$0x3] =	wrdreg s5  }
0xb0: {  	[dreg:$0x4] =	wrdreg $0xC0  }
0xb1: {  	_ =	task [dreg:s7], $0x5FFFF  }
0xb2: {  	[dreg:$0x1] =	wrdreg $0xFFFFFFFF  }
0xb3: {  	[dreg:$0x0] =	wrdreg $0x60  }
0xb4: {  	[dreg:$0x2] =	wrdreg s24  }
0xb5: {  	[dreg:$0x3] =	wrdreg s16  }
0xb6: {  	[dreg:$0x4] =	wrdreg $0x0  }
0xb7: {  	[dreg:$0x5] =	wrdreg $0x9  }
0xb8: {  	_ =	task.clear_ibuf [dreg:s7], $0x6FFFF;
	_ =	strace $0x9000005E  }
0xb9: {  	s29 =	simm.s32 $0x9;
	_ =	strace $0x80000060  }
0xba: {  	_ =	swait.ge [sflag:s29], $0x1  }
0xbb: {  	[sflag:s29] =	ssyncadd.s32 $0xFFFFFFFF  }
0xbc: {  	_ =	strace $0x90000060  }
0xbd: {  	_ =	sfence  }
0xbe: {  	s30 =	sld [smem:$0x0];
	_ =	sdelay $0x2  }
0xbf: {  	s31 =	sshll.u32 s1, $0xD;
	s1 =	sshrl.u32 s1, $0x2  }
0xc0: {  	s3 =	sand.u32 $0x4000, s31;
	s1 =	sadd.s32 s1, s30  }
0xc1: {  	s0 =	sor.u32 s3, s0;
	s1 =	sshll.u32 s1, $0x11  }
0xc2: {  	s0 =	sor.u32 s1, s0  }
0xc3: {  	s0 =	sadd.s32 $0x8F2B, s0  }
0xc4: {  	[sflag:s0] =	ssyncadd.remote.s32 $0x1  }
0xc5: {  	_ =	sfence.sel $0xFFFF  }
0xc6: {  	[dreg:$0x0] =	wrdreg $0xFFFFFFFF;
	(pc) =	sbr.abs _section_cstart, $3  }
0xc7: {  	[dreg:$0x1] =	wrdreg $0xFFFFFFFF  }
0xc8: {  	_ =	task.clear_ibuf [dreg:s7], $0x2FFFF;
	_ =	strace $0x9FFFFFFF  }
0xc9: {  	(tm) =	ssettm $0x7FFFFFFF  }
tec
execute0_lowered:
.L_overlay_start_1:
0x0: {  	(tag) =	ssettag $0x1  }
0x1: {  	s4 =	rddreg [dreg:$0x0]  }
0x2: {  	s6 =	rddreg [dreg:$0x1]  }
0x3: {  	s0 =	srdreg.scid;
	s2 =	rddreg [dreg:$0x2]  }
0x4: {  	s1 =	rddreg [dreg:$0x3];
	s5 =	sand.u32 $0x1, s0  }
0x5: {  	s3 =	simm.s32 $0x0;
	s0 =	stileid.u32;
	s7 =	smul.u32 $0xC3500, s5  }
0x6: {  	s13 =	simm.s32 $0xCB50;
	s14 =	simm.s32 $0x7D0;
	s8 =	smul.u32 $0x7D0, s0  }
0x7: {  	s15 =	simm.s32 $0x0;
	[smem:$0x7FF] =	sst s3;
	s9 =	smul.u32 $0xC380, s0  }
0x8: {  	_ =	strace $0x8000005F;
	s10 =	ssub.s32 $0x2, s5;
	s5 =	smul.u32 $0xC3800, s5  }
0x9: {  	s30 =	sshll.u32 s0, $0x6;
	s12 =	sshrl.u32 s10, $0x1;
	s7 =	sadd.s32 s8, s7  }
0xa: {  	s26 =	sshrl.u32 s9, $0x3;
	s28 =	ssub.s32 s10, s12;
	s5 =	sadd.s32 s9, s5  }
0xb: {  	s29 =	sadd.s32 s9, s2;
	s12 =	simm.s32 $0xC380;
	s8 =	sadd.s32 s7, s4  }
0xc: {  	s7 =	sshrl.u32 s7, $0x3;
	s31 =	sshrl.u32 s5, $0x3;
	s5 =	sor.u32 $0x1C01, s30  }
0xd: {  	s10 =	sshrl.u32 s29, $0x3;
	s11 =	sadd.s32 s7, s4;
	s4 =	sadd.s32 s26, s4  }
0xe: {  	s6 =	sadd.s32 s6, s31;
	s7 =	smax.u32 s28, $0x1;
	s8 =	sadd.s32 $0x68000, s8  }
0xf: {  	s4 =	sadd.s32 $0x1EEA00, s4;
	s9 =	sadd.s32 $0x6400, s11;
	s11 =	simm.s32 $0x1  }
.LBB2_1:
0x10: {  	[spmem:s10], [sflag:s5] =	dma.local [hbm:s4], $0x1870  }
0x11: {  	_ =	swait.ge [sflag:s11], $0x1870  }
0x12: {  	[sflag:s11] =	ssyncset.done $0x0  }
0x13: {  	[sflag:s11] =	ssyncadd.s32 $0xFFFFE790  }
0x14: {  	s16 =	sadd.s32 $0x0, s9;
	[bflag:$0x0] =	sbarrier.arrive $0xFFFF  }
0x15: {  	[tilespmem:s12], [sflag:$0x1] =	stream.linear.gather [hbm4b:s16+s3], $0x7D0, $0x38;
	[tilespmem:$0x109D0] =	vst v63  }
0x16: {  	_ =	swait.ge [sflag:s11], $0x7D0  }
0x17: {  	[sflag:s11] =	ssyncset.done $0x0  }
0x18: {  	[sflag:s11] =	ssyncadd.s32 $0xFFFFF830  }
0x19: {  	[tilespmem:s13], [sflag:$0x1] =	stream.linear.gather [hbm4b:s8+s3], $0x3E80, $0x38;
	[tilespmem:$0x109D0] =	vst v63  }
0x1a: {  	_ =	swait.ge [sflag:s11], $0x3E80  }
0x1b: {  	[sflag:s11] =	ssyncset.done $0x0  }
0x1c: {  	[sflag:s11] =	ssyncadd.s32 $0xFFFFC180  }
0x1d: {  	[spmem:s2] =	stream.indirect.scatter.add.f32 [tilespmem:s13], [sflag:$0x1], $0x8, s12, s14, $0xb8;
	[tilespmem:$0x109D0] =	vst v63  }
0x1e: {  	s17 =	simm.s32 $0xFA0;
	_ =	swait.ge [sflag:s11], $0x3E80  }
0x1f: {  	s18 =	simm.s32 $0x1F40;
	s16 =	sadd.s32 $0x7D00, s8;
	[sflag:s11] =	ssyncset.done $0x0  }
.LBB2_2:
0x20: {  	s19 =	sadd.s32 s17, s9  }
0x21: {  	[sflag:s11] =	ssyncadd.s32 $0xFFFFC180;
	s17 =	smov.u32 s18;
	s20 =	sadd.s32 $0xFA0, s18  }
0x22: {  	[tilespmem:s12], [sflag:$0x1] =	stream.linear.gather [hbm4b:s19+s3], $0x7D0, $0x38;
	[tilespmem:$0x109D0] =	vst v63  }
0x23: {  	p0 =	sne.s32 s18, $0x17700;
	_ =	swait.ge [sflag:s11], $0x7D0  }
0x24: {  	[sflag:s11] =	ssyncset.done $0x0  }
0x25: {  	[sflag:s11] =	ssyncadd.s32 $0xFFFFF830  }
0x26: {  	[tilespmem:s13], [sflag:$0x1] =	stream.linear.gather [hbm4b:s16+s3], $0x3E80, $0x38;
	[tilespmem:$0x109D0] =	vst v63  }
0x27: {  	_ =	swait.ge [sflag:s11], $0x3E80  }
.Ltmp0:
0x28: {  	[sflag:s11] =	ssyncset.done $0x0;
	(pc) =	sbr.rel @p0 .LBB2_2-.Ltmp0, $4  }
0x29: {  	[sflag:s11] =	ssyncadd.s32 $0xFFFFC180  }
0x2a: {  	[spmem:s2] =	stream.indirect.scatter.add.f32 [tilespmem:s13], [sflag:$0x1], $0x8, s12, s14, $0xb8;
	[tilespmem:$0x109D0] =	vst v63  }
0x2b: {  	_ =	swait.ge [sflag:s11], $0x3E80  }
0x2c: {  	s18 =	smov.u32 s20;
	s16 =	sadd.s32 $0x7D00, s16;
	[sflag:s11] =	ssyncset.done $0x0  }
0x2d: {  	s17 =	sadd.s32 s17, s9;
	[sflag:s11] =	ssyncadd.s32 $0xFFFFC180  }
0x2e: {  	[tilespmem:s12], [sflag:$0x1] =	stream.linear.gather [hbm4b:s17+s3], $0x7D0, $0x38;
	[tilespmem:$0x109D0] =	vst v63  }
0x2f: {  	_ =	swait.ge [sflag:s11], $0x7D0  }
0x30: {  	[sflag:s11] =	ssyncset.done $0x0  }
0x31: {  	[sflag:s11] =	ssyncadd.s32 $0xFFFFF830  }
0x32: {  	[tilespmem:s13], [sflag:$0x1] =	stream.linear.gather [hbm4b:s16+s3], $0x3E80, $0x38;
	[tilespmem:$0x109D0] =	vst v63  }
0x33: {  	_ =	swait.ge [sflag:s11], $0x3E80  }
0x34: {  	[sflag:s11] =	ssyncset.done $0x0  }
0x35: {  	[sflag:s11] =	ssyncadd.s32 $0xFFFFC180  }
0x36: {  	[spmem:s2] =	stream.indirect.scatter.add.f32 [tilespmem:s13], [sflag:$0x1], $0x8, s12, s14, $0xb8;
	[tilespmem:$0x109D0] =	vst v63  }
0x37: {  	_ =	swait.ge [sflag:s11], $0x3E80  }
0x38: {  	s15 =	sadd.s32 $0x1, s15;
	[sflag:s11] =	ssyncset.done $0x0  }
0x39: {  	p0 =	sne.s32 s15, s7;
	[sflag:s11] =	ssyncadd.s32 $0xFFFFC180  }
.Ltmp1:
0x3a: {  	[bflag:$0x0] =	sbarrier.arrive $0xFFFF;
	(pc) =	sbr.rel @p0 .LBB2_1-.Ltmp1, $4  }
0x3b: {  	[hbm:s6], [sflag:s5] =	dma.local [spmem:s10], $0x1870  }
0x3c: {  	_ =	swait.ge [sflag:s11], $0x1870  }
0x3d: {  	[sflag:s11] =	ssyncset.done $0x0  }
0x3e: {  	[sflag:s11] =	ssyncadd.s32 $0xFFFFE790  }
0x3f: {  	_ =	sfence.sel $0x180000  }
0x40: {  	[bflag:$0x0] =	sbarrier.arrive $0xFFFF  }
0x41: {  	p0 =	sne.s32 s0, $0x0;
	_ =	strace $0x9000005F  }
0x42: {  	s0 =	sadd.s32 @!p0 $0x100000, s1;
	[bflag:$0x2] =	sbarrier.arrive $0xFFFF  }
0x43: {  	[sflag:s0] =	ssyncadd.tile.s32 @!p0 $0x1;
	_ =	shalt  }
.Lfunc_end2:
_tile_overlayer_lowered:
.L_overlay_start_2:
0x44: {  	(tag) =	ssettag $0x2  }
0x45: {  	s0 =	rddreg [dreg:$0x0];
	s2 =	stileid.u32  }
0x46: {  	s1 =	rddreg [dreg:$0x1];
	p0 =	sne.s32 s2, $0x0  }
0x47: {  	s3 =	rddreg [dreg:$0x2];
	[bflag:$0x3] =	sbarrier.arrive $0xFFFF;
	s2 =	simm.s32 @!p0 $0x1C01  }
0x48: {  	[timem:s3], [sflag:s2] =	dma.local @!p0 [hbm:s0], s1  }
0x49: {  	s0 =	simm.s32 @!p0 $0x1  }
0x4a: {  	_ =	swait.ge @!p0 [sflag:s0], s1  }
0x4b: {  	s1 =	ssub.s32 @!p0 $0x0, s1;
	[sflag:s0] =	ssyncset.done @!p0 $0x0  }
0x4c: {  	[sflag:s0] =	ssyncadd.s32 @!p0 s1  }
0x4d: {  	[bflag:$0x3] =	sbarrier.arrive $0xFFFF  }
0x4e: {  	_ =	shalt  }

// kernel: kernel.51.cloned.1.call-start
scs
__scs_entry_jumppad:
0x0: {  	(pc) =	sbr.rel $0x88, $3  }
0x1: {  	(tag) =	ssettag $0x0;
	lr =	simm.s32 $0x1  }
0x2: {  	[smem:$0x3F9D] =	sst lr;
	_ =	strace $0xD0000000  }
0x3: {  	_ = 	snop  }
0x4: {  	_ = 	snop  }
0x5: {  	_ = 	snop  }
0x6: {  	_ = 	snop  }
0x7: {  	_ = 	snop  }
__scs_overlays_trampoline_lowered:
0x8: {  	[smem:$0x3FAC] =	sst s0  }
0x9: {  	[smem:$0x3FAD] =	sst s1  }
0xa: {  	[smem:$0x3FAE] =	sst s2  }
0xb: {  	[smem:$0x3FAF] =	sst s3  }
0xc: {  	[smem:$0x3FB0] =	sst s4  }
0xd: {  	[smem:$0x3FB1] =	sst s5  }
0xe: {  	[smem:$0x3FB2] =	sst s6  }
0xf: {  	[smem:$0x3FB3] =	sst s7  }
0x10: {  	[smem:$0x3FB4] =	sst s8  }
0x11: {  	[smem:$0x3FB5] =	sst s9;
	s0 =	simm.s32 @!p0 $0x0  }
0x12: {  	s1 =	sld [smem:$0x3F9B];
	s0 =	simm.s32 @p0 $0x1  }
0x13: {  	[smem:$0x3FB6] =	sst s0;
	s0 =	simm.s32 @!p1 $0x0  }
0x14: {  	s2 =	sld [smem:$0x3F9A];
	s0 =	simm.s32 @p1 $0x1  }
0x15: {  	[smem:$0x3FB7] =	sst s0;
	s0 =	simm.s32 @!p2 $0x0  }
0x16: {  	s3 =	sld [smem:$0x3FDB];
	s0 =	simm.s32 @p2 $0x1  }
0x17: {  	s4 =	simm.s32 $0x1BF5;
	[smem:$0x3FB9] =	sst s0  }
0x18: {  	s0 =	sld [smem:$0x3F9C];
	_ =	swait.ge [sflag:s4], $0x0  }
0x19: {  	s7 =	sld [smem:$0x3F9D]  }
0x1a: {  	s8 =	sadd.s32 $0xFFFFE003, lr  }
0x1b: {  	s9 =	sadd.s32 $0xFFFFFEF7, lr;
	s5 =	simm.s32 $0xFFFFFFFF;
	p2 =	slt.u32 s8, $0xFFFFF086  }
0x1c: {  	p1 =	slt.u32 s9, $0xF7A;
	s5 =	simm.s32 @!p2 $0x0  }
0x1d: {  	s5 =	simm.s32 @p1 $0x1;
	p0 =	seq.s32 s7, s2  }
0x1e: {  	s7 =	smul.u32 @!p0 $0xF7A, s2;
	p2 =	seq.s32 @!p0 s5, $0x0  }
0x1f: {  	s9 =	smul.u32 $0xF7A, s1;
	s8 =	simm.s32 @!p0 $0x1BF5;
	p2 =	por !p2, p0  }
0x20: {  	[sflag:s8] =	ssyncset.s32 @!p0 $0xFFFFF086;
	s6 =	sadd.s32 @!p0 s3, s7;
	s7 =	simm.s32 @!p0 $0x108  }
0x21: {  	s3 =	sadd.s32 s3, s9;
	s6 =	sadd.s32 @!p0 $0x88, s6;
	s7 =	simm.s32 @p2 $0x1082  }
0x22: {  	[simem:s7], [sflag:s8] =	dma.local @!p0 [hbm:s6], $0xF7A  }
0x23: {  	s9 =	sor.u32 $0xD0000000, s2;
	s6 =	simm.s32 $0x108;
	_ =	swait.ge @!p0 [sflag:s8], $0x0  }
0x24: {  	s3 =	sadd.s32 $0x88, s3;
	s6 =	simm.s32 @!p1 $0x1082;
	[sflag:s4] =	ssyncset.s32 $0xFFFFF086  }
0x25: {  	[simem:s6], [sflag:s4] =	dma.local [hbm:s3], $0xF7A  }
0x26: {  	[smem:$0x3F9D] =	sst s1;
	(tag) =	ssettag s2;
	_ =	strace s9  }
0x27: {  	s1 =	sld [smem:$0x3FAD]  }
0x28: {  	s2 =	sld [smem:$0x3FAE]  }
0x29: {  	s4 =	sld [smem:$0x3FB0]  }
0x2a: {  	p0 =	seq.s32 s5, $0x0;
	s5 =	sld [smem:$0x3FB1]  }
0x2b: {  	s6 =	sld [smem:$0x3FB2]  }
0x2c: {  	s7 =	sld [smem:$0x3FB3]  }
0x2d: {  	s3 =	simm.s32 $0x108;
	s8 =	sld [smem:$0x3FB4]  }
0x2e: {  	s3 =	simm.s32 @!p0 $0x1082;
	s9 =	sld [smem:$0x3FB5]  }
0x2f: {  	lr =	sadd.s32 s0, s3;
	s0 =	sld [smem:$0x3FAC]  }
0x30: {  	s3 =	sld [smem:$0x3FAF]  }
0x31: {  	[smem:$0x3FB8] =	sst s10  }
0x32: {  	s10 =	sld [smem:$0x3FB6];
	_ =	sdelay $0x3  }
0x33: {  	p0 =	seq.s32 s10, $0x1;
	s10 =	sld [smem:$0x3FB8];
	_ =	sdelay $0x3  }
0x34: {  	[smem:$0x3FB8] =	sst s10  }
0x35: {  	s10 =	sld [smem:$0x3FB7];
	_ =	sdelay $0x3  }
0x36: {  	p1 =	seq.s32 s10, $0x1;
	s10 =	sld [smem:$0x3FB8];
	_ =	sdelay $0x3  }
0x37: {  	[smem:$0x3FB8] =	sst s10  }
0x38: {  	s10 =	sld [smem:$0x3FB9]  }
0x39: {  	_ = 	snop;
	(pc) =	sbr.ind lr, $3  }
0x3a: {  	_ = 	snop  }
0x3b: {  	_ = 	snop  }
0x3c: {  	p2 =	seq.s32 s10, $0x1;
	s10 =	sld [smem:$0x3FB8]  }
0x3d: {  	_ =	shalt  }
0x3e: {  	_ =	shalt  }
0x3f: {  	_ =	shalt  }
0x40: {  	_ =	shalt  }
0x41: {  	_ =	shalt  }
0x42: {  	_ =	shalt  }
0x43: {  	_ =	shalt  }
0x44: {  	_ =	shalt  }
0x45: {  	_ =	shalt  }
0x46: {  	_ =	shalt  }
0x47: {  	_ =	shalt  }
0x48: {  	_ =	shalt  }
0x49: {  	_ =	shalt  }
0x4a: {  	_ =	shalt  }
0x4b: {  	_ =	shalt  }
0x4c: {  	_ =	shalt  }
0x4d: {  	_ =	shalt  }
0x4e: {  	_ =	shalt  }
0x4f: {  	_ =	shalt  }
0x50: {  	_ =	shalt  }
0x51: {  	_ =	shalt  }
0x52: {  	_ =	shalt  }
0x53: {  	_ =	shalt  }
0x54: {  	_ =	shalt  }
0x55: {  	_ =	shalt  }
0x56: {  	_ =	shalt  }
0x57: {  	_ =	shalt  }
0x58: {  	_ =	shalt  }
0x59: {  	_ =	shalt  }
0x5a: {  	_ =	shalt  }
0x5b: {  	_ =	shalt  }
0x5c: {  	_ =	shalt  }
0x5d: {  	_ =	shalt  }
0x5e: {  	_ =	shalt  }
0x5f: {  	_ =	shalt  }
0x60: {  	_ =	shalt  }
0x61: {  	_ =	shalt  }
0x62: {  	_ =	shalt  }
0x63: {  	_ =	shalt  }
0x64: {  	_ =	shalt  }
0x65: {  	_ =	shalt  }
0x66: {  	_ =	shalt  }
0x67: {  	_ =	shalt  }
0x68: {  	_ =	shalt  }
0x69: {  	_ =	shalt  }
0x6a: {  	_ =	shalt  }
0x6b: {  	_ =	shalt  }
0x6c: {  	_ =	shalt  }
0x6d: {  	_ =	shalt  }
0x6e: {  	_ =	shalt  }
0x6f: {  	_ =	shalt  }
0x70: {  	_ =	shalt  }
0x71: {  	_ =	shalt  }
0x72: {  	_ =	shalt  }
0x73: {  	_ =	shalt  }
0x74: {  	_ =	shalt  }
0x75: {  	_ =	shalt  }
0x76: {  	_ =	shalt  }
0x77: {  	_ =	shalt  }
0x78: {  	_ =	shalt  }
0x79: {  	_ =	shalt  }
0x7a: {  	_ =	shalt  }
0x7b: {  	_ =	shalt  }
0x7c: {  	_ =	shalt  }
0x7d: {  	_ =	shalt  }
0x7e: {  	_ =	shalt  }
0x7f: {  	_ =	shalt  }
0x80: {  	_ =	shalt  }
0x81: {  	_ =	shalt  }
0x82: {  	_ =	shalt  }
0x83: {  	_ =	shalt  }
0x84: {  	_ =	shalt  }
0x85: {  	_ =	shalt  }
0x86: {  	_ =	shalt  }
0x87: {  	_ =	shalt  }
.Lfunc_end0:
.L_simem_size_0:
called_computation.9_lowered:
.L_overlay_start_0:
0x88: {  	s2 =	sld [smem:$0x3FD9]  }
0x89: {  	s3 =	sld [smem:$0x3FFE];
	_ =	sdelay $0x1  }
0x8a: {  	s1 =	srdreg.scid  }
0x8b: {  	s0 =	sand.u32 $0x1, s1  }
0x8c: {  	s14 =	sshll.u32 s0, $0xA;
	s2 =	sadd.s32 s3, s2  }
0x8d: {  	s2 =	sadd.s32 s2, s14  }
0x8e: {  	[smem:$0x3FC4] =	sst s2  }
0x8f: {  	_ = 	snop  }
0x90: {  	s2 =	sld [smem:$0x3FD0];
	_ =	sdelay $0x2  }
0x91: {  	s15 =	simm.s32 $0xA;
	s4 =	simm.s32 $0x10  }
0x92: {  	[smem:s4], [sflag:s15] =	dma.local [hbm:s2], $0x1  }
0x93: {  	_ =	swait.eq [sflag:s15], $0x1  }
0x94: {  	[sflag:s15] =	ssyncset.done $0x0  }
0x95: {  	s16 =	sld [smem:$0x10];
	[sflag:s15] =	ssyncadd.s32 $0xFFFFFFFF  }
0x96: {  	s17 =	sld [smem:$0x11];
	(tm) =	ssettm $0x1  }
0x97: {  	s18 =	sld [smem:$0x3FFB];
	_ =	sdelay $0x3  }
0x98: {  	_ =	strace s18  }
0x99: {  	s4 =	sld [smem:$0x3FFC];
	_ =	sdelay $0x3  }
0x9a: {  	_ =	strace s4  }
0x9b: {  	s4 =	sld [smem:$0x3FFD];
	_ =	sdelay $0x3  }
0x9c: {  	_ =	strace s4  }
0x9d: {  	_ =	strace $0x8FFFFFFF  }
0x9e: {  	s19 =	sld [smem:$0x3FDB];
	_ =	sdelay $0x1  }
0x9f: {  	s5 =	simm.s32 $_scs_section_size  }
0xa0: {  	s6 =	simm.s32 $_size__tile_overlayer_lowered;
	s7 =	simm.s32 $_tile_overlayer_lowered  }
0xa1: {  	s22 =	simm.s32 $0x1BFF;
	s21 =	sshll.u32 s7, $0x1;
	s4 =	sadd.s32 s5, s19  }
0xa2: {  	s8 =	simm.s32 $0x0;
	s20 =	sshll.u32 s6, $0x1;
	s6 =	sadd.s32 s21, s4  }
0xa3: {  	[timem:s8], [sflag:s22] =	dma.local [hbm:s6], s20  }
0xa4: {  	_ =	swait.ge [sflag:s22], s20  }
0xa5: {  	s5 =	ssub.s32 $0x0, s20;
	[sflag:s22] =	ssyncset.done $0x0  }
0xa6: {  	[sflag:s22] =	ssyncadd.s32 s5;
	_ =	sdelay $0x1  }
0xa7: {  	s23 =	simm.s32 $0x1B8B  }
0xa8: {  	_ =	swait.ge [sflag:s23], $0x1  }
0xa9: {  	[sflag:s23] =	ssyncset.done $0x0  }
0xaa: {  	s25 =	simm.s32 $0x1B8E;
	s24 =	sld [smem:$0x3FFE];
	[sflag:s23] =	ssyncadd.s32 $0xFFFFFFFF  }
0xab: {  	s26 =	simm.s32 $execute0_lowered;
	[smem:$0x3FD2] =	sst s25  }
0xac: {  	s6 =	sshll.u32 s26, $0x1;
	_ =	strace $0x80000061;
	[dreg:$0x1] =	wrdreg $0xFFFFFFFF  }
0xad: {  	s28 =	simm.s32 $_size_execute0_lowered;
	s4 =	sadd.s32 s4, s6;
	[dreg:$0x0] =	wrdreg $0x0  }
0xae: {  	s6 =	sshll.u32 s28, $0x1;
	[dreg:$0x2] =	wrdreg s4  }
0xaf: {  	[dreg:$0x3] =	wrdreg s6  }
0xb0: {  	[dreg:$0x4] =	wrdreg $0xC0  }
0xb1: {  	_ =	task [dreg:s8], $0x5FFFF  }
0xb2: {  	[dreg:$0x1] =	wrdreg $0xFFFFFFFF  }
0xb3: {  	[dreg:$0x0] =	wrdreg $0x60  }
0xb4: {  	[dreg:$0x2] =	wrdreg s16  }
0xb5: {  	[dreg:$0x3] =	wrdreg s24  }
0xb6: {  	[dreg:$0x4] =	wrdreg s17  }
0xb7: {  	[dreg:$0x5] =	wrdreg $0x0  }
0xb8: {  	[dreg:$0x6] =	wrdreg $0x9  }
0xb9: {  	_ =	task.clear_ibuf [dreg:s8], $0x7FFFF;
	_ =	strace $0x90000061  }
0xba: {  	s29 =	simm.s32 $0x9;
	_ =	strace $0x80000063  }
0xbb: {  	_ =	swait.ge [sflag:s29], $0x1  }
0xbc: {  	[sflag:s29] =	ssyncadd.s32 $0xFFFFFFFF  }
0xbd: {  	_ =	strace $0x90000063  }
0xbe: {  	_ =	sfence  }
0xbf: {  	s30 =	sld [smem:$0x0];
	_ =	sdelay $0x2  }
0xc0: {  	s31 =	sshll.u32 s1, $0xD;
	s1 =	sshrl.u32 s1, $0x2  }
0xc1: {  	s3 =	sand.u32 $0x4000, s31;
	s1 =	sadd.s32 s1, s30  }
0xc2: {  	s0 =	sor.u32 s3, s0;
	s1 =	sshll.u32 s1, $0x11  }
0xc3: {  	s0 =	sor.u32 s1, s0  }
0xc4: {  	s0 =	sadd.s32 $0x8F2B, s0  }
0xc5: {  	[sflag:s0] =	ssyncadd.remote.s32 $0x1  }
0xc6: {  	_ =	sfence.sel $0xFFFF  }
0xc7: {  	[dreg:$0x0] =	wrdreg $0xFFFFFFFF;
	(pc) =	sbr.abs _section_cstart, $3  }
0xc8: {  	[dreg:$0x1] =	wrdreg $0xFFFFFFFF  }
0xc9: {  	_ =	task.clear_ibuf [dreg:s8], $0x2FFFF;
	_ =	strace $0x9FFFFFFF  }
0xca: {  	(tm) =	ssettm $0x7FFFFFFF  }
0xcb: {  	_ =	shalt  }
tec
execute0_lowered:
.L_overlay_start_1:
0x0: {  	(tag) =	ssettag $0x1  }
0x1: {  	s11 =	rddreg [dreg:$0x0]  }
0x2: {  	s4 =	rddreg [dreg:$0x1]  }
0x3: {  	s10 =	rddreg [dreg:$0x2]  }
0x4: {  	s2 =	rddreg [dreg:$0x3]  }
0x5: {  	s0 =	srdreg.scid;
	s1 =	rddreg [dreg:$0x4];
	s3 =	simm.s32 $0x0  }
0x6: {  	s19 =	simm.s32 $0x11608;
	s20 =	simm.s32 $0xC38;
	s21 =	simm.s32 $0xC380  }
0x7: {  	s22 =	simm.s32 $0x1;
	s23 =	simm.s32 $0x7D0;
	s17 =	sand.u32 $0x1, s0  }
0x8: {  	s24 =	simm.s32 $0xCB50;
	s0 =	stileid.u32;
	s5 =	smul.u32 $0xC3500, s17  }
0x9: {  	s25 =	simm.s32 $0x0;
	[smem:$0x7FF] =	sst s3;
	s6 =	smul.u32 $0x7D0, s0  }
0xa: {  	s14 =	sadd.s32 $0x6400, s4;
	s13 =	sadd.s32 $0x18700, s11;
	s9 =	smul.u32 $0x1870, s0  }
0xb: {  	_ =	strace $0x80000062;
	s26 =	ssub.s32 $0x2, s17;
	s29 =	smul.u32 $0x30E00, s0  }
0xc: {  	p0 =	sne.s32 s17, $0x0;
	s17 =	simm.s32 $0x109D0;
	s28 =	sshrl.u32 s26, $0x1  }
0xd: {  	s5 =	sadd.s32 s6, s5;
	s30 =	sshrl.u32 s9, $0x3;
	s7 =	sshrl.u32 s29, $0x2  }
0xe: {  	s18 =	sadd.s32 $0xC38, s9;
	s8 =	sadd.s32 s9, s13;
	s6 =	sshrl.u32 s5, $0x3  }
0xf: {  	s15 =	sadd.s32 s5, s4;
	s5 =	sadd.s32 s10, s30;
	s7 =	sadd.s32 s7, s2  }
0x10: {  	s12 =	sshrl.u32 s18, $0x3;
	s31 =	sshll.u32 s18, $0x3;
	s13 =	sadd.s32 s18, s13  }
0x11: {  	s16 =	sadd.s32 s6, s4;
	s4 =	ssub.s32 s26, s28;
	s6 =	sadd.s32 s11, s9  }
0x12: {  	s9 =	sadd.s32 s14, s9;
	s10 =	sadd.s32 s10, s12;
	s11 =	sadd.s32 s11, s18  }
0x13: {  	s12 =	sadd.s32 s31, s2;
	s14 =	sadd.s32 s14, s18;
	s15 =	sadd.s32 $0x68000, s15  }
0x14: {  	s18 =	simm.s32 $0x2;
	s4 =	smax.u32 s4, $0x1;
	s16 =	sadd.s32 $0x37200, s16  }
.LBB2_1:
0x15: {  	[tilespmem:s17], [sflag:$0x2] =	stream.linear.gather [hbm4b:s5+s3], $0xC38, $0x38;
	[tilespmem:$0x177C8] =	vst v63  }
0x16: {  	_ =	swait.ge [sflag:s18], $0xC38  }
0x17: {  	[sflag:s18] =	ssyncset.done $0x0  }
0x18: {  	[sflag:s18] =	ssyncadd.s32 $0xFFFFF3C8  }
0x19: {  	[tilespmem:s19], [sflag:$0x2] =	stream.linear.gather [hbm4b:s6+s3], $0x61C0, $0x38;
	[tilespmem:$0x177C8] =	vst v63  }
0x1a: {  	_ =	swait.ge [sflag:s18], $0x61C0  }
0x1b: {  	[sflag:s18] =	ssyncset.done $0x0  }
0x1c: {  	[sflag:s18] =	ssyncadd.s32 $0xFFFF9E40  }
0x1d: {  	[spmem:s7] =	stream.linear.scatter [tilespmem:s19], [sflag:$0x2], $0x61C0, $0x38;
	[tilespmem:$0x177C8] =	vst v63  }
0x1e: {  	_ =	swait.ge [sflag:s18], $0x61C0  }
0x1f: {  	[sflag:s18] =	ssyncset.done $0x0  }
0x20: {  	[sflag:s18] =	ssyncadd.s32 $0xFFFF9E40  }
0x21: {  	[tilespmem:s19], [sflag:$0x2] =	stream.linear.gather [hbm4b:s8+s3], $0x61C0, $0x38;
	[tilespmem:$0x177C8] =	vst v63  }
0x22: {  	_ =	swait.ge [sflag:s18], $0x61C0  }
0x23: {  	[sflag:s18] =	ssyncset.done $0x0  }
0x24: {  	[sflag:s18] =	ssyncadd.s32 $0xFFFF9E40  }
0x25: {  	[spmem:s2] =	stream.indirect.scatter.add.f32 [tilespmem:s19], [sflag:$0x2], $0x8, s17, s20, $0xb8;
	[tilespmem:$0x177C8] =	vst v63  }
0x26: {  	_ =	swait.ge [sflag:s18], $0x61C0  }
0x27: {  	s26 =	sshll.u32 @!p0 s0, $0x6;
	[sflag:s18] =	ssyncset.done $0x0  }
0x28: {  	s28 =	sshrl.u32 @!p0 s7, $0x3;
	s26 =	sor.u32 @!p0 $0x1C01, s26;
	[sflag:s18] =	ssyncadd.s32 $0xFFFF9E40  }
0x29: {  	[hbm:s9], [sflag:s26] =	dma.local @!p0 [spmem:s28], $0xC38  }
0x2a: {  	s28 =	simm.s32 @!p0 $0x1  }
0x2b: {  	_ =	swait.ge @!p0 [sflag:s28], $0xC38  }
0x2c: {  	[sflag:s28] =	ssyncset.done @!p0 $0x0  }
0x2d: {  	[sflag:s28] =	ssyncadd.s32 @!p0 $0xFFFFF3C8  }
0x2e: {  	[tilespmem:s17], [sflag:$0x2] =	stream.linear.gather [hbm4b:s10+s3], $0xC38, $0x38;
	[tilespmem:$0x177C8] =	vst v63  }
0x2f: {  	_ =	swait.ge [sflag:s18], $0xC38  }
0x30: {  	[sflag:s18] =	ssyncset.done $0x0  }
0x31: {  	[sflag:s18] =	ssyncadd.s32 $0xFFFFF3C8  }
0x32: {  	[tilespmem:s19], [sflag:$0x2] =	stream.linear.gather [hbm4b:s11+s3], $0x61C0, $0x38;
	[tilespmem:$0x177C8] =	vst v63  }
0x33: {  	_ =	swait.ge [sflag:s18], $0x61C0  }
0x34: {  	[sflag:s18] =	ssyncset.done $0x0  }
0x35: {  	[sflag:s18] =	ssyncadd.s32 $0xFFFF9E40  }
0x36: {  	[spmem:s12] =	stream.linear.scatter [tilespmem:s19], [sflag:$0x2], $0x61C0, $0x38;
	[tilespmem:$0x177C8] =	vst v63  }
0x37: {  	_ =	swait.ge [sflag:s18], $0x61C0  }
0x38: {  	[sflag:s18] =	ssyncset.done $0x0  }
0x39: {  	[sflag:s18] =	ssyncadd.s32 $0xFFFF9E40  }
0x3a: {  	[tilespmem:s19], [sflag:$0x2] =	stream.linear.gather [hbm4b:s13+s3], $0x61C0, $0x38;
	[tilespmem:$0x177C8] =	vst v63  }
0x3b: {  	_ =	swait.ge [sflag:s18], $0x61C0  }
0x3c: {  	[sflag:s18] =	ssyncset.done $0x0  }
0x3d: {  	[sflag:s18] =	ssyncadd.s32 $0xFFFF9E40  }
0x3e: {  	[spmem:s2] =	stream.indirect.scatter.add.f32 [tilespmem:s19], [sflag:$0x2], $0x8, s17, s20, $0xb8;
	[tilespmem:$0x177C8] =	vst v63  }
0x3f: {  	_ =	swait.ge [sflag:s18], $0x61C0  }
0x40: {  	[sflag:s18] =	ssyncset.done $0x0  }
0x41: {  	s29 =	sshrl.u32 @!p0 s12, $0x3;
	[sflag:s18] =	ssyncadd.s32 $0xFFFF9E40  }
0x42: {  	[hbm:s14], [sflag:s26] =	dma.local @!p0 [spmem:s29], $0xC38  }
0x43: {  	_ =	swait.ge @!p0 [sflag:s28], $0xC38  }
0x44: {  	[sflag:s28] =	ssyncset.done @!p0 $0x0  }
0x45: {  	[sflag:s28] =	ssyncadd.s32 @!p0 $0xFFFFF3C8  }
0x46: {  	s31 =	sadd.s32 $0x0, s16;
	[bflag:$0x0] =	sbarrier.arrive $0xFFFF  }
0x47: {  	[tilespmem:s21], [sflag:$0x1] =	stream.linear.gather [hbm4b:s31+s3], $0x7D0, $0x38;
	[tilespmem:$0x177C8] =	vst v63  }
0x48: {  	_ =	swait.ge [sflag:s22], $0x7D0  }
0x49: {  	[sflag:s22] =	ssyncset.done $0x0  }
0x4a: {  	[sflag:s22] =	ssyncadd.s32 $0xFFFFF830  }
0x4b: {  	[tilespmem:s24], [sflag:$0x1] =	stream.indirect.gather [spmem:s2], $0x8, s21, s23, $0xb8;
	[tilespmem:$0x177C8] =	vst v63  }
0x4c: {  	_ =	swait.ge [sflag:s22], $0x3E80  }
0x4d: {  	[sflag:s22] =	ssyncset.done $0x0  }
0x4e: {  	[sflag:s22] =	ssyncadd.s32 $0xFFFFC180  }
0x4f: {  	[hbm4b:s15+s3] =	stream.linear.scatter [tilespmem:s24], [sflag:$0x1], $0x3E80, $0x38;
	[tilespmem:$0x177C8] =	vst v63  }
0x50: {  	s29 =	simm.s32 $0x1F40;
	_ =	swait.ge [sflag:s22], $0x3E80  }
0x51: {  	s26 =	sadd.s32 $0x7D00, s15;
	s28 =	simm.s32 $0xFA0;
	[sflag:s22] =	ssyncset.done $0x0  }
.LBB2_2:
0x52: {  	s30 =	sadd.s32 s28, s16  }
0x53: {  	[sflag:s22] =	ssyncadd.s32 $0xFFFFC180;
	s28 =	smov.u32 s29;
	s31 =	sadd.s32 $0xFA0, s29  }
0x54: {  	[tilespmem:s21], [sflag:$0x1] =	stream.linear.gather [hbm4b:s30+s3], $0x7D0, $0x38;
	[tilespmem:$0x177C8] =	vst v63  }
0x55: {  	p1 =	sne.s32 s29, $0x17700;
	_ =	swait.ge [sflag:s22], $0x7D0  }
0x56: {  	[sflag:s22] =	ssyncset.done $0x0  }
0x57: {  	[sflag:s22] =	ssyncadd.s32 $0xFFFFF830  }
0x58: {  	[tilespmem:s24], [sflag:$0x1] =	stream.indirect.gather [spmem:s2], $0x8, s21, s23, $0xb8;
	[tilespmem:$0x177C8] =	vst v63  }
0x59: {  	_ =	swait.ge [sflag:s22], $0x3E80  }
.Ltmp0:
0x5a: {  	[sflag:s22] =	ssyncset.done $0x0;
	(pc) =	sbr.rel @p1 .LBB2_2-.Ltmp0, $4  }
0x5b: {  	[sflag:s22] =	ssyncadd.s32 $0xFFFFC180  }
0x5c: {  	[hbm4b:s26+s3] =	stream.linear.scatter [tilespmem:s24], [sflag:$0x1], $0x3E80, $0x38;
	[tilespmem:$0x177C8] =	vst v63  }
0x5d: {  	_ =	swait.ge [sflag:s22], $0x3E80  }
0x5e: {  	s29 =	smov.u32 s31;
	s26 =	sadd.s32 $0x7D00, s26;
	[sflag:s22] =	ssyncset.done $0x0  }
0x5f: {  	s28 =	sadd.s32 s28, s16;
	[sflag:s22] =	ssyncadd.s32 $0xFFFFC180  }
0x60: {  	[tilespmem:s21], [sflag:$0x1] =	stream.linear.gather [hbm4b:s28+s3], $0x7D0, $0x38;
	[tilespmem:$0x177C8] =	vst v63  }
0x61: {  	_ =	swait.ge [sflag:s22], $0x7D0  }
0x62: {  	[sflag:s22] =	ssyncset.done $0x0  }
0x63: {  	[sflag:s22] =	ssyncadd.s32 $0xFFFFF830  }
0x64: {  	[tilespmem:s24], [sflag:$0x1] =	stream.indirect.gather [spmem:s2], $0x8, s21, s23, $0xb8;
	[tilespmem:$0x177C8] =	vst v63  }
0x65: {  	s25 =	sadd.s32 $0x1, s25;
	_ =	swait.ge [sflag:s22], $0x3E80  }
0x66: {  	p1 =	sne.s32 s25, s4;
	[sflag:s22] =	ssyncset.done $0x0  }
.Ltmp1:
0x67: {  	[sflag:s22] =	ssyncadd.s32 $0xFFFFC180;
	(pc) =	sbr.rel @p1 .LBB2_1-.Ltmp1, $4  }
0x68: {  	[hbm4b:s26+s3] =	stream.linear.scatter [tilespmem:s24], [sflag:$0x1], $0x3E80, $0x38;
	[tilespmem:$0x177C8] =	vst v63  }
0x69: {  	_ =	swait.ge [sflag:s22], $0x3E80  }
0x6a: {  	[sflag:s22] =	ssyncset.done $0x0  }
0x6b: {  	[sflag:s22] =	ssyncadd.s32 $0xFFFFC180  }
0x6c: {  	_ =	sfence.sel $0x180000  }
0x6d: {  	[bflag:$0x0] =	sbarrier.arrive $0xFFFF  }
0x6e: {  	p0 =	sne.s32 s0, $0x0;
	_ =	strace $0x90000062  }
0x6f: {  	s0 =	sadd.s32 @!p0 $0x100000, s1;
	[bflag:$0x2] =	sbarrier.arrive $0xFFFF  }
0x70: {  	[sflag:s0] =	ssyncadd.tile.s32 @!p0 $0x1;
	_ =	shalt  }
.Lfunc_end2:
_tile_overlayer_lowered:
.L_overlay_start_2:
0x71: {  	(tag) =	ssettag $0x2  }
0x72: {  	s0 =	rddreg [dreg:$0x0];
	s2 =	stileid.u32  }
0x73: {  	s1 =	rddreg [dreg:$0x1];
	p0 =	sne.s32 s2, $0x0  }
0x74: {  	s3 =	rddreg [dreg:$0x2];
	[bflag:$0x3] =	sbarrier.arrive $0xFFFF;
	s2 =	simm.s32 @!p0 $0x1C01  }
0x75: {  	[timem:s3], [sflag:s2] =	dma.local @!p0 [hbm:s0], s1  }
0x76: {  	s0 =	simm.s32 @!p0 $0x1  }
0x77: {  	_ =	swait.ge @!p0 [sflag:s0], s1  }
0x78: {  	s1 =	ssub.s32 @!p0 $0x0, s1;
	[sflag:s0] =	ssyncset.done @!p0 $0x0  }
0x79: {  	[sflag:s0] =	ssyncadd.s32 @!p0 s1  }
0x7a: {  	[bflag:$0x3] =	sbarrier.arrive $0xFFFF  }
0x7b: {  	_ =	shalt  }

</sc_bundles>
